<compile_context>
chip_gen: v7x
topology: tpu7x:2x2x1
jax: 0.10.2.dev20260603
libtpu: 0.0.44.dev20260713+nightly
codegen_flags: <defaults>
</compile_context>

<pallas_src>
import jax
import jax.numpy as jnp
from jax import lax
from jax.experimental import pallas as pl
from jax.experimental.pallas import tpu as pltpu
from jax.experimental.pallas import tpu_sc as plsc

B, DIM, H, W_SP = 64, 768, 24, 24
NUM_EXPERTS = 16
HW = H * W_SP

NB_SC = 32
NB_TC = B - NB_SC
CC = 128
JGB = 96
NEG_BIG = -3.0e38



def _router_body(x_ref, w_ref, b_ref, scores_ref, probs_ref, idx_ref):
    bb = x_ref.shape[0]
    for i in range(bb):
        logits = jnp.dot(w_ref[...], x_ref[i],
                         preferred_element_type=jnp.float32)
        logits = logits + b_ref[0, :][:, None]
        m = jnp.max(logits, axis=0, keepdims=True)
        e = jnp.exp(logits - m)
        s = jnp.sum(e, axis=0, keepdims=True)
        scores = e / s
        scores_ref[i] = scores

        lane = jax.lax.broadcasted_iota(jnp.int32, logits.shape, 0)
        i1 = jnp.argmax(logits, axis=0).astype(jnp.int32)
        masked = jnp.where(lane == i1[None, :], -jnp.inf, logits)
        i2 = jnp.argmax(masked, axis=0).astype(jnp.int32)
        v1 = jnp.max(scores, axis=0)
        v2 = jnp.max(jnp.where(lane == i1[None, :], -jnp.inf, scores), axis=0)
        t = v1 + v2
        probs_ref[i] = jnp.stack([v1 / t, v2 / t], axis=0)
        idx_ref[i] = jnp.stack([i1, i2], axis=0)


def _tc_call(xr, W, b):
    bb = 4
    grid = (NB_TC // bb,)
    return pl.pallas_call(
        _router_body,
        grid=grid,
        in_specs=[
            pl.BlockSpec((bb, DIM, HW), lambda i: (i, 0, 0)),
            pl.BlockSpec((NUM_EXPERTS, DIM), lambda i: (0, 0)),
            pl.BlockSpec((1, NUM_EXPERTS), lambda i: (0, 0)),
        ],
        out_specs=[
            pl.BlockSpec((bb, NUM_EXPERTS, HW), lambda i: (i, 0, 0)),
            pl.BlockSpec((bb, 2, HW), lambda i: (i, 0, 0)),
            pl.BlockSpec((bb, 2, HW), lambda i: (i, 0, 0)),
        ],
        out_shape=[
            jax.ShapeDtypeStruct((NB_TC, NUM_EXPERTS, HW), jnp.float32),
            jax.ShapeDtypeStruct((NB_TC, 2, HW), jnp.float32),
            jax.ShapeDtypeStruct((NB_TC, 2, HW), jnp.int32),
        ],
        compiler_params=pltpu.CompilerParams(
            dimension_semantics=("parallel",),
        ),
    )(xr, W, b.reshape(1, NUM_EXPERTS))



def _sc_task(x_hbm, wsp_hbm, bsp_vmem, xbuf, wspbuf, acc_vmem, sc_vmem,
             pr_vmem, ix_vmem, scores_hbm, probs_hbm, idx_hbm, batch):
    batch_x = batch + NB_TC
    e_iota = [jnp.full((16,), e, jnp.int32) for e in range(NUM_EXPERTS)]

    bspl = [bsp_vmem[e, :] for e in range(NUM_EXPERTS)]

    def init_body(jg, carry):
        for e in range(NUM_EXPERTS):
            acc_vmem[e, pl.ds(jg * 16, 16)] = bspl[e]
        return carry

    lax.fori_loop(0, HW // 16, init_body, 0)

    def chunk_body(cc, carry):
        pltpu.sync_copy(x_hbm.at[batch_x, pl.ds(cc * CC, CC), :], xbuf)
        pltpu.sync_copy(wsp_hbm.at[pl.ds(cc * CC, CC)], wspbuf)

        def round_body(i, carry2):
            c = i // (HW // 16)
            k = (i % (HW // 16)) * 16
            u = lax.bitcast_convert_type(xbuf[c, pl.ds(k, 16)], jnp.int32)
            odd = lax.shift_right_logical(u, 16) & 1
            t = (u + 0x7FFF) + odd
            r = t & jnp.int32(-65536)
            xbuf[c, pl.ds(k, 16)] = lax.bitcast_convert_type(r, jnp.float32)
            return carry2

        lax.fori_loop(0, CC * (HW // 16), round_body, 0)

        def jgb_body(jgb, carry2):
            p0 = jgb * JGB
            for eg in range(2):
                init = tuple(
                    acc_vmem[eg * 8 + e, pl.ds(p0 + j * 16, 16)]
                    for e in range(8) for j in range(6))

                def cbody(c, accs, _eg=eg, _p0=p0):
                    spl = [wspbuf[c, _eg * 8 + e, :] for e in range(8)]
                    xv = [xbuf[c, pl.ds(_p0 + j * 16, 16)] for j in range(6)]
                    return tuple(accs[e * 6 + j] + spl[e] * xv[j]
                                 for e in range(8) for j in range(6))

                accs = lax.fori_loop(0, CC, cbody, init)
                for e in range(8):
                    for j in range(6):
                        acc_vmem[eg * 8 + e, pl.ds(p0 + j * 16, 16)] = \
                            accs[e * 6 + j]
            return carry2

        lax.fori_loop(0, HW // JGB, jgb_body, 0)
        return carry

    lax.fori_loop(0, DIM // CC, chunk_body, 0)

    def ep_body(jg, carry):
        q = jg * 16
        a = [acc_vmem[e, pl.ds(q, 16)] for e in range(NUM_EXPERTS)]
        m = a[0]
        for e in range(1, NUM_EXPERTS):
            m = jnp.maximum(m, a[e])
        ex = [jnp.exp(a[e] - m) for e in range(NUM_EXPERTS)]
        s = ex[0]
        for e in range(1, NUM_EXPERTS):
            s = s + ex[e]
        rinv = 1.0 / s
        sc = [ex[e] * rinv for e in range(NUM_EXPERTS)]
        for e in range(NUM_EXPERTS):
            sc_vmem[e, pl.ds(q, 16)] = sc[e]
        v1, i1 = sc[0], e_iota[0]
        for e in range(1, NUM_EXPERTS):
            gt = sc[e] > v1
            v1 = jnp.where(gt, sc[e], v1)
            i1 = jnp.where(gt, e_iota[e], i1)
        v2 = jnp.where(i1 == e_iota[0], NEG_BIG, sc[0])
        i2 = e_iota[0]
        for e in range(1, NUM_EXPERTS):
            cand = jnp.where(i1 == e_iota[e], NEG_BIG, sc[e])
            gt = cand > v2
            v2 = jnp.where(gt, cand, v2)
            i2 = jnp.where(gt, e_iota[e], i2)
        t = 1.0 / (v1 + v2)
        pr_vmem[0, pl.ds(q, 16)] = v1 * t
        pr_vmem[1, pl.ds(q, 16)] = v2 * t
        ix_vmem[0, pl.ds(q, 16)] = i1
        ix_vmem[1, pl.ds(q, 16)] = i2
        return carry

    lax.fori_loop(0, HW // 16, ep_body, 0)

    pltpu.sync_copy(sc_vmem, scores_hbm.at[batch])
    pltpu.sync_copy(pr_vmem, probs_hbm.at[batch])
    pltpu.sync_copy(ix_vmem, idx_hbm.at[batch])


def _sc_router_body(x_hbm, wsp_hbm, bsp_hbm, scores_hbm, probs_hbm, idx_hbm,
                    bsp_vmem, xbuf, wspbuf, acc_vmem, sc_vmem, pr_vmem,
                    ix_vmem):
    c = lax.axis_index("c")
    s = lax.axis_index("s")
    wid = s * 2 + c
    pltpu.sync_copy(bsp_hbm, bsp_vmem)
    _sc_task(x_hbm, wsp_hbm, bsp_vmem, xbuf, wspbuf, acc_vmem, sc_vmem,
             pr_vmem, ix_vmem, scores_hbm, probs_hbm, idx_hbm, wid)


def _sc_call(xr, Wsp, bsp):
    f = pl.kernel(
        _sc_router_body,
        out_type=(
            jax.ShapeDtypeStruct((NB_SC, NUM_EXPERTS, HW), jnp.float32),
            jax.ShapeDtypeStruct((NB_SC, 2, HW), jnp.float32),
            jax.ShapeDtypeStruct((NB_SC, 2, HW), jnp.int32),
        ),
        mesh=plsc.VectorSubcoreMesh(core_axis_name="c", subcore_axis_name="s"),
        compiler_params=pltpu.CompilerParams(use_tc_tiling_on_sc=False),
        scratch_types=[
            pltpu.VMEM((NUM_EXPERTS, 16), jnp.float32),
            pltpu.VMEM((CC, HW), jnp.float32),
            pltpu.VMEM((CC, NUM_EXPERTS, 16), jnp.float32),
            pltpu.VMEM((NUM_EXPERTS, HW), jnp.float32),
            pltpu.VMEM((NUM_EXPERTS, HW), jnp.float32),
            pltpu.VMEM((2, HW), jnp.float32),
            pltpu.VMEM((2, HW), jnp.int32),
        ],
    )
    return f(xr, Wsp, bsp)



def kernel(x, W, b):
    bsz = x.shape[0]
    xr = x.reshape(bsz, DIM, HW)
    scores_tc, probs_tc, idx_tc = _tc_call(xr, W, b)
    wu = lax.bitcast_convert_type(W, jnp.int32)
    wodd = lax.shift_right_logical(wu, 16) & 1
    w_r = lax.bitcast_convert_type(((wu + 0x7FFF) + wodd) & jnp.int32(-65536),
                                   jnp.float32)
    wsp = jnp.broadcast_to(w_r.T[:, :, None], (DIM, NUM_EXPERTS, 16))
    bsp = jnp.broadcast_to(b[:, None], (NUM_EXPERTS, 16))
    scores_sc, probs_sc, idx_sc = _sc_call(xr, wsp, bsp)
    scores = jnp.concatenate([scores_tc, scores_sc], axis=0)
    probs = jnp.concatenate([probs_tc, probs_sc], axis=0)
    idx = jnp.concatenate([idx_tc, idx_sc], axis=0)
    return (probs.reshape(bsz, 2, H, W_SP),
            idx.reshape(bsz, 2, H, W_SP),
            scores.reshape(bsz, NUM_EXPERTS, H, W_SP))

# --- scband reference (transcript-rebuilt; emitter-appended) ---
"""Pipeline reference for scband-top-krouter-11184094839566 (READ-ONLY COPY).

The authoritative reference and input builder live on the scoring server;
editing this copy changes nothing except your own understanding.
"""

import jax, jax.numpy as jnp
import numpy as np

B, DIM, H, W_SP = 64, 768, 24, 24
NUM_EXPERTS = 16
ACTIVE_EXPERTS = 2


def setup_inputs(seed: int = 0) -> dict:
    key = jax.random.key(seed)
    k1, k2 = jax.random.split(key, 2)
    x = jax.random.normal(k1, (B, DIM, H, W_SP), dtype=jnp.float32)
    # Conv2d(dim, num_experts, kernel_size=1) weight [E, dim, 1, 1] -> store as [E, dim]
    W = jax.random.normal(k2, (NUM_EXPERTS, DIM), dtype=jnp.float32) * (1.0 / np.sqrt(DIM))
    b = jnp.zeros((NUM_EXPERTS,), dtype=jnp.float32)
    return {"x": x, "W": W, "b": b}


def reference(x, W, b):
    # 1x1 conv == per-pixel linear projection over channel dim
    logits = jnp.einsum('bchw,ec->behw', x, W) + b[None, :, None, None]
    scores = jax.nn.softmax(logits, axis=1)
    # torch.topk(scores, k, dim=1): move expert axis last for lax.top_k
    s = jnp.moveaxis(scores, 1, -1)  # [B, H, W, E]
    topk_probs, topk_indices = jax.lax.top_k(s, ACTIVE_EXPERTS)
    topk_probs = jnp.moveaxis(topk_probs, -1, 1)    # [B, K, H, W]
    topk_indices = jnp.moveaxis(topk_indices, -1, 1)  # [B, K, H, W]
    topk_probs = topk_probs / jnp.sum(topk_probs, axis=1, keepdims=True)
    return topk_probs, topk_indices, scores

if __name__ == "__main__":
    import jax
    _d = setup_inputs()
    print(jax.jit(kernel)(*tuple(_d.values())))

</pallas_src>

<mosaic_0001>
#map = affine_map<(d0, d1) -> (0, 0, 0)>
#map1 = affine_map<(d0, d1) -> (0, 0)>
module attributes {stable_mosaic.version = 14 : i64} {
  func.func @_sc_router_body(%arg0: i32, %arg1: i32, %arg2: memref<64x768x576xf32, #tpu.memory_space<hbm>>, %arg3: memref<768x16x16xf32, #tpu.memory_space<hbm>>, %arg4: memref<16x16xf32, #tpu.memory_space<hbm>>, %arg5: memref<32x16x576xf32, #tpu.memory_space<hbm>>, %arg6: memref<32x2x576xf32, #tpu.memory_space<hbm>>, %arg7: memref<32x2x576xi32, #tpu.memory_space<hbm>>, %arg8: memref<16x16xf32, #tpu.memory_space<vmem>>, %arg9: memref<128x576xf32, #tpu.memory_space<vmem>>, %arg10: memref<128x16x16xf32, #tpu.memory_space<vmem>>, %arg11: memref<16x576xf32, #tpu.memory_space<vmem>>, %arg12: memref<16x576xf32, #tpu.memory_space<vmem>>, %arg13: memref<2x576xf32, #tpu.memory_space<vmem>>, %arg14: memref<2x576xi32, #tpu.memory_space<vmem>>) attributes {dimension_semantics = [#tpu.dimension_semantics<core_parallel>, #tpu.dimension_semantics<subcore_parallel>], iteration_bounds = array<i64: 2, 16>, scalar_prefetch = 0 : i64, scratch_operands = 7 : i64, tpu.core_type = #tpu.core_type<sc_vector_subcore>, window_params = [{transform_indices = #map}, {transform_indices = #map}, {transform_indices = #map1}, {transform_indices = #map}, {transform_indices = #map}, {transform_indices = #map}]} {
    %mul3A = arith.constant 2 : i32
    %mul3A_0 = arith.muli %arg1, %mul3A : i32
    %add3A = arith.addi %mul3A_0, %arg0 : i32
    "tpu.region"() ({
      %run_scoped3A = tpu.sem_alloc : memref<!tpu.dma_semaphore, #tpu.memory_space<semaphore_mem>>
      tpu.enqueue_dma source(%arg4 : memref<16x16xf32, #tpu.memory_space<hbm>>) target(%arg8 : memref<16x16xf32, #tpu.memory_space<vmem>>) target_semaphore(%run_scoped3A : memref<!tpu.dma_semaphore, #tpu.memory_space<semaphore_mem>>)
      tpu.wait_dma2 semaphore(%run_scoped3A : memref<!tpu.dma_semaphore, #tpu.memory_space<semaphore_mem>>) src(%arg4 : memref<16x16xf32, #tpu.memory_space<hbm>>) dst(%arg8 : memref<16x16xf32, #tpu.memory_space<vmem>>)
      tpu.yield
    }) : () -> ()
    %add3A_1 = arith.constant 32 : i32
    %add3A_2 = arith.addi %add3A, %add3A_1 : i32
    %broadcast_in_dim3A = arith.constant 0 : i32
    %broadcast_in_dim3A_3 = vector.broadcast %broadcast_in_dim3A : i32 to vector<16xi32>
    %broadcast_in_dim3A_4 = arith.constant 1 : i32
    %broadcast_in_dim3A_5 = vector.broadcast %broadcast_in_dim3A_4 : i32 to vector<16xi32>
    %broadcast_in_dim3A_6 = arith.constant 2 : i32
    %broadcast_in_dim3A_7 = vector.broadcast %broadcast_in_dim3A_6 : i32 to vector<16xi32>
    %broadcast_in_dim3A_8 = arith.constant 3 : i32
    %broadcast_in_dim3A_9 = vector.broadcast %broadcast_in_dim3A_8 : i32 to vector<16xi32>
    %broadcast_in_dim3A_10 = arith.constant 4 : i32
    %broadcast_in_dim3A_11 = vector.broadcast %broadcast_in_dim3A_10 : i32 to vector<16xi32>
    %broadcast_in_dim3A_12 = arith.constant 5 : i32
    %broadcast_in_dim3A_13 = vector.broadcast %broadcast_in_dim3A_12 : i32 to vector<16xi32>
    %broadcast_in_dim3A_14 = arith.constant 6 : i32
    %broadcast_in_dim3A_15 = vector.broadcast %broadcast_in_dim3A_14 : i32 to vector<16xi32>
    %broadcast_in_dim3A_16 = arith.constant 7 : i32
    %broadcast_in_dim3A_17 = vector.broadcast %broadcast_in_dim3A_16 : i32 to vector<16xi32>
    %broadcast_in_dim3A_18 = arith.constant 8 : i32
    %broadcast_in_dim3A_19 = vector.broadcast %broadcast_in_dim3A_18 : i32 to vector<16xi32>
    %broadcast_in_dim3A_20 = arith.constant 9 : i32
    %broadcast_in_dim3A_21 = vector.broadcast %broadcast_in_dim3A_20 : i32 to vector<16xi32>
    %broadcast_in_dim3A_22 = arith.constant 10 : i32
    %broadcast_in_dim3A_23 = vector.broadcast %broadcast_in_dim3A_22 : i32 to vector<16xi32>
    %broadcast_in_dim3A_24 = arith.constant 11 : i32
    %broadcast_in_dim3A_25 = vector.broadcast %broadcast_in_dim3A_24 : i32 to vector<16xi32>
    %broadcast_in_dim3A_26 = arith.constant 12 : i32
    %broadcast_in_dim3A_27 = vector.broadcast %broadcast_in_dim3A_26 : i32 to vector<16xi32>
    %broadcast_in_dim3A_28 = arith.constant 13 : i32
    %broadcast_in_dim3A_29 = vector.broadcast %broadcast_in_dim3A_28 : i32 to vector<16xi32>
    %broadcast_in_dim3A_30 = arith.constant 14 : i32
    %broadcast_in_dim3A_31 = vector.broadcast %broadcast_in_dim3A_30 : i32 to vector<16xi32>
    %broadcast_in_dim3A_32 = arith.constant 15 : i32
    %broadcast_in_dim3A_33 = vector.broadcast %broadcast_in_dim3A_32 : i32 to vector<16xi32>
    %get3A = arith.constant 0 : i32
    %get3A_34 = arith.index_cast %get3A : i32 to index
    %get3A_35 = arith.constant 0 : index
    %get3A_36 = tpu.vector_load %arg8[%get3A_34, %get3A_35] {strides = array<i32>} : memref<16x16xf32, #tpu.memory_space<vmem>>, vector<1x16xf32>,
    %get3A_37 = vector.shape_cast %get3A_36 : vector<1x16xf32> to vector<16xf32>
    %get3A_38 = arith.constant 1 : i32
    %get3A_39 = arith.index_cast %get3A_38 : i32 to index
    %get3A_40 = arith.constant 0 : index
    %get3A_41 = tpu.vector_load %arg8[%get3A_39, %get3A_40] {strides = array<i32>} : memref<16x16xf32, #tpu.memory_space<vmem>>, vector<1x16xf32>,
    %get3A_42 = vector.shape_cast %get3A_41 : vector<1x16xf32> to vector<16xf32>
    %get3A_43 = arith.constant 2 : i32
    %get3A_44 = arith.index_cast %get3A_43 : i32 to index
    %get3A_45 = arith.constant 0 : index
    %get3A_46 = tpu.vector_load %arg8[%get3A_44, %get3A_45] {strides = array<i32>} : memref<16x16xf32, #tpu.memory_space<vmem>>, vector<1x16xf32>,
    %get3A_47 = vector.shape_cast %get3A_46 : vector<1x16xf32> to vector<16xf32>
    %get3A_48 = arith.constant 3 : i32
    %get3A_49 = arith.index_cast %get3A_48 : i32 to index
    %get3A_50 = arith.constant 0 : index
    %get3A_51 = tpu.vector_load %arg8[%get3A_49, %get3A_50] {strides = array<i32>} : memref<16x16xf32, #tpu.memory_space<vmem>>, vector<1x16xf32>,
    %get3A_52 = vector.shape_cast %get3A_51 : vector<1x16xf32> to vector<16xf32>
    %get3A_53 = arith.constant 4 : i32
    %get3A_54 = arith.index_cast %get3A_53 : i32 to index
    %get3A_55 = arith.constant 0 : index
    %get3A_56 = tpu.vector_load %arg8[%get3A_54, %get3A_55] {strides = array<i32>} : memref<16x16xf32, #tpu.memory_space<vmem>>, vector<1x16xf32>,
    %get3A_57 = vector.shape_cast %get3A_56 : vector<1x16xf32> to vector<16xf32>
    %get3A_58 = arith.constant 5 : i32
    %get3A_59 = arith.index_cast %get3A_58 : i32 to index
    %get3A_60 = arith.constant 0 : index
    %get3A_61 = tpu.vector_load %arg8[%get3A_59, %get3A_60] {strides = array<i32>} : memref<16x16xf32, #tpu.memory_space<vmem>>, vector<1x16xf32>,
    %get3A_62 = vector.shape_cast %get3A_61 : vector<1x16xf32> to vector<16xf32>
    %get3A_63 = arith.constant 6 : i32
    %get3A_64 = arith.index_cast %get3A_63 : i32 to index
    %get3A_65 = arith.constant 0 : index
    %get3A_66 = tpu.vector_load %arg8[%get3A_64, %get3A_65] {strides = array<i32>} : memref<16x16xf32, #tpu.memory_space<vmem>>, vector<1x16xf32>,
    %get3A_67 = vector.shape_cast %get3A_66 : vector<1x16xf32> to vector<16xf32>
    %get3A_68 = arith.constant 7 : i32
    %get3A_69 = arith.index_cast %get3A_68 : i32 to index
    %get3A_70 = arith.constant 0 : index
    %get3A_71 = tpu.vector_load %arg8[%get3A_69, %get3A_70] {strides = array<i32>} : memref<16x16xf32, #tpu.memory_space<vmem>>, vector<1x16xf32>,
    %get3A_72 = vector.shape_cast %get3A_71 : vector<1x16xf32> to vector<16xf32>
    %get3A_73 = arith.constant 8 : i32
    %get3A_74 = arith.index_cast %get3A_73 : i32 to index
    %get3A_75 = arith.constant 0 : index
    %get3A_76 = tpu.vector_load %arg8[%get3A_74, %get3A_75] {strides = array<i32>} : memref<16x16xf32, #tpu.memory_space<vmem>>, vector<1x16xf32>,
    %get3A_77 = vector.shape_cast %get3A_76 : vector<1x16xf32> to vector<16xf32>
    %get3A_78 = arith.constant 9 : i32
    %get3A_79 = arith.index_cast %get3A_78 : i32 to index
    %get3A_80 = arith.constant 0 : index
    %get3A_81 = tpu.vector_load %arg8[%get3A_79, %get3A_80] {strides = array<i32>} : memref<16x16xf32, #tpu.memory_space<vmem>>, vector<1x16xf32>,
    %get3A_82 = vector.shape_cast %get3A_81 : vector<1x16xf32> to vector<16xf32>
    %get3A_83 = arith.constant 10 : i32
    %get3A_84 = arith.index_cast %get3A_83 : i32 to index
    %get3A_85 = arith.constant 0 : index
    %get3A_86 = tpu.vector_load %arg8[%get3A_84, %get3A_85] {strides = array<i32>} : memref<16x16xf32, #tpu.memory_space<vmem>>, vector<1x16xf32>,
    %get3A_87 = vector.shape_cast %get3A_86 : vector<1x16xf32> to vector<16xf32>
    %get3A_88 = arith.constant 11 : i32
    %get3A_89 = arith.index_cast %get3A_88 : i32 to index
    %get3A_90 = arith.constant 0 : index
    %get3A_91 = tpu.vector_load %arg8[%get3A_89, %get3A_90] {strides = array<i32>} : memref<16x16xf32, #tpu.memory_space<vmem>>, vector<1x16xf32>,
    %get3A_92 = vector.shape_cast %get3A_91 : vector<1x16xf32> to vector<16xf32>
    %get3A_93 = arith.constant 12 : i32
    %get3A_94 = arith.index_cast %get3A_93 : i32 to index
    %get3A_95 = arith.constant 0 : index
    %get3A_96 = tpu.vector_load %arg8[%get3A_94, %get3A_95] {strides = array<i32>} : memref<16x16xf32, #tpu.memory_space<vmem>>, vector<1x16xf32>,
    %get3A_97 = vector.shape_cast %get3A_96 : vector<1x16xf32> to vector<16xf32>
    %get3A_98 = arith.constant 13 : i32
    %get3A_99 = arith.index_cast %get3A_98 : i32 to index
    %get3A_100 = arith.constant 0 : index
    %get3A_101 = tpu.vector_load %arg8[%get3A_99, %get3A_100] {strides = array<i32>} : memref<16x16xf32, #tpu.memory_space<vmem>>, vector<1x16xf32>,
    %get3A_102 = vector.shape_cast %get3A_101 : vector<1x16xf32> to vector<16xf32>
    %get3A_103 = arith.constant 14 : i32
    %get3A_104 = arith.index_cast %get3A_103 : i32 to index
    %get3A_105 = arith.constant 0 : index
    %get3A_106 = tpu.vector_load %arg8[%get3A_104, %get3A_105] {strides = array<i32>} : memref<16x16xf32, #tpu.memory_space<vmem>>, vector<1x16xf32>,
    %get3A_107 = vector.shape_cast %get3A_106 : vector<1x16xf32> to vector<16xf32>
    %get3A_108 = arith.constant 15 : i32
    %get3A_109 = arith.index_cast %get3A_108 : i32 to index
    %get3A_110 = arith.constant 0 : index
    %get3A_111 = tpu.vector_load %arg8[%get3A_109, %get3A_110] {strides = array<i32>} : memref<16x16xf32, #tpu.memory_space<vmem>>, vector<1x16xf32>,
    %get3A_112 = vector.shape_cast %get3A_111 : vector<1x16xf32> to vector<16xf32>
    %scan3A = arith.constant 0 : i32
    %scan3A_113 = arith.constant 0 : i32
    %scan3A_114 = arith.constant 36 : i32
    %scan3A_115 = arith.addi %scan3A_113, %scan3A_114 : i32
    %scan3A_116 = arith.constant 1 : i32
    scf.for %scan3A_130 = %scan3A_113 to %scan3A_115 step %scan3A_116  : i32 {
      %mul3A_131 = arith.constant 16 : i32
      %mul3A_132 = arith.muli %scan3A_130, %mul3A_131 : i32
      %swap3A = arith.constant 0 : i32
      %swap3A_133 = arith.index_cast %swap3A : i32 to index
      %swap3A_134 = arith.index_cast %mul3A_132 : i32 to index
      %swap3A_135 = tpu.vector_load %arg11[%swap3A_133, %swap3A_134] {strides = array<i32>} : memref<16x576xf32, #tpu.memory_space<vmem>>, vector<1x16xf32>,
      %swap3A_136 = vector.shape_cast %swap3A_135 : vector<1x16xf32> to vector<16xf32>
      %swap3A_137 = vector.shape_cast %get3A_37 : vector<16xf32> to vector<1x16xf32>
      tpu.vector_store %arg11[%swap3A_133, %swap3A_134], %swap3A_137 {strides = array<i32>} : memref<16x576xf32, #tpu.memory_space<vmem>>, vector<1x16xf32>,
      %mul3A_138 = arith.constant 16 : i32
      %mul3A_139 = arith.muli %scan3A_130, %mul3A_138 : i32
      %swap3A_140 = arith.constant 1 : i32
      %swap3A_141 = arith.index_cast %swap3A_140 : i32 to index
      %swap3A_142 = arith.index_cast %mul3A_139 : i32 to index
      %swap3A_143 = tpu.vector_load %arg11[%swap3A_141, %swap3A_142] {strides = array<i32>} : memref<16x576xf32, #tpu.memory_space<vmem>>, vector<1x16xf32>,
      %swap3A_144 = vector.shape_cast %swap3A_143 : vector<1x16xf32> to vector<16xf32>
      %swap3A_145 = vector.shape_cast %get3A_42 : vector<16xf32> to vector<1x16xf32>
      tpu.vector_store %arg11[%swap3A_141, %swap3A_142], %swap3A_145 {strides = array<i32>} : memref<16x576xf32, #tpu.memory_space<vmem>>, vector<1x16xf32>,
      %mul3A_146 = arith.constant 16 : i32
      %mul3A_147 = arith.muli %scan3A_130, %mul3A_146 : i32
      %swap3A_148 = arith.constant 2 : i32
      %swap3A_149 = arith.index_cast %swap3A_148 : i32 to index
      %swap3A_150 = arith.index_cast %mul3A_147 : i32 to index
      %swap3A_151 = tpu.vector_load %arg11[%swap3A_149, %swap3A_150] {strides = array<i32>} : memref<16x576xf32, #tpu.memory_space<vmem>>, vector<1x16xf32>,
      %swap3A_152 = vector.shape_cast %swap3A_151 : vector<1x16xf32> to vector<16xf32>
      %swap3A_153 = vector.shape_cast %get3A_47 : vector<16xf32> to vector<1x16xf32>
      tpu.vector_store %arg11[%swap3A_149, %swap3A_150], %swap3A_153 {strides = array<i32>} : memref<16x576xf32, #tpu.memory_space<vmem>>, vector<1x16xf32>,
      %mul3A_154 = arith.constant 16 : i32
      %mul3A_155 = arith.muli %scan3A_130, %mul3A_154 : i32
      %swap3A_156 = arith.constant 3 : i32
      %swap3A_157 = arith.index_cast %swap3A_156 : i32 to index
      %swap3A_158 = arith.index_cast %mul3A_155 : i32 to index
      %swap3A_159 = tpu.vector_load %arg11[%swap3A_157, %swap3A_158] {strides = array<i32>} : memref<16x576xf32, #tpu.memory_space<vmem>>, vector<1x16xf32>,
      %swap3A_160 = vector.shape_cast %swap3A_159 : vector<1x16xf32> to vector<16xf32>
      %swap3A_161 = vector.shape_cast %get3A_52 : vector<16xf32> to vector<1x16xf32>
      tpu.vector_store %arg11[%swap3A_157, %swap3A_158], %swap3A_161 {strides = array<i32>} : memref<16x576xf32, #tpu.memory_space<vmem>>, vector<1x16xf32>,
      %mul3A_162 = arith.constant 16 : i32
      %mul3A_163 = arith.muli %scan3A_130, %mul3A_162 : i32
      %swap3A_164 = arith.constant 4 : i32
      %swap3A_165 = arith.index_cast %swap3A_164 : i32 to index
      %swap3A_166 = arith.index_cast %mul3A_163 : i32 to index
      %swap3A_167 = tpu.vector_load %arg11[%swap3A_165, %swap3A_166] {strides = array<i32>} : memref<16x576xf32, #tpu.memory_space<vmem>>, vector<1x16xf32>,
      %swap3A_168 = vector.shape_cast %swap3A_167 : vector<1x16xf32> to vector<16xf32>
      %swap3A_169 = vector.shape_cast %get3A_57 : vector<16xf32> to vector<1x16xf32>
      tpu.vector_store %arg11[%swap3A_165, %swap3A_166], %swap3A_169 {strides = array<i32>} : memref<16x576xf32, #tpu.memory_space<vmem>>, vector<1x16xf32>,
      %mul3A_170 = arith.constant 16 : i32
      %mul3A_171 = arith.muli %scan3A_130, %mul3A_170 : i32
      %swap3A_172 = arith.constant 5 : i32
      %swap3A_173 = arith.index_cast %swap3A_172 : i32 to index
      %swap3A_174 = arith.index_cast %mul3A_171 : i32 to index
      %swap3A_175 = tpu.vector_load %arg11[%swap3A_173, %swap3A_174] {strides = array<i32>} : memref<16x576xf32, #tpu.memory_space<vmem>>, vector<1x16xf32>,
      %swap3A_176 = vector.shape_cast %swap3A_175 : vector<1x16xf32> to vector<16xf32>
      %swap3A_177 = vector.shape_cast %get3A_62 : vector<16xf32> to vector<1x16xf32>
      tpu.vector_store %arg11[%swap3A_173, %swap3A_174], %swap3A_177 {strides = array<i32>} : memref<16x576xf32, #tpu.memory_space<vmem>>, vector<1x16xf32>,
      %mul3A_178 = arith.constant 16 : i32
      %mul3A_179 = arith.muli %scan3A_130, %mul3A_178 : i32
      %swap3A_180 = arith.constant 6 : i32
      %swap3A_181 = arith.index_cast %swap3A_180 : i32 to index
      %swap3A_182 = arith.index_cast %mul3A_179 : i32 to index
      %swap3A_183 = tpu.vector_load %arg11[%swap3A_181, %swap3A_182] {strides = array<i32>} : memref<16x576xf32, #tpu.memory_space<vmem>>, vector<1x16xf32>,
      %swap3A_184 = vector.shape_cast %swap3A_183 : vector<1x16xf32> to vector<16xf32>
      %swap3A_185 = vector.shape_cast %get3A_67 : vector<16xf32> to vector<1x16xf32>
      tpu.vector_store %arg11[%swap3A_181, %swap3A_182], %swap3A_185 {strides = array<i32>} : memref<16x576xf32, #tpu.memory_space<vmem>>, vector<1x16xf32>,
      %mul3A_186 = arith.constant 16 : i32
      %mul3A_187 = arith.muli %scan3A_130, %mul3A_186 : i32
      %swap3A_188 = arith.constant 7 : i32
      %swap3A_189 = arith.index_cast %swap3A_188 : i32 to index
      %swap3A_190 = arith.index_cast %mul3A_187 : i32 to index
      %swap3A_191 = tpu.vector_load %arg11[%swap3A_189, %swap3A_190] {strides = array<i32>} : memref<16x576xf32, #tpu.memory_space<vmem>>, vector<1x16xf32>,
      %swap3A_192 = vector.shape_cast %swap3A_191 : vector<1x16xf32> to vector<16xf32>
      %swap3A_193 = vector.shape_cast %get3A_72 : vector<16xf32> to vector<1x16xf32>
      tpu.vector_store %arg11[%swap3A_189, %swap3A_190], %swap3A_193 {strides = array<i32>} : memref<16x576xf32, #tpu.memory_space<vmem>>, vector<1x16xf32>,
      %mul3A_194 = arith.constant 16 : i32
      %mul3A_195 = arith.muli %scan3A_130, %mul3A_194 : i32
      %swap3A_196 = arith.constant 8 : i32
      %swap3A_197 = arith.index_cast %swap3A_196 : i32 to index
      %swap3A_198 = arith.index_cast %mul3A_195 : i32 to index
      %swap3A_199 = tpu.vector_load %arg11[%swap3A_197, %swap3A_198] {strides = array<i32>} : memref<16x576xf32, #tpu.memory_space<vmem>>, vector<1x16xf32>,
      %swap3A_200 = vector.shape_cast %swap3A_199 : vector<1x16xf32> to vector<16xf32>
      %swap3A_201 = vector.shape_cast %get3A_77 : vector<16xf32> to vector<1x16xf32>
      tpu.vector_store %arg11[%swap3A_197, %swap3A_198], %swap3A_201 {strides = array<i32>} : memref<16x576xf32, #tpu.memory_space<vmem>>, vector<1x16xf32>,
      %mul3A_202 = arith.constant 16 : i32
      %mul3A_203 = arith.muli %scan3A_130, %mul3A_202 : i32
      %swap3A_204 = arith.constant 9 : i32
      %swap3A_205 = arith.index_cast %swap3A_204 : i32 to index
      %swap3A_206 = arith.index_cast %mul3A_203 : i32 to index
      %swap3A_207 = tpu.vector_load %arg11[%swap3A_205, %swap3A_206] {strides = array<i32>} : memref<16x576xf32, #tpu.memory_space<vmem>>, vector<1x16xf32>,
      %swap3A_208 = vector.shape_cast %swap3A_207 : vector<1x16xf32> to vector<16xf32>
      %swap3A_209 = vector.shape_cast %get3A_82 : vector<16xf32> to vector<1x16xf32>
      tpu.vector_store %arg11[%swap3A_205, %swap3A_206], %swap3A_209 {strides = array<i32>} : memref<16x576xf32, #tpu.memory_space<vmem>>, vector<1x16xf32>,
      %mul3A_210 = arith.constant 16 : i32
      %mul3A_211 = arith.muli %scan3A_130, %mul3A_210 : i32
      %swap3A_212 = arith.constant 10 : i32
      %swap3A_213 = arith.index_cast %swap3A_212 : i32 to index
      %swap3A_214 = arith.index_cast %mul3A_211 : i32 to index
      %swap3A_215 = tpu.vector_load %arg11[%swap3A_213, %swap3A_214] {strides = array<i32>} : memref<16x576xf32, #tpu.memory_space<vmem>>, vector<1x16xf32>,
      %swap3A_216 = vector.shape_cast %swap3A_215 : vector<1x16xf32> to vector<16xf32>
      %swap3A_217 = vector.shape_cast %get3A_87 : vector<16xf32> to vector<1x16xf32>
      tpu.vector_store %arg11[%swap3A_213, %swap3A_214], %swap3A_217 {strides = array<i32>} : memref<16x576xf32, #tpu.memory_space<vmem>>, vector<1x16xf32>,
      %mul3A_218 = arith.constant 16 : i32
      %mul3A_219 = arith.muli %scan3A_130, %mul3A_218 : i32
      %swap3A_220 = arith.constant 11 : i32
      %swap3A_221 = arith.index_cast %swap3A_220 : i32 to index
      %swap3A_222 = arith.index_cast %mul3A_219 : i32 to index
      %swap3A_223 = tpu.vector_load %arg11[%swap3A_221, %swap3A_222] {strides = array<i32>} : memref<16x576xf32, #tpu.memory_space<vmem>>, vector<1x16xf32>,
      %swap3A_224 = vector.shape_cast %swap3A_223 : vector<1x16xf32> to vector<16xf32>
      %swap3A_225 = vector.shape_cast %get3A_92 : vector<16xf32> to vector<1x16xf32>
      tpu.vector_store %arg11[%swap3A_221, %swap3A_222], %swap3A_225 {strides = array<i32>} : memref<16x576xf32, #tpu.memory_space<vmem>>, vector<1x16xf32>,
      %mul3A_226 = arith.constant 16 : i32
      %mul3A_227 = arith.muli %scan3A_130, %mul3A_226 : i32
      %swap3A_228 = arith.constant 12 : i32
      %swap3A_229 = arith.index_cast %swap3A_228 : i32 to index
      %swap3A_230 = arith.index_cast %mul3A_227 : i32 to index
      %swap3A_231 = tpu.vector_load %arg11[%swap3A_229, %swap3A_230] {strides = array<i32>} : memref<16x576xf32, #tpu.memory_space<vmem>>, vector<1x16xf32>,
      %swap3A_232 = vector.shape_cast %swap3A_231 : vector<1x16xf32> to vector<16xf32>
      %swap3A_233 = vector.shape_cast %get3A_97 : vector<16xf32> to vector<1x16xf32>
      tpu.vector_store %arg11[%swap3A_229, %swap3A_230], %swap3A_233 {strides = array<i32>} : memref<16x576xf32, #tpu.memory_space<vmem>>, vector<1x16xf32>,
      %mul3A_234 = arith.constant 16 : i32
      %mul3A_235 = arith.muli %scan3A_130, %mul3A_234 : i32
      %swap3A_236 = arith.constant 13 : i32
      %swap3A_237 = arith.index_cast %swap3A_236 : i32 to index
      %swap3A_238 = arith.index_cast %mul3A_235 : i32 to index
      %swap3A_239 = tpu.vector_load %arg11[%swap3A_237, %swap3A_238] {strides = array<i32>} : memref<16x576xf32, #tpu.memory_space<vmem>>, vector<1x16xf32>,
      %swap3A_240 = vector.shape_cast %swap3A_239 : vector<1x16xf32> to vector<16xf32>
      %swap3A_241 = vector.shape_cast %get3A_102 : vector<16xf32> to vector<1x16xf32>
      tpu.vector_store %arg11[%swap3A_237, %swap3A_238], %swap3A_241 {strides = array<i32>} : memref<16x576xf32, #tpu.memory_space<vmem>>, vector<1x16xf32>,
      %mul3A_242 = arith.constant 16 : i32
      %mul3A_243 = arith.muli %scan3A_130, %mul3A_242 : i32
      %swap3A_244 = arith.constant 14 : i32
      %swap3A_245 = arith.index_cast %swap3A_244 : i32 to index
      %swap3A_246 = arith.index_cast %mul3A_243 : i32 to index
      %swap3A_247 = tpu.vector_load %arg11[%swap3A_245, %swap3A_246] {strides = array<i32>} : memref<16x576xf32, #tpu.memory_space<vmem>>, vector<1x16xf32>,
      %swap3A_248 = vector.shape_cast %swap3A_247 : vector<1x16xf32> to vector<16xf32>
      %swap3A_249 = vector.shape_cast %get3A_107 : vector<16xf32> to vector<1x16xf32>
      tpu.vector_store %arg11[%swap3A_245, %swap3A_246], %swap3A_249 {strides = array<i32>} : memref<16x576xf32, #tpu.memory_space<vmem>>, vector<1x16xf32>,
      %mul3A_250 = arith.constant 16 : i32
      %mul3A_251 = arith.muli %scan3A_130, %mul3A_250 : i32
      %swap3A_252 = arith.constant 15 : i32
      %swap3A_253 = arith.index_cast %swap3A_252 : i32 to index
      %swap3A_254 = arith.index_cast %mul3A_251 : i32 to index
      %swap3A_255 = tpu.vector_load %arg11[%swap3A_253, %swap3A_254] {strides = array<i32>} : memref<16x576xf32, #tpu.memory_space<vmem>>, vector<1x16xf32>,
      %swap3A_256 = vector.shape_cast %swap3A_255 : vector<1x16xf32> to vector<16xf32>
      %swap3A_257 = vector.shape_cast %get3A_112 : vector<16xf32> to vector<1x16xf32>
      tpu.vector_store %arg11[%swap3A_253, %swap3A_254], %swap3A_257 {strides = array<i32>} : memref<16x576xf32, #tpu.memory_space<vmem>>, vector<1x16xf32>,
    }
    %scan3A_117 = arith.constant 36 : i32
    %scan3A_118 = arith.constant 0 : i32
    %scan3A_119 = arith.constant 0 : i32
    %scan3A_120 = arith.constant 6 : i32
    %scan3A_121 = arith.addi %scan3A_119, %scan3A_120 : i32
    %scan3A_122 = arith.constant 1 : i32
    scf.for %scan3A_130 = %scan3A_119 to %scan3A_121 step %scan3A_122  : i32 {
      %mul3A_131 = arith.constant 128 : i32
      %mul3A_132 = arith.muli %scan3A_130, %mul3A_131 : i32
      "tpu.region"() ({
        %run_scoped3A = tpu.sem_alloc : memref<!tpu.dma_semaphore, #tpu.memory_space<semaphore_mem>>
        %dma_start3A = arith.constant 0 : i32
        %dma_start3A_147 = tpu.memref_slice %arg2[%add3A_2, %mul3A_132, %dma_start3A] : memref<64x768x576xf32, #tpu.memory_space<hbm>> -> memref<1x128x576xf32, #tpu.memory_space<hbm>>
        %dma_start3A_148 = tpu.memref_squeeze %dma_start3A_147 : memref<1x128x576xf32, #tpu.memory_space<hbm>> -> memref<128x576xf32, #tpu.memory_space<hbm>>
        %dma_start3A_149 = arith.constant 0 : i32
        %dma_start3A_150 = tpu.memref_slice %arg2[%add3A_2, %mul3A_132, %dma_start3A_149] : memref<64x768x576xf32, #tpu.memory_space<hbm>> -> memref<1x128x576xf32, #tpu.memory_space<hbm>>
        %dma_start3A_151 = tpu.memref_squeeze %dma_start3A_150 : memref<1x128x576xf32, #tpu.memory_space<hbm>> -> memref<128x576xf32, #tpu.memory_space<hbm>>
        tpu.enqueue_dma source(%dma_start3A_151 : memref<128x576xf32, #tpu.memory_space<hbm>>) target(%arg9 : memref<128x576xf32, #tpu.memory_space<vmem>>) target_semaphore(%run_scoped3A : memref<!tpu.dma_semaphore, #tpu.memory_space<semaphore_mem>>)
        %dma_wait3A = arith.constant 0 : i32
        %dma_wait3A_152 = tpu.memref_slice %arg2[%add3A_2, %mul3A_132, %dma_wait3A] : memref<64x768x576xf32, #tpu.memory_space<hbm>> -> memref<1x128x576xf32, #tpu.memory_space<hbm>>
        %dma_wait3A_153 = tpu.memref_squeeze %dma_wait3A_152 : memref<1x128x576xf32, #tpu.memory_space<hbm>> -> memref<128x576xf32, #tpu.memory_space<hbm>>
        %dma_wait3A_154 = arith.constant 0 : i32
        %dma_wait3A_155 = tpu.memref_slice %arg2[%add3A_2, %mul3A_132, %dma_wait3A_154] : memref<64x768x576xf32, #tpu.memory_space<hbm>> -> memref<1x128x576xf32, #tpu.memory_space<hbm>>
        %dma_wait3A_156 = tpu.memref_squeeze %dma_wait3A_155 : memref<1x128x576xf32, #tpu.memory_space<hbm>> -> memref<128x576xf32, #tpu.memory_space<hbm>>
        tpu.wait_dma2 semaphore(%run_scoped3A : memref<!tpu.dma_semaphore, #tpu.memory_space<semaphore_mem>>) src(%dma_wait3A_156 : memref<128x576xf32, #tpu.memory_space<hbm>>) dst(%arg9 : memref<128x576xf32, #tpu.memory_space<vmem>>)
        tpu.yield
      }) : () -> ()
      %mul3A_133 = arith.constant 128 : i32
      %mul3A_134 = arith.muli %scan3A_130, %mul3A_133 : i32
      "tpu.region"() ({
        %run_scoped3A = tpu.sem_alloc : memref<!tpu.dma_semaphore, #tpu.memory_space<semaphore_mem>>
        %dma_start3A = arith.constant 0 : i32
        %dma_start3A_147 = arith.constant 0 : i32
        %dma_start3A_148 = tpu.memref_slice %arg3[%mul3A_134, %dma_start3A, %dma_start3A_147] : memref<768x16x16xf32, #tpu.memory_space<hbm>> -> memref<128x16x16xf32, #tpu.memory_space<hbm>>
        %dma_start3A_149 = arith.constant 0 : i32
        %dma_start3A_150 = arith.constant 0 : i32
        %dma_start3A_151 = tpu.memref_slice %arg3[%mul3A_134, %dma_start3A_149, %dma_start3A_150] : memref<768x16x16xf32, #tpu.memory_space<hbm>> -> memref<128x16x16xf32, #tpu.memory_space<hbm>>
        tpu.enqueue_dma source(%dma_start3A_151 : memref<128x16x16xf32, #tpu.memory_space<hbm>>) target(%arg10 : memref<128x16x16xf32, #tpu.memory_space<vmem>>) target_semaphore(%run_scoped3A : memref<!tpu.dma_semaphore, #tpu.memory_space<semaphore_mem>>)
        %dma_wait3A = arith.constant 0 : i32
        %dma_wait3A_152 = arith.constant 0 : i32
        %dma_wait3A_153 = tpu.memref_slice %arg3[%mul3A_134, %dma_wait3A, %dma_wait3A_152] : memref<768x16x16xf32, #tpu.memory_space<hbm>> -> memref<128x16x16xf32, #tpu.memory_space<hbm>>
        %dma_wait3A_154 = arith.constant 0 : i32
        %dma_wait3A_155 = arith.constant 0 : i32
        %dma_wait3A_156 = tpu.memref_slice %arg3[%mul3A_134, %dma_wait3A_154, %dma_wait3A_155] : memref<768x16x16xf32, #tpu.memory_space<hbm>> -> memref<128x16x16xf32, #tpu.memory_space<hbm>>
        tpu.wait_dma2 semaphore(%run_scoped3A : memref<!tpu.dma_semaphore, #tpu.memory_space<semaphore_mem>>) src(%dma_wait3A_156 : memref<128x16x16xf32, #tpu.memory_space<hbm>>) dst(%arg10 : memref<128x16x16xf32, #tpu.memory_space<vmem>>)
        tpu.yield
      }) : () -> ()
      %scan3A_135 = arith.constant 0 : i32
      %scan3A_136 = arith.constant 0 : i32
      %scan3A_137 = arith.constant 4608 : i32
      %scan3A_138 = arith.addi %scan3A_136, %scan3A_137 : i32
      %scan3A_139 = arith.constant 1 : i32
      scf.for %scan3A_147 = %scan3A_136 to %scan3A_138 step %scan3A_139  : i32 {
        %jit3A = arith.constant 36 : i32
        %div3A = arith.divsi %scan3A_147, %jit3A : i32
        %sign3A = arith.constant 0 : i32
        %sign3A_148 = arith.cmpi sgt, %scan3A_147, %sign3A : i32
        %sign3A_149 = arith.extui %sign3A_148 : i1 to i32
        %sign3A_150 = arith.constant 0 : i32
        %sign3A_151 = arith.cmpi slt, %scan3A_147, %sign3A_150 : i32
        %sign3A_152 = arith.extui %sign3A_151 : i1 to i32
        %sign3A_153 = arith.subi %sign3A_149, %sign3A_152 : i32
        %sign3A_154 = arith.constant 0 : i32
        %sign3A_155 = arith.cmpi sgt, %jit3A, %sign3A_154 : i32
        %sign3A_156 = arith.extui %sign3A_155 : i1 to i32
        %sign3A_157 = arith.constant 0 : i32
        %sign3A_158 = arith.cmpi slt, %jit3A, %sign3A_157 : i32
        %sign3A_159 = arith.extui %sign3A_158 : i1 to i32
        %sign3A_160 = arith.subi %sign3A_156, %sign3A_159 : i32
        %ne3A = arith.cmpi ne, %sign3A_153, %sign3A_160 : i32
        %rem3A = arith.remsi %scan3A_147, %jit3A : i32
        %ne3A_161 = arith.constant 0 : i32
        %ne3A_162 = arith.cmpi ne, %rem3A, %ne3A_161 : i32
        %and3A = arith.andi %ne3A, %ne3A_162 : i1
        %sub3A = arith.constant 1 : i32
        %sub3A_163 = arith.subi %div3A, %sub3A : i32
        %select_n3A = arith.select %and3A, %sub3A_163, %div3A : i32
        %jit3A_164 = arith.constant 36 : i32
        %eq3A = arith.constant 0 : i32
        %eq3A_165 = arith.cmpi eq, %jit3A_164, %eq3A : i32
        %jit3A_166 = arith.constant 1 : i32
        %select_n3A_167 = arith.select %eq3A_165, %jit3A_166, %jit3A_164 : i32
        %rem3A_168 = arith.remsi %scan3A_147, %select_n3A_167 : i32
        %ne3A_169 = arith.constant 0 : i32
        %ne3A_170 = arith.cmpi ne, %rem3A_168, %ne3A_169 : i32
        %lt3A = arith.constant 0 : i32
        %lt3A_171 = arith.cmpi slt, %rem3A_168, %lt3A : i32
        %lt3A_172 = arith.constant 0 : i32
        %lt3A_173 = arith.cmpi slt, %select_n3A_167, %lt3A_172 : i32
        %ne3A_174 = arith.xori %lt3A_171, %lt3A_173 : i1
        %and3A_175 = arith.andi %ne3A_174, %ne3A_170 : i1
        %add3A_176 = arith.addi %rem3A_168, %select_n3A_167 : i32
        %select_n3A_177 = arith.select %and3A_175, %add3A_176, %rem3A_168 : i32
        %mul3A_178 = arith.constant 16 : i32
        %mul3A_179 = arith.muli %select_n3A_177, %mul3A_178 : i32
        %get3A_180 = arith.index_cast %select_n3A : i32 to index
        %get3A_181 = arith.index_cast %mul3A_179 : i32 to index
        %get3A_182 = tpu.vector_load %arg9[%get3A_180, %get3A_181] {strides = array<i32>} : memref<128x576xf32, #tpu.memory_space<vmem>>, vector<1x16xf32>,
        %get3A_183 = vector.shape_cast %get3A_182 : vector<1x16xf32> to vector<16xf32>
        %bitcast_convert_type3A = tpu.bitcast %get3A_183 : vector<16xf32> -> vector<16xi32>
        %shift_right_logical3A = arith.constant 16 : i32
        %shift_right_logical3A_184 = vector.broadcast %shift_right_logical3A : i32 to vector<16xi32>
        %shift_right_logical3A_185 = arith.shrui %bitcast_convert_type3A, %shift_right_logical3A_184 : vector<16xi32>
        %and3A_186 = arith.constant 1 : i32
        %and3A_187 = vector.broadcast %and3A_186 : i32 to vector<16xi32>
        %and3A_188 = arith.andi %shift_right_logical3A_185, %and3A_187 : vector<16xi32>
        %add3A_189 = arith.constant 32767 : i32
        %add3A_190 = vector.broadcast %add3A_189 : i32 to vector<16xi32>
        %add3A_191 = arith.addi %bitcast_convert_type3A, %add3A_190 : vector<16xi32>
        %add3A_192 = arith.addi %add3A_191, %and3A_188 : vector<16xi32>
        %and3A_193 = arith.constant -65536 : i32
        %and3A_194 = vector.broadcast %and3A_193 : i32 to vector<16xi32>
        %and3A_195 = arith.andi %add3A_192, %and3A_194 : vector<16xi32>
        %bitcast_convert_type3A_196 = tpu.bitcast %and3A_195 : vector<16xi32> -> vector<16xf32>
        %swap3A = arith.index_cast %select_n3A : i32 to index
        %swap3A_197 = arith.index_cast %mul3A_179 : i32 to index
        %swap3A_198 = tpu.vector_load %arg9[%swap3A, %swap3A_197] {strides = array<i32>} : memref<128x576xf32, #tpu.memory_space<vmem>>, vector<1x16xf32>,
        %swap3A_199 = vector.shape_cast %swap3A_198 : vector<1x16xf32> to vector<16xf32>
        %swap3A_200 = vector.shape_cast %bitcast_convert_type3A_196 : vector<16xf32> to vector<1x16xf32>
        tpu.vector_store %arg9[%swap3A, %swap3A_197], %swap3A_200 {strides = array<i32>} : memref<128x576xf32, #tpu.memory_space<vmem>>, vector<1x16xf32>,
      }
      %scan3A_140 = arith.constant 4608 : i32
      %scan3A_141 = arith.constant 0 : i32
      %scan3A_142 = arith.constant 0 : i32
      %scan3A_143 = arith.constant 6 : i32
      %scan3A_144 = arith.addi %scan3A_142, %scan3A_143 : i32
      %scan3A_145 = arith.constant 1 : i32
      scf.for %scan3A_147 = %scan3A_142 to %scan3A_144 step %scan3A_145  : i32 {
        %mul3A_148 = arith.constant 96 : i32
        %mul3A_149 = arith.muli %scan3A_147, %mul3A_148 : i32
        %add3A_150 = arith.constant 0 : i32
        %add3A_151 = arith.addi %mul3A_149, %add3A_150 : i32
        %get3A_152 = arith.constant 0 : i32
        %get3A_153 = arith.index_cast %get3A_152 : i32 to index
        %get3A_154 = arith.index_cast %add3A_151 : i32 to index
        %get3A_155 = tpu.vector_load %arg11[%get3A_153, %get3A_154] {strides = array<i32>} : memref<16x576xf32, #tpu.memory_space<vmem>>, vector<1x16xf32>,
        %get3A_156 = vector.shape_cast %get3A_155 : vector<1x16xf32> to vector<16xf32>
        %add3A_157 = arith.constant 16 : i32
        %add3A_158 = arith.addi %mul3A_149, %add3A_157 : i32
        %get3A_159 = arith.constant 0 : i32
        %get3A_160 = arith.index_cast %get3A_159 : i32 to index
        %get3A_161 = arith.index_cast %add3A_158 : i32 to index
        %get3A_162 = tpu.vector_load %arg11[%get3A_160, %get3A_161] {strides = array<i32>} : memref<16x576xf32, #tpu.memory_space<vmem>>, vector<1x16xf32>,
        %get3A_163 = vector.shape_cast %get3A_162 : vector<1x16xf32> to vector<16xf32>
        %add3A_164 = arith.constant 32 : i32
        %add3A_165 = arith.addi %mul3A_149, %add3A_164 : i32
        %get3A_166 = arith.constant 0 : i32
        %get3A_167 = arith.index_cast %get3A_166 : i32 to index
        %get3A_168 = arith.index_cast %add3A_165 : i32 to index
        %get3A_169 = tpu.vector_load %arg11[%get3A_167, %get3A_168] {strides = array<i32>} : memref<16x576xf32, #tpu.memory_space<vmem>>, vector<1x16xf32>,
        %get3A_170 = vector.shape_cast %get3A_169 : vector<1x16xf32> to vector<16xf32>
        %add3A_171 = arith.constant 48 : i32
        %add3A_172 = arith.addi %mul3A_149, %add3A_171 : i32
        %get3A_173 = arith.constant 0 : i32
        %get3A_174 = arith.index_cast %get3A_173 : i32 to index
        %get3A_175 = arith.index_cast %add3A_172 : i32 to index
        %get3A_176 = tpu.vector_load %arg11[%get3A_174, %get3A_175] {strides = array<i32>} : memref<16x576xf32, #tpu.memory_space<vmem>>, vector<1x16xf32>,
        %get3A_177 = vector.shape_cast %get3A_176 : vector<1x16xf32> to vector<16xf32>
        %add3A_178 = arith.constant 64 : i32
        %add3A_179 = arith.addi %mul3A_149, %add3A_178 : i32
        %get3A_180 = arith.constant 0 : i32
        %get3A_181 = arith.index_cast %get3A_180 : i32 to index
        %get3A_182 = arith.index_cast %add3A_179 : i32 to index
        %get3A_183 = tpu.vector_load %arg11[%get3A_181, %get3A_182] {strides = array<i32>} : memref<16x576xf32, #tpu.memory_space<vmem>>, vector<1x16xf32>,
        %get3A_184 = vector.shape_cast %get3A_183 : vector<1x16xf32> to vector<16xf32>
        %add3A_185 = arith.constant 80 : i32
        %add3A_186 = arith.addi %mul3A_149, %add3A_185 : i32
        %get3A_187 = arith.constant 0 : i32
        %get3A_188 = arith.index_cast %get3A_187 : i32 to index
        %get3A_189 = arith.index_cast %add3A_186 : i32 to index
        %get3A_190 = tpu.vector_load %arg11[%get3A_188, %get3A_189] {strides = array<i32>} : memref<16x576xf32, #tpu.memory_space<vmem>>, vector<1x16xf32>,
        %get3A_191 = vector.shape_cast %get3A_190 : vector<1x16xf32> to vector<16xf32>
        %add3A_192 = arith.constant 0 : i32
        %add3A_193 = arith.addi %mul3A_149, %add3A_192 : i32
        %get3A_194 = arith.constant 1 : i32
        %get3A_195 = arith.index_cast %get3A_194 : i32 to index
        %get3A_196 = arith.index_cast %add3A_193 : i32 to index
        %get3A_197 = tpu.vector_load %arg11[%get3A_195, %get3A_196] {strides = array<i32>} : memref<16x576xf32, #tpu.memory_space<vmem>>, vector<1x16xf32>,
        %get3A_198 = vector.shape_cast %get3A_197 : vector<1x16xf32> to vector<16xf32>
        %add3A_199 = arith.constant 16 : i32
        %add3A_200 = arith.addi %mul3A_149, %add3A_199 : i32
        %get3A_201 = arith.constant 1 : i32
        %get3A_202 = arith.index_cast %get3A_201 : i32 to index
        %get3A_203 = arith.index_cast %add3A_200 : i32 to index
        %get3A_204 = tpu.vector_load %arg11[%get3A_202, %get3A_203] {strides = array<i32>} : memref<16x576xf32, #tpu.memory_space<vmem>>, vector<1x16xf32>,
        %get3A_205 = vector.shape_cast %get3A_204 : vector<1x16xf32> to vector<16xf32>
        %add3A_206 = arith.constant 32 : i32
        %add3A_207 = arith.addi %mul3A_149, %add3A_206 : i32
        %get3A_208 = arith.constant 1 : i32
        %get3A_209 = arith.index_cast %get3A_208 : i32 to index
        %get3A_210 = arith.index_cast %add3A_207 : i32 to index
        %get3A_211 = tpu.vector_load %arg11[%get3A_209, %get3A_210] {strides = array<i32>} : memref<16x576xf32, #tpu.memory_space<vmem>>, vector<1x16xf32>,
        %get3A_212 = vector.shape_cast %get3A_211 : vector<1x16xf32> to vector<16xf32>
        %add3A_213 = arith.constant 48 : i32
        %add3A_214 = arith.addi %mul3A_149, %add3A_213 : i32
        %get3A_215 = arith.constant 1 : i32
        %get3A_216 = arith.index_cast %get3A_215 : i32 to index
        %get3A_217 = arith.index_cast %add3A_214 : i32 to index
        %get3A_218 = tpu.vector_load %arg11[%get3A_216, %get3A_217] {strides = array<i32>} : memref<16x576xf32, #tpu.memory_space<vmem>>, vector<1x16xf32>,
        %get3A_219 = vector.shape_cast %get3A_218 : vector<1x16xf32> to vector<16xf32>
        %add3A_220 = arith.constant 64 : i32
        %add3A_221 = arith.addi %mul3A_149, %add3A_220 : i32
        %get3A_222 = arith.constant 1 : i32
        %get3A_223 = arith.index_cast %get3A_222 : i32 to index
        %get3A_224 = arith.index_cast %add3A_221 : i32 to index
        %get3A_225 = tpu.vector_load %arg11[%get3A_223, %get3A_224] {strides = array<i32>} : memref<16x576xf32, #tpu.memory_space<vmem>>, vector<1x16xf32>,
        %get3A_226 = vector.shape_cast %get3A_225 : vector<1x16xf32> to vector<16xf32>
        %add3A_227 = arith.constant 80 : i32
        %add3A_228 = arith.addi %mul3A_149, %add3A_227 : i32
        %get3A_229 = arith.constant 1 : i32
        %get3A_230 = arith.index_cast %get3A_229 : i32 to index
        %get3A_231 = arith.index_cast %add3A_228 : i32 to index
        %get3A_232 = tpu.vector_load %arg11[%get3A_230, %get3A_231] {strides = array<i32>} : memref<16x576xf32, #tpu.memory_space<vmem>>, vector<1x16xf32>,
        %get3A_233 = vector.shape_cast %get3A_232 : vector<1x16xf32> to vector<16xf32>
        %add3A_234 = arith.constant 0 : i32
        %add3A_235 = arith.addi %mul3A_149, %add3A_234 : i32
        %get3A_236 = arith.constant 2 : i32
        %get3A_237 = arith.index_cast %get3A_236 : i32 to index
        %get3A_238 = arith.index_cast %add3A_235 : i32 to index
        %get3A_239 = tpu.vector_load %arg11[%get3A_237, %get3A_238] {strides = array<i32>} : memref<16x576xf32, #tpu.memory_space<vmem>>, vector<1x16xf32>,
        %get3A_240 = vector.shape_cast %get3A_239 : vector<1x16xf32> to vector<16xf32>
        %add3A_241 = arith.constant 16 : i32
        %add3A_242 = arith.addi %mul3A_149, %add3A_241 : i32
        %get3A_243 = arith.constant 2 : i32
        %get3A_244 = arith.index_cast %get3A_243 : i32 to index
        %get3A_245 = arith.index_cast %add3A_242 : i32 to index
        %get3A_246 = tpu.vector_load %arg11[%get3A_244, %get3A_245] {strides = array<i32>} : memref<16x576xf32, #tpu.memory_space<vmem>>, vector<1x16xf32>,
        %get3A_247 = vector.shape_cast %get3A_246 : vector<1x16xf32> to vector<16xf32>
        %add3A_248 = arith.constant 32 : i32
        %add3A_249 = arith.addi %mul3A_149, %add3A_248 : i32
        %get3A_250 = arith.constant 2 : i32
        %get3A_251 = arith.index_cast %get3A_250 : i32 to index
        %get3A_252 = arith.index_cast %add3A_249 : i32 to index
        %get3A_253 = tpu.vector_load %arg11[%get3A_251, %get3A_252] {strides = array<i32>} : memref<16x576xf32, #tpu.memory_space<vmem>>, vector<1x16xf32>,
        %get3A_254 = vector.shape_cast %get3A_253 : vector<1x16xf32> to vector<16xf32>
        %add3A_255 = arith.constant 48 : i32
        %add3A_256 = arith.addi %mul3A_149, %add3A_255 : i32
        %get3A_257 = arith.constant 2 : i32
        %get3A_258 = arith.index_cast %get3A_257 : i32 to index
        %get3A_259 = arith.index_cast %add3A_256 : i32 to index
        %get3A_260 = tpu.vector_load %arg11[%get3A_258, %get3A_259] {strides = array<i32>} : memref<16x576xf32, #tpu.memory_space<vmem>>, vector<1x16xf32>,
        %get3A_261 = vector.shape_cast %get3A_260 : vector<1x16xf32> to vector<16xf32>
        %add3A_262 = arith.constant 64 : i32
        %add3A_263 = arith.addi %mul3A_149, %add3A_262 : i32
        %get3A_264 = arith.constant 2 : i32
        %get3A_265 = arith.index_cast %get3A_264 : i32 to index
        %get3A_266 = arith.index_cast %add3A_263 : i32 to index
        %get3A_267 = tpu.vector_load %arg11[%get3A_265, %get3A_266] {strides = array<i32>} : memref<16x576xf32, #tpu.memory_space<vmem>>, vector<1x16xf32>,
        %get3A_268 = vector.shape_cast %get3A_267 : vector<1x16xf32> to vector<16xf32>
        %add3A_269 = arith.constant 80 : i32
        %add3A_270 = arith.addi %mul3A_149, %add3A_269 : i32
        %get3A_271 = arith.constant 2 : i32
        %get3A_272 = arith.index_cast %get3A_271 : i32 to index
        %get3A_273 = arith.index_cast %add3A_270 : i32 to index
        %get3A_274 = tpu.vector_load %arg11[%get3A_272, %get3A_273] {strides = array<i32>} : memref<16x576xf32, #tpu.memory_space<vmem>>, vector<1x16xf32>,
        %get3A_275 = vector.shape_cast %get3A_274 : vector<1x16xf32> to vector<16xf32>
        %add3A_276 = arith.constant 0 : i32
        %add3A_277 = arith.addi %mul3A_149, %add3A_276 : i32
        %get3A_278 = arith.constant 3 : i32
        %get3A_279 = arith.index_cast %get3A_278 : i32 to index
        %get3A_280 = arith.index_cast %add3A_277 : i32 to index
        %get3A_281 = tpu.vector_load %arg11[%get3A_279, %get3A_280] {strides = array<i32>} : memref<16x576xf32, #tpu.memory_space<vmem>>, vector<1x16xf32>,
        %get3A_282 = vector.shape_cast %get3A_281 : vector<1x16xf32> to vector<16xf32>
        %add3A_283 = arith.constant 16 : i32
        %add3A_284 = arith.addi %mul3A_149, %add3A_283 : i32
        %get3A_285 = arith.constant 3 : i32
        %get3A_286 = arith.index_cast %get3A_285 : i32 to index
        %get3A_287 = arith.index_cast %add3A_284 : i32 to index
        %get3A_288 = tpu.vector_load %arg11[%get3A_286, %get3A_287] {strides = array<i32>} : memref<16x576xf32, #tpu.memory_space<vmem>>, vector<1x16xf32>,
        %get3A_289 = vector.shape_cast %get3A_288 : vector<1x16xf32> to vector<16xf32>
        %add3A_290 = arith.constant 32 : i32
        %add3A_291 = arith.addi %mul3A_149, %add3A_290 : i32
        %get3A_292 = arith.constant 3 : i32
        %get3A_293 = arith.index_cast %get3A_292 : i32 to index
        %get3A_294 = arith.index_cast %add3A_291 : i32 to index
        %get3A_295 = tpu.vector_load %arg11[%get3A_293, %get3A_294] {strides = array<i32>} : memref<16x576xf32, #tpu.memory_space<vmem>>, vector<1x16xf32>,
        %get3A_296 = vector.shape_cast %get3A_295 : vector<1x16xf32> to vector<16xf32>
        %add3A_297 = arith.constant 48 : i32
        %add3A_298 = arith.addi %mul3A_149, %add3A_297 : i32
        %get3A_299 = arith.constant 3 : i32
        %get3A_300 = arith.index_cast %get3A_299 : i32 to index
        %get3A_301 = arith.index_cast %add3A_298 : i32 to index
        %get3A_302 = tpu.vector_load %arg11[%get3A_300, %get3A_301] {strides = array<i32>} : memref<16x576xf32, #tpu.memory_space<vmem>>, vector<1x16xf32>,
        %get3A_303 = vector.shape_cast %get3A_302 : vector<1x16xf32> to vector<16xf32>
        %add3A_304 = arith.constant 64 : i32
        %add3A_305 = arith.addi %mul3A_149, %add3A_304 : i32
        %get3A_306 = arith.constant 3 : i32
        %get3A_307 = arith.index_cast %get3A_306 : i32 to index
        %get3A_308 = arith.index_cast %add3A_305 : i32 to index
        %get3A_309 = tpu.vector_load %arg11[%get3A_307, %get3A_308] {strides = array<i32>} : memref<16x576xf32, #tpu.memory_space<vmem>>, vector<1x16xf32>,
        %get3A_310 = vector.shape_cast %get3A_309 : vector<1x16xf32> to vector<16xf32>
        %add3A_311 = arith.constant 80 : i32
        %add3A_312 = arith.addi %mul3A_149, %add3A_311 : i32
        %get3A_313 = arith.constant 3 : i32
        %get3A_314 = arith.index_cast %get3A_313 : i32 to index
        %get3A_315 = arith.index_cast %add3A_312 : i32 to index
        %get3A_316 = tpu.vector_load %arg11[%get3A_314, %get3A_315] {strides = array<i32>} : memref<16x576xf32, #tpu.memory_space<vmem>>, vector<1x16xf32>,
        %get3A_317 = vector.shape_cast %get3A_316 : vector<1x16xf32> to vector<16xf32>
        %add3A_318 = arith.constant 0 : i32
        %add3A_319 = arith.addi %mul3A_149, %add3A_318 : i32
        %get3A_320 = arith.constant 4 : i32
        %get3A_321 = arith.index_cast %get3A_320 : i32 to index
        %get3A_322 = arith.index_cast %add3A_319 : i32 to index
        %get3A_323 = tpu.vector_load %arg11[%get3A_321, %get3A_322] {strides = array<i32>} : memref<16x576xf32, #tpu.memory_space<vmem>>, vector<1x16xf32>,
        %get3A_324 = vector.shape_cast %get3A_323 : vector<1x16xf32> to vector<16xf32>
        %add3A_325 = arith.constant 16 : i32
        %add3A_326 = arith.addi %mul3A_149, %add3A_325 : i32
        %get3A_327 = arith.constant 4 : i32
        %get3A_328 = arith.index_cast %get3A_327 : i32 to index
        %get3A_329 = arith.index_cast %add3A_326 : i32 to index
        %get3A_330 = tpu.vector_load %arg11[%get3A_328, %get3A_329] {strides = array<i32>} : memref<16x576xf32, #tpu.memory_space<vmem>>, vector<1x16xf32>,
        %get3A_331 = vector.shape_cast %get3A_330 : vector<1x16xf32> to vector<16xf32>
        %add3A_332 = arith.constant 32 : i32
        %add3A_333 = arith.addi %mul3A_149, %add3A_332 : i32
        %get3A_334 = arith.constant 4 : i32
        %get3A_335 = arith.index_cast %get3A_334 : i32 to index
        %get3A_336 = arith.index_cast %add3A_333 : i32 to index
        %get3A_337 = tpu.vector_load %arg11[%get3A_335, %get3A_336] {strides = array<i32>} : memref<16x576xf32, #tpu.memory_space<vmem>>, vector<1x16xf32>,
        %get3A_338 = vector.shape_cast %get3A_337 : vector<1x16xf32> to vector<16xf32>
        %add3A_339 = arith.constant 48 : i32
        %add3A_340 = arith.addi %mul3A_149, %add3A_339 : i32
        %get3A_341 = arith.constant 4 : i32
        %get3A_342 = arith.index_cast %get3A_341 : i32 to index
        %get3A_343 = arith.index_cast %add3A_340 : i32 to index
        %get3A_344 = tpu.vector_load %arg11[%get3A_342, %get3A_343] {strides = array<i32>} : memref<16x576xf32, #tpu.memory_space<vmem>>, vector<1x16xf32>,
        %get3A_345 = vector.shape_cast %get3A_344 : vector<1x16xf32> to vector<16xf32>
        %add3A_346 = arith.constant 64 : i32
        %add3A_347 = arith.addi %mul3A_149, %add3A_346 : i32
        %get3A_348 = arith.constant 4 : i32
        %get3A_349 = arith.index_cast %get3A_348 : i32 to index
        %get3A_350 = arith.index_cast %add3A_347 : i32 to index
        %get3A_351 = tpu.vector_load %arg11[%get3A_349, %get3A_350] {strides = array<i32>} : memref<16x576xf32, #tpu.memory_space<vmem>>, vector<1x16xf32>,
        %get3A_352 = vector.shape_cast %get3A_351 : vector<1x16xf32> to vector<16xf32>
        %add3A_353 = arith.constant 80 : i32
        %add3A_354 = arith.addi %mul3A_149, %add3A_353 : i32
        %get3A_355 = arith.constant 4 : i32
        %get3A_356 = arith.index_cast %get3A_355 : i32 to index
        %get3A_357 = arith.index_cast %add3A_354 : i32 to index
        %get3A_358 = tpu.vector_load %arg11[%get3A_356, %get3A_357] {strides = array<i32>} : memref<16x576xf32, #tpu.memory_space<vmem>>, vector<1x16xf32>,
        %get3A_359 = vector.shape_cast %get3A_358 : vector<1x16xf32> to vector<16xf32>
        %add3A_360 = arith.constant 0 : i32
        %add3A_361 = arith.addi %mul3A_149, %add3A_360 : i32
        %get3A_362 = arith.constant 5 : i32
        %get3A_363 = arith.index_cast %get3A_362 : i32 to index
        %get3A_364 = arith.index_cast %add3A_361 : i32 to index
        %get3A_365 = tpu.vector_load %arg11[%get3A_363, %get3A_364] {strides = array<i32>} : memref<16x576xf32, #tpu.memory_space<vmem>>, vector<1x16xf32>,
        %get3A_366 = vector.shape_cast %get3A_365 : vector<1x16xf32> to vector<16xf32>
        %add3A_367 = arith.constant 16 : i32
        %add3A_368 = arith.addi %mul3A_149, %add3A_367 : i32
        %get3A_369 = arith.constant 5 : i32
        %get3A_370 = arith.index_cast %get3A_369 : i32 to index
        %get3A_371 = arith.index_cast %add3A_368 : i32 to index
        %get3A_372 = tpu.vector_load %arg11[%get3A_370, %get3A_371] {strides = array<i32>} : memref<16x576xf32, #tpu.memory_space<vmem>>, vector<1x16xf32>,
        %get3A_373 = vector.shape_cast %get3A_372 : vector<1x16xf32> to vector<16xf32>
        %add3A_374 = arith.constant 32 : i32
        %add3A_375 = arith.addi %mul3A_149, %add3A_374 : i32
        %get3A_376 = arith.constant 5 : i32
        %get3A_377 = arith.index_cast %get3A_376 : i32 to index
        %get3A_378 = arith.index_cast %add3A_375 : i32 to index
        %get3A_379 = tpu.vector_load %arg11[%get3A_377, %get3A_378] {strides = array<i32>} : memref<16x576xf32, #tpu.memory_space<vmem>>, vector<1x16xf32>,
        %get3A_380 = vector.shape_cast %get3A_379 : vector<1x16xf32> to vector<16xf32>
        %add3A_381 = arith.constant 48 : i32
        %add3A_382 = arith.addi %mul3A_149, %add3A_381 : i32
        %get3A_383 = arith.constant 5 : i32
        %get3A_384 = arith.index_cast %get3A_383 : i32 to index
        %get3A_385 = arith.index_cast %add3A_382 : i32 to index
        %get3A_386 = tpu.vector_load %arg11[%get3A_384, %get3A_385] {strides = array<i32>} : memref<16x576xf32, #tpu.memory_space<vmem>>, vector<1x16xf32>,
        %get3A_387 = vector.shape_cast %get3A_386 : vector<1x16xf32> to vector<16xf32>
        %add3A_388 = arith.constant 64 : i32
        %add3A_389 = arith.addi %mul3A_149, %add3A_388 : i32
        %get3A_390 = arith.constant 5 : i32
        %get3A_391 = arith.index_cast %get3A_390 : i32 to index
        %get3A_392 = arith.index_cast %add3A_389 : i32 to index
        %get3A_393 = tpu.vector_load %arg11[%get3A_391, %get3A_392] {strides = array<i32>} : memref<16x576xf32, #tpu.memory_space<vmem>>, vector<1x16xf32>,
        %get3A_394 = vector.shape_cast %get3A_393 : vector<1x16xf32> to vector<16xf32>
        %add3A_395 = arith.constant 80 : i32
        %add3A_396 = arith.addi %mul3A_149, %add3A_395 : i32
        %get3A_397 = arith.constant 5 : i32
        %get3A_398 = arith.index_cast %get3A_397 : i32 to index
        %get3A_399 = arith.index_cast %add3A_396 : i32 to index
        %get3A_400 = tpu.vector_load %arg11[%get3A_398, %get3A_399] {strides = array<i32>} : memref<16x576xf32, #tpu.memory_space<vmem>>, vector<1x16xf32>,
        %get3A_401 = vector.shape_cast %get3A_400 : vector<1x16xf32> to vector<16xf32>
        %add3A_402 = arith.constant 0 : i32
        %add3A_403 = arith.addi %mul3A_149, %add3A_402 : i32
        %get3A_404 = arith.constant 6 : i32
        %get3A_405 = arith.index_cast %get3A_404 : i32 to index
        %get3A_406 = arith.index_cast %add3A_403 : i32 to index
        %get3A_407 = tpu.vector_load %arg11[%get3A_405, %get3A_406] {strides = array<i32>} : memref<16x576xf32, #tpu.memory_space<vmem>>, vector<1x16xf32>,
        %get3A_408 = vector.shape_cast %get3A_407 : vector<1x16xf32> to vector<16xf32>
        %add3A_409 = arith.constant 16 : i32
        %add3A_410 = arith.addi %mul3A_149, %add3A_409 : i32
        %get3A_411 = arith.constant 6 : i32
        %get3A_412 = arith.index_cast %get3A_411 : i32 to index
        %get3A_413 = arith.index_cast %add3A_410 : i32 to index
        %get3A_414 = tpu.vector_load %arg11[%get3A_412, %get3A_413] {strides = array<i32>} : memref<16x576xf32, #tpu.memory_space<vmem>>, vector<1x16xf32>,
        %get3A_415 = vector.shape_cast %get3A_414 : vector<1x16xf32> to vector<16xf32>
        %add3A_416 = arith.constant 32 : i32
        %add3A_417 = arith.addi %mul3A_149, %add3A_416 : i32
        %get3A_418 = arith.constant 6 : i32
        %get3A_419 = arith.index_cast %get3A_418 : i32 to index
        %get3A_420 = arith.index_cast %add3A_417 : i32 to index
        %get3A_421 = tpu.vector_load %arg11[%get3A_419, %get3A_420] {strides = array<i32>} : memref<16x576xf32, #tpu.memory_space<vmem>>, vector<1x16xf32>,
        %get3A_422 = vector.shape_cast %get3A_421 : vector<1x16xf32> to vector<16xf32>
        %add3A_423 = arith.constant 48 : i32
        %add3A_424 = arith.addi %mul3A_149, %add3A_423 : i32
        %get3A_425 = arith.constant 6 : i32
        %get3A_426 = arith.index_cast %get3A_425 : i32 to index
        %get3A_427 = arith.index_cast %add3A_424 : i32 to index
        %get3A_428 = tpu.vector_load %arg11[%get3A_426, %get3A_427] {strides = array<i32>} : memref<16x576xf32, #tpu.memory_space<vmem>>, vector<1x16xf32>,
        %get3A_429 = vector.shape_cast %get3A_428 : vector<1x16xf32> to vector<16xf32>
        %add3A_430 = arith.constant 64 : i32
        %add3A_431 = arith.addi %mul3A_149, %add3A_430 : i32
        %get3A_432 = arith.constant 6 : i32
        %get3A_433 = arith.index_cast %get3A_432 : i32 to index
        %get3A_434 = arith.index_cast %add3A_431 : i32 to index
        %get3A_435 = tpu.vector_load %arg11[%get3A_433, %get3A_434] {strides = array<i32>} : memref<16x576xf32, #tpu.memory_space<vmem>>, vector<1x16xf32>,
        %get3A_436 = vector.shape_cast %get3A_435 : vector<1x16xf32> to vector<16xf32>
        %add3A_437 = arith.constant 80 : i32
        %add3A_438 = arith.addi %mul3A_149, %add3A_437 : i32
        %get3A_439 = arith.constant 6 : i32
        %get3A_440 = arith.index_cast %get3A_439 : i32 to index
        %get3A_441 = arith.index_cast %add3A_438 : i32 to index
        %get3A_442 = tpu.vector_load %arg11[%get3A_440, %get3A_441] {strides = array<i32>} : memref<16x576xf32, #tpu.memory_space<vmem>>, vector<1x16xf32>,
        %get3A_443 = vector.shape_cast %get3A_442 : vector<1x16xf32> to vector<16xf32>
        %add3A_444 = arith.constant 0 : i32
        %add3A_445 = arith.addi %mul3A_149, %add3A_444 : i32
        %get3A_446 = arith.constant 7 : i32
        %get3A_447 = arith.index_cast %get3A_446 : i32 to index
        %get3A_448 = arith.index_cast %add3A_445 : i32 to index
        %get3A_449 = tpu.vector_load %arg11[%get3A_447, %get3A_448] {strides = array<i32>} : memref<16x576xf32, #tpu.memory_space<vmem>>, vector<1x16xf32>,
        %get3A_450 = vector.shape_cast %get3A_449 : vector<1x16xf32> to vector<16xf32>
        %add3A_451 = arith.constant 16 : i32
        %add3A_452 = arith.addi %mul3A_149, %add3A_451 : i32
        %get3A_453 = arith.constant 7 : i32
        %get3A_454 = arith.index_cast %get3A_453 : i32 to index
        %get3A_455 = arith.index_cast %add3A_452 : i32 to index
        %get3A_456 = tpu.vector_load %arg11[%get3A_454, %get3A_455] {strides = array<i32>} : memref<16x576xf32, #tpu.memory_space<vmem>>, vector<1x16xf32>,
        %get3A_457 = vector.shape_cast %get3A_456 : vector<1x16xf32> to vector<16xf32>
        %add3A_458 = arith.constant 32 : i32
        %add3A_459 = arith.addi %mul3A_149, %add3A_458 : i32
        %get3A_460 = arith.constant 7 : i32
        %get3A_461 = arith.index_cast %get3A_460 : i32 to index
        %get3A_462 = arith.index_cast %add3A_459 : i32 to index
        %get3A_463 = tpu.vector_load %arg11[%get3A_461, %get3A_462] {strides = array<i32>} : memref<16x576xf32, #tpu.memory_space<vmem>>, vector<1x16xf32>,
        %get3A_464 = vector.shape_cast %get3A_463 : vector<1x16xf32> to vector<16xf32>
        %add3A_465 = arith.constant 48 : i32
        %add3A_466 = arith.addi %mul3A_149, %add3A_465 : i32
        %get3A_467 = arith.constant 7 : i32
        %get3A_468 = arith.index_cast %get3A_467 : i32 to index
        %get3A_469 = arith.index_cast %add3A_466 : i32 to index
        %get3A_470 = tpu.vector_load %arg11[%get3A_468, %get3A_469] {strides = array<i32>} : memref<16x576xf32, #tpu.memory_space<vmem>>, vector<1x16xf32>,
        %get3A_471 = vector.shape_cast %get3A_470 : vector<1x16xf32> to vector<16xf32>
        %add3A_472 = arith.constant 64 : i32
        %add3A_473 = arith.addi %mul3A_149, %add3A_472 : i32
        %get3A_474 = arith.constant 7 : i32
        %get3A_475 = arith.index_cast %get3A_474 : i32 to index
        %get3A_476 = arith.index_cast %add3A_473 : i32 to index
        %get3A_477 = tpu.vector_load %arg11[%get3A_475, %get3A_476] {strides = array<i32>} : memref<16x576xf32, #tpu.memory_space<vmem>>, vector<1x16xf32>,
        %get3A_478 = vector.shape_cast %get3A_477 : vector<1x16xf32> to vector<16xf32>
        %add3A_479 = arith.constant 80 : i32
        %add3A_480 = arith.addi %mul3A_149, %add3A_479 : i32
        %get3A_481 = arith.constant 7 : i32
        %get3A_482 = arith.index_cast %get3A_481 : i32 to index
        %get3A_483 = arith.index_cast %add3A_480 : i32 to index
        %get3A_484 = tpu.vector_load %arg11[%get3A_482, %get3A_483] {strides = array<i32>} : memref<16x576xf32, #tpu.memory_space<vmem>>, vector<1x16xf32>,
        %get3A_485 = vector.shape_cast %get3A_484 : vector<1x16xf32> to vector<16xf32>
        %scan3A_486 = arith.constant 0 : i32
        %scan3A_487 = arith.constant 128 : i32
        %scan3A_488 = arith.addi %scan3A_486, %scan3A_487 : i32
        %scan3A_489 = arith.constant 1 : i32
        %scan3A_490:48 = scf.for %scan3A_1601 = %scan3A_486 to %scan3A_488 step %scan3A_489 iter_args(%scan3A_1602 = %get3A_156, %scan3A_1603 = %get3A_163, %scan3A_1604 = %get3A_170, %scan3A_1605 = %get3A_177, %scan3A_1606 = %get3A_184, %scan3A_1607 = %get3A_191, %scan3A_1608 = %get3A_198, %scan3A_1609 = %get3A_205, %scan3A_1610 = %get3A_212, %scan3A_1611 = %get3A_219, %scan3A_1612 = %get3A_226, %scan3A_1613 = %get3A_233, %scan3A_1614 = %get3A_240, %scan3A_1615 = %get3A_247, %scan3A_1616 = %get3A_254, %scan3A_1617 = %get3A_261, %scan3A_1618 = %get3A_268, %scan3A_1619 = %get3A_275, %scan3A_1620 = %get3A_282, %scan3A_1621 = %get3A_289, %scan3A_1622 = %get3A_296, %scan3A_1623 = %get3A_303, %scan3A_1624 = %get3A_310, %scan3A_1625 = %get3A_317, %scan3A_1626 = %get3A_324, %scan3A_1627 = %get3A_331, %scan3A_1628 = %get3A_338, %scan3A_1629 = %get3A_345, %scan3A_1630 = %get3A_352, %scan3A_1631 = %get3A_359, %scan3A_1632 = %get3A_366, %scan3A_1633 = %get3A_373, %scan3A_1634 = %get3A_380, %scan3A_1635 = %get3A_387, %scan3A_1636 = %get3A_394, %scan3A_1637 = %get3A_401, %scan3A_1638 = %get3A_408, %scan3A_1639 = %get3A_415, %scan3A_1640 = %get3A_422, %scan3A_1641 = %get3A_429, %scan3A_1642 = %get3A_436, %scan3A_1643 = %get3A_443, %scan3A_1644 = %get3A_450, %scan3A_1645 = %get3A_457, %scan3A_1646 = %get3A_464, %scan3A_1647 = %get3A_471, %scan3A_1648 = %get3A_478, %scan3A_1649 = %get3A_485) -> (vector<16xf32>, vector<16xf32>, vector<16xf32>, vector<16xf32>, vector<16xf32>, vector<16xf32>, vector<16xf32>, vector<16xf32>, vector<16xf32>, vector<16xf32>, vector<16xf32>, vector<16xf32>, vector<16xf32>, vector<16xf32>, vector<16xf32>, vector<16xf32>, vector<16xf32>, vector<16xf32>, vector<16xf32>, vector<16xf32>, vector<16xf32>, vector<16xf32>, vector<16xf32>, vector<16xf32>, vector<16xf32>, vector<16xf32>, vector<16xf32>, vector<16xf32>, vector<16xf32>, vector<16xf32>, vector<16xf32>, vector<16xf32>, vector<16xf32>, vector<16xf32>, vector<16xf32>, vector<16xf32>, vector<16xf32>, vector<16xf32>, vector<16xf32>, vector<16xf32>, vector<16xf32>, vector<16xf32>, vector<16xf32>, vector<16xf32>, vector<16xf32>, vector<16xf32>, vector<16xf32>, vector<16xf32>)  : i32 {
          %get3A_1650 = arith.constant 0 : i32
          %get3A_1651 = arith.index_cast %scan3A_1601 : i32 to index
          %get3A_1652 = arith.index_cast %get3A_1650 : i32 to index
          %get3A_1653 = arith.constant 0 : index
          %get3A_1654 = tpu.vector_load %arg10[%get3A_1651, %get3A_1652, %get3A_1653] {strides = array<i32>} : memref<128x16x16xf32, #tpu.memory_space<vmem>>, vector<1x1x16xf32>,
          %get3A_1655 = vector.shape_cast %get3A_1654 : vector<1x1x16xf32> to vector<16xf32>
          %get3A_1656 = arith.constant 1 : i32
          %get3A_1657 = arith.index_cast %scan3A_1601 : i32 to index
          %get3A_1658 = arith.index_cast %get3A_1656 : i32 to index
          %get3A_1659 = arith.constant 0 : index
          %get3A_1660 = tpu.vector_load %arg10[%get3A_1657, %get3A_1658, %get3A_1659] {strides = array<i32>} : memref<128x16x16xf32, #tpu.memory_space<vmem>>, vector<1x1x16xf32>,
          %get3A_1661 = vector.shape_cast %get3A_1660 : vector<1x1x16xf32> to vector<16xf32>
          %get3A_1662 = arith.constant 2 : i32
          %get3A_1663 = arith.index_cast %scan3A_1601 : i32 to index
          %get3A_1664 = arith.index_cast %get3A_1662 : i32 to index
          %get3A_1665 = arith.constant 0 : index
          %get3A_1666 = tpu.vector_load %arg10[%get3A_1663, %get3A_1664, %get3A_1665] {strides = array<i32>} : memref<128x16x16xf32, #tpu.memory_space<vmem>>, vector<1x1x16xf32>,
          %get3A_1667 = vector.shape_cast %get3A_1666 : vector<1x1x16xf32> to vector<16xf32>
          %get3A_1668 = arith.constant 3 : i32
          %get3A_1669 = arith.index_cast %scan3A_1601 : i32 to index
          %get3A_1670 = arith.index_cast %get3A_1668 : i32 to index
          %get3A_1671 = arith.constant 0 : index
          %get3A_1672 = tpu.vector_load %arg10[%get3A_1669, %get3A_1670, %get3A_1671] {strides = array<i32>} : memref<128x16x16xf32, #tpu.memory_space<vmem>>, vector<1x1x16xf32>,
          %get3A_1673 = vector.shape_cast %get3A_1672 : vector<1x1x16xf32> to vector<16xf32>
          %get3A_1674 = arith.constant 4 : i32
          %get3A_1675 = arith.index_cast %scan3A_1601 : i32 to index
          %get3A_1676 = arith.index_cast %get3A_1674 : i32 to index
          %get3A_1677 = arith.constant 0 : index
          %get3A_1678 = tpu.vector_load %arg10[%get3A_1675, %get3A_1676, %get3A_1677] {strides = array<i32>} : memref<128x16x16xf32, #tpu.memory_space<vmem>>, vector<1x1x16xf32>,
          %get3A_1679 = vector.shape_cast %get3A_1678 : vector<1x1x16xf32> to vector<16xf32>
          %get3A_1680 = arith.constant 5 : i32
          %get3A_1681 = arith.index_cast %scan3A_1601 : i32 to index
          %get3A_1682 = arith.index_cast %get3A_1680 : i32 to index
          %get3A_1683 = arith.constant 0 : index
          %get3A_1684 = tpu.vector_load %arg10[%get3A_1681, %get3A_1682, %get3A_1683] {strides = array<i32>} : memref<128x16x16xf32, #tpu.memory_space<vmem>>, vector<1x1x16xf32>,
          %get3A_1685 = vector.shape_cast %get3A_1684 : vector<1x1x16xf32> to vector<16xf32>
          %get3A_1686 = arith.constant 6 : i32
          %get3A_1687 = arith.index_cast %scan3A_1601 : i32 to index
          %get3A_1688 = arith.index_cast %get3A_1686 : i32 to index
          %get3A_1689 = arith.constant 0 : index
          %get3A_1690 = tpu.vector_load %arg10[%get3A_1687, %get3A_1688, %get3A_1689] {strides = array<i32>} : memref<128x16x16xf32, #tpu.memory_space<vmem>>, vector<1x1x16xf32>,
          %get3A_1691 = vector.shape_cast %get3A_1690 : vector<1x1x16xf32> to vector<16xf32>
          %get3A_1692 = arith.constant 7 : i32
          %get3A_1693 = arith.index_cast %scan3A_1601 : i32 to index
          %get3A_1694 = arith.index_cast %get3A_1692 : i32 to index
          %get3A_1695 = arith.constant 0 : index
          %get3A_1696 = tpu.vector_load %arg10[%get3A_1693, %get3A_1694, %get3A_1695] {strides = array<i32>} : memref<128x16x16xf32, #tpu.memory_space<vmem>>, vector<1x1x16xf32>,
          %get3A_1697 = vector.shape_cast %get3A_1696 : vector<1x1x16xf32> to vector<16xf32>
          %add3A_1698 = arith.constant 0 : i32
          %add3A_1699 = arith.addi %mul3A_149, %add3A_1698 : i32
          %get3A_1700 = arith.index_cast %scan3A_1601 : i32 to index
          %get3A_1701 = arith.index_cast %add3A_1699 : i32 to index
          %get3A_1702 = tpu.vector_load %arg9[%get3A_1700, %get3A_1701] {strides = array<i32>} : memref<128x576xf32, #tpu.memory_space<vmem>>, vector<1x16xf32>,
          %get3A_1703 = vector.shape_cast %get3A_1702 : vector<1x16xf32> to vector<16xf32>
          %add3A_1704 = arith.constant 16 : i32
          %add3A_1705 = arith.addi %mul3A_149, %add3A_1704 : i32
          %get3A_1706 = arith.index_cast %scan3A_1601 : i32 to index
          %get3A_1707 = arith.index_cast %add3A_1705 : i32 to index
          %get3A_1708 = tpu.vector_load %arg9[%get3A_1706, %get3A_1707] {strides = array<i32>} : memref<128x576xf32, #tpu.memory_space<vmem>>, vector<1x16xf32>,
          %get3A_1709 = vector.shape_cast %get3A_1708 : vector<1x16xf32> to vector<16xf32>
          %add3A_1710 = arith.constant 32 : i32
          %add3A_1711 = arith.addi %mul3A_149, %add3A_1710 : i32
          %get3A_1712 = arith.index_cast %scan3A_1601 : i32 to index
          %get3A_1713 = arith.index_cast %add3A_1711 : i32 to index
          %get3A_1714 = tpu.vector_load %arg9[%get3A_1712, %get3A_1713] {strides = array<i32>} : memref<128x576xf32, #tpu.memory_space<vmem>>, vector<1x16xf32>,
          %get3A_1715 = vector.shape_cast %get3A_1714 : vector<1x16xf32> to vector<16xf32>
          %add3A_1716 = arith.constant 48 : i32
          %add3A_1717 = arith.addi %mul3A_149, %add3A_1716 : i32
          %get3A_1718 = arith.index_cast %scan3A_1601 : i32 to index
          %get3A_1719 = arith.index_cast %add3A_1717 : i32 to index
          %get3A_1720 = tpu.vector_load %arg9[%get3A_1718, %get3A_1719] {strides = array<i32>} : memref<128x576xf32, #tpu.memory_space<vmem>>, vector<1x16xf32>,
          %get3A_1721 = vector.shape_cast %get3A_1720 : vector<1x16xf32> to vector<16xf32>
          %add3A_1722 = arith.constant 64 : i32
          %add3A_1723 = arith.addi %mul3A_149, %add3A_1722 : i32
          %get3A_1724 = arith.index_cast %scan3A_1601 : i32 to index
          %get3A_1725 = arith.index_cast %add3A_1723 : i32 to index
          %get3A_1726 = tpu.vector_load %arg9[%get3A_1724, %get3A_1725] {strides = array<i32>} : memref<128x576xf32, #tpu.memory_space<vmem>>, vector<1x16xf32>,
          %get3A_1727 = vector.shape_cast %get3A_1726 : vector<1x16xf32> to vector<16xf32>
          %add3A_1728 = arith.constant 80 : i32
          %add3A_1729 = arith.addi %mul3A_149, %add3A_1728 : i32
          %get3A_1730 = arith.index_cast %scan3A_1601 : i32 to index
          %get3A_1731 = arith.index_cast %add3A_1729 : i32 to index
          %get3A_1732 = tpu.vector_load %arg9[%get3A_1730, %get3A_1731] {strides = array<i32>} : memref<128x576xf32, #tpu.memory_space<vmem>>, vector<1x16xf32>,
          %get3A_1733 = vector.shape_cast %get3A_1732 : vector<1x16xf32> to vector<16xf32>
          %mul3A_1734 = arith.mulf %get3A_1655, %get3A_1703 : vector<16xf32>
          %add3A_1735 = arith.addf %scan3A_1602, %mul3A_1734 : vector<16xf32>
          %mul3A_1736 = arith.mulf %get3A_1655, %get3A_1709 : vector<16xf32>
          %add3A_1737 = arith.addf %scan3A_1603, %mul3A_1736 : vector<16xf32>
          %mul3A_1738 = arith.mulf %get3A_1655, %get3A_1715 : vector<16xf32>
          %add3A_1739 = arith.addf %scan3A_1604, %mul3A_1738 : vector<16xf32>
          %mul3A_1740 = arith.mulf %get3A_1655, %get3A_1721 : vector<16xf32>
          %add3A_1741 = arith.addf %scan3A_1605, %mul3A_1740 : vector<16xf32>
          %mul3A_1742 = arith.mulf %get3A_1655, %get3A_1727 : vector<16xf32>
          %add3A_1743 = arith.addf %scan3A_1606, %mul3A_1742 : vector<16xf32>
          %mul3A_1744 = arith.mulf %get3A_1655, %get3A_1733 : vector<16xf32>
          %add3A_1745 = arith.addf %scan3A_1607, %mul3A_1744 : vector<16xf32>
          %mul3A_1746 = arith.mulf %get3A_1661, %get3A_1703 : vector<16xf32>
          %add3A_1747 = arith.addf %scan3A_1608, %mul3A_1746 : vector<16xf32>
          %mul3A_1748 = arith.mulf %get3A_1661, %get3A_1709 : vector<16xf32>
          %add3A_1749 = arith.addf %scan3A_1609, %mul3A_1748 : vector<16xf32>
          %mul3A_1750 = arith.mulf %get3A_1661, %get3A_1715 : vector<16xf32>
          %add3A_1751 = arith.addf %scan3A_1610, %mul3A_1750 : vector<16xf32>
          %mul3A_1752 = arith.mulf %get3A_1661, %get3A_1721 : vector<16xf32>
          %add3A_1753 = arith.addf %scan3A_1611, %mul3A_1752 : vector<16xf32>
          %mul3A_1754 = arith.mulf %get3A_1661, %get3A_1727 : vector<16xf32>
          %add3A_1755 = arith.addf %scan3A_1612, %mul3A_1754 : vector<16xf32>
          %mul3A_1756 = arith.mulf %get3A_1661, %get3A_1733 : vector<16xf32>
          %add3A_1757 = arith.addf %scan3A_1613, %mul3A_1756 : vector<16xf32>
          %mul3A_1758 = arith.mulf %get3A_1667, %get3A_1703 : vector<16xf32>
          %add3A_1759 = arith.addf %scan3A_1614, %mul3A_1758 : vector<16xf32>
          %mul3A_1760 = arith.mulf %get3A_1667, %get3A_1709 : vector<16xf32>
          %add3A_1761 = arith.addf %scan3A_1615, %mul3A_1760 : vector<16xf32>
          %mul3A_1762 = arith.mulf %get3A_1667, %get3A_1715 : vector<16xf32>
          %add3A_1763 = arith.addf %scan3A_1616, %mul3A_1762 : vector<16xf32>
          %mul3A_1764 = arith.mulf %get3A_1667, %get3A_1721 : vector<16xf32>
          %add3A_1765 = arith.addf %scan3A_1617, %mul3A_1764 : vector<16xf32>
          %mul3A_1766 = arith.mulf %get3A_1667, %get3A_1727 : vector<16xf32>
          %add3A_1767 = arith.addf %scan3A_1618, %mul3A_1766 : vector<16xf32>
          %mul3A_1768 = arith.mulf %get3A_1667, %get3A_1733 : vector<16xf32>
          %add3A_1769 = arith.addf %scan3A_1619, %mul3A_1768 : vector<16xf32>
          %mul3A_1770 = arith.mulf %get3A_1673, %get3A_1703 : vector<16xf32>
          %add3A_1771 = arith.addf %scan3A_1620, %mul3A_1770 : vector<16xf32>
          %mul3A_1772 = arith.mulf %get3A_1673, %get3A_1709 : vector<16xf32>
          %add3A_1773 = arith.addf %scan3A_1621, %mul3A_1772 : vector<16xf32>
          %mul3A_1774 = arith.mulf %get3A_1673, %get3A_1715 : vector<16xf32>
          %add3A_1775 = arith.addf %scan3A_1622, %mul3A_1774 : vector<16xf32>
          %mul3A_1776 = arith.mulf %get3A_1673, %get3A_1721 : vector<16xf32>
          %add3A_1777 = arith.addf %scan3A_1623, %mul3A_1776 : vector<16xf32>
          %mul3A_1778 = arith.mulf %get3A_1673, %get3A_1727 : vector<16xf32>
          %add3A_1779 = arith.addf %scan3A_1624, %mul3A_1778 : vector<16xf32>
          %mul3A_1780 = arith.mulf %get3A_1673, %get3A_1733 : vector<16xf32>
          %add3A_1781 = arith.addf %scan3A_1625, %mul3A_1780 : vector<16xf32>
          %mul3A_1782 = arith.mulf %get3A_1679, %get3A_1703 : vector<16xf32>
          %add3A_1783 = arith.addf %scan3A_1626, %mul3A_1782 : vector<16xf32>
          %mul3A_1784 = arith.mulf %get3A_1679, %get3A_1709 : vector<16xf32>
          %add3A_1785 = arith.addf %scan3A_1627, %mul3A_1784 : vector<16xf32>
          %mul3A_1786 = arith.mulf %get3A_1679, %get3A_1715 : vector<16xf32>
          %add3A_1787 = arith.addf %scan3A_1628, %mul3A_1786 : vector<16xf32>
          %mul3A_1788 = arith.mulf %get3A_1679, %get3A_1721 : vector<16xf32>
          %add3A_1789 = arith.addf %scan3A_1629, %mul3A_1788 : vector<16xf32>
          %mul3A_1790 = arith.mulf %get3A_1679, %get3A_1727 : vector<16xf32>
          %add3A_1791 = arith.addf %scan3A_1630, %mul3A_1790 : vector<16xf32>
          %mul3A_1792 = arith.mulf %get3A_1679, %get3A_1733 : vector<16xf32>
          %add3A_1793 = arith.addf %scan3A_1631, %mul3A_1792 : vector<16xf32>
          %mul3A_1794 = arith.mulf %get3A_1685, %get3A_1703 : vector<16xf32>
          %add3A_1795 = arith.addf %scan3A_1632, %mul3A_1794 : vector<16xf32>
          %mul3A_1796 = arith.mulf %get3A_1685, %get3A_1709 : vector<16xf32>
          %add3A_1797 = arith.addf %scan3A_1633, %mul3A_1796 : vector<16xf32>
          %mul3A_1798 = arith.mulf %get3A_1685, %get3A_1715 : vector<16xf32>
          %add3A_1799 = arith.addf %scan3A_1634, %mul3A_1798 : vector<16xf32>
          %mul3A_1800 = arith.mulf %get3A_1685, %get3A_1721 : vector<16xf32>
          %add3A_1801 = arith.addf %scan3A_1635, %mul3A_1800 : vector<16xf32>
          %mul3A_1802 = arith.mulf %get3A_1685, %get3A_1727 : vector<16xf32>
          %add3A_1803 = arith.addf %scan3A_1636, %mul3A_1802 : vector<16xf32>
          %mul3A_1804 = arith.mulf %get3A_1685, %get3A_1733 : vector<16xf32>
          %add3A_1805 = arith.addf %scan3A_1637, %mul3A_1804 : vector<16xf32>
          %mul3A_1806 = arith.mulf %get3A_1691, %get3A_1703 : vector<16xf32>
          %add3A_1807 = arith.addf %scan3A_1638, %mul3A_1806 : vector<16xf32>
          %mul3A_1808 = arith.mulf %get3A_1691, %get3A_1709 : vector<16xf32>
          %add3A_1809 = arith.addf %scan3A_1639, %mul3A_1808 : vector<16xf32>
          %mul3A_1810 = arith.mulf %get3A_1691, %get3A_1715 : vector<16xf32>
          %add3A_1811 = arith.addf %scan3A_1640, %mul3A_1810 : vector<16xf32>
          %mul3A_1812 = arith.mulf %get3A_1691, %get3A_1721 : vector<16xf32>
          %add3A_1813 = arith.addf %scan3A_1641, %mul3A_1812 : vector<16xf32>
          %mul3A_1814 = arith.mulf %get3A_1691, %get3A_1727 : vector<16xf32>
          %add3A_1815 = arith.addf %scan3A_1642, %mul3A_1814 : vector<16xf32>
          %mul3A_1816 = arith.mulf %get3A_1691, %get3A_1733 : vector<16xf32>
          %add3A_1817 = arith.addf %scan3A_1643, %mul3A_1816 : vector<16xf32>
          %mul3A_1818 = arith.mulf %get3A_1697, %get3A_1703 : vector<16xf32>
          %add3A_1819 = arith.addf %scan3A_1644, %mul3A_1818 : vector<16xf32>
          %mul3A_1820 = arith.mulf %get3A_1697, %get3A_1709 : vector<16xf32>
          %add3A_1821 = arith.addf %scan3A_1645, %mul3A_1820 : vector<16xf32>
          %mul3A_1822 = arith.mulf %get3A_1697, %get3A_1715 : vector<16xf32>
          %add3A_1823 = arith.addf %scan3A_1646, %mul3A_1822 : vector<16xf32>
          %mul3A_1824 = arith.mulf %get3A_1697, %get3A_1721 : vector<16xf32>
          %add3A_1825 = arith.addf %scan3A_1647, %mul3A_1824 : vector<16xf32>
          %mul3A_1826 = arith.mulf %get3A_1697, %get3A_1727 : vector<16xf32>
          %add3A_1827 = arith.addf %scan3A_1648, %mul3A_1826 : vector<16xf32>
          %mul3A_1828 = arith.mulf %get3A_1697, %get3A_1733 : vector<16xf32>
          %add3A_1829 = arith.addf %scan3A_1649, %mul3A_1828 : vector<16xf32>
          scf.yield %add3A_1735, %add3A_1737, %add3A_1739, %add3A_1741, %add3A_1743, %add3A_1745, %add3A_1747, %add3A_1749, %add3A_1751, %add3A_1753, %add3A_1755, %add3A_1757, %add3A_1759, %add3A_1761, %add3A_1763, %add3A_1765, %add3A_1767, %add3A_1769, %add3A_1771, %add3A_1773, %add3A_1775, %add3A_1777, %add3A_1779, %add3A_1781, %add3A_1783, %add3A_1785, %add3A_1787, %add3A_1789, %add3A_1791, %add3A_1793, %add3A_1795, %add3A_1797, %add3A_1799, %add3A_1801, %add3A_1803, %add3A_1805, %add3A_1807, %add3A_1809, %add3A_1811, %add3A_1813, %add3A_1815, %add3A_1817, %add3A_1819, %add3A_1821, %add3A_1823, %add3A_1825, %add3A_1827, %add3A_1829 : vector<16xf32>, vector<16xf32>, vector<16xf32>, vector<16xf32>, vector<16xf32>, vector<16xf32>, vector<16xf32>, vector<16xf32>, vector<16xf32>, vector<16xf32>, vector<16xf32>, vector<16xf32>, vector<16xf32>, vector<16xf32>, vector<16xf32>, vector<16xf32>, vector<16xf32>, vector<16xf32>, vector<16xf32>, vector<16xf32>, vector<16xf32>, vector<16xf32>, vector<16xf32>, vector<16xf32>, vector<16xf32>, vector<16xf32>, vector<16xf32>, vector<16xf32>, vector<16xf32>, vector<16xf32>, vector<16xf32>, vector<16xf32>, vector<16xf32>, vector<16xf32>, vector<16xf32>, vector<16xf32>, vector<16xf32>, vector<16xf32>, vector<16xf32>, vector<16xf32>, vector<16xf32>, vector<16xf32>, vector<16xf32>, vector<16xf32>, vector<16xf32>, vector<16xf32>, vector<16xf32>, vector<16xf32>
        }
        %scan3A_491 = arith.constant 128 : i32
        %add3A_492 = arith.constant 0 : i32
        %add3A_493 = arith.addi %mul3A_149, %add3A_492 : i32
        %swap3A = arith.constant 0 : i32
        %swap3A_494 = arith.index_cast %swap3A : i32 to index
        %swap3A_495 = arith.index_cast %add3A_493 : i32 to index
        %swap3A_496 = tpu.vector_load %arg11[%swap3A_494, %swap3A_495] {strides = array<i32>} : memref<16x576xf32, #tpu.memory_space<vmem>>, vector<1x16xf32>,
        %swap3A_497 = vector.shape_cast %swap3A_496 : vector<1x16xf32> to vector<16xf32>
        %swap3A_498 = vector.shape_cast %scan3A_490#0 : vector<16xf32> to vector<1x16xf32>
        tpu.vector_store %arg11[%swap3A_494, %swap3A_495], %swap3A_498 {strides = array<i32>} : memref<16x576xf32, #tpu.memory_space<vmem>>, vector<1x16xf32>,
        %add3A_499 = arith.constant 16 : i32
        %add3A_500 = arith.addi %mul3A_149, %add3A_499 : i32
        %swap3A_501 = arith.constant 0 : i32
        %swap3A_502 = arith.index_cast %swap3A_501 : i32 to index
        %swap3A_503 = arith.index_cast %add3A_500 : i32 to index
        %swap3A_504 = tpu.vector_load %arg11[%swap3A_502, %swap3A_503] {strides = array<i32>} : memref<16x576xf32, #tpu.memory_space<vmem>>, vector<1x16xf32>,
        %swap3A_505 = vector.shape_cast %swap3A_504 : vector<1x16xf32> to vector<16xf32>
        %swap3A_506 = vector.shape_cast %scan3A_490#1 : vector<16xf32> to vector<1x16xf32>
        tpu.vector_store %arg11[%swap3A_502, %swap3A_503], %swap3A_506 {strides = array<i32>} : memref<16x576xf32, #tpu.memory_space<vmem>>, vector<1x16xf32>,
        %add3A_507 = arith.constant 32 : i32
        %add3A_508 = arith.addi %mul3A_149, %add3A_507 : i32
        %swap3A_509 = arith.constant 0 : i32
        %swap3A_510 = arith.index_cast %swap3A_509 : i32 to index
        %swap3A_511 = arith.index_cast %add3A_508 : i32 to index
        %swap3A_512 = tpu.vector_load %arg11[%swap3A_510, %swap3A_511] {strides = array<i32>} : memref<16x576xf32, #tpu.memory_space<vmem>>, vector<1x16xf32>,
        %swap3A_513 = vector.shape_cast %swap3A_512 : vector<1x16xf32> to vector<16xf32>
        %swap3A_514 = vector.shape_cast %scan3A_490#2 : vector<16xf32> to vector<1x16xf32>
        tpu.vector_store %arg11[%swap3A_510, %swap3A_511], %swap3A_514 {strides = array<i32>} : memref<16x576xf32, #tpu.memory_space<vmem>>, vector<1x16xf32>,
        %add3A_515 = arith.constant 48 : i32
        %add3A_516 = arith.addi %mul3A_149, %add3A_515 : i32
        %swap3A_517 = arith.constant 0 : i32
        %swap3A_518 = arith.index_cast %swap3A_517 : i32 to index
        %swap3A_519 = arith.index_cast %add3A_516 : i32 to index
        %swap3A_520 = tpu.vector_load %arg11[%swap3A_518, %swap3A_519] {strides = array<i32>} : memref<16x576xf32, #tpu.memory_space<vmem>>, vector<1x16xf32>,
        %swap3A_521 = vector.shape_cast %swap3A_520 : vector<1x16xf32> to vector<16xf32>
        %swap3A_522 = vector.shape_cast %scan3A_490#3 : vector<16xf32> to vector<1x16xf32>
        tpu.vector_store %arg11[%swap3A_518, %swap3A_519], %swap3A_522 {strides = array<i32>} : memref<16x576xf32, #tpu.memory_space<vmem>>, vector<1x16xf32>,
        %add3A_523 = arith.constant 64 : i32
        %add3A_524 = arith.addi %mul3A_149, %add3A_523 : i32
        %swap3A_525 = arith.constant 0 : i32
        %swap3A_526 = arith.index_cast %swap3A_525 : i32 to index
        %swap3A_527 = arith.index_cast %add3A_524 : i32 to index
        %swap3A_528 = tpu.vector_load %arg11[%swap3A_526, %swap3A_527] {strides = array<i32>} : memref<16x576xf32, #tpu.memory_space<vmem>>, vector<1x16xf32>,
        %swap3A_529 = vector.shape_cast %swap3A_528 : vector<1x16xf32> to vector<16xf32>
        %swap3A_530 = vector.shape_cast %scan3A_490#4 : vector<16xf32> to vector<1x16xf32>
        tpu.vector_store %arg11[%swap3A_526, %swap3A_527], %swap3A_530 {strides = array<i32>} : memref<16x576xf32, #tpu.memory_space<vmem>>, vector<1x16xf32>,
        %add3A_531 = arith.constant 80 : i32
        %add3A_532 = arith.addi %mul3A_149, %add3A_531 : i32
        %swap3A_533 = arith.constant 0 : i32
        %swap3A_534 = arith.index_cast %swap3A_533 : i32 to index
        %swap3A_535 = arith.index_cast %add3A_532 : i32 to index
        %swap3A_536 = tpu.vector_load %arg11[%swap3A_534, %swap3A_535] {strides = array<i32>} : memref<16x576xf32, #tpu.memory_space<vmem>>, vector<1x16xf32>,
        %swap3A_537 = vector.shape_cast %swap3A_536 : vector<1x16xf32> to vector<16xf32>
        %swap3A_538 = vector.shape_cast %scan3A_490#5 : vector<16xf32> to vector<1x16xf32>
        tpu.vector_store %arg11[%swap3A_534, %swap3A_535], %swap3A_538 {strides = array<i32>} : memref<16x576xf32, #tpu.memory_space<vmem>>, vector<1x16xf32>,
        %add3A_539 = arith.constant 0 : i32
        %add3A_540 = arith.addi %mul3A_149, %add3A_539 : i32
        %swap3A_541 = arith.constant 1 : i32
        %swap3A_542 = arith.index_cast %swap3A_541 : i32 to index
        %swap3A_543 = arith.index_cast %add3A_540 : i32 to index
        %swap3A_544 = tpu.vector_load %arg11[%swap3A_542, %swap3A_543] {strides = array<i32>} : memref<16x576xf32, #tpu.memory_space<vmem>>, vector<1x16xf32>,
        %swap3A_545 = vector.shape_cast %swap3A_544 : vector<1x16xf32> to vector<16xf32>
        %swap3A_546 = vector.shape_cast %scan3A_490#6 : vector<16xf32> to vector<1x16xf32>
        tpu.vector_store %arg11[%swap3A_542, %swap3A_543], %swap3A_546 {strides = array<i32>} : memref<16x576xf32, #tpu.memory_space<vmem>>, vector<1x16xf32>,
        %add3A_547 = arith.constant 16 : i32
        %add3A_548 = arith.addi %mul3A_149, %add3A_547 : i32
        %swap3A_549 = arith.constant 1 : i32
        %swap3A_550 = arith.index_cast %swap3A_549 : i32 to index
        %swap3A_551 = arith.index_cast %add3A_548 : i32 to index
        %swap3A_552 = tpu.vector_load %arg11[%swap3A_550, %swap3A_551] {strides = array<i32>} : memref<16x576xf32, #tpu.memory_space<vmem>>, vector<1x16xf32>,
        %swap3A_553 = vector.shape_cast %swap3A_552 : vector<1x16xf32> to vector<16xf32>
        %swap3A_554 = vector.shape_cast %scan3A_490#7 : vector<16xf32> to vector<1x16xf32>
        tpu.vector_store %arg11[%swap3A_550, %swap3A_551], %swap3A_554 {strides = array<i32>} : memref<16x576xf32, #tpu.memory_space<vmem>>, vector<1x16xf32>,
        %add3A_555 = arith.constant 32 : i32
        %add3A_556 = arith.addi %mul3A_149, %add3A_555 : i32
        %swap3A_557 = arith.constant 1 : i32
        %swap3A_558 = arith.index_cast %swap3A_557 : i32 to index
        %swap3A_559 = arith.index_cast %add3A_556 : i32 to index
        %swap3A_560 = tpu.vector_load %arg11[%swap3A_558, %swap3A_559] {strides = array<i32>} : memref<16x576xf32, #tpu.memory_space<vmem>>, vector<1x16xf32>,
        %swap3A_561 = vector.shape_cast %swap3A_560 : vector<1x16xf32> to vector<16xf32>
        %swap3A_562 = vector.shape_cast %scan3A_490#8 : vector<16xf32> to vector<1x16xf32>
        tpu.vector_store %arg11[%swap3A_558, %swap3A_559], %swap3A_562 {strides = array<i32>} : memref<16x576xf32, #tpu.memory_space<vmem>>, vector<1x16xf32>,
        %add3A_563 = arith.constant 48 : i32
        %add3A_564 = arith.addi %mul3A_149, %add3A_563 : i32
        %swap3A_565 = arith.constant 1 : i32
        %swap3A_566 = arith.index_cast %swap3A_565 : i32 to index
        %swap3A_567 = arith.index_cast %add3A_564 : i32 to index
        %swap3A_568 = tpu.vector_load %arg11[%swap3A_566, %swap3A_567] {strides = array<i32>} : memref<16x576xf32, #tpu.memory_space<vmem>>, vector<1x16xf32>,
        %swap3A_569 = vector.shape_cast %swap3A_568 : vector<1x16xf32> to vector<16xf32>
        %swap3A_570 = vector.shape_cast %scan3A_490#9 : vector<16xf32> to vector<1x16xf32>
        tpu.vector_store %arg11[%swap3A_566, %swap3A_567], %swap3A_570 {strides = array<i32>} : memref<16x576xf32, #tpu.memory_space<vmem>>, vector<1x16xf32>,
        %add3A_571 = arith.constant 64 : i32
        %add3A_572 = arith.addi %mul3A_149, %add3A_571 : i32
        %swap3A_573 = arith.constant 1 : i32
        %swap3A_574 = arith.index_cast %swap3A_573 : i32 to index
        %swap3A_575 = arith.index_cast %add3A_572 : i32 to index
        %swap3A_576 = tpu.vector_load %arg11[%swap3A_574, %swap3A_575] {strides = array<i32>} : memref<16x576xf32, #tpu.memory_space<vmem>>, vector<1x16xf32>,
        %swap3A_577 = vector.shape_cast %swap3A_576 : vector<1x16xf32> to vector<16xf32>
        %swap3A_578 = vector.shape_cast %scan3A_490#10 : vector<16xf32> to vector<1x16xf32>
        tpu.vector_store %arg11[%swap3A_574, %swap3A_575], %swap3A_578 {strides = array<i32>} : memref<16x576xf32, #tpu.memory_space<vmem>>, vector<1x16xf32>,
        %add3A_579 = arith.constant 80 : i32
        %add3A_580 = arith.addi %mul3A_149, %add3A_579 : i32
        %swap3A_581 = arith.constant 1 : i32
        %swap3A_582 = arith.index_cast %swap3A_581 : i32 to index
        %swap3A_583 = arith.index_cast %add3A_580 : i32 to index
        %swap3A_584 = tpu.vector_load %arg11[%swap3A_582, %swap3A_583] {strides = array<i32>} : memref<16x576xf32, #tpu.memory_space<vmem>>, vector<1x16xf32>,
        %swap3A_585 = vector.shape_cast %swap3A_584 : vector<1x16xf32> to vector<16xf32>
        %swap3A_586 = vector.shape_cast %scan3A_490#11 : vector<16xf32> to vector<1x16xf32>
        tpu.vector_store %arg11[%swap3A_582, %swap3A_583], %swap3A_586 {strides = array<i32>} : memref<16x576xf32, #tpu.memory_space<vmem>>, vector<1x16xf32>,
        %add3A_587 = arith.constant 0 : i32
        %add3A_588 = arith.addi %mul3A_149, %add3A_587 : i32
        %swap3A_589 = arith.constant 2 : i32
        %swap3A_590 = arith.index_cast %swap3A_589 : i32 to index
        %swap3A_591 = arith.index_cast %add3A_588 : i32 to index
        %swap3A_592 = tpu.vector_load %arg11[%swap3A_590, %swap3A_591] {strides = array<i32>} : memref<16x576xf32, #tpu.memory_space<vmem>>, vector<1x16xf32>,
        %swap3A_593 = vector.shape_cast %swap3A_592 : vector<1x16xf32> to vector<16xf32>
        %swap3A_594 = vector.shape_cast %scan3A_490#12 : vector<16xf32> to vector<1x16xf32>
        tpu.vector_store %arg11[%swap3A_590, %swap3A_591], %swap3A_594 {strides = array<i32>} : memref<16x576xf32, #tpu.memory_space<vmem>>, vector<1x16xf32>,
        %add3A_595 = arith.constant 16 : i32
        %add3A_596 = arith.addi %mul3A_149, %add3A_595 : i32
        %swap3A_597 = arith.constant 2 : i32
        %swap3A_598 = arith.index_cast %swap3A_597 : i32 to index
        %swap3A_599 = arith.index_cast %add3A_596 : i32 to index
        %swap3A_600 = tpu.vector_load %arg11[%swap3A_598, %swap3A_599] {strides = array<i32>} : memref<16x576xf32, #tpu.memory_space<vmem>>, vector<1x16xf32>,
        %swap3A_601 = vector.shape_cast %swap3A_600 : vector<1x16xf32> to vector<16xf32>
        %swap3A_602 = vector.shape_cast %scan3A_490#13 : vector<16xf32> to vector<1x16xf32>
        tpu.vector_store %arg11[%swap3A_598, %swap3A_599], %swap3A_602 {strides = array<i32>} : memref<16x576xf32, #tpu.memory_space<vmem>>, vector<1x16xf32>,
        %add3A_603 = arith.constant 32 : i32
        %add3A_604 = arith.addi %mul3A_149, %add3A_603 : i32
        %swap3A_605 = arith.constant 2 : i32
        %swap3A_606 = arith.index_cast %swap3A_605 : i32 to index
        %swap3A_607 = arith.index_cast %add3A_604 : i32 to index
        %swap3A_608 = tpu.vector_load %arg11[%swap3A_606, %swap3A_607] {strides = array<i32>} : memref<16x576xf32, #tpu.memory_space<vmem>>, vector<1x16xf32>,
        %swap3A_609 = vector.shape_cast %swap3A_608 : vector<1x16xf32> to vector<16xf32>
        %swap3A_610 = vector.shape_cast %scan3A_490#14 : vector<16xf32> to vector<1x16xf32>
        tpu.vector_store %arg11[%swap3A_606, %swap3A_607], %swap3A_610 {strides = array<i32>} : memref<16x576xf32, #tpu.memory_space<vmem>>, vector<1x16xf32>,
        %add3A_611 = arith.constant 48 : i32
        %add3A_612 = arith.addi %mul3A_149, %add3A_611 : i32
        %swap3A_613 = arith.constant 2 : i32
        %swap3A_614 = arith.index_cast %swap3A_613 : i32 to index
        %swap3A_615 = arith.index_cast %add3A_612 : i32 to index
        %swap3A_616 = tpu.vector_load %arg11[%swap3A_614, %swap3A_615] {strides = array<i32>} : memref<16x576xf32, #tpu.memory_space<vmem>>, vector<1x16xf32>,
        %swap3A_617 = vector.shape_cast %swap3A_616 : vector<1x16xf32> to vector<16xf32>
        %swap3A_618 = vector.shape_cast %scan3A_490#15 : vector<16xf32> to vector<1x16xf32>
        tpu.vector_store %arg11[%swap3A_614, %swap3A_615], %swap3A_618 {strides = array<i32>} : memref<16x576xf32, #tpu.memory_space<vmem>>, vector<1x16xf32>,
        %add3A_619 = arith.constant 64 : i32
        %add3A_620 = arith.addi %mul3A_149, %add3A_619 : i32
        %swap3A_621 = arith.constant 2 : i32
        %swap3A_622 = arith.index_cast %swap3A_621 : i32 to index
        %swap3A_623 = arith.index_cast %add3A_620 : i32 to index
        %swap3A_624 = tpu.vector_load %arg11[%swap3A_622, %swap3A_623] {strides = array<i32>} : memref<16x576xf32, #tpu.memory_space<vmem>>, vector<1x16xf32>,
        %swap3A_625 = vector.shape_cast %swap3A_624 : vector<1x16xf32> to vector<16xf32>
        %swap3A_626 = vector.shape_cast %scan3A_490#16 : vector<16xf32> to vector<1x16xf32>
        tpu.vector_store %arg11[%swap3A_622, %swap3A_623], %swap3A_626 {strides = array<i32>} : memref<16x576xf32, #tpu.memory_space<vmem>>, vector<1x16xf32>,
        %add3A_627 = arith.constant 80 : i32
        %add3A_628 = arith.addi %mul3A_149, %add3A_627 : i32
        %swap3A_629 = arith.constant 2 : i32
        %swap3A_630 = arith.index_cast %swap3A_629 : i32 to index
        %swap3A_631 = arith.index_cast %add3A_628 : i32 to index
        %swap3A_632 = tpu.vector_load %arg11[%swap3A_630, %swap3A_631] {strides = array<i32>} : memref<16x576xf32, #tpu.memory_space<vmem>>, vector<1x16xf32>,
        %swap3A_633 = vector.shape_cast %swap3A_632 : vector<1x16xf32> to vector<16xf32>
        %swap3A_634 = vector.shape_cast %scan3A_490#17 : vector<16xf32> to vector<1x16xf32>
        tpu.vector_store %arg11[%swap3A_630, %swap3A_631], %swap3A_634 {strides = array<i32>} : memref<16x576xf32, #tpu.memory_space<vmem>>, vector<1x16xf32>,
        %add3A_635 = arith.constant 0 : i32
        %add3A_636 = arith.addi %mul3A_149, %add3A_635 : i32
        %swap3A_637 = arith.constant 3 : i32
        %swap3A_638 = arith.index_cast %swap3A_637 : i32 to index
        %swap3A_639 = arith.index_cast %add3A_636 : i32 to index
        %swap3A_640 = tpu.vector_load %arg11[%swap3A_638, %swap3A_639] {strides = array<i32>} : memref<16x576xf32, #tpu.memory_space<vmem>>, vector<1x16xf32>,
        %swap3A_641 = vector.shape_cast %swap3A_640 : vector<1x16xf32> to vector<16xf32>
        %swap3A_642 = vector.shape_cast %scan3A_490#18 : vector<16xf32> to vector<1x16xf32>
        tpu.vector_store %arg11[%swap3A_638, %swap3A_639], %swap3A_642 {strides = array<i32>} : memref<16x576xf32, #tpu.memory_space<vmem>>, vector<1x16xf32>,
        %add3A_643 = arith.constant 16 : i32
        %add3A_644 = arith.addi %mul3A_149, %add3A_643 : i32
        %swap3A_645 = arith.constant 3 : i32
        %swap3A_646 = arith.index_cast %swap3A_645 : i32 to index
        %swap3A_647 = arith.index_cast %add3A_644 : i32 to index
        %swap3A_648 = tpu.vector_load %arg11[%swap3A_646, %swap3A_647] {strides = array<i32>} : memref<16x576xf32, #tpu.memory_space<vmem>>, vector<1x16xf32>,
        %swap3A_649 = vector.shape_cast %swap3A_648 : vector<1x16xf32> to vector<16xf32>
        %swap3A_650 = vector.shape_cast %scan3A_490#19 : vector<16xf32> to vector<1x16xf32>
        tpu.vector_store %arg11[%swap3A_646, %swap3A_647], %swap3A_650 {strides = array<i32>} : memref<16x576xf32, #tpu.memory_space<vmem>>, vector<1x16xf32>,
        %add3A_651 = arith.constant 32 : i32
        %add3A_652 = arith.addi %mul3A_149, %add3A_651 : i32
        %swap3A_653 = arith.constant 3 : i32
        %swap3A_654 = arith.index_cast %swap3A_653 : i32 to index
        %swap3A_655 = arith.index_cast %add3A_652 : i32 to index
        %swap3A_656 = tpu.vector_load %arg11[%swap3A_654, %swap3A_655] {strides = array<i32>} : memref<16x576xf32, #tpu.memory_space<vmem>>, vector<1x16xf32>,
        %swap3A_657 = vector.shape_cast %swap3A_656 : vector<1x16xf32> to vector<16xf32>
        %swap3A_658 = vector.shape_cast %scan3A_490#20 : vector<16xf32> to vector<1x16xf32>
        tpu.vector_store %arg11[%swap3A_654, %swap3A_655], %swap3A_658 {strides = array<i32>} : memref<16x576xf32, #tpu.memory_space<vmem>>, vector<1x16xf32>,
        %add3A_659 = arith.constant 48 : i32
        %add3A_660 = arith.addi %mul3A_149, %add3A_659 : i32
        %swap3A_661 = arith.constant 3 : i32
        %swap3A_662 = arith.index_cast %swap3A_661 : i32 to index
        %swap3A_663 = arith.index_cast %add3A_660 : i32 to index
        %swap3A_664 = tpu.vector_load %arg11[%swap3A_662, %swap3A_663] {strides = array<i32>} : memref<16x576xf32, #tpu.memory_space<vmem>>, vector<1x16xf32>,
        %swap3A_665 = vector.shape_cast %swap3A_664 : vector<1x16xf32> to vector<16xf32>
        %swap3A_666 = vector.shape_cast %scan3A_490#21 : vector<16xf32> to vector<1x16xf32>
        tpu.vector_store %arg11[%swap3A_662, %swap3A_663], %swap3A_666 {strides = array<i32>} : memref<16x576xf32, #tpu.memory_space<vmem>>, vector<1x16xf32>,
        %add3A_667 = arith.constant 64 : i32
        %add3A_668 = arith.addi %mul3A_149, %add3A_667 : i32
        %swap3A_669 = arith.constant 3 : i32
        %swap3A_670 = arith.index_cast %swap3A_669 : i32 to index
        %swap3A_671 = arith.index_cast %add3A_668 : i32 to index
        %swap3A_672 = tpu.vector_load %arg11[%swap3A_670, %swap3A_671] {strides = array<i32>} : memref<16x576xf32, #tpu.memory_space<vmem>>, vector<1x16xf32>,
        %swap3A_673 = vector.shape_cast %swap3A_672 : vector<1x16xf32> to vector<16xf32>
        %swap3A_674 = vector.shape_cast %scan3A_490#22 : vector<16xf32> to vector<1x16xf32>
        tpu.vector_store %arg11[%swap3A_670, %swap3A_671], %swap3A_674 {strides = array<i32>} : memref<16x576xf32, #tpu.memory_space<vmem>>, vector<1x16xf32>,
        %add3A_675 = arith.constant 80 : i32
        %add3A_676 = arith.addi %mul3A_149, %add3A_675 : i32
        %swap3A_677 = arith.constant 3 : i32
        %swap3A_678 = arith.index_cast %swap3A_677 : i32 to index
        %swap3A_679 = arith.index_cast %add3A_676 : i32 to index
        %swap3A_680 = tpu.vector_load %arg11[%swap3A_678, %swap3A_679] {strides = array<i32>} : memref<16x576xf32, #tpu.memory_space<vmem>>, vector<1x16xf32>,
        %swap3A_681 = vector.shape_cast %swap3A_680 : vector<1x16xf32> to vector<16xf32>
        %swap3A_682 = vector.shape_cast %scan3A_490#23 : vector<16xf32> to vector<1x16xf32>
        tpu.vector_store %arg11[%swap3A_678, %swap3A_679], %swap3A_682 {strides = array<i32>} : memref<16x576xf32, #tpu.memory_space<vmem>>, vector<1x16xf32>,
        %add3A_683 = arith.constant 0 : i32
        %add3A_684 = arith.addi %mul3A_149, %add3A_683 : i32
        %swap3A_685 = arith.constant 4 : i32
        %swap3A_686 = arith.index_cast %swap3A_685 : i32 to index
        %swap3A_687 = arith.index_cast %add3A_684 : i32 to index
        %swap3A_688 = tpu.vector_load %arg11[%swap3A_686, %swap3A_687] {strides = array<i32>} : memref<16x576xf32, #tpu.memory_space<vmem>>, vector<1x16xf32>,
        %swap3A_689 = vector.shape_cast %swap3A_688 : vector<1x16xf32> to vector<16xf32>
        %swap3A_690 = vector.shape_cast %scan3A_490#24 : vector<16xf32> to vector<1x16xf32>
        tpu.vector_store %arg11[%swap3A_686, %swap3A_687], %swap3A_690 {strides = array<i32>} : memref<16x576xf32, #tpu.memory_space<vmem>>, vector<1x16xf32>,
        %add3A_691 = arith.constant 16 : i32
        %add3A_692 = arith.addi %mul3A_149, %add3A_691 : i32
        %swap3A_693 = arith.constant 4 : i32
        %swap3A_694 = arith.index_cast %swap3A_693 : i32 to index
        %swap3A_695 = arith.index_cast %add3A_692 : i32 to index
        %swap3A_696 = tpu.vector_load %arg11[%swap3A_694, %swap3A_695] {strides = array<i32>} : memref<16x576xf32, #tpu.memory_space<vmem>>, vector<1x16xf32>,
        %swap3A_697 = vector.shape_cast %swap3A_696 : vector<1x16xf32> to vector<16xf32>
        %swap3A_698 = vector.shape_cast %scan3A_490#25 : vector<16xf32> to vector<1x16xf32>
        tpu.vector_store %arg11[%swap3A_694, %swap3A_695], %swap3A_698 {strides = array<i32>} : memref<16x576xf32, #tpu.memory_space<vmem>>, vector<1x16xf32>,
        %add3A_699 = arith.constant 32 : i32
        %add3A_700 = arith.addi %mul3A_149, %add3A_699 : i32
        %swap3A_701 = arith.constant 4 : i32
        %swap3A_702 = arith.index_cast %swap3A_701 : i32 to index
        %swap3A_703 = arith.index_cast %add3A_700 : i32 to index
        %swap3A_704 = tpu.vector_load %arg11[%swap3A_702, %swap3A_703] {strides = array<i32>} : memref<16x576xf32, #tpu.memory_space<vmem>>, vector<1x16xf32>,
        %swap3A_705 = vector.shape_cast %swap3A_704 : vector<1x16xf32> to vector<16xf32>
        %swap3A_706 = vector.shape_cast %scan3A_490#26 : vector<16xf32> to vector<1x16xf32>
        tpu.vector_store %arg11[%swap3A_702, %swap3A_703], %swap3A_706 {strides = array<i32>} : memref<16x576xf32, #tpu.memory_space<vmem>>, vector<1x16xf32>,
        %add3A_707 = arith.constant 48 : i32
        %add3A_708 = arith.addi %mul3A_149, %add3A_707 : i32
        %swap3A_709 = arith.constant 4 : i32
        %swap3A_710 = arith.index_cast %swap3A_709 : i32 to index
        %swap3A_711 = arith.index_cast %add3A_708 : i32 to index
        %swap3A_712 = tpu.vector_load %arg11[%swap3A_710, %swap3A_711] {strides = array<i32>} : memref<16x576xf32, #tpu.memory_space<vmem>>, vector<1x16xf32>,
        %swap3A_713 = vector.shape_cast %swap3A_712 : vector<1x16xf32> to vector<16xf32>
        %swap3A_714 = vector.shape_cast %scan3A_490#27 : vector<16xf32> to vector<1x16xf32>
        tpu.vector_store %arg11[%swap3A_710, %swap3A_711], %swap3A_714 {strides = array<i32>} : memref<16x576xf32, #tpu.memory_space<vmem>>, vector<1x16xf32>,
        %add3A_715 = arith.constant 64 : i32
        %add3A_716 = arith.addi %mul3A_149, %add3A_715 : i32
        %swap3A_717 = arith.constant 4 : i32
        %swap3A_718 = arith.index_cast %swap3A_717 : i32 to index
        %swap3A_719 = arith.index_cast %add3A_716 : i32 to index
        %swap3A_720 = tpu.vector_load %arg11[%swap3A_718, %swap3A_719] {strides = array<i32>} : memref<16x576xf32, #tpu.memory_space<vmem>>, vector<1x16xf32>,
        %swap3A_721 = vector.shape_cast %swap3A_720 : vector<1x16xf32> to vector<16xf32>
        %swap3A_722 = vector.shape_cast %scan3A_490#28 : vector<16xf32> to vector<1x16xf32>
        tpu.vector_store %arg11[%swap3A_718, %swap3A_719], %swap3A_722 {strides = array<i32>} : memref<16x576xf32, #tpu.memory_space<vmem>>, vector<1x16xf32>,
        %add3A_723 = arith.constant 80 : i32
        %add3A_724 = arith.addi %mul3A_149, %add3A_723 : i32
        %swap3A_725 = arith.constant 4 : i32
        %swap3A_726 = arith.index_cast %swap3A_725 : i32 to index
        %swap3A_727 = arith.index_cast %add3A_724 : i32 to index
        %swap3A_728 = tpu.vector_load %arg11[%swap3A_726, %swap3A_727] {strides = array<i32>} : memref<16x576xf32, #tpu.memory_space<vmem>>, vector<1x16xf32>,
        %swap3A_729 = vector.shape_cast %swap3A_728 : vector<1x16xf32> to vector<16xf32>
        %swap3A_730 = vector.shape_cast %scan3A_490#29 : vector<16xf32> to vector<1x16xf32>
        tpu.vector_store %arg11[%swap3A_726, %swap3A_727], %swap3A_730 {strides = array<i32>} : memref<16x576xf32, #tpu.memory_space<vmem>>, vector<1x16xf32>,
        %add3A_731 = arith.constant 0 : i32
        %add3A_732 = arith.addi %mul3A_149, %add3A_731 : i32
        %swap3A_733 = arith.constant 5 : i32
        %swap3A_734 = arith.index_cast %swap3A_733 : i32 to index
        %swap3A_735 = arith.index_cast %add3A_732 : i32 to index
        %swap3A_736 = tpu.vector_load %arg11[%swap3A_734, %swap3A_735] {strides = array<i32>} : memref<16x576xf32, #tpu.memory_space<vmem>>, vector<1x16xf32>,
        %swap3A_737 = vector.shape_cast %swap3A_736 : vector<1x16xf32> to vector<16xf32>
        %swap3A_738 = vector.shape_cast %scan3A_490#30 : vector<16xf32> to vector<1x16xf32>
        tpu.vector_store %arg11[%swap3A_734, %swap3A_735], %swap3A_738 {strides = array<i32>} : memref<16x576xf32, #tpu.memory_space<vmem>>, vector<1x16xf32>,
        %add3A_739 = arith.constant 16 : i32
        %add3A_740 = arith.addi %mul3A_149, %add3A_739 : i32
        %swap3A_741 = arith.constant 5 : i32
        %swap3A_742 = arith.index_cast %swap3A_741 : i32 to index
        %swap3A_743 = arith.index_cast %add3A_740 : i32 to index
        %swap3A_744 = tpu.vector_load %arg11[%swap3A_742, %swap3A_743] {strides = array<i32>} : memref<16x576xf32, #tpu.memory_space<vmem>>, vector<1x16xf32>,
        %swap3A_745 = vector.shape_cast %swap3A_744 : vector<1x16xf32> to vector<16xf32>
        %swap3A_746 = vector.shape_cast %scan3A_490#31 : vector<16xf32> to vector<1x16xf32>
        tpu.vector_store %arg11[%swap3A_742, %swap3A_743], %swap3A_746 {strides = array<i32>} : memref<16x576xf32, #tpu.memory_space<vmem>>, vector<1x16xf32>,
        %add3A_747 = arith.constant 32 : i32
        %add3A_748 = arith.addi %mul3A_149, %add3A_747 : i32
        %swap3A_749 = arith.constant 5 : i32
        %swap3A_750 = arith.index_cast %swap3A_749 : i32 to index
        %swap3A_751 = arith.index_cast %add3A_748 : i32 to index
        %swap3A_752 = tpu.vector_load %arg11[%swap3A_750, %swap3A_751] {strides = array<i32>} : memref<16x576xf32, #tpu.memory_space<vmem>>, vector<1x16xf32>,
        %swap3A_753 = vector.shape_cast %swap3A_752 : vector<1x16xf32> to vector<16xf32>
        %swap3A_754 = vector.shape_cast %scan3A_490#32 : vector<16xf32> to vector<1x16xf32>
        tpu.vector_store %arg11[%swap3A_750, %swap3A_751], %swap3A_754 {strides = array<i32>} : memref<16x576xf32, #tpu.memory_space<vmem>>, vector<1x16xf32>,
        %add3A_755 = arith.constant 48 : i32
        %add3A_756 = arith.addi %mul3A_149, %add3A_755 : i32
        %swap3A_757 = arith.constant 5 : i32
        %swap3A_758 = arith.index_cast %swap3A_757 : i32 to index
        %swap3A_759 = arith.index_cast %add3A_756 : i32 to index
        %swap3A_760 = tpu.vector_load %arg11[%swap3A_758, %swap3A_759] {strides = array<i32>} : memref<16x576xf32, #tpu.memory_space<vmem>>, vector<1x16xf32>,
        %swap3A_761 = vector.shape_cast %swap3A_760 : vector<1x16xf32> to vector<16xf32>
        %swap3A_762 = vector.shape_cast %scan3A_490#33 : vector<16xf32> to vector<1x16xf32>
        tpu.vector_store %arg11[%swap3A_758, %swap3A_759], %swap3A_762 {strides = array<i32>} : memref<16x576xf32, #tpu.memory_space<vmem>>, vector<1x16xf32>,
        %add3A_763 = arith.constant 64 : i32
        %add3A_764 = arith.addi %mul3A_149, %add3A_763 : i32
        %swap3A_765 = arith.constant 5 : i32
        %swap3A_766 = arith.index_cast %swap3A_765 : i32 to index
        %swap3A_767 = arith.index_cast %add3A_764 : i32 to index
        %swap3A_768 = tpu.vector_load %arg11[%swap3A_766, %swap3A_767] {strides = array<i32>} : memref<16x576xf32, #tpu.memory_space<vmem>>, vector<1x16xf32>,
        %swap3A_769 = vector.shape_cast %swap3A_768 : vector<1x16xf32> to vector<16xf32>
        %swap3A_770 = vector.shape_cast %scan3A_490#34 : vector<16xf32> to vector<1x16xf32>
        tpu.vector_store %arg11[%swap3A_766, %swap3A_767], %swap3A_770 {strides = array<i32>} : memref<16x576xf32, #tpu.memory_space<vmem>>, vector<1x16xf32>,
        %add3A_771 = arith.constant 80 : i32
        %add3A_772 = arith.addi %mul3A_149, %add3A_771 : i32
        %swap3A_773 = arith.constant 5 : i32
        %swap3A_774 = arith.index_cast %swap3A_773 : i32 to index
        %swap3A_775 = arith.index_cast %add3A_772 : i32 to index
        %swap3A_776 = tpu.vector_load %arg11[%swap3A_774, %swap3A_775] {strides = array<i32>} : memref<16x576xf32, #tpu.memory_space<vmem>>, vector<1x16xf32>,
        %swap3A_777 = vector.shape_cast %swap3A_776 : vector<1x16xf32> to vector<16xf32>
        %swap3A_778 = vector.shape_cast %scan3A_490#35 : vector<16xf32> to vector<1x16xf32>
        tpu.vector_store %arg11[%swap3A_774, %swap3A_775], %swap3A_778 {strides = array<i32>} : memref<16x576xf32, #tpu.memory_space<vmem>>, vector<1x16xf32>,
        %add3A_779 = arith.constant 0 : i32
        %add3A_780 = arith.addi %mul3A_149, %add3A_779 : i32
        %swap3A_781 = arith.constant 6 : i32
        %swap3A_782 = arith.index_cast %swap3A_781 : i32 to index
        %swap3A_783 = arith.index_cast %add3A_780 : i32 to index
        %swap3A_784 = tpu.vector_load %arg11[%swap3A_782, %swap3A_783] {strides = array<i32>} : memref<16x576xf32, #tpu.memory_space<vmem>>, vector<1x16xf32>,
        %swap3A_785 = vector.shape_cast %swap3A_784 : vector<1x16xf32> to vector<16xf32>
        %swap3A_786 = vector.shape_cast %scan3A_490#36 : vector<16xf32> to vector<1x16xf32>
        tpu.vector_store %arg11[%swap3A_782, %swap3A_783], %swap3A_786 {strides = array<i32>} : memref<16x576xf32, #tpu.memory_space<vmem>>, vector<1x16xf32>,
        %add3A_787 = arith.constant 16 : i32
        %add3A_788 = arith.addi %mul3A_149, %add3A_787 : i32
        %swap3A_789 = arith.constant 6 : i32
        %swap3A_790 = arith.index_cast %swap3A_789 : i32 to index
        %swap3A_791 = arith.index_cast %add3A_788 : i32 to index
        %swap3A_792 = tpu.vector_load %arg11[%swap3A_790, %swap3A_791] {strides = array<i32>} : memref<16x576xf32, #tpu.memory_space<vmem>>, vector<1x16xf32>,
        %swap3A_793 = vector.shape_cast %swap3A_792 : vector<1x16xf32> to vector<16xf32>
        %swap3A_794 = vector.shape_cast %scan3A_490#37 : vector<16xf32> to vector<1x16xf32>
        tpu.vector_store %arg11[%swap3A_790, %swap3A_791], %swap3A_794 {strides = array<i32>} : memref<16x576xf32, #tpu.memory_space<vmem>>, vector<1x16xf32>,
        %add3A_795 = arith.constant 32 : i32
        %add3A_796 = arith.addi %mul3A_149, %add3A_795 : i32
        %swap3A_797 = arith.constant 6 : i32
        %swap3A_798 = arith.index_cast %swap3A_797 : i32 to index
        %swap3A_799 = arith.index_cast %add3A_796 : i32 to index
        %swap3A_800 = tpu.vector_load %arg11[%swap3A_798, %swap3A_799] {strides = array<i32>} : memref<16x576xf32, #tpu.memory_space<vmem>>, vector<1x16xf32>,
        %swap3A_801 = vector.shape_cast %swap3A_800 : vector<1x16xf32> to vector<16xf32>
        %swap3A_802 = vector.shape_cast %scan3A_490#38 : vector<16xf32> to vector<1x16xf32>
        tpu.vector_store %arg11[%swap3A_798, %swap3A_799], %swap3A_802 {strides = array<i32>} : memref<16x576xf32, #tpu.memory_space<vmem>>, vector<1x16xf32>,
        %add3A_803 = arith.constant 48 : i32
        %add3A_804 = arith.addi %mul3A_149, %add3A_803 : i32
        %swap3A_805 = arith.constant 6 : i32
        %swap3A_806 = arith.index_cast %swap3A_805 : i32 to index
        %swap3A_807 = arith.index_cast %add3A_804 : i32 to index
        %swap3A_808 = tpu.vector_load %arg11[%swap3A_806, %swap3A_807] {strides = array<i32>} : memref<16x576xf32, #tpu.memory_space<vmem>>, vector<1x16xf32>,
        %swap3A_809 = vector.shape_cast %swap3A_808 : vector<1x16xf32> to vector<16xf32>
        %swap3A_810 = vector.shape_cast %scan3A_490#39 : vector<16xf32> to vector<1x16xf32>
        tpu.vector_store %arg11[%swap3A_806, %swap3A_807], %swap3A_810 {strides = array<i32>} : memref<16x576xf32, #tpu.memory_space<vmem>>, vector<1x16xf32>,
        %add3A_811 = arith.constant 64 : i32
        %add3A_812 = arith.addi %mul3A_149, %add3A_811 : i32
        %swap3A_813 = arith.constant 6 : i32
        %swap3A_814 = arith.index_cast %swap3A_813 : i32 to index
        %swap3A_815 = arith.index_cast %add3A_812 : i32 to index
        %swap3A_816 = tpu.vector_load %arg11[%swap3A_814, %swap3A_815] {strides = array<i32>} : memref<16x576xf32, #tpu.memory_space<vmem>>, vector<1x16xf32>,
        %swap3A_817 = vector.shape_cast %swap3A_816 : vector<1x16xf32> to vector<16xf32>
        %swap3A_818 = vector.shape_cast %scan3A_490#40 : vector<16xf32> to vector<1x16xf32>
        tpu.vector_store %arg11[%swap3A_814, %swap3A_815], %swap3A_818 {strides = array<i32>} : memref<16x576xf32, #tpu.memory_space<vmem>>, vector<1x16xf32>,
        %add3A_819 = arith.constant 80 : i32
        %add3A_820 = arith.addi %mul3A_149, %add3A_819 : i32
        %swap3A_821 = arith.constant 6 : i32
        %swap3A_822 = arith.index_cast %swap3A_821 : i32 to index
        %swap3A_823 = arith.index_cast %add3A_820 : i32 to index
        %swap3A_824 = tpu.vector_load %arg11[%swap3A_822, %swap3A_823] {strides = array<i32>} : memref<16x576xf32, #tpu.memory_space<vmem>>, vector<1x16xf32>,
        %swap3A_825 = vector.shape_cast %swap3A_824 : vector<1x16xf32> to vector<16xf32>
        %swap3A_826 = vector.shape_cast %scan3A_490#41 : vector<16xf32> to vector<1x16xf32>
        tpu.vector_store %arg11[%swap3A_822, %swap3A_823], %swap3A_826 {strides = array<i32>} : memref<16x576xf32, #tpu.memory_space<vmem>>, vector<1x16xf32>,
        %add3A_827 = arith.constant 0 : i32
        %add3A_828 = arith.addi %mul3A_149, %add3A_827 : i32
        %swap3A_829 = arith.constant 7 : i32
        %swap3A_830 = arith.index_cast %swap3A_829 : i32 to index
        %swap3A_831 = arith.index_cast %add3A_828 : i32 to index
        %swap3A_832 = tpu.vector_load %arg11[%swap3A_830, %swap3A_831] {strides = array<i32>} : memref<16x576xf32, #tpu.memory_space<vmem>>, vector<1x16xf32>,
        %swap3A_833 = vector.shape_cast %swap3A_832 : vector<1x16xf32> to vector<16xf32>
        %swap3A_834 = vector.shape_cast %scan3A_490#42 : vector<16xf32> to vector<1x16xf32>
        tpu.vector_store %arg11[%swap3A_830, %swap3A_831], %swap3A_834 {strides = array<i32>} : memref<16x576xf32, #tpu.memory_space<vmem>>, vector<1x16xf32>,
        %add3A_835 = arith.constant 16 : i32
        %add3A_836 = arith.addi %mul3A_149, %add3A_835 : i32
        %swap3A_837 = arith.constant 7 : i32
        %swap3A_838 = arith.index_cast %swap3A_837 : i32 to index
        %swap3A_839 = arith.index_cast %add3A_836 : i32 to index
        %swap3A_840 = tpu.vector_load %arg11[%swap3A_838, %swap3A_839] {strides = array<i32>} : memref<16x576xf32, #tpu.memory_space<vmem>>, vector<1x16xf32>,
        %swap3A_841 = vector.shape_cast %swap3A_840 : vector<1x16xf32> to vector<16xf32>
        %swap3A_842 = vector.shape_cast %scan3A_490#43 : vector<16xf32> to vector<1x16xf32>
        tpu.vector_store %arg11[%swap3A_838, %swap3A_839], %swap3A_842 {strides = array<i32>} : memref<16x576xf32, #tpu.memory_space<vmem>>, vector<1x16xf32>,
        %add3A_843 = arith.constant 32 : i32
        %add3A_844 = arith.addi %mul3A_149, %add3A_843 : i32
        %swap3A_845 = arith.constant 7 : i32
        %swap3A_846 = arith.index_cast %swap3A_845 : i32 to index
        %swap3A_847 = arith.index_cast %add3A_844 : i32 to index
        %swap3A_848 = tpu.vector_load %arg11[%swap3A_846, %swap3A_847] {strides = array<i32>} : memref<16x576xf32, #tpu.memory_space<vmem>>, vector<1x16xf32>,
        %swap3A_849 = vector.shape_cast %swap3A_848 : vector<1x16xf32> to vector<16xf32>
        %swap3A_850 = vector.shape_cast %scan3A_490#44 : vector<16xf32> to vector<1x16xf32>
        tpu.vector_store %arg11[%swap3A_846, %swap3A_847], %swap3A_850 {strides = array<i32>} : memref<16x576xf32, #tpu.memory_space<vmem>>, vector<1x16xf32>,
        %add3A_851 = arith.constant 48 : i32
        %add3A_852 = arith.addi %mul3A_149, %add3A_851 : i32
        %swap3A_853 = arith.constant 7 : i32
        %swap3A_854 = arith.index_cast %swap3A_853 : i32 to index
        %swap3A_855 = arith.index_cast %add3A_852 : i32 to index
        %swap3A_856 = tpu.vector_load %arg11[%swap3A_854, %swap3A_855] {strides = array<i32>} : memref<16x576xf32, #tpu.memory_space<vmem>>, vector<1x16xf32>,
        %swap3A_857 = vector.shape_cast %swap3A_856 : vector<1x16xf32> to vector<16xf32>
        %swap3A_858 = vector.shape_cast %scan3A_490#45 : vector<16xf32> to vector<1x16xf32>
        tpu.vector_store %arg11[%swap3A_854, %swap3A_855], %swap3A_858 {strides = array<i32>} : memref<16x576xf32, #tpu.memory_space<vmem>>, vector<1x16xf32>,
        %add3A_859 = arith.constant 64 : i32
        %add3A_860 = arith.addi %mul3A_149, %add3A_859 : i32
        %swap3A_861 = arith.constant 7 : i32
        %swap3A_862 = arith.index_cast %swap3A_861 : i32 to index
        %swap3A_863 = arith.index_cast %add3A_860 : i32 to index
        %swap3A_864 = tpu.vector_load %arg11[%swap3A_862, %swap3A_863] {strides = array<i32>} : memref<16x576xf32, #tpu.memory_space<vmem>>, vector<1x16xf32>,
        %swap3A_865 = vector.shape_cast %swap3A_864 : vector<1x16xf32> to vector<16xf32>
        %swap3A_866 = vector.shape_cast %scan3A_490#46 : vector<16xf32> to vector<1x16xf32>
        tpu.vector_store %arg11[%swap3A_862, %swap3A_863], %swap3A_866 {strides = array<i32>} : memref<16x576xf32, #tpu.memory_space<vmem>>, vector<1x16xf32>,
        %add3A_867 = arith.constant 80 : i32
        %add3A_868 = arith.addi %mul3A_149, %add3A_867 : i32
        %swap3A_869 = arith.constant 7 : i32
        %swap3A_870 = arith.index_cast %swap3A_869 : i32 to index
        %swap3A_871 = arith.index_cast %add3A_868 : i32 to index
        %swap3A_872 = tpu.vector_load %arg11[%swap3A_870, %swap3A_871] {strides = array<i32>} : memref<16x576xf32, #tpu.memory_space<vmem>>, vector<1x16xf32>,
        %swap3A_873 = vector.shape_cast %swap3A_872 : vector<1x16xf32> to vector<16xf32>
        %swap3A_874 = vector.shape_cast %scan3A_490#47 : vector<16xf32> to vector<1x16xf32>
        tpu.vector_store %arg11[%swap3A_870, %swap3A_871], %swap3A_874 {strides = array<i32>} : memref<16x576xf32, #tpu.memory_space<vmem>>, vector<1x16xf32>,
        %add3A_875 = arith.constant 0 : i32
        %add3A_876 = arith.addi %mul3A_149, %add3A_875 : i32
        %get3A_877 = arith.constant 8 : i32
        %get3A_878 = arith.index_cast %get3A_877 : i32 to index
        %get3A_879 = arith.index_cast %add3A_876 : i32 to index
        %get3A_880 = tpu.vector_load %arg11[%get3A_878, %get3A_879] {strides = array<i32>} : memref<16x576xf32, #tpu.memory_space<vmem>>, vector<1x16xf32>,
        %get3A_881 = vector.shape_cast %get3A_880 : vector<1x16xf32> to vector<16xf32>
        %add3A_882 = arith.constant 16 : i32
        %add3A_883 = arith.addi %mul3A_149, %add3A_882 : i32
        %get3A_884 = arith.constant 8 : i32
        %get3A_885 = arith.index_cast %get3A_884 : i32 to index
        %get3A_886 = arith.index_cast %add3A_883 : i32 to index
        %get3A_887 = tpu.vector_load %arg11[%get3A_885, %get3A_886] {strides = array<i32>} : memref<16x576xf32, #tpu.memory_space<vmem>>, vector<1x16xf32>,
        %get3A_888 = vector.shape_cast %get3A_887 : vector<1x16xf32> to vector<16xf32>
        %add3A_889 = arith.constant 32 : i32
        %add3A_890 = arith.addi %mul3A_149, %add3A_889 : i32
        %get3A_891 = arith.constant 8 : i32
        %get3A_892 = arith.index_cast %get3A_891 : i32 to index
        %get3A_893 = arith.index_cast %add3A_890 : i32 to index
        %get3A_894 = tpu.vector_load %arg11[%get3A_892, %get3A_893] {strides = array<i32>} : memref<16x576xf32, #tpu.memory_space<vmem>>, vector<1x16xf32>,
        %get3A_895 = vector.shape_cast %get3A_894 : vector<1x16xf32> to vector<16xf32>
        %add3A_896 = arith.constant 48 : i32
        %add3A_897 = arith.addi %mul3A_149, %add3A_896 : i32
        %get3A_898 = arith.constant 8 : i32
        %get3A_899 = arith.index_cast %get3A_898 : i32 to index
        %get3A_900 = arith.index_cast %add3A_897 : i32 to index
        %get3A_901 = tpu.vector_load %arg11[%get3A_899, %get3A_900] {strides = array<i32>} : memref<16x576xf32, #tpu.memory_space<vmem>>, vector<1x16xf32>,
        %get3A_902 = vector.shape_cast %get3A_901 : vector<1x16xf32> to vector<16xf32>
        %add3A_903 = arith.constant 64 : i32
        %add3A_904 = arith.addi %mul3A_149, %add3A_903 : i32
        %get3A_905 = arith.constant 8 : i32
        %get3A_906 = arith.index_cast %get3A_905 : i32 to index
        %get3A_907 = arith.index_cast %add3A_904 : i32 to index
        %get3A_908 = tpu.vector_load %arg11[%get3A_906, %get3A_907] {strides = array<i32>} : memref<16x576xf32, #tpu.memory_space<vmem>>, vector<1x16xf32>,
        %get3A_909 = vector.shape_cast %get3A_908 : vector<1x16xf32> to vector<16xf32>
        %add3A_910 = arith.constant 80 : i32
        %add3A_911 = arith.addi %mul3A_149, %add3A_910 : i32
        %get3A_912 = arith.constant 8 : i32
        %get3A_913 = arith.index_cast %get3A_912 : i32 to index
        %get3A_914 = arith.index_cast %add3A_911 : i32 to index
        %get3A_915 = tpu.vector_load %arg11[%get3A_913, %get3A_914] {strides = array<i32>} : memref<16x576xf32, #tpu.memory_space<vmem>>, vector<1x16xf32>,
        %get3A_916 = vector.shape_cast %get3A_915 : vector<1x16xf32> to vector<16xf32>
        %add3A_917 = arith.constant 0 : i32
        %add3A_918 = arith.addi %mul3A_149, %add3A_917 : i32
        %get3A_919 = arith.constant 9 : i32
        %get3A_920 = arith.index_cast %get3A_919 : i32 to index
        %get3A_921 = arith.index_cast %add3A_918 : i32 to index
        %get3A_922 = tpu.vector_load %arg11[%get3A_920, %get3A_921] {strides = array<i32>} : memref<16x576xf32, #tpu.memory_space<vmem>>, vector<1x16xf32>,
        %get3A_923 = vector.shape_cast %get3A_922 : vector<1x16xf32> to vector<16xf32>
        %add3A_924 = arith.constant 16 : i32
        %add3A_925 = arith.addi %mul3A_149, %add3A_924 : i32
        %get3A_926 = arith.constant 9 : i32
        %get3A_927 = arith.index_cast %get3A_926 : i32 to index
        %get3A_928 = arith.index_cast %add3A_925 : i32 to index
        %get3A_929 = tpu.vector_load %arg11[%get3A_927, %get3A_928] {strides = array<i32>} : memref<16x576xf32, #tpu.memory_space<vmem>>, vector<1x16xf32>,
        %get3A_930 = vector.shape_cast %get3A_929 : vector<1x16xf32> to vector<16xf32>
        %add3A_931 = arith.constant 32 : i32
        %add3A_932 = arith.addi %mul3A_149, %add3A_931 : i32
        %get3A_933 = arith.constant 9 : i32
        %get3A_934 = arith.index_cast %get3A_933 : i32 to index
        %get3A_935 = arith.index_cast %add3A_932 : i32 to index
        %get3A_936 = tpu.vector_load %arg11[%get3A_934, %get3A_935] {strides = array<i32>} : memref<16x576xf32, #tpu.memory_space<vmem>>, vector<1x16xf32>,
        %get3A_937 = vector.shape_cast %get3A_936 : vector<1x16xf32> to vector<16xf32>
        %add3A_938 = arith.constant 48 : i32
        %add3A_939 = arith.addi %mul3A_149, %add3A_938 : i32
        %get3A_940 = arith.constant 9 : i32
        %get3A_941 = arith.index_cast %get3A_940 : i32 to index
        %get3A_942 = arith.index_cast %add3A_939 : i32 to index
        %get3A_943 = tpu.vector_load %arg11[%get3A_941, %get3A_942] {strides = array<i32>} : memref<16x576xf32, #tpu.memory_space<vmem>>, vector<1x16xf32>,
        %get3A_944 = vector.shape_cast %get3A_943 : vector<1x16xf32> to vector<16xf32>
        %add3A_945 = arith.constant 64 : i32
        %add3A_946 = arith.addi %mul3A_149, %add3A_945 : i32
        %get3A_947 = arith.constant 9 : i32
        %get3A_948 = arith.index_cast %get3A_947 : i32 to index
        %get3A_949 = arith.index_cast %add3A_946 : i32 to index
        %get3A_950 = tpu.vector_load %arg11[%get3A_948, %get3A_949] {strides = array<i32>} : memref<16x576xf32, #tpu.memory_space<vmem>>, vector<1x16xf32>,
        %get3A_951 = vector.shape_cast %get3A_950 : vector<1x16xf32> to vector<16xf32>
        %add3A_952 = arith.constant 80 : i32
        %add3A_953 = arith.addi %mul3A_149, %add3A_952 : i32
        %get3A_954 = arith.constant 9 : i32
        %get3A_955 = arith.index_cast %get3A_954 : i32 to index
        %get3A_956 = arith.index_cast %add3A_953 : i32 to index
        %get3A_957 = tpu.vector_load %arg11[%get3A_955, %get3A_956] {strides = array<i32>} : memref<16x576xf32, #tpu.memory_space<vmem>>, vector<1x16xf32>,
        %get3A_958 = vector.shape_cast %get3A_957 : vector<1x16xf32> to vector<16xf32>
        %add3A_959 = arith.constant 0 : i32
        %add3A_960 = arith.addi %mul3A_149, %add3A_959 : i32
        %get3A_961 = arith.constant 10 : i32
        %get3A_962 = arith.index_cast %get3A_961 : i32 to index
        %get3A_963 = arith.index_cast %add3A_960 : i32 to index
        %get3A_964 = tpu.vector_load %arg11[%get3A_962, %get3A_963] {strides = array<i32>} : memref<16x576xf32, #tpu.memory_space<vmem>>, vector<1x16xf32>,
        %get3A_965 = vector.shape_cast %get3A_964 : vector<1x16xf32> to vector<16xf32>
        %add3A_966 = arith.constant 16 : i32
        %add3A_967 = arith.addi %mul3A_149, %add3A_966 : i32
        %get3A_968 = arith.constant 10 : i32
        %get3A_969 = arith.index_cast %get3A_968 : i32 to index
        %get3A_970 = arith.index_cast %add3A_967 : i32 to index
        %get3A_971 = tpu.vector_load %arg11[%get3A_969, %get3A_970] {strides = array<i32>} : memref<16x576xf32, #tpu.memory_space<vmem>>, vector<1x16xf32>,
        %get3A_972 = vector.shape_cast %get3A_971 : vector<1x16xf32> to vector<16xf32>
        %add3A_973 = arith.constant 32 : i32
        %add3A_974 = arith.addi %mul3A_149, %add3A_973 : i32
        %get3A_975 = arith.constant 10 : i32
        %get3A_976 = arith.index_cast %get3A_975 : i32 to index
        %get3A_977 = arith.index_cast %add3A_974 : i32 to index
        %get3A_978 = tpu.vector_load %arg11[%get3A_976, %get3A_977] {strides = array<i32>} : memref<16x576xf32, #tpu.memory_space<vmem>>, vector<1x16xf32>,
        %get3A_979 = vector.shape_cast %get3A_978 : vector<1x16xf32> to vector<16xf32>
        %add3A_980 = arith.constant 48 : i32
        %add3A_981 = arith.addi %mul3A_149, %add3A_980 : i32
        %get3A_982 = arith.constant 10 : i32
        %get3A_983 = arith.index_cast %get3A_982 : i32 to index
        %get3A_984 = arith.index_cast %add3A_981 : i32 to index
        %get3A_985 = tpu.vector_load %arg11[%get3A_983, %get3A_984] {strides = array<i32>} : memref<16x576xf32, #tpu.memory_space<vmem>>, vector<1x16xf32>,
        %get3A_986 = vector.shape_cast %get3A_985 : vector<1x16xf32> to vector<16xf32>
        %add3A_987 = arith.constant 64 : i32
        %add3A_988 = arith.addi %mul3A_149, %add3A_987 : i32
        %get3A_989 = arith.constant 10 : i32
        %get3A_990 = arith.index_cast %get3A_989 : i32 to index
        %get3A_991 = arith.index_cast %add3A_988 : i32 to index
        %get3A_992 = tpu.vector_load %arg11[%get3A_990, %get3A_991] {strides = array<i32>} : memref<16x576xf32, #tpu.memory_space<vmem>>, vector<1x16xf32>,
        %get3A_993 = vector.shape_cast %get3A_992 : vector<1x16xf32> to vector<16xf32>
        %add3A_994 = arith.constant 80 : i32
        %add3A_995 = arith.addi %mul3A_149, %add3A_994 : i32
        %get3A_996 = arith.constant 10 : i32
        %get3A_997 = arith.index_cast %get3A_996 : i32 to index
        %get3A_998 = arith.index_cast %add3A_995 : i32 to index
        %get3A_999 = tpu.vector_load %arg11[%get3A_997, %get3A_998] {strides = array<i32>} : memref<16x576xf32, #tpu.memory_space<vmem>>, vector<1x16xf32>,
        %get3A_1000 = vector.shape_cast %get3A_999 : vector<1x16xf32> to vector<16xf32>
        %add3A_1001 = arith.constant 0 : i32
        %add3A_1002 = arith.addi %mul3A_149, %add3A_1001 : i32
        %get3A_1003 = arith.constant 11 : i32
        %get3A_1004 = arith.index_cast %get3A_1003 : i32 to index
        %get3A_1005 = arith.index_cast %add3A_1002 : i32 to index
        %get3A_1006 = tpu.vector_load %arg11[%get3A_1004, %get3A_1005] {strides = array<i32>} : memref<16x576xf32, #tpu.memory_space<vmem>>, vector<1x16xf32>,
        %get3A_1007 = vector.shape_cast %get3A_1006 : vector<1x16xf32> to vector<16xf32>
        %add3A_1008 = arith.constant 16 : i32
        %add3A_1009 = arith.addi %mul3A_149, %add3A_1008 : i32
        %get3A_1010 = arith.constant 11 : i32
        %get3A_1011 = arith.index_cast %get3A_1010 : i32 to index
        %get3A_1012 = arith.index_cast %add3A_1009 : i32 to index
        %get3A_1013 = tpu.vector_load %arg11[%get3A_1011, %get3A_1012] {strides = array<i32>} : memref<16x576xf32, #tpu.memory_space<vmem>>, vector<1x16xf32>,
        %get3A_1014 = vector.shape_cast %get3A_1013 : vector<1x16xf32> to vector<16xf32>
        %add3A_1015 = arith.constant 32 : i32
        %add3A_1016 = arith.addi %mul3A_149, %add3A_1015 : i32
        %get3A_1017 = arith.constant 11 : i32
        %get3A_1018 = arith.index_cast %get3A_1017 : i32 to index
        %get3A_1019 = arith.index_cast %add3A_1016 : i32 to index
        %get3A_1020 = tpu.vector_load %arg11[%get3A_1018, %get3A_1019] {strides = array<i32>} : memref<16x576xf32, #tpu.memory_space<vmem>>, vector<1x16xf32>,
        %get3A_1021 = vector.shape_cast %get3A_1020 : vector<1x16xf32> to vector<16xf32>
        %add3A_1022 = arith.constant 48 : i32
        %add3A_1023 = arith.addi %mul3A_149, %add3A_1022 : i32
        %get3A_1024 = arith.constant 11 : i32
        %get3A_1025 = arith.index_cast %get3A_1024 : i32 to index
        %get3A_1026 = arith.index_cast %add3A_1023 : i32 to index
        %get3A_1027 = tpu.vector_load %arg11[%get3A_1025, %get3A_1026] {strides = array<i32>} : memref<16x576xf32, #tpu.memory_space<vmem>>, vector<1x16xf32>,
        %get3A_1028 = vector.shape_cast %get3A_1027 : vector<1x16xf32> to vector<16xf32>
        %add3A_1029 = arith.constant 64 : i32
        %add3A_1030 = arith.addi %mul3A_149, %add3A_1029 : i32
        %get3A_1031 = arith.constant 11 : i32
        %get3A_1032 = arith.index_cast %get3A_1031 : i32 to index
        %get3A_1033 = arith.index_cast %add3A_1030 : i32 to index
        %get3A_1034 = tpu.vector_load %arg11[%get3A_1032, %get3A_1033] {strides = array<i32>} : memref<16x576xf32, #tpu.memory_space<vmem>>, vector<1x16xf32>,
        %get3A_1035 = vector.shape_cast %get3A_1034 : vector<1x16xf32> to vector<16xf32>
        %add3A_1036 = arith.constant 80 : i32
        %add3A_1037 = arith.addi %mul3A_149, %add3A_1036 : i32
        %get3A_1038 = arith.constant 11 : i32
        %get3A_1039 = arith.index_cast %get3A_1038 : i32 to index
        %get3A_1040 = arith.index_cast %add3A_1037 : i32 to index
        %get3A_1041 = tpu.vector_load %arg11[%get3A_1039, %get3A_1040] {strides = array<i32>} : memref<16x576xf32, #tpu.memory_space<vmem>>, vector<1x16xf32>,
        %get3A_1042 = vector.shape_cast %get3A_1041 : vector<1x16xf32> to vector<16xf32>
        %add3A_1043 = arith.constant 0 : i32
        %add3A_1044 = arith.addi %mul3A_149, %add3A_1043 : i32
        %get3A_1045 = arith.constant 12 : i32
        %get3A_1046 = arith.index_cast %get3A_1045 : i32 to index
        %get3A_1047 = arith.index_cast %add3A_1044 : i32 to index
        %get3A_1048 = tpu.vector_load %arg11[%get3A_1046, %get3A_1047] {strides = array<i32>} : memref<16x576xf32, #tpu.memory_space<vmem>>, vector<1x16xf32>,
        %get3A_1049 = vector.shape_cast %get3A_1048 : vector<1x16xf32> to vector<16xf32>
        %add3A_1050 = arith.constant 16 : i32
        %add3A_1051 = arith.addi %mul3A_149, %add3A_1050 : i32
        %get3A_1052 = arith.constant 12 : i32
        %get3A_1053 = arith.index_cast %get3A_1052 : i32 to index
        %get3A_1054 = arith.index_cast %add3A_1051 : i32 to index
        %get3A_1055 = tpu.vector_load %arg11[%get3A_1053, %get3A_1054] {strides = array<i32>} : memref<16x576xf32, #tpu.memory_space<vmem>>, vector<1x16xf32>,
        %get3A_1056 = vector.shape_cast %get3A_1055 : vector<1x16xf32> to vector<16xf32>
        %add3A_1057 = arith.constant 32 : i32
        %add3A_1058 = arith.addi %mul3A_149, %add3A_1057 : i32
        %get3A_1059 = arith.constant 12 : i32
        %get3A_1060 = arith.index_cast %get3A_1059 : i32 to index
        %get3A_1061 = arith.index_cast %add3A_1058 : i32 to index
        %get3A_1062 = tpu.vector_load %arg11[%get3A_1060, %get3A_1061] {strides = array<i32>} : memref<16x576xf32, #tpu.memory_space<vmem>>, vector<1x16xf32>,
        %get3A_1063 = vector.shape_cast %get3A_1062 : vector<1x16xf32> to vector<16xf32>
        %add3A_1064 = arith.constant 48 : i32
        %add3A_1065 = arith.addi %mul3A_149, %add3A_1064 : i32
        %get3A_1066 = arith.constant 12 : i32
        %get3A_1067 = arith.index_cast %get3A_1066 : i32 to index
        %get3A_1068 = arith.index_cast %add3A_1065 : i32 to index
        %get3A_1069 = tpu.vector_load %arg11[%get3A_1067, %get3A_1068] {strides = array<i32>} : memref<16x576xf32, #tpu.memory_space<vmem>>, vector<1x16xf32>,
        %get3A_1070 = vector.shape_cast %get3A_1069 : vector<1x16xf32> to vector<16xf32>
        %add3A_1071 = arith.constant 64 : i32
        %add3A_1072 = arith.addi %mul3A_149, %add3A_1071 : i32
        %get3A_1073 = arith.constant 12 : i32
        %get3A_1074 = arith.index_cast %get3A_1073 : i32 to index
        %get3A_1075 = arith.index_cast %add3A_1072 : i32 to index
        %get3A_1076 = tpu.vector_load %arg11[%get3A_1074, %get3A_1075] {strides = array<i32>} : memref<16x576xf32, #tpu.memory_space<vmem>>, vector<1x16xf32>,
        %get3A_1077 = vector.shape_cast %get3A_1076 : vector<1x16xf32> to vector<16xf32>
        %add3A_1078 = arith.constant 80 : i32
        %add3A_1079 = arith.addi %mul3A_149, %add3A_1078 : i32
        %get3A_1080 = arith.constant 12 : i32
        %get3A_1081 = arith.index_cast %get3A_1080 : i32 to index
        %get3A_1082 = arith.index_cast %add3A_1079 : i32 to index
        %get3A_1083 = tpu.vector_load %arg11[%get3A_1081, %get3A_1082] {strides = array<i32>} : memref<16x576xf32, #tpu.memory_space<vmem>>, vector<1x16xf32>,
        %get3A_1084 = vector.shape_cast %get3A_1083 : vector<1x16xf32> to vector<16xf32>
        %add3A_1085 = arith.constant 0 : i32
        %add3A_1086 = arith.addi %mul3A_149, %add3A_1085 : i32
        %get3A_1087 = arith.constant 13 : i32
        %get3A_1088 = arith.index_cast %get3A_1087 : i32 to index
        %get3A_1089 = arith.index_cast %add3A_1086 : i32 to index
        %get3A_1090 = tpu.vector_load %arg11[%get3A_1088, %get3A_1089] {strides = array<i32>} : memref<16x576xf32, #tpu.memory_space<vmem>>, vector<1x16xf32>,
        %get3A_1091 = vector.shape_cast %get3A_1090 : vector<1x16xf32> to vector<16xf32>
        %add3A_1092 = arith.constant 16 : i32
        %add3A_1093 = arith.addi %mul3A_149, %add3A_1092 : i32
        %get3A_1094 = arith.constant 13 : i32
        %get3A_1095 = arith.index_cast %get3A_1094 : i32 to index
        %get3A_1096 = arith.index_cast %add3A_1093 : i32 to index
        %get3A_1097 = tpu.vector_load %arg11[%get3A_1095, %get3A_1096] {strides = array<i32>} : memref<16x576xf32, #tpu.memory_space<vmem>>, vector<1x16xf32>,
        %get3A_1098 = vector.shape_cast %get3A_1097 : vector<1x16xf32> to vector<16xf32>
        %add3A_1099 = arith.constant 32 : i32
        %add3A_1100 = arith.addi %mul3A_149, %add3A_1099 : i32
        %get3A_1101 = arith.constant 13 : i32
        %get3A_1102 = arith.index_cast %get3A_1101 : i32 to index
        %get3A_1103 = arith.index_cast %add3A_1100 : i32 to index
        %get3A_1104 = tpu.vector_load %arg11[%get3A_1102, %get3A_1103] {strides = array<i32>} : memref<16x576xf32, #tpu.memory_space<vmem>>, vector<1x16xf32>,
        %get3A_1105 = vector.shape_cast %get3A_1104 : vector<1x16xf32> to vector<16xf32>
        %add3A_1106 = arith.constant 48 : i32
        %add3A_1107 = arith.addi %mul3A_149, %add3A_1106 : i32
        %get3A_1108 = arith.constant 13 : i32
        %get3A_1109 = arith.index_cast %get3A_1108 : i32 to index
        %get3A_1110 = arith.index_cast %add3A_1107 : i32 to index
        %get3A_1111 = tpu.vector_load %arg11[%get3A_1109, %get3A_1110] {strides = array<i32>} : memref<16x576xf32, #tpu.memory_space<vmem>>, vector<1x16xf32>,
        %get3A_1112 = vector.shape_cast %get3A_1111 : vector<1x16xf32> to vector<16xf32>
        %add3A_1113 = arith.constant 64 : i32
        %add3A_1114 = arith.addi %mul3A_149, %add3A_1113 : i32
        %get3A_1115 = arith.constant 13 : i32
        %get3A_1116 = arith.index_cast %get3A_1115 : i32 to index
        %get3A_1117 = arith.index_cast %add3A_1114 : i32 to index
        %get3A_1118 = tpu.vector_load %arg11[%get3A_1116, %get3A_1117] {strides = array<i32>} : memref<16x576xf32, #tpu.memory_space<vmem>>, vector<1x16xf32>,
        %get3A_1119 = vector.shape_cast %get3A_1118 : vector<1x16xf32> to vector<16xf32>
        %add3A_1120 = arith.constant 80 : i32
        %add3A_1121 = arith.addi %mul3A_149, %add3A_1120 : i32
        %get3A_1122 = arith.constant 13 : i32
        %get3A_1123 = arith.index_cast %get3A_1122 : i32 to index
        %get3A_1124 = arith.index_cast %add3A_1121 : i32 to index
        %get3A_1125 = tpu.vector_load %arg11[%get3A_1123, %get3A_1124] {strides = array<i32>} : memref<16x576xf32, #tpu.memory_space<vmem>>, vector<1x16xf32>,
        %get3A_1126 = vector.shape_cast %get3A_1125 : vector<1x16xf32> to vector<16xf32>
        %add3A_1127 = arith.constant 0 : i32
        %add3A_1128 = arith.addi %mul3A_149, %add3A_1127 : i32
        %get3A_1129 = arith.constant 14 : i32
        %get3A_1130 = arith.index_cast %get3A_1129 : i32 to index
        %get3A_1131 = arith.index_cast %add3A_1128 : i32 to index
        %get3A_1132 = tpu.vector_load %arg11[%get3A_1130, %get3A_1131] {strides = array<i32>} : memref<16x576xf32, #tpu.memory_space<vmem>>, vector<1x16xf32>,
        %get3A_1133 = vector.shape_cast %get3A_1132 : vector<1x16xf32> to vector<16xf32>
        %add3A_1134 = arith.constant 16 : i32
        %add3A_1135 = arith.addi %mul3A_149, %add3A_1134 : i32
        %get3A_1136 = arith.constant 14 : i32
        %get3A_1137 = arith.index_cast %get3A_1136 : i32 to index
        %get3A_1138 = arith.index_cast %add3A_1135 : i32 to index
        %get3A_1139 = tpu.vector_load %arg11[%get3A_1137, %get3A_1138] {strides = array<i32>} : memref<16x576xf32, #tpu.memory_space<vmem>>, vector<1x16xf32>,
        %get3A_1140 = vector.shape_cast %get3A_1139 : vector<1x16xf32> to vector<16xf32>
        %add3A_1141 = arith.constant 32 : i32
        %add3A_1142 = arith.addi %mul3A_149, %add3A_1141 : i32
        %get3A_1143 = arith.constant 14 : i32
        %get3A_1144 = arith.index_cast %get3A_1143 : i32 to index
        %get3A_1145 = arith.index_cast %add3A_1142 : i32 to index
        %get3A_1146 = tpu.vector_load %arg11[%get3A_1144, %get3A_1145] {strides = array<i32>} : memref<16x576xf32, #tpu.memory_space<vmem>>, vector<1x16xf32>,
        %get3A_1147 = vector.shape_cast %get3A_1146 : vector<1x16xf32> to vector<16xf32>
        %add3A_1148 = arith.constant 48 : i32
        %add3A_1149 = arith.addi %mul3A_149, %add3A_1148 : i32
        %get3A_1150 = arith.constant 14 : i32
        %get3A_1151 = arith.index_cast %get3A_1150 : i32 to index
        %get3A_1152 = arith.index_cast %add3A_1149 : i32 to index
        %get3A_1153 = tpu.vector_load %arg11[%get3A_1151, %get3A_1152] {strides = array<i32>} : memref<16x576xf32, #tpu.memory_space<vmem>>, vector<1x16xf32>,
        %get3A_1154 = vector.shape_cast %get3A_1153 : vector<1x16xf32> to vector<16xf32>
        %add3A_1155 = arith.constant 64 : i32
        %add3A_1156 = arith.addi %mul3A_149, %add3A_1155 : i32
        %get3A_1157 = arith.constant 14 : i32
        %get3A_1158 = arith.index_cast %get3A_1157 : i32 to index
        %get3A_1159 = arith.index_cast %add3A_1156 : i32 to index
        %get3A_1160 = tpu.vector_load %arg11[%get3A_1158, %get3A_1159] {strides = array<i32>} : memref<16x576xf32, #tpu.memory_space<vmem>>, vector<1x16xf32>,
        %get3A_1161 = vector.shape_cast %get3A_1160 : vector<1x16xf32> to vector<16xf32>
        %add3A_1162 = arith.constant 80 : i32
        %add3A_1163 = arith.addi %mul3A_149, %add3A_1162 : i32
        %get3A_1164 = arith.constant 14 : i32
        %get3A_1165 = arith.index_cast %get3A_1164 : i32 to index
        %get3A_1166 = arith.index_cast %add3A_1163 : i32 to index
        %get3A_1167 = tpu.vector_load %arg11[%get3A_1165, %get3A_1166] {strides = array<i32>} : memref<16x576xf32, #tpu.memory_space<vmem>>, vector<1x16xf32>,
        %get3A_1168 = vector.shape_cast %get3A_1167 : vector<1x16xf32> to vector<16xf32>
        %add3A_1169 = arith.constant 0 : i32
        %add3A_1170 = arith.addi %mul3A_149, %add3A_1169 : i32
        %get3A_1171 = arith.constant 15 : i32
        %get3A_1172 = arith.index_cast %get3A_1171 : i32 to index
        %get3A_1173 = arith.index_cast %add3A_1170 : i32 to index
        %get3A_1174 = tpu.vector_load %arg11[%get3A_1172, %get3A_1173] {strides = array<i32>} : memref<16x576xf32, #tpu.memory_space<vmem>>, vector<1x16xf32>,
        %get3A_1175 = vector.shape_cast %get3A_1174 : vector<1x16xf32> to vector<16xf32>
        %add3A_1176 = arith.constant 16 : i32
        %add3A_1177 = arith.addi %mul3A_149, %add3A_1176 : i32
        %get3A_1178 = arith.constant 15 : i32
        %get3A_1179 = arith.index_cast %get3A_1178 : i32 to index
        %get3A_1180 = arith.index_cast %add3A_1177 : i32 to index
        %get3A_1181 = tpu.vector_load %arg11[%get3A_1179, %get3A_1180] {strides = array<i32>} : memref<16x576xf32, #tpu.memory_space<vmem>>, vector<1x16xf32>,
        %get3A_1182 = vector.shape_cast %get3A_1181 : vector<1x16xf32> to vector<16xf32>
        %add3A_1183 = arith.constant 32 : i32
        %add3A_1184 = arith.addi %mul3A_149, %add3A_1183 : i32
        %get3A_1185 = arith.constant 15 : i32
        %get3A_1186 = arith.index_cast %get3A_1185 : i32 to index
        %get3A_1187 = arith.index_cast %add3A_1184 : i32 to index
        %get3A_1188 = tpu.vector_load %arg11[%get3A_1186, %get3A_1187] {strides = array<i32>} : memref<16x576xf32, #tpu.memory_space<vmem>>, vector<1x16xf32>,
        %get3A_1189 = vector.shape_cast %get3A_1188 : vector<1x16xf32> to vector<16xf32>
        %add3A_1190 = arith.constant 48 : i32
        %add3A_1191 = arith.addi %mul3A_149, %add3A_1190 : i32
        %get3A_1192 = arith.constant 15 : i32
        %get3A_1193 = arith.index_cast %get3A_1192 : i32 to index
        %get3A_1194 = arith.index_cast %add3A_1191 : i32 to index
        %get3A_1195 = tpu.vector_load %arg11[%get3A_1193, %get3A_1194] {strides = array<i32>} : memref<16x576xf32, #tpu.memory_space<vmem>>, vector<1x16xf32>,
        %get3A_1196 = vector.shape_cast %get3A_1195 : vector<1x16xf32> to vector<16xf32>
        %add3A_1197 = arith.constant 64 : i32
        %add3A_1198 = arith.addi %mul3A_149, %add3A_1197 : i32
        %get3A_1199 = arith.constant 15 : i32
        %get3A_1200 = arith.index_cast %get3A_1199 : i32 to index
        %get3A_1201 = arith.index_cast %add3A_1198 : i32 to index
        %get3A_1202 = tpu.vector_load %arg11[%get3A_1200, %get3A_1201] {strides = array<i32>} : memref<16x576xf32, #tpu.memory_space<vmem>>, vector<1x16xf32>,
        %get3A_1203 = vector.shape_cast %get3A_1202 : vector<1x16xf32> to vector<16xf32>
        %add3A_1204 = arith.constant 80 : i32
        %add3A_1205 = arith.addi %mul3A_149, %add3A_1204 : i32
        %get3A_1206 = arith.constant 15 : i32
        %get3A_1207 = arith.index_cast %get3A_1206 : i32 to index
        %get3A_1208 = arith.index_cast %add3A_1205 : i32 to index
        %get3A_1209 = tpu.vector_load %arg11[%get3A_1207, %get3A_1208] {strides = array<i32>} : memref<16x576xf32, #tpu.memory_space<vmem>>, vector<1x16xf32>,
        %get3A_1210 = vector.shape_cast %get3A_1209 : vector<1x16xf32> to vector<16xf32>
        %scan3A_1211 = arith.constant 0 : i32
        %scan3A_1212 = arith.constant 128 : i32
        %scan3A_1213 = arith.addi %scan3A_1211, %scan3A_1212 : i32
        %scan3A_1214 = arith.constant 1 : i32
        %scan3A_1215:48 = scf.for %scan3A_1601 = %scan3A_1211 to %scan3A_1213 step %scan3A_1214 iter_args(%scan3A_1602 = %get3A_881, %scan3A_1603 = %get3A_888, %scan3A_1604 = %get3A_895, %scan3A_1605 = %get3A_902, %scan3A_1606 = %get3A_909, %scan3A_1607 = %get3A_916, %scan3A_1608 = %get3A_923, %scan3A_1609 = %get3A_930, %scan3A_1610 = %get3A_937, %scan3A_1611 = %get3A_944, %scan3A_1612 = %get3A_951, %scan3A_1613 = %get3A_958, %scan3A_1614 = %get3A_965, %scan3A_1615 = %get3A_972, %scan3A_1616 = %get3A_979, %scan3A_1617 = %get3A_986, %scan3A_1618 = %get3A_993, %scan3A_1619 = %get3A_1000, %scan3A_1620 = %get3A_1007, %scan3A_1621 = %get3A_1014, %scan3A_1622 = %get3A_1021, %scan3A_1623 = %get3A_1028, %scan3A_1624 = %get3A_1035, %scan3A_1625 = %get3A_1042, %scan3A_1626 = %get3A_1049, %scan3A_1627 = %get3A_1056, %scan3A_1628 = %get3A_1063, %scan3A_1629 = %get3A_1070, %scan3A_1630 = %get3A_1077, %scan3A_1631 = %get3A_1084, %scan3A_1632 = %get3A_1091, %scan3A_1633 = %get3A_1098, %scan3A_1634 = %get3A_1105, %scan3A_1635 = %get3A_1112, %scan3A_1636 = %get3A_1119, %scan3A_1637 = %get3A_1126, %scan3A_1638 = %get3A_1133, %scan3A_1639 = %get3A_1140, %scan3A_1640 = %get3A_1147, %scan3A_1641 = %get3A_1154, %scan3A_1642 = %get3A_1161, %scan3A_1643 = %get3A_1168, %scan3A_1644 = %get3A_1175, %scan3A_1645 = %get3A_1182, %scan3A_1646 = %get3A_1189, %scan3A_1647 = %get3A_1196, %scan3A_1648 = %get3A_1203, %scan3A_1649 = %get3A_1210) -> (vector<16xf32>, vector<16xf32>, vector<16xf32>, vector<16xf32>, vector<16xf32>, vector<16xf32>, vector<16xf32>, vector<16xf32>, vector<16xf32>, vector<16xf32>, vector<16xf32>, vector<16xf32>, vector<16xf32>, vector<16xf32>, vector<16xf32>, vector<16xf32>, vector<16xf32>, vector<16xf32>, vector<16xf32>, vector<16xf32>, vector<16xf32>, vector<16xf32>, vector<16xf32>, vector<16xf32>, vector<16xf32>, vector<16xf32>, vector<16xf32>, vector<16xf32>, vector<16xf32>, vector<16xf32>, vector<16xf32>, vector<16xf32>, vector<16xf32>, vector<16xf32>, vector<16xf32>, vector<16xf32>, vector<16xf32>, vector<16xf32>, vector<16xf32>, vector<16xf32>, vector<16xf32>, vector<16xf32>, vector<16xf32>, vector<16xf32>, vector<16xf32>, vector<16xf32>, vector<16xf32>, vector<16xf32>)  : i32 {
          %get3A_1650 = arith.constant 8 : i32
          %get3A_1651 = arith.index_cast %scan3A_1601 : i32 to index
          %get3A_1652 = arith.index_cast %get3A_1650 : i32 to index
          %get3A_1653 = arith.constant 0 : index
          %get3A_1654 = tpu.vector_load %arg10[%get3A_1651, %get3A_1652, %get3A_1653] {strides = array<i32>} : memref<128x16x16xf32, #tpu.memory_space<vmem>>, vector<1x1x16xf32>,
          %get3A_1655 = vector.shape_cast %get3A_1654 : vector<1x1x16xf32> to vector<16xf32>
          %get3A_1656 = arith.constant 9 : i32
          %get3A_1657 = arith.index_cast %scan3A_1601 : i32 to index
          %get3A_1658 = arith.index_cast %get3A_1656 : i32 to index
          %get3A_1659 = arith.constant 0 : index
          %get3A_1660 = tpu.vector_load %arg10[%get3A_1657, %get3A_1658, %get3A_1659] {strides = array<i32>} : memref<128x16x16xf32, #tpu.memory_space<vmem>>, vector<1x1x16xf32>,
          %get3A_1661 = vector.shape_cast %get3A_1660 : vector<1x1x16xf32> to vector<16xf32>
          %get3A_1662 = arith.constant 10 : i32
          %get3A_1663 = arith.index_cast %scan3A_1601 : i32 to index
          %get3A_1664 = arith.index_cast %get3A_1662 : i32 to index
          %get3A_1665 = arith.constant 0 : index
          %get3A_1666 = tpu.vector_load %arg10[%get3A_1663, %get3A_1664, %get3A_1665] {strides = array<i32>} : memref<128x16x16xf32, #tpu.memory_space<vmem>>, vector<1x1x16xf32>,
          %get3A_1667 = vector.shape_cast %get3A_1666 : vector<1x1x16xf32> to vector<16xf32>
          %get3A_1668 = arith.constant 11 : i32
          %get3A_1669 = arith.index_cast %scan3A_1601 : i32 to index
          %get3A_1670 = arith.index_cast %get3A_1668 : i32 to index
          %get3A_1671 = arith.constant 0 : index
          %get3A_1672 = tpu.vector_load %arg10[%get3A_1669, %get3A_1670, %get3A_1671] {strides = array<i32>} : memref<128x16x16xf32, #tpu.memory_space<vmem>>, vector<1x1x16xf32>,
          %get3A_1673 = vector.shape_cast %get3A_1672 : vector<1x1x16xf32> to vector<16xf32>
          %get3A_1674 = arith.constant 12 : i32
          %get3A_1675 = arith.index_cast %scan3A_1601 : i32 to index
          %get3A_1676 = arith.index_cast %get3A_1674 : i32 to index
          %get3A_1677 = arith.constant 0 : index
          %get3A_1678 = tpu.vector_load %arg10[%get3A_1675, %get3A_1676, %get3A_1677] {strides = array<i32>} : memref<128x16x16xf32, #tpu.memory_space<vmem>>, vector<1x1x16xf32>,
          %get3A_1679 = vector.shape_cast %get3A_1678 : vector<1x1x16xf32> to vector<16xf32>
          %get3A_1680 = arith.constant 13 : i32
          %get3A_1681 = arith.index_cast %scan3A_1601 : i32 to index
          %get3A_1682 = arith.index_cast %get3A_1680 : i32 to index
          %get3A_1683 = arith.constant 0 : index
          %get3A_1684 = tpu.vector_load %arg10[%get3A_1681, %get3A_1682, %get3A_1683] {strides = array<i32>} : memref<128x16x16xf32, #tpu.memory_space<vmem>>, vector<1x1x16xf32>,
          %get3A_1685 = vector.shape_cast %get3A_1684 : vector<1x1x16xf32> to vector<16xf32>
          %get3A_1686 = arith.constant 14 : i32
          %get3A_1687 = arith.index_cast %scan3A_1601 : i32 to index
          %get3A_1688 = arith.index_cast %get3A_1686 : i32 to index
          %get3A_1689 = arith.constant 0 : index
          %get3A_1690 = tpu.vector_load %arg10[%get3A_1687, %get3A_1688, %get3A_1689] {strides = array<i32>} : memref<128x16x16xf32, #tpu.memory_space<vmem>>, vector<1x1x16xf32>,
          %get3A_1691 = vector.shape_cast %get3A_1690 : vector<1x1x16xf32> to vector<16xf32>
          %get3A_1692 = arith.constant 15 : i32
          %get3A_1693 = arith.index_cast %scan3A_1601 : i32 to index
          %get3A_1694 = arith.index_cast %get3A_1692 : i32 to index
          %get3A_1695 = arith.constant 0 : index
          %get3A_1696 = tpu.vector_load %arg10[%get3A_1693, %get3A_1694, %get3A_1695] {strides = array<i32>} : memref<128x16x16xf32, #tpu.memory_space<vmem>>, vector<1x1x16xf32>,
          %get3A_1697 = vector.shape_cast %get3A_1696 : vector<1x1x16xf32> to vector<16xf32>
          %add3A_1698 = arith.constant 0 : i32
          %add3A_1699 = arith.addi %mul3A_149, %add3A_1698 : i32
          %get3A_1700 = arith.index_cast %scan3A_1601 : i32 to index
          %get3A_1701 = arith.index_cast %add3A_1699 : i32 to index
          %get3A_1702 = tpu.vector_load %arg9[%get3A_1700, %get3A_1701] {strides = array<i32>} : memref<128x576xf32, #tpu.memory_space<vmem>>, vector<1x16xf32>,
          %get3A_1703 = vector.shape_cast %get3A_1702 : vector<1x16xf32> to vector<16xf32>
          %add3A_1704 = arith.constant 16 : i32
          %add3A_1705 = arith.addi %mul3A_149, %add3A_1704 : i32
          %get3A_1706 = arith.index_cast %scan3A_1601 : i32 to index
          %get3A_1707 = arith.index_cast %add3A_1705 : i32 to index
          %get3A_1708 = tpu.vector_load %arg9[%get3A_1706, %get3A_1707] {strides = array<i32>} : memref<128x576xf32, #tpu.memory_space<vmem>>, vector<1x16xf32>,
          %get3A_1709 = vector.shape_cast %get3A_1708 : vector<1x16xf32> to vector<16xf32>
          %add3A_1710 = arith.constant 32 : i32
          %add3A_1711 = arith.addi %mul3A_149, %add3A_1710 : i32
          %get3A_1712 = arith.index_cast %scan3A_1601 : i32 to index
          %get3A_1713 = arith.index_cast %add3A_1711 : i32 to index
          %get3A_1714 = tpu.vector_load %arg9[%get3A_1712, %get3A_1713] {strides = array<i32>} : memref<128x576xf32, #tpu.memory_space<vmem>>, vector<1x16xf32>,
          %get3A_1715 = vector.shape_cast %get3A_1714 : vector<1x16xf32> to vector<16xf32>
          %add3A_1716 = arith.constant 48 : i32
          %add3A_1717 = arith.addi %mul3A_149, %add3A_1716 : i32
          %get3A_1718 = arith.index_cast %scan3A_1601 : i32 to index
          %get3A_1719 = arith.index_cast %add3A_1717 : i32 to index
          %get3A_1720 = tpu.vector_load %arg9[%get3A_1718, %get3A_1719] {strides = array<i32>} : memref<128x576xf32, #tpu.memory_space<vmem>>, vector<1x16xf32>,
          %get3A_1721 = vector.shape_cast %get3A_1720 : vector<1x16xf32> to vector<16xf32>
          %add3A_1722 = arith.constant 64 : i32
          %add3A_1723 = arith.addi %mul3A_149, %add3A_1722 : i32
          %get3A_1724 = arith.index_cast %scan3A_1601 : i32 to index
          %get3A_1725 = arith.index_cast %add3A_1723 : i32 to index
          %get3A_1726 = tpu.vector_load %arg9[%get3A_1724, %get3A_1725] {strides = array<i32>} : memref<128x576xf32, #tpu.memory_space<vmem>>, vector<1x16xf32>,
          %get3A_1727 = vector.shape_cast %get3A_1726 : vector<1x16xf32> to vector<16xf32>
          %add3A_1728 = arith.constant 80 : i32
          %add3A_1729 = arith.addi %mul3A_149, %add3A_1728 : i32
          %get3A_1730 = arith.index_cast %scan3A_1601 : i32 to index
          %get3A_1731 = arith.index_cast %add3A_1729 : i32 to index
          %get3A_1732 = tpu.vector_load %arg9[%get3A_1730, %get3A_1731] {strides = array<i32>} : memref<128x576xf32, #tpu.memory_space<vmem>>, vector<1x16xf32>,
          %get3A_1733 = vector.shape_cast %get3A_1732 : vector<1x16xf32> to vector<16xf32>
          %mul3A_1734 = arith.mulf %get3A_1655, %get3A_1703 : vector<16xf32>
          %add3A_1735 = arith.addf %scan3A_1602, %mul3A_1734 : vector<16xf32>
          %mul3A_1736 = arith.mulf %get3A_1655, %get3A_1709 : vector<16xf32>
          %add3A_1737 = arith.addf %scan3A_1603, %mul3A_1736 : vector<16xf32>
          %mul3A_1738 = arith.mulf %get3A_1655, %get3A_1715 : vector<16xf32>
          %add3A_1739 = arith.addf %scan3A_1604, %mul3A_1738 : vector<16xf32>
          %mul3A_1740 = arith.mulf %get3A_1655, %get3A_1721 : vector<16xf32>
          %add3A_1741 = arith.addf %scan3A_1605, %mul3A_1740 : vector<16xf32>
          %mul3A_1742 = arith.mulf %get3A_1655, %get3A_1727 : vector<16xf32>
          %add3A_1743 = arith.addf %scan3A_1606, %mul3A_1742 : vector<16xf32>
          %mul3A_1744 = arith.mulf %get3A_1655, %get3A_1733 : vector<16xf32>
          %add3A_1745 = arith.addf %scan3A_1607, %mul3A_1744 : vector<16xf32>
          %mul3A_1746 = arith.mulf %get3A_1661, %get3A_1703 : vector<16xf32>
          %add3A_1747 = arith.addf %scan3A_1608, %mul3A_1746 : vector<16xf32>
          %mul3A_1748 = arith.mulf %get3A_1661, %get3A_1709 : vector<16xf32>
          %add3A_1749 = arith.addf %scan3A_1609, %mul3A_1748 : vector<16xf32>
          %mul3A_1750 = arith.mulf %get3A_1661, %get3A_1715 : vector<16xf32>
          %add3A_1751 = arith.addf %scan3A_1610, %mul3A_1750 : vector<16xf32>
          %mul3A_1752 = arith.mulf %get3A_1661, %get3A_1721 : vector<16xf32>
          %add3A_1753 = arith.addf %scan3A_1611, %mul3A_1752 : vector<16xf32>
          %mul3A_1754 = arith.mulf %get3A_1661, %get3A_1727 : vector<16xf32>
          %add3A_1755 = arith.addf %scan3A_1612, %mul3A_1754 : vector<16xf32>
          %mul3A_1756 = arith.mulf %get3A_1661, %get3A_1733 : vector<16xf32>
          %add3A_1757 = arith.addf %scan3A_1613, %mul3A_1756 : vector<16xf32>
          %mul3A_1758 = arith.mulf %get3A_1667, %get3A_1703 : vector<16xf32>
          %add3A_1759 = arith.addf %scan3A_1614, %mul3A_1758 : vector<16xf32>
          %mul3A_1760 = arith.mulf %get3A_1667, %get3A_1709 : vector<16xf32>
          %add3A_1761 = arith.addf %scan3A_1615, %mul3A_1760 : vector<16xf32>
          %mul3A_1762 = arith.mulf %get3A_1667, %get3A_1715 : vector<16xf32>
          %add3A_1763 = arith.addf %scan3A_1616, %mul3A_1762 : vector<16xf32>
          %mul3A_1764 = arith.mulf %get3A_1667, %get3A_1721 : vector<16xf32>
          %add3A_1765 = arith.addf %scan3A_1617, %mul3A_1764 : vector<16xf32>
          %mul3A_1766 = arith.mulf %get3A_1667, %get3A_1727 : vector<16xf32>
          %add3A_1767 = arith.addf %scan3A_1618, %mul3A_1766 : vector<16xf32>
          %mul3A_1768 = arith.mulf %get3A_1667, %get3A_1733 : vector<16xf32>
          %add3A_1769 = arith.addf %scan3A_1619, %mul3A_1768 : vector<16xf32>
          %mul3A_1770 = arith.mulf %get3A_1673, %get3A_1703 : vector<16xf32>
          %add3A_1771 = arith.addf %scan3A_1620, %mul3A_1770 : vector<16xf32>
          %mul3A_1772 = arith.mulf %get3A_1673, %get3A_1709 : vector<16xf32>
          %add3A_1773 = arith.addf %scan3A_1621, %mul3A_1772 : vector<16xf32>
          %mul3A_1774 = arith.mulf %get3A_1673, %get3A_1715 : vector<16xf32>
          %add3A_1775 = arith.addf %scan3A_1622, %mul3A_1774 : vector<16xf32>
          %mul3A_1776 = arith.mulf %get3A_1673, %get3A_1721 : vector<16xf32>
          %add3A_1777 = arith.addf %scan3A_1623, %mul3A_1776 : vector<16xf32>
          %mul3A_1778 = arith.mulf %get3A_1673, %get3A_1727 : vector<16xf32>
          %add3A_1779 = arith.addf %scan3A_1624, %mul3A_1778 : vector<16xf32>
          %mul3A_1780 = arith.mulf %get3A_1673, %get3A_1733 : vector<16xf32>
          %add3A_1781 = arith.addf %scan3A_1625, %mul3A_1780 : vector<16xf32>
          %mul3A_1782 = arith.mulf %get3A_1679, %get3A_1703 : vector<16xf32>
          %add3A_1783 = arith.addf %scan3A_1626, %mul3A_1782 : vector<16xf32>
          %mul3A_1784 = arith.mulf %get3A_1679, %get3A_1709 : vector<16xf32>
          %add3A_1785 = arith.addf %scan3A_1627, %mul3A_1784 : vector<16xf32>
          %mul3A_1786 = arith.mulf %get3A_1679, %get3A_1715 : vector<16xf32>
          %add3A_1787 = arith.addf %scan3A_1628, %mul3A_1786 : vector<16xf32>
          %mul3A_1788 = arith.mulf %get3A_1679, %get3A_1721 : vector<16xf32>
          %add3A_1789 = arith.addf %scan3A_1629, %mul3A_1788 : vector<16xf32>
          %mul3A_1790 = arith.mulf %get3A_1679, %get3A_1727 : vector<16xf32>
          %add3A_1791 = arith.addf %scan3A_1630, %mul3A_1790 : vector<16xf32>
          %mul3A_1792 = arith.mulf %get3A_1679, %get3A_1733 : vector<16xf32>
          %add3A_1793 = arith.addf %scan3A_1631, %mul3A_1792 : vector<16xf32>
          %mul3A_1794 = arith.mulf %get3A_1685, %get3A_1703 : vector<16xf32>
          %add3A_1795 = arith.addf %scan3A_1632, %mul3A_1794 : vector<16xf32>
          %mul3A_1796 = arith.mulf %get3A_1685, %get3A_1709 : vector<16xf32>
          %add3A_1797 = arith.addf %scan3A_1633, %mul3A_1796 : vector<16xf32>
          %mul3A_1798 = arith.mulf %get3A_1685, %get3A_1715 : vector<16xf32>
          %add3A_1799 = arith.addf %scan3A_1634, %mul3A_1798 : vector<16xf32>
          %mul3A_1800 = arith.mulf %get3A_1685, %get3A_1721 : vector<16xf32>
          %add3A_1801 = arith.addf %scan3A_1635, %mul3A_1800 : vector<16xf32>
          %mul3A_1802 = arith.mulf %get3A_1685, %get3A_1727 : vector<16xf32>
          %add3A_1803 = arith.addf %scan3A_1636, %mul3A_1802 : vector<16xf32>
          %mul3A_1804 = arith.mulf %get3A_1685, %get3A_1733 : vector<16xf32>
          %add3A_1805 = arith.addf %scan3A_1637, %mul3A_1804 : vector<16xf32>
          %mul3A_1806 = arith.mulf %get3A_1691, %get3A_1703 : vector<16xf32>
          %add3A_1807 = arith.addf %scan3A_1638, %mul3A_1806 : vector<16xf32>
          %mul3A_1808 = arith.mulf %get3A_1691, %get3A_1709 : vector<16xf32>
          %add3A_1809 = arith.addf %scan3A_1639, %mul3A_1808 : vector<16xf32>
          %mul3A_1810 = arith.mulf %get3A_1691, %get3A_1715 : vector<16xf32>
          %add3A_1811 = arith.addf %scan3A_1640, %mul3A_1810 : vector<16xf32>
          %mul3A_1812 = arith.mulf %get3A_1691, %get3A_1721 : vector<16xf32>
          %add3A_1813 = arith.addf %scan3A_1641, %mul3A_1812 : vector<16xf32>
          %mul3A_1814 = arith.mulf %get3A_1691, %get3A_1727 : vector<16xf32>
          %add3A_1815 = arith.addf %scan3A_1642, %mul3A_1814 : vector<16xf32>
          %mul3A_1816 = arith.mulf %get3A_1691, %get3A_1733 : vector<16xf32>
          %add3A_1817 = arith.addf %scan3A_1643, %mul3A_1816 : vector<16xf32>
          %mul3A_1818 = arith.mulf %get3A_1697, %get3A_1703 : vector<16xf32>
          %add3A_1819 = arith.addf %scan3A_1644, %mul3A_1818 : vector<16xf32>
          %mul3A_1820 = arith.mulf %get3A_1697, %get3A_1709 : vector<16xf32>
          %add3A_1821 = arith.addf %scan3A_1645, %mul3A_1820 : vector<16xf32>
          %mul3A_1822 = arith.mulf %get3A_1697, %get3A_1715 : vector<16xf32>
          %add3A_1823 = arith.addf %scan3A_1646, %mul3A_1822 : vector<16xf32>
          %mul3A_1824 = arith.mulf %get3A_1697, %get3A_1721 : vector<16xf32>
          %add3A_1825 = arith.addf %scan3A_1647, %mul3A_1824 : vector<16xf32>
          %mul3A_1826 = arith.mulf %get3A_1697, %get3A_1727 : vector<16xf32>
          %add3A_1827 = arith.addf %scan3A_1648, %mul3A_1826 : vector<16xf32>
          %mul3A_1828 = arith.mulf %get3A_1697, %get3A_1733 : vector<16xf32>
          %add3A_1829 = arith.addf %scan3A_1649, %mul3A_1828 : vector<16xf32>
          scf.yield %add3A_1735, %add3A_1737, %add3A_1739, %add3A_1741, %add3A_1743, %add3A_1745, %add3A_1747, %add3A_1749, %add3A_1751, %add3A_1753, %add3A_1755, %add3A_1757, %add3A_1759, %add3A_1761, %add3A_1763, %add3A_1765, %add3A_1767, %add3A_1769, %add3A_1771, %add3A_1773, %add3A_1775, %add3A_1777, %add3A_1779, %add3A_1781, %add3A_1783, %add3A_1785, %add3A_1787, %add3A_1789, %add3A_1791, %add3A_1793, %add3A_1795, %add3A_1797, %add3A_1799, %add3A_1801, %add3A_1803, %add3A_1805, %add3A_1807, %add3A_1809, %add3A_1811, %add3A_1813, %add3A_1815, %add3A_1817, %add3A_1819, %add3A_1821, %add3A_1823, %add3A_1825, %add3A_1827, %add3A_1829 : vector<16xf32>, vector<16xf32>, vector<16xf32>, vector<16xf32>, vector<16xf32>, vector<16xf32>, vector<16xf32>, vector<16xf32>, vector<16xf32>, vector<16xf32>, vector<16xf32>, vector<16xf32>, vector<16xf32>, vector<16xf32>, vector<16xf32>, vector<16xf32>, vector<16xf32>, vector<16xf32>, vector<16xf32>, vector<16xf32>, vector<16xf32>, vector<16xf32>, vector<16xf32>, vector<16xf32>, vector<16xf32>, vector<16xf32>, vector<16xf32>, vector<16xf32>, vector<16xf32>, vector<16xf32>, vector<16xf32>, vector<16xf32>, vector<16xf32>, vector<16xf32>, vector<16xf32>, vector<16xf32>, vector<16xf32>, vector<16xf32>, vector<16xf32>, vector<16xf32>, vector<16xf32>, vector<16xf32>, vector<16xf32>, vector<16xf32>, vector<16xf32>, vector<16xf32>, vector<16xf32>, vector<16xf32>
        }
        %scan3A_1216 = arith.constant 128 : i32
        %add3A_1217 = arith.constant 0 : i32
        %add3A_1218 = arith.addi %mul3A_149, %add3A_1217 : i32
        %swap3A_1219 = arith.constant 8 : i32
        %swap3A_1220 = arith.index_cast %swap3A_1219 : i32 to index
        %swap3A_1221 = arith.index_cast %add3A_1218 : i32 to index
        %swap3A_1222 = tpu.vector_load %arg11[%swap3A_1220, %swap3A_1221] {strides = array<i32>} : memref<16x576xf32, #tpu.memory_space<vmem>>, vector<1x16xf32>,
        %swap3A_1223 = vector.shape_cast %swap3A_1222 : vector<1x16xf32> to vector<16xf32>
        %swap3A_1224 = vector.shape_cast %scan3A_1215#0 : vector<16xf32> to vector<1x16xf32>
        tpu.vector_store %arg11[%swap3A_1220, %swap3A_1221], %swap3A_1224 {strides = array<i32>} : memref<16x576xf32, #tpu.memory_space<vmem>>, vector<1x16xf32>,
        %add3A_1225 = arith.constant 16 : i32
        %add3A_1226 = arith.addi %mul3A_149, %add3A_1225 : i32
        %swap3A_1227 = arith.constant 8 : i32
        %swap3A_1228 = arith.index_cast %swap3A_1227 : i32 to index
        %swap3A_1229 = arith.index_cast %add3A_1226 : i32 to index
        %swap3A_1230 = tpu.vector_load %arg11[%swap3A_1228, %swap3A_1229] {strides = array<i32>} : memref<16x576xf32, #tpu.memory_space<vmem>>, vector<1x16xf32>,
        %swap3A_1231 = vector.shape_cast %swap3A_1230 : vector<1x16xf32> to vector<16xf32>
        %swap3A_1232 = vector.shape_cast %scan3A_1215#1 : vector<16xf32> to vector<1x16xf32>
        tpu.vector_store %arg11[%swap3A_1228, %swap3A_1229], %swap3A_1232 {strides = array<i32>} : memref<16x576xf32, #tpu.memory_space<vmem>>, vector<1x16xf32>,
        %add3A_1233 = arith.constant 32 : i32
        %add3A_1234 = arith.addi %mul3A_149, %add3A_1233 : i32
        %swap3A_1235 = arith.constant 8 : i32
        %swap3A_1236 = arith.index_cast %swap3A_1235 : i32 to index
        %swap3A_1237 = arith.index_cast %add3A_1234 : i32 to index
        %swap3A_1238 = tpu.vector_load %arg11[%swap3A_1236, %swap3A_1237] {strides = array<i32>} : memref<16x576xf32, #tpu.memory_space<vmem>>, vector<1x16xf32>,
        %swap3A_1239 = vector.shape_cast %swap3A_1238 : vector<1x16xf32> to vector<16xf32>
        %swap3A_1240 = vector.shape_cast %scan3A_1215#2 : vector<16xf32> to vector<1x16xf32>
        tpu.vector_store %arg11[%swap3A_1236, %swap3A_1237], %swap3A_1240 {strides = array<i32>} : memref<16x576xf32, #tpu.memory_space<vmem>>, vector<1x16xf32>,
        %add3A_1241 = arith.constant 48 : i32
        %add3A_1242 = arith.addi %mul3A_149, %add3A_1241 : i32
        %swap3A_1243 = arith.constant 8 : i32
        %swap3A_1244 = arith.index_cast %swap3A_1243 : i32 to index
        %swap3A_1245 = arith.index_cast %add3A_1242 : i32 to index
        %swap3A_1246 = tpu.vector_load %arg11[%swap3A_1244, %swap3A_1245] {strides = array<i32>} : memref<16x576xf32, #tpu.memory_space<vmem>>, vector<1x16xf32>,
        %swap3A_1247 = vector.shape_cast %swap3A_1246 : vector<1x16xf32> to vector<16xf32>
        %swap3A_1248 = vector.shape_cast %scan3A_1215#3 : vector<16xf32> to vector<1x16xf32>
        tpu.vector_store %arg11[%swap3A_1244, %swap3A_1245], %swap3A_1248 {strides = array<i32>} : memref<16x576xf32, #tpu.memory_space<vmem>>, vector<1x16xf32>,
        %add3A_1249 = arith.constant 64 : i32
        %add3A_1250 = arith.addi %mul3A_149, %add3A_1249 : i32
        %swap3A_1251 = arith.constant 8 : i32
        %swap3A_1252 = arith.index_cast %swap3A_1251 : i32 to index
        %swap3A_1253 = arith.index_cast %add3A_1250 : i32 to index
        %swap3A_1254 = tpu.vector_load %arg11[%swap3A_1252, %swap3A_1253] {strides = array<i32>} : memref<16x576xf32, #tpu.memory_space<vmem>>, vector<1x16xf32>,
        %swap3A_1255 = vector.shape_cast %swap3A_1254 : vector<1x16xf32> to vector<16xf32>
        %swap3A_1256 = vector.shape_cast %scan3A_1215#4 : vector<16xf32> to vector<1x16xf32>
        tpu.vector_store %arg11[%swap3A_1252, %swap3A_1253], %swap3A_1256 {strides = array<i32>} : memref<16x576xf32, #tpu.memory_space<vmem>>, vector<1x16xf32>,
        %add3A_1257 = arith.constant 80 : i32
        %add3A_1258 = arith.addi %mul3A_149, %add3A_1257 : i32
        %swap3A_1259 = arith.constant 8 : i32
        %swap3A_1260 = arith.index_cast %swap3A_1259 : i32 to index
        %swap3A_1261 = arith.index_cast %add3A_1258 : i32 to index
        %swap3A_1262 = tpu.vector_load %arg11[%swap3A_1260, %swap3A_1261] {strides = array<i32>} : memref<16x576xf32, #tpu.memory_space<vmem>>, vector<1x16xf32>,
        %swap3A_1263 = vector.shape_cast %swap3A_1262 : vector<1x16xf32> to vector<16xf32>
        %swap3A_1264 = vector.shape_cast %scan3A_1215#5 : vector<16xf32> to vector<1x16xf32>
        tpu.vector_store %arg11[%swap3A_1260, %swap3A_1261], %swap3A_1264 {strides = array<i32>} : memref<16x576xf32, #tpu.memory_space<vmem>>, vector<1x16xf32>,
        %add3A_1265 = arith.constant 0 : i32
        %add3A_1266 = arith.addi %mul3A_149, %add3A_1265 : i32
        %swap3A_1267 = arith.constant 9 : i32
        %swap3A_1268 = arith.index_cast %swap3A_1267 : i32 to index
        %swap3A_1269 = arith.index_cast %add3A_1266 : i32 to index
        %swap3A_1270 = tpu.vector_load %arg11[%swap3A_1268, %swap3A_1269] {strides = array<i32>} : memref<16x576xf32, #tpu.memory_space<vmem>>, vector<1x16xf32>,
        %swap3A_1271 = vector.shape_cast %swap3A_1270 : vector<1x16xf32> to vector<16xf32>
        %swap3A_1272 = vector.shape_cast %scan3A_1215#6 : vector<16xf32> to vector<1x16xf32>
        tpu.vector_store %arg11[%swap3A_1268, %swap3A_1269], %swap3A_1272 {strides = array<i32>} : memref<16x576xf32, #tpu.memory_space<vmem>>, vector<1x16xf32>,
        %add3A_1273 = arith.constant 16 : i32
        %add3A_1274 = arith.addi %mul3A_149, %add3A_1273 : i32
        %swap3A_1275 = arith.constant 9 : i32
        %swap3A_1276 = arith.index_cast %swap3A_1275 : i32 to index
        %swap3A_1277 = arith.index_cast %add3A_1274 : i32 to index
        %swap3A_1278 = tpu.vector_load %arg11[%swap3A_1276, %swap3A_1277] {strides = array<i32>} : memref<16x576xf32, #tpu.memory_space<vmem>>, vector<1x16xf32>,
        %swap3A_1279 = vector.shape_cast %swap3A_1278 : vector<1x16xf32> to vector<16xf32>
        %swap3A_1280 = vector.shape_cast %scan3A_1215#7 : vector<16xf32> to vector<1x16xf32>
        tpu.vector_store %arg11[%swap3A_1276, %swap3A_1277], %swap3A_1280 {strides = array<i32>} : memref<16x576xf32, #tpu.memory_space<vmem>>, vector<1x16xf32>,
        %add3A_1281 = arith.constant 32 : i32
        %add3A_1282 = arith.addi %mul3A_149, %add3A_1281 : i32
        %swap3A_1283 = arith.constant 9 : i32
        %swap3A_1284 = arith.index_cast %swap3A_1283 : i32 to index
        %swap3A_1285 = arith.index_cast %add3A_1282 : i32 to index
        %swap3A_1286 = tpu.vector_load %arg11[%swap3A_1284, %swap3A_1285] {strides = array<i32>} : memref<16x576xf32, #tpu.memory_space<vmem>>, vector<1x16xf32>,
        %swap3A_1287 = vector.shape_cast %swap3A_1286 : vector<1x16xf32> to vector<16xf32>
        %swap3A_1288 = vector.shape_cast %scan3A_1215#8 : vector<16xf32> to vector<1x16xf32>
        tpu.vector_store %arg11[%swap3A_1284, %swap3A_1285], %swap3A_1288 {strides = array<i32>} : memref<16x576xf32, #tpu.memory_space<vmem>>, vector<1x16xf32>,
        %add3A_1289 = arith.constant 48 : i32
        %add3A_1290 = arith.addi %mul3A_149, %add3A_1289 : i32
        %swap3A_1291 = arith.constant 9 : i32
        %swap3A_1292 = arith.index_cast %swap3A_1291 : i32 to index
        %swap3A_1293 = arith.index_cast %add3A_1290 : i32 to index
        %swap3A_1294 = tpu.vector_load %arg11[%swap3A_1292, %swap3A_1293] {strides = array<i32>} : memref<16x576xf32, #tpu.memory_space<vmem>>, vector<1x16xf32>,
        %swap3A_1295 = vector.shape_cast %swap3A_1294 : vector<1x16xf32> to vector<16xf32>
        %swap3A_1296 = vector.shape_cast %scan3A_1215#9 : vector<16xf32> to vector<1x16xf32>
        tpu.vector_store %arg11[%swap3A_1292, %swap3A_1293], %swap3A_1296 {strides = array<i32>} : memref<16x576xf32, #tpu.memory_space<vmem>>, vector<1x16xf32>,
        %add3A_1297 = arith.constant 64 : i32
        %add3A_1298 = arith.addi %mul3A_149, %add3A_1297 : i32
        %swap3A_1299 = arith.constant 9 : i32
        %swap3A_1300 = arith.index_cast %swap3A_1299 : i32 to index
        %swap3A_1301 = arith.index_cast %add3A_1298 : i32 to index
        %swap3A_1302 = tpu.vector_load %arg11[%swap3A_1300, %swap3A_1301] {strides = array<i32>} : memref<16x576xf32, #tpu.memory_space<vmem>>, vector<1x16xf32>,
        %swap3A_1303 = vector.shape_cast %swap3A_1302 : vector<1x16xf32> to vector<16xf32>
        %swap3A_1304 = vector.shape_cast %scan3A_1215#10 : vector<16xf32> to vector<1x16xf32>
        tpu.vector_store %arg11[%swap3A_1300, %swap3A_1301], %swap3A_1304 {strides = array<i32>} : memref<16x576xf32, #tpu.memory_space<vmem>>, vector<1x16xf32>,
        %add3A_1305 = arith.constant 80 : i32
        %add3A_1306 = arith.addi %mul3A_149, %add3A_1305 : i32
        %swap3A_1307 = arith.constant 9 : i32
        %swap3A_1308 = arith.index_cast %swap3A_1307 : i32 to index
        %swap3A_1309 = arith.index_cast %add3A_1306 : i32 to index
        %swap3A_1310 = tpu.vector_load %arg11[%swap3A_1308, %swap3A_1309] {strides = array<i32>} : memref<16x576xf32, #tpu.memory_space<vmem>>, vector<1x16xf32>,
        %swap3A_1311 = vector.shape_cast %swap3A_1310 : vector<1x16xf32> to vector<16xf32>
        %swap3A_1312 = vector.shape_cast %scan3A_1215#11 : vector<16xf32> to vector<1x16xf32>
        tpu.vector_store %arg11[%swap3A_1308, %swap3A_1309], %swap3A_1312 {strides = array<i32>} : memref<16x576xf32, #tpu.memory_space<vmem>>, vector<1x16xf32>,
        %add3A_1313 = arith.constant 0 : i32
        %add3A_1314 = arith.addi %mul3A_149, %add3A_1313 : i32
        %swap3A_1315 = arith.constant 10 : i32
        %swap3A_1316 = arith.index_cast %swap3A_1315 : i32 to index
        %swap3A_1317 = arith.index_cast %add3A_1314 : i32 to index
        %swap3A_1318 = tpu.vector_load %arg11[%swap3A_1316, %swap3A_1317] {strides = array<i32>} : memref<16x576xf32, #tpu.memory_space<vmem>>, vector<1x16xf32>,
        %swap3A_1319 = vector.shape_cast %swap3A_1318 : vector<1x16xf32> to vector<16xf32>
        %swap3A_1320 = vector.shape_cast %scan3A_1215#12 : vector<16xf32> to vector<1x16xf32>
        tpu.vector_store %arg11[%swap3A_1316, %swap3A_1317], %swap3A_1320 {strides = array<i32>} : memref<16x576xf32, #tpu.memory_space<vmem>>, vector<1x16xf32>,
        %add3A_1321 = arith.constant 16 : i32
        %add3A_1322 = arith.addi %mul3A_149, %add3A_1321 : i32
        %swap3A_1323 = arith.constant 10 : i32
        %swap3A_1324 = arith.index_cast %swap3A_1323 : i32 to index
        %swap3A_1325 = arith.index_cast %add3A_1322 : i32 to index
        %swap3A_1326 = tpu.vector_load %arg11[%swap3A_1324, %swap3A_1325] {strides = array<i32>} : memref<16x576xf32, #tpu.memory_space<vmem>>, vector<1x16xf32>,
        %swap3A_1327 = vector.shape_cast %swap3A_1326 : vector<1x16xf32> to vector<16xf32>
        %swap3A_1328 = vector.shape_cast %scan3A_1215#13 : vector<16xf32> to vector<1x16xf32>
        tpu.vector_store %arg11[%swap3A_1324, %swap3A_1325], %swap3A_1328 {strides = array<i32>} : memref<16x576xf32, #tpu.memory_space<vmem>>, vector<1x16xf32>,
        %add3A_1329 = arith.constant 32 : i32
        %add3A_1330 = arith.addi %mul3A_149, %add3A_1329 : i32
        %swap3A_1331 = arith.constant 10 : i32
        %swap3A_1332 = arith.index_cast %swap3A_1331 : i32 to index
        %swap3A_1333 = arith.index_cast %add3A_1330 : i32 to index
        %swap3A_1334 = tpu.vector_load %arg11[%swap3A_1332, %swap3A_1333] {strides = array<i32>} : memref<16x576xf32, #tpu.memory_space<vmem>>, vector<1x16xf32>,
        %swap3A_1335 = vector.shape_cast %swap3A_1334 : vector<1x16xf32> to vector<16xf32>
        %swap3A_1336 = vector.shape_cast %scan3A_1215#14 : vector<16xf32> to vector<1x16xf32>
        tpu.vector_store %arg11[%swap3A_1332, %swap3A_1333], %swap3A_1336 {strides = array<i32>} : memref<16x576xf32, #tpu.memory_space<vmem>>, vector<1x16xf32>,
        %add3A_1337 = arith.constant 48 : i32
        %add3A_1338 = arith.addi %mul3A_149, %add3A_1337 : i32
        %swap3A_1339 = arith.constant 10 : i32
        %swap3A_1340 = arith.index_cast %swap3A_1339 : i32 to index
        %swap3A_1341 = arith.index_cast %add3A_1338 : i32 to index
        %swap3A_1342 = tpu.vector_load %arg11[%swap3A_1340, %swap3A_1341] {strides = array<i32>} : memref<16x576xf32, #tpu.memory_space<vmem>>, vector<1x16xf32>,
        %swap3A_1343 = vector.shape_cast %swap3A_1342 : vector<1x16xf32> to vector<16xf32>
        %swap3A_1344 = vector.shape_cast %scan3A_1215#15 : vector<16xf32> to vector<1x16xf32>
        tpu.vector_store %arg11[%swap3A_1340, %swap3A_1341], %swap3A_1344 {strides = array<i32>} : memref<16x576xf32, #tpu.memory_space<vmem>>, vector<1x16xf32>,
        %add3A_1345 = arith.constant 64 : i32
        %add3A_1346 = arith.addi %mul3A_149, %add3A_1345 : i32
        %swap3A_1347 = arith.constant 10 : i32
        %swap3A_1348 = arith.index_cast %swap3A_1347 : i32 to index
        %swap3A_1349 = arith.index_cast %add3A_1346 : i32 to index
        %swap3A_1350 = tpu.vector_load %arg11[%swap3A_1348, %swap3A_1349] {strides = array<i32>} : memref<16x576xf32, #tpu.memory_space<vmem>>, vector<1x16xf32>,
        %swap3A_1351 = vector.shape_cast %swap3A_1350 : vector<1x16xf32> to vector<16xf32>
        %swap3A_1352 = vector.shape_cast %scan3A_1215#16 : vector<16xf32> to vector<1x16xf32>
        tpu.vector_store %arg11[%swap3A_1348, %swap3A_1349], %swap3A_1352 {strides = array<i32>} : memref<16x576xf32, #tpu.memory_space<vmem>>, vector<1x16xf32>,
        %add3A_1353 = arith.constant 80 : i32
        %add3A_1354 = arith.addi %mul3A_149, %add3A_1353 : i32
        %swap3A_1355 = arith.constant 10 : i32
        %swap3A_1356 = arith.index_cast %swap3A_1355 : i32 to index
        %swap3A_1357 = arith.index_cast %add3A_1354 : i32 to index
        %swap3A_1358 = tpu.vector_load %arg11[%swap3A_1356, %swap3A_1357] {strides = array<i32>} : memref<16x576xf32, #tpu.memory_space<vmem>>, vector<1x16xf32>,
        %swap3A_1359 = vector.shape_cast %swap3A_1358 : vector<1x16xf32> to vector<16xf32>
        %swap3A_1360 = vector.shape_cast %scan3A_1215#17 : vector<16xf32> to vector<1x16xf32>
        tpu.vector_store %arg11[%swap3A_1356, %swap3A_1357], %swap3A_1360 {strides = array<i32>} : memref<16x576xf32, #tpu.memory_space<vmem>>, vector<1x16xf32>,
        %add3A_1361 = arith.constant 0 : i32
        %add3A_1362 = arith.addi %mul3A_149, %add3A_1361 : i32
        %swap3A_1363 = arith.constant 11 : i32
        %swap3A_1364 = arith.index_cast %swap3A_1363 : i32 to index
        %swap3A_1365 = arith.index_cast %add3A_1362 : i32 to index
        %swap3A_1366 = tpu.vector_load %arg11[%swap3A_1364, %swap3A_1365] {strides = array<i32>} : memref<16x576xf32, #tpu.memory_space<vmem>>, vector<1x16xf32>,
        %swap3A_1367 = vector.shape_cast %swap3A_1366 : vector<1x16xf32> to vector<16xf32>
        %swap3A_1368 = vector.shape_cast %scan3A_1215#18 : vector<16xf32> to vector<1x16xf32>
        tpu.vector_store %arg11[%swap3A_1364, %swap3A_1365], %swap3A_1368 {strides = array<i32>} : memref<16x576xf32, #tpu.memory_space<vmem>>, vector<1x16xf32>,
        %add3A_1369 = arith.constant 16 : i32
        %add3A_1370 = arith.addi %mul3A_149, %add3A_1369 : i32
        %swap3A_1371 = arith.constant 11 : i32
        %swap3A_1372 = arith.index_cast %swap3A_1371 : i32 to index
        %swap3A_1373 = arith.index_cast %add3A_1370 : i32 to index
        %swap3A_1374 = tpu.vector_load %arg11[%swap3A_1372, %swap3A_1373] {strides = array<i32>} : memref<16x576xf32, #tpu.memory_space<vmem>>, vector<1x16xf32>,
        %swap3A_1375 = vector.shape_cast %swap3A_1374 : vector<1x16xf32> to vector<16xf32>
        %swap3A_1376 = vector.shape_cast %scan3A_1215#19 : vector<16xf32> to vector<1x16xf32>
        tpu.vector_store %arg11[%swap3A_1372, %swap3A_1373], %swap3A_1376 {strides = array<i32>} : memref<16x576xf32, #tpu.memory_space<vmem>>, vector<1x16xf32>,
        %add3A_1377 = arith.constant 32 : i32
        %add3A_1378 = arith.addi %mul3A_149, %add3A_1377 : i32
        %swap3A_1379 = arith.constant 11 : i32
        %swap3A_1380 = arith.index_cast %swap3A_1379 : i32 to index
        %swap3A_1381 = arith.index_cast %add3A_1378 : i32 to index
        %swap3A_1382 = tpu.vector_load %arg11[%swap3A_1380, %swap3A_1381] {strides = array<i32>} : memref<16x576xf32, #tpu.memory_space<vmem>>, vector<1x16xf32>,
        %swap3A_1383 = vector.shape_cast %swap3A_1382 : vector<1x16xf32> to vector<16xf32>
        %swap3A_1384 = vector.shape_cast %scan3A_1215#20 : vector<16xf32> to vector<1x16xf32>
        tpu.vector_store %arg11[%swap3A_1380, %swap3A_1381], %swap3A_1384 {strides = array<i32>} : memref<16x576xf32, #tpu.memory_space<vmem>>, vector<1x16xf32>,
        %add3A_1385 = arith.constant 48 : i32
        %add3A_1386 = arith.addi %mul3A_149, %add3A_1385 : i32
        %swap3A_1387 = arith.constant 11 : i32
        %swap3A_1388 = arith.index_cast %swap3A_1387 : i32 to index
        %swap3A_1389 = arith.index_cast %add3A_1386 : i32 to index
        %swap3A_1390 = tpu.vector_load %arg11[%swap3A_1388, %swap3A_1389] {strides = array<i32>} : memref<16x576xf32, #tpu.memory_space<vmem>>, vector<1x16xf32>,
        %swap3A_1391 = vector.shape_cast %swap3A_1390 : vector<1x16xf32> to vector<16xf32>
        %swap3A_1392 = vector.shape_cast %scan3A_1215#21 : vector<16xf32> to vector<1x16xf32>
        tpu.vector_store %arg11[%swap3A_1388, %swap3A_1389], %swap3A_1392 {strides = array<i32>} : memref<16x576xf32, #tpu.memory_space<vmem>>, vector<1x16xf32>,
        %add3A_1393 = arith.constant 64 : i32
        %add3A_1394 = arith.addi %mul3A_149, %add3A_1393 : i32
        %swap3A_1395 = arith.constant 11 : i32
        %swap3A_1396 = arith.index_cast %swap3A_1395 : i32 to index
        %swap3A_1397 = arith.index_cast %add3A_1394 : i32 to index
        %swap3A_1398 = tpu.vector_load %arg11[%swap3A_1396, %swap3A_1397] {strides = array<i32>} : memref<16x576xf32, #tpu.memory_space<vmem>>, vector<1x16xf32>,
        %swap3A_1399 = vector.shape_cast %swap3A_1398 : vector<1x16xf32> to vector<16xf32>
        %swap3A_1400 = vector.shape_cast %scan3A_1215#22 : vector<16xf32> to vector<1x16xf32>
        tpu.vector_store %arg11[%swap3A_1396, %swap3A_1397], %swap3A_1400 {strides = array<i32>} : memref<16x576xf32, #tpu.memory_space<vmem>>, vector<1x16xf32>,
        %add3A_1401 = arith.constant 80 : i32
        %add3A_1402 = arith.addi %mul3A_149, %add3A_1401 : i32
        %swap3A_1403 = arith.constant 11 : i32
        %swap3A_1404 = arith.index_cast %swap3A_1403 : i32 to index
        %swap3A_1405 = arith.index_cast %add3A_1402 : i32 to index
        %swap3A_1406 = tpu.vector_load %arg11[%swap3A_1404, %swap3A_1405] {strides = array<i32>} : memref<16x576xf32, #tpu.memory_space<vmem>>, vector<1x16xf32>,
        %swap3A_1407 = vector.shape_cast %swap3A_1406 : vector<1x16xf32> to vector<16xf32>
        %swap3A_1408 = vector.shape_cast %scan3A_1215#23 : vector<16xf32> to vector<1x16xf32>
        tpu.vector_store %arg11[%swap3A_1404, %swap3A_1405], %swap3A_1408 {strides = array<i32>} : memref<16x576xf32, #tpu.memory_space<vmem>>, vector<1x16xf32>,
        %add3A_1409 = arith.constant 0 : i32
        %add3A_1410 = arith.addi %mul3A_149, %add3A_1409 : i32
        %swap3A_1411 = arith.constant 12 : i32
        %swap3A_1412 = arith.index_cast %swap3A_1411 : i32 to index
        %swap3A_1413 = arith.index_cast %add3A_1410 : i32 to index
        %swap3A_1414 = tpu.vector_load %arg11[%swap3A_1412, %swap3A_1413] {strides = array<i32>} : memref<16x576xf32, #tpu.memory_space<vmem>>, vector<1x16xf32>,
        %swap3A_1415 = vector.shape_cast %swap3A_1414 : vector<1x16xf32> to vector<16xf32>
        %swap3A_1416 = vector.shape_cast %scan3A_1215#24 : vector<16xf32> to vector<1x16xf32>
        tpu.vector_store %arg11[%swap3A_1412, %swap3A_1413], %swap3A_1416 {strides = array<i32>} : memref<16x576xf32, #tpu.memory_space<vmem>>, vector<1x16xf32>,
        %add3A_1417 = arith.constant 16 : i32
        %add3A_1418 = arith.addi %mul3A_149, %add3A_1417 : i32
        %swap3A_1419 = arith.constant 12 : i32
        %swap3A_1420 = arith.index_cast %swap3A_1419 : i32 to index
        %swap3A_1421 = arith.index_cast %add3A_1418 : i32 to index
        %swap3A_1422 = tpu.vector_load %arg11[%swap3A_1420, %swap3A_1421] {strides = array<i32>} : memref<16x576xf32, #tpu.memory_space<vmem>>, vector<1x16xf32>,
        %swap3A_1423 = vector.shape_cast %swap3A_1422 : vector<1x16xf32> to vector<16xf32>
        %swap3A_1424 = vector.shape_cast %scan3A_1215#25 : vector<16xf32> to vector<1x16xf32>
        tpu.vector_store %arg11[%swap3A_1420, %swap3A_1421], %swap3A_1424 {strides = array<i32>} : memref<16x576xf32, #tpu.memory_space<vmem>>, vector<1x16xf32>,
        %add3A_1425 = arith.constant 32 : i32
        %add3A_1426 = arith.addi %mul3A_149, %add3A_1425 : i32
        %swap3A_1427 = arith.constant 12 : i32
        %swap3A_1428 = arith.index_cast %swap3A_1427 : i32 to index
        %swap3A_1429 = arith.index_cast %add3A_1426 : i32 to index
        %swap3A_1430 = tpu.vector_load %arg11[%swap3A_1428, %swap3A_1429] {strides = array<i32>} : memref<16x576xf32, #tpu.memory_space<vmem>>, vector<1x16xf32>,
        %swap3A_1431 = vector.shape_cast %swap3A_1430 : vector<1x16xf32> to vector<16xf32>
        %swap3A_1432 = vector.shape_cast %scan3A_1215#26 : vector<16xf32> to vector<1x16xf32>
        tpu.vector_store %arg11[%swap3A_1428, %swap3A_1429], %swap3A_1432 {strides = array<i32>} : memref<16x576xf32, #tpu.memory_space<vmem>>, vector<1x16xf32>,
        %add3A_1433 = arith.constant 48 : i32
        %add3A_1434 = arith.addi %mul3A_149, %add3A_1433 : i32
        %swap3A_1435 = arith.constant 12 : i32
        %swap3A_1436 = arith.index_cast %swap3A_1435 : i32 to index
        %swap3A_1437 = arith.index_cast %add3A_1434 : i32 to index
        %swap3A_1438 = tpu.vector_load %arg11[%swap3A_1436, %swap3A_1437] {strides = array<i32>} : memref<16x576xf32, #tpu.memory_space<vmem>>, vector<1x16xf32>,
        %swap3A_1439 = vector.shape_cast %swap3A_1438 : vector<1x16xf32> to vector<16xf32>
        %swap3A_1440 = vector.shape_cast %scan3A_1215#27 : vector<16xf32> to vector<1x16xf32>
        tpu.vector_store %arg11[%swap3A_1436, %swap3A_1437], %swap3A_1440 {strides = array<i32>} : memref<16x576xf32, #tpu.memory_space<vmem>>, vector<1x16xf32>,
        %add3A_1441 = arith.constant 64 : i32
        %add3A_1442 = arith.addi %mul3A_149, %add3A_1441 : i32
        %swap3A_1443 = arith.constant 12 : i32
        %swap3A_1444 = arith.index_cast %swap3A_1443 : i32 to index
        %swap3A_1445 = arith.index_cast %add3A_1442 : i32 to index
        %swap3A_1446 = tpu.vector_load %arg11[%swap3A_1444, %swap3A_1445] {strides = array<i32>} : memref<16x576xf32, #tpu.memory_space<vmem>>, vector<1x16xf32>,
        %swap3A_1447 = vector.shape_cast %swap3A_1446 : vector<1x16xf32> to vector<16xf32>
        %swap3A_1448 = vector.shape_cast %scan3A_1215#28 : vector<16xf32> to vector<1x16xf32>
        tpu.vector_store %arg11[%swap3A_1444, %swap3A_1445], %swap3A_1448 {strides = array<i32>} : memref<16x576xf32, #tpu.memory_space<vmem>>, vector<1x16xf32>,
        %add3A_1449 = arith.constant 80 : i32
        %add3A_1450 = arith.addi %mul3A_149, %add3A_1449 : i32
        %swap3A_1451 = arith.constant 12 : i32
        %swap3A_1452 = arith.index_cast %swap3A_1451 : i32 to index
        %swap3A_1453 = arith.index_cast %add3A_1450 : i32 to index
        %swap3A_1454 = tpu.vector_load %arg11[%swap3A_1452, %swap3A_1453] {strides = array<i32>} : memref<16x576xf32, #tpu.memory_space<vmem>>, vector<1x16xf32>,
        %swap3A_1455 = vector.shape_cast %swap3A_1454 : vector<1x16xf32> to vector<16xf32>
        %swap3A_1456 = vector.shape_cast %scan3A_1215#29 : vector<16xf32> to vector<1x16xf32>
        tpu.vector_store %arg11[%swap3A_1452, %swap3A_1453], %swap3A_1456 {strides = array<i32>} : memref<16x576xf32, #tpu.memory_space<vmem>>, vector<1x16xf32>,
        %add3A_1457 = arith.constant 0 : i32
        %add3A_1458 = arith.addi %mul3A_149, %add3A_1457 : i32
        %swap3A_1459 = arith.constant 13 : i32
        %swap3A_1460 = arith.index_cast %swap3A_1459 : i32 to index
        %swap3A_1461 = arith.index_cast %add3A_1458 : i32 to index
        %swap3A_1462 = tpu.vector_load %arg11[%swap3A_1460, %swap3A_1461] {strides = array<i32>} : memref<16x576xf32, #tpu.memory_space<vmem>>, vector<1x16xf32>,
        %swap3A_1463 = vector.shape_cast %swap3A_1462 : vector<1x16xf32> to vector<16xf32>
        %swap3A_1464 = vector.shape_cast %scan3A_1215#30 : vector<16xf32> to vector<1x16xf32>
        tpu.vector_store %arg11[%swap3A_1460, %swap3A_1461], %swap3A_1464 {strides = array<i32>} : memref<16x576xf32, #tpu.memory_space<vmem>>, vector<1x16xf32>,
        %add3A_1465 = arith.constant 16 : i32
        %add3A_1466 = arith.addi %mul3A_149, %add3A_1465 : i32
        %swap3A_1467 = arith.constant 13 : i32
        %swap3A_1468 = arith.index_cast %swap3A_1467 : i32 to index
        %swap3A_1469 = arith.index_cast %add3A_1466 : i32 to index
        %swap3A_1470 = tpu.vector_load %arg11[%swap3A_1468, %swap3A_1469] {strides = array<i32>} : memref<16x576xf32, #tpu.memory_space<vmem>>, vector<1x16xf32>,
        %swap3A_1471 = vector.shape_cast %swap3A_1470 : vector<1x16xf32> to vector<16xf32>
        %swap3A_1472 = vector.shape_cast %scan3A_1215#31 : vector<16xf32> to vector<1x16xf32>
        tpu.vector_store %arg11[%swap3A_1468, %swap3A_1469], %swap3A_1472 {strides = array<i32>} : memref<16x576xf32, #tpu.memory_space<vmem>>, vector<1x16xf32>,
        %add3A_1473 = arith.constant 32 : i32
        %add3A_1474 = arith.addi %mul3A_149, %add3A_1473 : i32
        %swap3A_1475 = arith.constant 13 : i32
        %swap3A_1476 = arith.index_cast %swap3A_1475 : i32 to index
        %swap3A_1477 = arith.index_cast %add3A_1474 : i32 to index
        %swap3A_1478 = tpu.vector_load %arg11[%swap3A_1476, %swap3A_1477] {strides = array<i32>} : memref<16x576xf32, #tpu.memory_space<vmem>>, vector<1x16xf32>,
        %swap3A_1479 = vector.shape_cast %swap3A_1478 : vector<1x16xf32> to vector<16xf32>
        %swap3A_1480 = vector.shape_cast %scan3A_1215#32 : vector<16xf32> to vector<1x16xf32>
        tpu.vector_store %arg11[%swap3A_1476, %swap3A_1477], %swap3A_1480 {strides = array<i32>} : memref<16x576xf32, #tpu.memory_space<vmem>>, vector<1x16xf32>,
        %add3A_1481 = arith.constant 48 : i32
        %add3A_1482 = arith.addi %mul3A_149, %add3A_1481 : i32
        %swap3A_1483 = arith.constant 13 : i32
        %swap3A_1484 = arith.index_cast %swap3A_1483 : i32 to index
        %swap3A_1485 = arith.index_cast %add3A_1482 : i32 to index
        %swap3A_1486 = tpu.vector_load %arg11[%swap3A_1484, %swap3A_1485] {strides = array<i32>} : memref<16x576xf32, #tpu.memory_space<vmem>>, vector<1x16xf32>,
        %swap3A_1487 = vector.shape_cast %swap3A_1486 : vector<1x16xf32> to vector<16xf32>
        %swap3A_1488 = vector.shape_cast %scan3A_1215#33 : vector<16xf32> to vector<1x16xf32>
        tpu.vector_store %arg11[%swap3A_1484, %swap3A_1485], %swap3A_1488 {strides = array<i32>} : memref<16x576xf32, #tpu.memory_space<vmem>>, vector<1x16xf32>,
        %add3A_1489 = arith.constant 64 : i32
        %add3A_1490 = arith.addi %mul3A_149, %add3A_1489 : i32
        %swap3A_1491 = arith.constant 13 : i32
        %swap3A_1492 = arith.index_cast %swap3A_1491 : i32 to index
        %swap3A_1493 = arith.index_cast %add3A_1490 : i32 to index
        %swap3A_1494 = tpu.vector_load %arg11[%swap3A_1492, %swap3A_1493] {strides = array<i32>} : memref<16x576xf32, #tpu.memory_space<vmem>>, vector<1x16xf32>,
        %swap3A_1495 = vector.shape_cast %swap3A_1494 : vector<1x16xf32> to vector<16xf32>
        %swap3A_1496 = vector.shape_cast %scan3A_1215#34 : vector<16xf32> to vector<1x16xf32>
        tpu.vector_store %arg11[%swap3A_1492, %swap3A_1493], %swap3A_1496 {strides = array<i32>} : memref<16x576xf32, #tpu.memory_space<vmem>>, vector<1x16xf32>,
        %add3A_1497 = arith.constant 80 : i32
        %add3A_1498 = arith.addi %mul3A_149, %add3A_1497 : i32
        %swap3A_1499 = arith.constant 13 : i32
        %swap3A_1500 = arith.index_cast %swap3A_1499 : i32 to index
        %swap3A_1501 = arith.index_cast %add3A_1498 : i32 to index
        %swap3A_1502 = tpu.vector_load %arg11[%swap3A_1500, %swap3A_1501] {strides = array<i32>} : memref<16x576xf32, #tpu.memory_space<vmem>>, vector<1x16xf32>,
        %swap3A_1503 = vector.shape_cast %swap3A_1502 : vector<1x16xf32> to vector<16xf32>
        %swap3A_1504 = vector.shape_cast %scan3A_1215#35 : vector<16xf32> to vector<1x16xf32>
        tpu.vector_store %arg11[%swap3A_1500, %swap3A_1501], %swap3A_1504 {strides = array<i32>} : memref<16x576xf32, #tpu.memory_space<vmem>>, vector<1x16xf32>,
        %add3A_1505 = arith.constant 0 : i32
        %add3A_1506 = arith.addi %mul3A_149, %add3A_1505 : i32
        %swap3A_1507 = arith.constant 14 : i32
        %swap3A_1508 = arith.index_cast %swap3A_1507 : i32 to index
        %swap3A_1509 = arith.index_cast %add3A_1506 : i32 to index
        %swap3A_1510 = tpu.vector_load %arg11[%swap3A_1508, %swap3A_1509] {strides = array<i32>} : memref<16x576xf32, #tpu.memory_space<vmem>>, vector<1x16xf32>,
        %swap3A_1511 = vector.shape_cast %swap3A_1510 : vector<1x16xf32> to vector<16xf32>
        %swap3A_1512 = vector.shape_cast %scan3A_1215#36 : vector<16xf32> to vector<1x16xf32>
        tpu.vector_store %arg11[%swap3A_1508, %swap3A_1509], %swap3A_1512 {strides = array<i32>} : memref<16x576xf32, #tpu.memory_space<vmem>>, vector<1x16xf32>,
        %add3A_1513 = arith.constant 16 : i32
        %add3A_1514 = arith.addi %mul3A_149, %add3A_1513 : i32
        %swap3A_1515 = arith.constant 14 : i32
        %swap3A_1516 = arith.index_cast %swap3A_1515 : i32 to index
        %swap3A_1517 = arith.index_cast %add3A_1514 : i32 to index
        %swap3A_1518 = tpu.vector_load %arg11[%swap3A_1516, %swap3A_1517] {strides = array<i32>} : memref<16x576xf32, #tpu.memory_space<vmem>>, vector<1x16xf32>,
        %swap3A_1519 = vector.shape_cast %swap3A_1518 : vector<1x16xf32> to vector<16xf32>
        %swap3A_1520 = vector.shape_cast %scan3A_1215#37 : vector<16xf32> to vector<1x16xf32>
        tpu.vector_store %arg11[%swap3A_1516, %swap3A_1517], %swap3A_1520 {strides = array<i32>} : memref<16x576xf32, #tpu.memory_space<vmem>>, vector<1x16xf32>,
        %add3A_1521 = arith.constant 32 : i32
        %add3A_1522 = arith.addi %mul3A_149, %add3A_1521 : i32
        %swap3A_1523 = arith.constant 14 : i32
        %swap3A_1524 = arith.index_cast %swap3A_1523 : i32 to index
        %swap3A_1525 = arith.index_cast %add3A_1522 : i32 to index
        %swap3A_1526 = tpu.vector_load %arg11[%swap3A_1524, %swap3A_1525] {strides = array<i32>} : memref<16x576xf32, #tpu.memory_space<vmem>>, vector<1x16xf32>,
        %swap3A_1527 = vector.shape_cast %swap3A_1526 : vector<1x16xf32> to vector<16xf32>
        %swap3A_1528 = vector.shape_cast %scan3A_1215#38 : vector<16xf32> to vector<1x16xf32>
        tpu.vector_store %arg11[%swap3A_1524, %swap3A_1525], %swap3A_1528 {strides = array<i32>} : memref<16x576xf32, #tpu.memory_space<vmem>>, vector<1x16xf32>,
        %add3A_1529 = arith.constant 48 : i32
        %add3A_1530 = arith.addi %mul3A_149, %add3A_1529 : i32
        %swap3A_1531 = arith.constant 14 : i32
        %swap3A_1532 = arith.index_cast %swap3A_1531 : i32 to index
        %swap3A_1533 = arith.index_cast %add3A_1530 : i32 to index
        %swap3A_1534 = tpu.vector_load %arg11[%swap3A_1532, %swap3A_1533] {strides = array<i32>} : memref<16x576xf32, #tpu.memory_space<vmem>>, vector<1x16xf32>,
        %swap3A_1535 = vector.shape_cast %swap3A_1534 : vector<1x16xf32> to vector<16xf32>
        %swap3A_1536 = vector.shape_cast %scan3A_1215#39 : vector<16xf32> to vector<1x16xf32>
        tpu.vector_store %arg11[%swap3A_1532, %swap3A_1533], %swap3A_1536 {strides = array<i32>} : memref<16x576xf32, #tpu.memory_space<vmem>>, vector<1x16xf32>,
        %add3A_1537 = arith.constant 64 : i32
        %add3A_1538 = arith.addi %mul3A_149, %add3A_1537 : i32
        %swap3A_1539 = arith.constant 14 : i32
        %swap3A_1540 = arith.index_cast %swap3A_1539 : i32 to index
        %swap3A_1541 = arith.index_cast %add3A_1538 : i32 to index
        %swap3A_1542 = tpu.vector_load %arg11[%swap3A_1540, %swap3A_1541] {strides = array<i32>} : memref<16x576xf32, #tpu.memory_space<vmem>>, vector<1x16xf32>,
        %swap3A_1543 = vector.shape_cast %swap3A_1542 : vector<1x16xf32> to vector<16xf32>
        %swap3A_1544 = vector.shape_cast %scan3A_1215#40 : vector<16xf32> to vector<1x16xf32>
        tpu.vector_store %arg11[%swap3A_1540, %swap3A_1541], %swap3A_1544 {strides = array<i32>} : memref<16x576xf32, #tpu.memory_space<vmem>>, vector<1x16xf32>,
        %add3A_1545 = arith.constant 80 : i32
        %add3A_1546 = arith.addi %mul3A_149, %add3A_1545 : i32
        %swap3A_1547 = arith.constant 14 : i32
        %swap3A_1548 = arith.index_cast %swap3A_1547 : i32 to index
        %swap3A_1549 = arith.index_cast %add3A_1546 : i32 to index
        %swap3A_1550 = tpu.vector_load %arg11[%swap3A_1548, %swap3A_1549] {strides = array<i32>} : memref<16x576xf32, #tpu.memory_space<vmem>>, vector<1x16xf32>,
        %swap3A_1551 = vector.shape_cast %swap3A_1550 : vector<1x16xf32> to vector<16xf32>
        %swap3A_1552 = vector.shape_cast %scan3A_1215#41 : vector<16xf32> to vector<1x16xf32>
        tpu.vector_store %arg11[%swap3A_1548, %swap3A_1549], %swap3A_1552 {strides = array<i32>} : memref<16x576xf32, #tpu.memory_space<vmem>>, vector<1x16xf32>,
        %add3A_1553 = arith.constant 0 : i32
        %add3A_1554 = arith.addi %mul3A_149, %add3A_1553 : i32
        %swap3A_1555 = arith.constant 15 : i32
        %swap3A_1556 = arith.index_cast %swap3A_1555 : i32 to index
        %swap3A_1557 = arith.index_cast %add3A_1554 : i32 to index
        %swap3A_1558 = tpu.vector_load %arg11[%swap3A_1556, %swap3A_1557] {strides = array<i32>} : memref<16x576xf32, #tpu.memory_space<vmem>>, vector<1x16xf32>,
        %swap3A_1559 = vector.shape_cast %swap3A_1558 : vector<1x16xf32> to vector<16xf32>
        %swap3A_1560 = vector.shape_cast %scan3A_1215#42 : vector<16xf32> to vector<1x16xf32>
        tpu.vector_store %arg11[%swap3A_1556, %swap3A_1557], %swap3A_1560 {strides = array<i32>} : memref<16x576xf32, #tpu.memory_space<vmem>>, vector<1x16xf32>,
        %add3A_1561 = arith.constant 16 : i32
        %add3A_1562 = arith.addi %mul3A_149, %add3A_1561 : i32
        %swap3A_1563 = arith.constant 15 : i32
        %swap3A_1564 = arith.index_cast %swap3A_1563 : i32 to index
        %swap3A_1565 = arith.index_cast %add3A_1562 : i32 to index
        %swap3A_1566 = tpu.vector_load %arg11[%swap3A_1564, %swap3A_1565] {strides = array<i32>} : memref<16x576xf32, #tpu.memory_space<vmem>>, vector<1x16xf32>,
        %swap3A_1567 = vector.shape_cast %swap3A_1566 : vector<1x16xf32> to vector<16xf32>
        %swap3A_1568 = vector.shape_cast %scan3A_1215#43 : vector<16xf32> to vector<1x16xf32>
        tpu.vector_store %arg11[%swap3A_1564, %swap3A_1565], %swap3A_1568 {strides = array<i32>} : memref<16x576xf32, #tpu.memory_space<vmem>>, vector<1x16xf32>,
        %add3A_1569 = arith.constant 32 : i32
        %add3A_1570 = arith.addi %mul3A_149, %add3A_1569 : i32
        %swap3A_1571 = arith.constant 15 : i32
        %swap3A_1572 = arith.index_cast %swap3A_1571 : i32 to index
        %swap3A_1573 = arith.index_cast %add3A_1570 : i32 to index
        %swap3A_1574 = tpu.vector_load %arg11[%swap3A_1572, %swap3A_1573] {strides = array<i32>} : memref<16x576xf32, #tpu.memory_space<vmem>>, vector<1x16xf32>,
        %swap3A_1575 = vector.shape_cast %swap3A_1574 : vector<1x16xf32> to vector<16xf32>
        %swap3A_1576 = vector.shape_cast %scan3A_1215#44 : vector<16xf32> to vector<1x16xf32>
        tpu.vector_store %arg11[%swap3A_1572, %swap3A_1573], %swap3A_1576 {strides = array<i32>} : memref<16x576xf32, #tpu.memory_space<vmem>>, vector<1x16xf32>,
        %add3A_1577 = arith.constant 48 : i32
        %add3A_1578 = arith.addi %mul3A_149, %add3A_1577 : i32
        %swap3A_1579 = arith.constant 15 : i32
        %swap3A_1580 = arith.index_cast %swap3A_1579 : i32 to index
        %swap3A_1581 = arith.index_cast %add3A_1578 : i32 to index
        %swap3A_1582 = tpu.vector_load %arg11[%swap3A_1580, %swap3A_1581] {strides = array<i32>} : memref<16x576xf32, #tpu.memory_space<vmem>>, vector<1x16xf32>,
        %swap3A_1583 = vector.shape_cast %swap3A_1582 : vector<1x16xf32> to vector<16xf32>
        %swap3A_1584 = vector.shape_cast %scan3A_1215#45 : vector<16xf32> to vector<1x16xf32>
        tpu.vector_store %arg11[%swap3A_1580, %swap3A_1581], %swap3A_1584 {strides = array<i32>} : memref<16x576xf32, #tpu.memory_space<vmem>>, vector<1x16xf32>,
        %add3A_1585 = arith.constant 64 : i32
        %add3A_1586 = arith.addi %mul3A_149, %add3A_1585 : i32
        %swap3A_1587 = arith.constant 15 : i32
        %swap3A_1588 = arith.index_cast %swap3A_1587 : i32 to index
        %swap3A_1589 = arith.index_cast %add3A_1586 : i32 to index
        %swap3A_1590 = tpu.vector_load %arg11[%swap3A_1588, %swap3A_1589] {strides = array<i32>} : memref<16x576xf32, #tpu.memory_space<vmem>>, vector<1x16xf32>,
        %swap3A_1591 = vector.shape_cast %swap3A_1590 : vector<1x16xf32> to vector<16xf32>
        %swap3A_1592 = vector.shape_cast %scan3A_1215#46 : vector<16xf32> to vector<1x16xf32>
        tpu.vector_store %arg11[%swap3A_1588, %swap3A_1589], %swap3A_1592 {strides = array<i32>} : memref<16x576xf32, #tpu.memory_space<vmem>>, vector<1x16xf32>,
        %add3A_1593 = arith.constant 80 : i32
        %add3A_1594 = arith.addi %mul3A_149, %add3A_1593 : i32
        %swap3A_1595 = arith.constant 15 : i32
        %swap3A_1596 = arith.index_cast %swap3A_1595 : i32 to index
        %swap3A_1597 = arith.index_cast %add3A_1594 : i32 to index
        %swap3A_1598 = tpu.vector_load %arg11[%swap3A_1596, %swap3A_1597] {strides = array<i32>} : memref<16x576xf32, #tpu.memory_space<vmem>>, vector<1x16xf32>,
        %swap3A_1599 = vector.shape_cast %swap3A_1598 : vector<1x16xf32> to vector<16xf32>
        %swap3A_1600 = vector.shape_cast %scan3A_1215#47 : vector<16xf32> to vector<1x16xf32>
        tpu.vector_store %arg11[%swap3A_1596, %swap3A_1597], %swap3A_1600 {strides = array<i32>} : memref<16x576xf32, #tpu.memory_space<vmem>>, vector<1x16xf32>,
      }
      %scan3A_146 = arith.constant 6 : i32
    }
    %scan3A_123 = arith.constant 6 : i32
    %scan3A_124 = arith.constant 0 : i32
    %scan3A_125 = arith.constant 0 : i32
    %scan3A_126 = arith.constant 36 : i32
    %scan3A_127 = arith.addi %scan3A_125, %scan3A_126 : i32
    %scan3A_128 = arith.constant 1 : i32
    scf.for %scan3A_130 = %scan3A_125 to %scan3A_127 step %scan3A_128  : i32 {
      %mul3A_131 = arith.constant 16 : i32
      %mul3A_132 = arith.muli %scan3A_130, %mul3A_131 : i32
      %get3A_133 = arith.constant 0 : i32
      %get3A_134 = arith.index_cast %get3A_133 : i32 to index
      %get3A_135 = arith.index_cast %mul3A_132 : i32 to index
      %get3A_136 = tpu.vector_load %arg11[%get3A_134, %get3A_135] {strides = array<i32>} : memref<16x576xf32, #tpu.memory_space<vmem>>, vector<1x16xf32>,
      %get3A_137 = vector.shape_cast %get3A_136 : vector<1x16xf32> to vector<16xf32>
      %get3A_138 = arith.constant 1 : i32
      %get3A_139 = arith.index_cast %get3A_138 : i32 to index
      %get3A_140 = arith.index_cast %mul3A_132 : i32 to index
      %get3A_141 = tpu.vector_load %arg11[%get3A_139, %get3A_140] {strides = array<i32>} : memref<16x576xf32, #tpu.memory_space<vmem>>, vector<1x16xf32>,
      %get3A_142 = vector.shape_cast %get3A_141 : vector<1x16xf32> to vector<16xf32>
      %get3A_143 = arith.constant 2 : i32
      %get3A_144 = arith.index_cast %get3A_143 : i32 to index
      %get3A_145 = arith.index_cast %mul3A_132 : i32 to index
      %get3A_146 = tpu.vector_load %arg11[%get3A_144, %get3A_145] {strides = array<i32>} : memref<16x576xf32, #tpu.memory_space<vmem>>, vector<1x16xf32>,
      %get3A_147 = vector.shape_cast %get3A_146 : vector<1x16xf32> to vector<16xf32>
      %get3A_148 = arith.constant 3 : i32
      %get3A_149 = arith.index_cast %get3A_148 : i32 to index
      %get3A_150 = arith.index_cast %mul3A_132 : i32 to index
      %get3A_151 = tpu.vector_load %arg11[%get3A_149, %get3A_150] {strides = array<i32>} : memref<16x576xf32, #tpu.memory_space<vmem>>, vector<1x16xf32>,
      %get3A_152 = vector.shape_cast %get3A_151 : vector<1x16xf32> to vector<16xf32>
      %get3A_153 = arith.constant 4 : i32
      %get3A_154 = arith.index_cast %get3A_153 : i32 to index
      %get3A_155 = arith.index_cast %mul3A_132 : i32 to index
      %get3A_156 = tpu.vector_load %arg11[%get3A_154, %get3A_155] {strides = array<i32>} : memref<16x576xf32, #tpu.memory_space<vmem>>, vector<1x16xf32>,
      %get3A_157 = vector.shape_cast %get3A_156 : vector<1x16xf32> to vector<16xf32>
      %get3A_158 = arith.constant 5 : i32
      %get3A_159 = arith.index_cast %get3A_158 : i32 to index
      %get3A_160 = arith.index_cast %mul3A_132 : i32 to index
      %get3A_161 = tpu.vector_load %arg11[%get3A_159, %get3A_160] {strides = array<i32>} : memref<16x576xf32, #tpu.memory_space<vmem>>, vector<1x16xf32>,
      %get3A_162 = vector.shape_cast %get3A_161 : vector<1x16xf32> to vector<16xf32>
      %get3A_163 = arith.constant 6 : i32
      %get3A_164 = arith.index_cast %get3A_163 : i32 to index
      %get3A_165 = arith.index_cast %mul3A_132 : i32 to index
      %get3A_166 = tpu.vector_load %arg11[%get3A_164, %get3A_165] {strides = array<i32>} : memref<16x576xf32, #tpu.memory_space<vmem>>, vector<1x16xf32>,
      %get3A_167 = vector.shape_cast %get3A_166 : vector<1x16xf32> to vector<16xf32>
      %get3A_168 = arith.constant 7 : i32
      %get3A_169 = arith.index_cast %get3A_168 : i32 to index
      %get3A_170 = arith.index_cast %mul3A_132 : i32 to index
      %get3A_171 = tpu.vector_load %arg11[%get3A_169, %get3A_170] {strides = array<i32>} : memref<16x576xf32, #tpu.memory_space<vmem>>, vector<1x16xf32>,
      %get3A_172 = vector.shape_cast %get3A_171 : vector<1x16xf32> to vector<16xf32>
      %get3A_173 = arith.constant 8 : i32
      %get3A_174 = arith.index_cast %get3A_173 : i32 to index
      %get3A_175 = arith.index_cast %mul3A_132 : i32 to index
      %get3A_176 = tpu.vector_load %arg11[%get3A_174, %get3A_175] {strides = array<i32>} : memref<16x576xf32, #tpu.memory_space<vmem>>, vector<1x16xf32>,
      %get3A_177 = vector.shape_cast %get3A_176 : vector<1x16xf32> to vector<16xf32>
      %get3A_178 = arith.constant 9 : i32
      %get3A_179 = arith.index_cast %get3A_178 : i32 to index
      %get3A_180 = arith.index_cast %mul3A_132 : i32 to index
      %get3A_181 = tpu.vector_load %arg11[%get3A_179, %get3A_180] {strides = array<i32>} : memref<16x576xf32, #tpu.memory_space<vmem>>, vector<1x16xf32>,
      %get3A_182 = vector.shape_cast %get3A_181 : vector<1x16xf32> to vector<16xf32>
      %get3A_183 = arith.constant 10 : i32
      %get3A_184 = arith.index_cast %get3A_183 : i32 to index
      %get3A_185 = arith.index_cast %mul3A_132 : i32 to index
      %get3A_186 = tpu.vector_load %arg11[%get3A_184, %get3A_185] {strides = array<i32>} : memref<16x576xf32, #tpu.memory_space<vmem>>, vector<1x16xf32>,
      %get3A_187 = vector.shape_cast %get3A_186 : vector<1x16xf32> to vector<16xf32>
      %get3A_188 = arith.constant 11 : i32
      %get3A_189 = arith.index_cast %get3A_188 : i32 to index
      %get3A_190 = arith.index_cast %mul3A_132 : i32 to index
      %get3A_191 = tpu.vector_load %arg11[%get3A_189, %get3A_190] {strides = array<i32>} : memref<16x576xf32, #tpu.memory_space<vmem>>, vector<1x16xf32>,
      %get3A_192 = vector.shape_cast %get3A_191 : vector<1x16xf32> to vector<16xf32>
      %get3A_193 = arith.constant 12 : i32
      %get3A_194 = arith.index_cast %get3A_193 : i32 to index
      %get3A_195 = arith.index_cast %mul3A_132 : i32 to index
      %get3A_196 = tpu.vector_load %arg11[%get3A_194, %get3A_195] {strides = array<i32>} : memref<16x576xf32, #tpu.memory_space<vmem>>, vector<1x16xf32>,
      %get3A_197 = vector.shape_cast %get3A_196 : vector<1x16xf32> to vector<16xf32>
      %get3A_198 = arith.constant 13 : i32
      %get3A_199 = arith.index_cast %get3A_198 : i32 to index
      %get3A_200 = arith.index_cast %mul3A_132 : i32 to index
      %get3A_201 = tpu.vector_load %arg11[%get3A_199, %get3A_200] {strides = array<i32>} : memref<16x576xf32, #tpu.memory_space<vmem>>, vector<1x16xf32>,
      %get3A_202 = vector.shape_cast %get3A_201 : vector<1x16xf32> to vector<16xf32>
      %get3A_203 = arith.constant 14 : i32
      %get3A_204 = arith.index_cast %get3A_203 : i32 to index
      %get3A_205 = arith.index_cast %mul3A_132 : i32 to index
      %get3A_206 = tpu.vector_load %arg11[%get3A_204, %get3A_205] {strides = array<i32>} : memref<16x576xf32, #tpu.memory_space<vmem>>, vector<1x16xf32>,
      %get3A_207 = vector.shape_cast %get3A_206 : vector<1x16xf32> to vector<16xf32>
      %get3A_208 = arith.constant 15 : i32
      %get3A_209 = arith.index_cast %get3A_208 : i32 to index
      %get3A_210 = arith.index_cast %mul3A_132 : i32 to index
      %get3A_211 = tpu.vector_load %arg11[%get3A_209, %get3A_210] {strides = array<i32>} : memref<16x576xf32, #tpu.memory_space<vmem>>, vector<1x16xf32>,
      %get3A_212 = vector.shape_cast %get3A_211 : vector<1x16xf32> to vector<16xf32>
      %max3A = arith.maximumf %get3A_137, %get3A_142 : vector<16xf32>
      %max3A_213 = arith.maximumf %max3A, %get3A_147 : vector<16xf32>
      %max3A_214 = arith.maximumf %max3A_213, %get3A_152 : vector<16xf32>
      %max3A_215 = arith.maximumf %max3A_214, %get3A_157 : vector<16xf32>
      %max3A_216 = arith.maximumf %max3A_215, %get3A_162 : vector<16xf32>
      %max3A_217 = arith.maximumf %max3A_216, %get3A_167 : vector<16xf32>
      %max3A_218 = arith.maximumf %max3A_217, %get3A_172 : vector<16xf32>
      %max3A_219 = arith.maximumf %max3A_218, %get3A_177 : vector<16xf32>
      %max3A_220 = arith.maximumf %max3A_219, %get3A_182 : vector<16xf32>
      %max3A_221 = arith.maximumf %max3A_220, %get3A_187 : vector<16xf32>
      %max3A_222 = arith.maximumf %max3A_221, %get3A_192 : vector<16xf32>
      %max3A_223 = arith.maximumf %max3A_222, %get3A_197 : vector<16xf32>
      %max3A_224 = arith.maximumf %max3A_223, %get3A_202 : vector<16xf32>
      %max3A_225 = arith.maximumf %max3A_224, %get3A_207 : vector<16xf32>
      %max3A_226 = arith.maximumf %max3A_225, %get3A_212 : vector<16xf32>
      %sub3A = arith.subf %get3A_137, %max3A_226 : vector<16xf32>
      %exp3A = math.exp %sub3A : vector<16xf32>
      %sub3A_227 = arith.subf %get3A_142, %max3A_226 : vector<16xf32>
      %exp3A_228 = math.exp %sub3A_227 : vector<16xf32>
      %sub3A_229 = arith.subf %get3A_147, %max3A_226 : vector<16xf32>
      %exp3A_230 = math.exp %sub3A_229 : vector<16xf32>
      %sub3A_231 = arith.subf %get3A_152, %max3A_226 : vector<16xf32>
      %exp3A_232 = math.exp %sub3A_231 : vector<16xf32>
      %sub3A_233 = arith.subf %get3A_157, %max3A_226 : vector<16xf32>
      %exp3A_234 = math.exp %sub3A_233 : vector<16xf32>
      %sub3A_235 = arith.subf %get3A_162, %max3A_226 : vector<16xf32>
      %exp3A_236 = math.exp %sub3A_235 : vector<16xf32>
      %sub3A_237 = arith.subf %get3A_167, %max3A_226 : vector<16xf32>
      %exp3A_238 = math.exp %sub3A_237 : vector<16xf32>
      %sub3A_239 = arith.subf %get3A_172, %max3A_226 : vector<16xf32>
      %exp3A_240 = math.exp %sub3A_239 : vector<16xf32>
      %sub3A_241 = arith.subf %get3A_177, %max3A_226 : vector<16xf32>
      %exp3A_242 = math.exp %sub3A_241 : vector<16xf32>
      %sub3A_243 = arith.subf %get3A_182, %max3A_226 : vector<16xf32>
      %exp3A_244 = math.exp %sub3A_243 : vector<16xf32>
      %sub3A_245 = arith.subf %get3A_187, %max3A_226 : vector<16xf32>
      %exp3A_246 = math.exp %sub3A_245 : vector<16xf32>
      %sub3A_247 = arith.subf %get3A_192, %max3A_226 : vector<16xf32>
      %exp3A_248 = math.exp %sub3A_247 : vector<16xf32>
      %sub3A_249 = arith.subf %get3A_197, %max3A_226 : vector<16xf32>
      %exp3A_250 = math.exp %sub3A_249 : vector<16xf32>
      %sub3A_251 = arith.subf %get3A_202, %max3A_226 : vector<16xf32>
      %exp3A_252 = math.exp %sub3A_251 : vector<16xf32>
      %sub3A_253 = arith.subf %get3A_207, %max3A_226 : vector<16xf32>
      %exp3A_254 = math.exp %sub3A_253 : vector<16xf32>
      %sub3A_255 = arith.subf %get3A_212, %max3A_226 : vector<16xf32>
      %exp3A_256 = math.exp %sub3A_255 : vector<16xf32>
      %add3A_257 = arith.addf %exp3A, %exp3A_228 : vector<16xf32>
      %add3A_258 = arith.addf %add3A_257, %exp3A_230 : vector<16xf32>
      %add3A_259 = arith.addf %add3A_258, %exp3A_232 : vector<16xf32>
      %add3A_260 = arith.addf %add3A_259, %exp3A_234 : vector<16xf32>
      %add3A_261 = arith.addf %add3A_260, %exp3A_236 : vector<16xf32>
      %add3A_262 = arith.addf %add3A_261, %exp3A_238 : vector<16xf32>
      %add3A_263 = arith.addf %add3A_262, %exp3A_240 : vector<16xf32>
      %add3A_264 = arith.addf %add3A_263, %exp3A_242 : vector<16xf32>
      %add3A_265 = arith.addf %add3A_264, %exp3A_244 : vector<16xf32>
      %add3A_266 = arith.addf %add3A_265, %exp3A_246 : vector<16xf32>
      %add3A_267 = arith.addf %add3A_266, %exp3A_248 : vector<16xf32>
      %add3A_268 = arith.addf %add3A_267, %exp3A_250 : vector<16xf32>
      %add3A_269 = arith.addf %add3A_268, %exp3A_252 : vector<16xf32>
      %add3A_270 = arith.addf %add3A_269, %exp3A_254 : vector<16xf32>
      %add3A_271 = arith.addf %add3A_270, %exp3A_256 : vector<16xf32>
      %div3A = arith.constant 1.000000e+00 : f32
      %div3A_272 = vector.broadcast %div3A : f32 to vector<16xf32>
      %div3A_273 = arith.divf %div3A_272, %add3A_271 : vector<16xf32>
      %mul3A_274 = arith.mulf %exp3A, %div3A_273 : vector<16xf32>
      %mul3A_275 = arith.mulf %exp3A_228, %div3A_273 : vector<16xf32>
      %mul3A_276 = arith.mulf %exp3A_230, %div3A_273 : vector<16xf32>
      %mul3A_277 = arith.mulf %exp3A_232, %div3A_273 : vector<16xf32>
      %mul3A_278 = arith.mulf %exp3A_234, %div3A_273 : vector<16xf32>
      %mul3A_279 = arith.mulf %exp3A_236, %div3A_273 : vector<16xf32>
      %mul3A_280 = arith.mulf %exp3A_238, %div3A_273 : vector<16xf32>
      %mul3A_281 = arith.mulf %exp3A_240, %div3A_273 : vector<16xf32>
      %mul3A_282 = arith.mulf %exp3A_242, %div3A_273 : vector<16xf32>
      %mul3A_283 = arith.mulf %exp3A_244, %div3A_273 : vector<16xf32>
      %mul3A_284 = arith.mulf %exp3A_246, %div3A_273 : vector<16xf32>
      %mul3A_285 = arith.mulf %exp3A_248, %div3A_273 : vector<16xf32>
      %mul3A_286 = arith.mulf %exp3A_250, %div3A_273 : vector<16xf32>
      %mul3A_287 = arith.mulf %exp3A_252, %div3A_273 : vector<16xf32>
      %mul3A_288 = arith.mulf %exp3A_254, %div3A_273 : vector<16xf32>
      %mul3A_289 = arith.mulf %exp3A_256, %div3A_273 : vector<16xf32>
      %swap3A = arith.constant 0 : i32
      %swap3A_290 = arith.index_cast %swap3A : i32 to index
      %swap3A_291 = arith.index_cast %mul3A_132 : i32 to index
      %swap3A_292 = tpu.vector_load %arg12[%swap3A_290, %swap3A_291] {strides = array<i32>} : memref<16x576xf32, #tpu.memory_space<vmem>>, vector<1x16xf32>,
      %swap3A_293 = vector.shape_cast %swap3A_292 : vector<1x16xf32> to vector<16xf32>
      %swap3A_294 = vector.shape_cast %mul3A_274 : vector<16xf32> to vector<1x16xf32>
      tpu.vector_store %arg12[%swap3A_290, %swap3A_291], %swap3A_294 {strides = array<i32>} : memref<16x576xf32, #tpu.memory_space<vmem>>, vector<1x16xf32>,
      %swap3A_295 = arith.constant 1 : i32
      %swap3A_296 = arith.index_cast %swap3A_295 : i32 to index
      %swap3A_297 = arith.index_cast %mul3A_132 : i32 to index
      %swap3A_298 = tpu.vector_load %arg12[%swap3A_296, %swap3A_297] {strides = array<i32>} : memref<16x576xf32, #tpu.memory_space<vmem>>, vector<1x16xf32>,
      %swap3A_299 = vector.shape_cast %swap3A_298 : vector<1x16xf32> to vector<16xf32>
      %swap3A_300 = vector.shape_cast %mul3A_275 : vector<16xf32> to vector<1x16xf32>
      tpu.vector_store %arg12[%swap3A_296, %swap3A_297], %swap3A_300 {strides = array<i32>} : memref<16x576xf32, #tpu.memory_space<vmem>>, vector<1x16xf32>,
      %swap3A_301 = arith.constant 2 : i32
      %swap3A_302 = arith.index_cast %swap3A_301 : i32 to index
      %swap3A_303 = arith.index_cast %mul3A_132 : i32 to index
      %swap3A_304 = tpu.vector_load %arg12[%swap3A_302, %swap3A_303] {strides = array<i32>} : memref<16x576xf32, #tpu.memory_space<vmem>>, vector<1x16xf32>,
      %swap3A_305 = vector.shape_cast %swap3A_304 : vector<1x16xf32> to vector<16xf32>
      %swap3A_306 = vector.shape_cast %mul3A_276 : vector<16xf32> to vector<1x16xf32>
      tpu.vector_store %arg12[%swap3A_302, %swap3A_303], %swap3A_306 {strides = array<i32>} : memref<16x576xf32, #tpu.memory_space<vmem>>, vector<1x16xf32>,
      %swap3A_307 = arith.constant 3 : i32
      %swap3A_308 = arith.index_cast %swap3A_307 : i32 to index
      %swap3A_309 = arith.index_cast %mul3A_132 : i32 to index
      %swap3A_310 = tpu.vector_load %arg12[%swap3A_308, %swap3A_309] {strides = array<i32>} : memref<16x576xf32, #tpu.memory_space<vmem>>, vector<1x16xf32>,
      %swap3A_311 = vector.shape_cast %swap3A_310 : vector<1x16xf32> to vector<16xf32>
      %swap3A_312 = vector.shape_cast %mul3A_277 : vector<16xf32> to vector<1x16xf32>
      tpu.vector_store %arg12[%swap3A_308, %swap3A_309], %swap3A_312 {strides = array<i32>} : memref<16x576xf32, #tpu.memory_space<vmem>>, vector<1x16xf32>,
      %swap3A_313 = arith.constant 4 : i32
      %swap3A_314 = arith.index_cast %swap3A_313 : i32 to index
      %swap3A_315 = arith.index_cast %mul3A_132 : i32 to index
      %swap3A_316 = tpu.vector_load %arg12[%swap3A_314, %swap3A_315] {strides = array<i32>} : memref<16x576xf32, #tpu.memory_space<vmem>>, vector<1x16xf32>,
      %swap3A_317 = vector.shape_cast %swap3A_316 : vector<1x16xf32> to vector<16xf32>
      %swap3A_318 = vector.shape_cast %mul3A_278 : vector<16xf32> to vector<1x16xf32>
      tpu.vector_store %arg12[%swap3A_314, %swap3A_315], %swap3A_318 {strides = array<i32>} : memref<16x576xf32, #tpu.memory_space<vmem>>, vector<1x16xf32>,
      %swap3A_319 = arith.constant 5 : i32
      %swap3A_320 = arith.index_cast %swap3A_319 : i32 to index
      %swap3A_321 = arith.index_cast %mul3A_132 : i32 to index
      %swap3A_322 = tpu.vector_load %arg12[%swap3A_320, %swap3A_321] {strides = array<i32>} : memref<16x576xf32, #tpu.memory_space<vmem>>, vector<1x16xf32>,
      %swap3A_323 = vector.shape_cast %swap3A_322 : vector<1x16xf32> to vector<16xf32>
      %swap3A_324 = vector.shape_cast %mul3A_279 : vector<16xf32> to vector<1x16xf32>
      tpu.vector_store %arg12[%swap3A_320, %swap3A_321], %swap3A_324 {strides = array<i32>} : memref<16x576xf32, #tpu.memory_space<vmem>>, vector<1x16xf32>,
      %swap3A_325 = arith.constant 6 : i32
      %swap3A_326 = arith.index_cast %swap3A_325 : i32 to index
      %swap3A_327 = arith.index_cast %mul3A_132 : i32 to index
      %swap3A_328 = tpu.vector_load %arg12[%swap3A_326, %swap3A_327] {strides = array<i32>} : memref<16x576xf32, #tpu.memory_space<vmem>>, vector<1x16xf32>,
      %swap3A_329 = vector.shape_cast %swap3A_328 : vector<1x16xf32> to vector<16xf32>
      %swap3A_330 = vector.shape_cast %mul3A_280 : vector<16xf32> to vector<1x16xf32>
      tpu.vector_store %arg12[%swap3A_326, %swap3A_327], %swap3A_330 {strides = array<i32>} : memref<16x576xf32, #tpu.memory_space<vmem>>, vector<1x16xf32>,
      %swap3A_331 = arith.constant 7 : i32
      %swap3A_332 = arith.index_cast %swap3A_331 : i32 to index
      %swap3A_333 = arith.index_cast %mul3A_132 : i32 to index
      %swap3A_334 = tpu.vector_load %arg12[%swap3A_332, %swap3A_333] {strides = array<i32>} : memref<16x576xf32, #tpu.memory_space<vmem>>, vector<1x16xf32>,
      %swap3A_335 = vector.shape_cast %swap3A_334 : vector<1x16xf32> to vector<16xf32>
      %swap3A_336 = vector.shape_cast %mul3A_281 : vector<16xf32> to vector<1x16xf32>
      tpu.vector_store %arg12[%swap3A_332, %swap3A_333], %swap3A_336 {strides = array<i32>} : memref<16x576xf32, #tpu.memory_space<vmem>>, vector<1x16xf32>,
      %swap3A_337 = arith.constant 8 : i32
      %swap3A_338 = arith.index_cast %swap3A_337 : i32 to index
      %swap3A_339 = arith.index_cast %mul3A_132 : i32 to index
      %swap3A_340 = tpu.vector_load %arg12[%swap3A_338, %swap3A_339] {strides = array<i32>} : memref<16x576xf32, #tpu.memory_space<vmem>>, vector<1x16xf32>,
      %swap3A_341 = vector.shape_cast %swap3A_340 : vector<1x16xf32> to vector<16xf32>
      %swap3A_342 = vector.shape_cast %mul3A_282 : vector<16xf32> to vector<1x16xf32>
      tpu.vector_store %arg12[%swap3A_338, %swap3A_339], %swap3A_342 {strides = array<i32>} : memref<16x576xf32, #tpu.memory_space<vmem>>, vector<1x16xf32>,
      %swap3A_343 = arith.constant 9 : i32
      %swap3A_344 = arith.index_cast %swap3A_343 : i32 to index
      %swap3A_345 = arith.index_cast %mul3A_132 : i32 to index
      %swap3A_346 = tpu.vector_load %arg12[%swap3A_344, %swap3A_345] {strides = array<i32>} : memref<16x576xf32, #tpu.memory_space<vmem>>, vector<1x16xf32>,
      %swap3A_347 = vector.shape_cast %swap3A_346 : vector<1x16xf32> to vector<16xf32>
      %swap3A_348 = vector.shape_cast %mul3A_283 : vector<16xf32> to vector<1x16xf32>
      tpu.vector_store %arg12[%swap3A_344, %swap3A_345], %swap3A_348 {strides = array<i32>} : memref<16x576xf32, #tpu.memory_space<vmem>>, vector<1x16xf32>,
      %swap3A_349 = arith.constant 10 : i32
      %swap3A_350 = arith.index_cast %swap3A_349 : i32 to index
      %swap3A_351 = arith.index_cast %mul3A_132 : i32 to index
      %swap3A_352 = tpu.vector_load %arg12[%swap3A_350, %swap3A_351] {strides = array<i32>} : memref<16x576xf32, #tpu.memory_space<vmem>>, vector<1x16xf32>,
      %swap3A_353 = vector.shape_cast %swap3A_352 : vector<1x16xf32> to vector<16xf32>
      %swap3A_354 = vector.shape_cast %mul3A_284 : vector<16xf32> to vector<1x16xf32>
      tpu.vector_store %arg12[%swap3A_350, %swap3A_351], %swap3A_354 {strides = array<i32>} : memref<16x576xf32, #tpu.memory_space<vmem>>, vector<1x16xf32>,
      %swap3A_355 = arith.constant 11 : i32
      %swap3A_356 = arith.index_cast %swap3A_355 : i32 to index
      %swap3A_357 = arith.index_cast %mul3A_132 : i32 to index
      %swap3A_358 = tpu.vector_load %arg12[%swap3A_356, %swap3A_357] {strides = array<i32>} : memref<16x576xf32, #tpu.memory_space<vmem>>, vector<1x16xf32>,
      %swap3A_359 = vector.shape_cast %swap3A_358 : vector<1x16xf32> to vector<16xf32>
      %swap3A_360 = vector.shape_cast %mul3A_285 : vector<16xf32> to vector<1x16xf32>
      tpu.vector_store %arg12[%swap3A_356, %swap3A_357], %swap3A_360 {strides = array<i32>} : memref<16x576xf32, #tpu.memory_space<vmem>>, vector<1x16xf32>,
      %swap3A_361 = arith.constant 12 : i32
      %swap3A_362 = arith.index_cast %swap3A_361 : i32 to index
      %swap3A_363 = arith.index_cast %mul3A_132 : i32 to index
      %swap3A_364 = tpu.vector_load %arg12[%swap3A_362, %swap3A_363] {strides = array<i32>} : memref<16x576xf32, #tpu.memory_space<vmem>>, vector<1x16xf32>,
      %swap3A_365 = vector.shape_cast %swap3A_364 : vector<1x16xf32> to vector<16xf32>
      %swap3A_366 = vector.shape_cast %mul3A_286 : vector<16xf32> to vector<1x16xf32>
      tpu.vector_store %arg12[%swap3A_362, %swap3A_363], %swap3A_366 {strides = array<i32>} : memref<16x576xf32, #tpu.memory_space<vmem>>, vector<1x16xf32>,
      %swap3A_367 = arith.constant 13 : i32
      %swap3A_368 = arith.index_cast %swap3A_367 : i32 to index
      %swap3A_369 = arith.index_cast %mul3A_132 : i32 to index
      %swap3A_370 = tpu.vector_load %arg12[%swap3A_368, %swap3A_369] {strides = array<i32>} : memref<16x576xf32, #tpu.memory_space<vmem>>, vector<1x16xf32>,
      %swap3A_371 = vector.shape_cast %swap3A_370 : vector<1x16xf32> to vector<16xf32>
      %swap3A_372 = vector.shape_cast %mul3A_287 : vector<16xf32> to vector<1x16xf32>
      tpu.vector_store %arg12[%swap3A_368, %swap3A_369], %swap3A_372 {strides = array<i32>} : memref<16x576xf32, #tpu.memory_space<vmem>>, vector<1x16xf32>,
      %swap3A_373 = arith.constant 14 : i32
      %swap3A_374 = arith.index_cast %swap3A_373 : i32 to index
      %swap3A_375 = arith.index_cast %mul3A_132 : i32 to index
      %swap3A_376 = tpu.vector_load %arg12[%swap3A_374, %swap3A_375] {strides = array<i32>} : memref<16x576xf32, #tpu.memory_space<vmem>>, vector<1x16xf32>,
      %swap3A_377 = vector.shape_cast %swap3A_376 : vector<1x16xf32> to vector<16xf32>
      %swap3A_378 = vector.shape_cast %mul3A_288 : vector<16xf32> to vector<1x16xf32>
      tpu.vector_store %arg12[%swap3A_374, %swap3A_375], %swap3A_378 {strides = array<i32>} : memref<16x576xf32, #tpu.memory_space<vmem>>, vector<1x16xf32>,
      %swap3A_379 = arith.constant 15 : i32
      %swap3A_380 = arith.index_cast %swap3A_379 : i32 to index
      %swap3A_381 = arith.index_cast %mul3A_132 : i32 to index
      %swap3A_382 = tpu.vector_load %arg12[%swap3A_380, %swap3A_381] {strides = array<i32>} : memref<16x576xf32, #tpu.memory_space<vmem>>, vector<1x16xf32>,
      %swap3A_383 = vector.shape_cast %swap3A_382 : vector<1x16xf32> to vector<16xf32>
      %swap3A_384 = vector.shape_cast %mul3A_289 : vector<16xf32> to vector<1x16xf32>
      tpu.vector_store %arg12[%swap3A_380, %swap3A_381], %swap3A_384 {strides = array<i32>} : memref<16x576xf32, #tpu.memory_space<vmem>>, vector<1x16xf32>,
      %gt3A = arith.cmpf ogt, %mul3A_275, %mul3A_274 : vector<16xf32>
      %select_n3A = arith.select %gt3A, %mul3A_275, %mul3A_274 : vector<16xi1>, vector<16xf32>
      %select_n3A_385 = arith.select %gt3A, %broadcast_in_dim3A_5, %broadcast_in_dim3A_3 : vector<16xi1>, vector<16xi32>
      %gt3A_386 = arith.cmpf ogt, %mul3A_276, %select_n3A : vector<16xf32>
      %select_n3A_387 = arith.select %gt3A_386, %mul3A_276, %select_n3A : vector<16xi1>, vector<16xf32>
      %select_n3A_388 = arith.select %gt3A_386, %broadcast_in_dim3A_7, %select_n3A_385 : vector<16xi1>, vector<16xi32>
      %gt3A_389 = arith.cmpf ogt, %mul3A_277, %select_n3A_387 : vector<16xf32>
      %select_n3A_390 = arith.select %gt3A_389, %mul3A_277, %select_n3A_387 : vector<16xi1>, vector<16xf32>
      %select_n3A_391 = arith.select %gt3A_389, %broadcast_in_dim3A_9, %select_n3A_388 : vector<16xi1>, vector<16xi32>
      %gt3A_392 = arith.cmpf ogt, %mul3A_278, %select_n3A_390 : vector<16xf32>
      %select_n3A_393 = arith.select %gt3A_392, %mul3A_278, %select_n3A_390 : vector<16xi1>, vector<16xf32>
      %select_n3A_394 = arith.select %gt3A_392, %broadcast_in_dim3A_11, %select_n3A_391 : vector<16xi1>, vector<16xi32>
      %gt3A_395 = arith.cmpf ogt, %mul3A_279, %select_n3A_393 : vector<16xf32>
      %select_n3A_396 = arith.select %gt3A_395, %mul3A_279, %select_n3A_393 : vector<16xi1>, vector<16xf32>
      %select_n3A_397 = arith.select %gt3A_395, %broadcast_in_dim3A_13, %select_n3A_394 : vector<16xi1>, vector<16xi32>
      %gt3A_398 = arith.cmpf ogt, %mul3A_280, %select_n3A_396 : vector<16xf32>
      %select_n3A_399 = arith.select %gt3A_398, %mul3A_280, %select_n3A_396 : vector<16xi1>, vector<16xf32>
      %select_n3A_400 = arith.select %gt3A_398, %broadcast_in_dim3A_15, %select_n3A_397 : vector<16xi1>, vector<16xi32>
      %gt3A_401 = arith.cmpf ogt, %mul3A_281, %select_n3A_399 : vector<16xf32>
      %select_n3A_402 = arith.select %gt3A_401, %mul3A_281, %select_n3A_399 : vector<16xi1>, vector<16xf32>
      %select_n3A_403 = arith.select %gt3A_401, %broadcast_in_dim3A_17, %select_n3A_400 : vector<16xi1>, vector<16xi32>
      %gt3A_404 = arith.cmpf ogt, %mul3A_282, %select_n3A_402 : vector<16xf32>
      %select_n3A_405 = arith.select %gt3A_404, %mul3A_282, %select_n3A_402 : vector<16xi1>, vector<16xf32>
      %select_n3A_406 = arith.select %gt3A_404, %broadcast_in_dim3A_19, %select_n3A_403 : vector<16xi1>, vector<16xi32>
      %gt3A_407 = arith.cmpf ogt, %mul3A_283, %select_n3A_405 : vector<16xf32>
      %select_n3A_408 = arith.select %gt3A_407, %mul3A_283, %select_n3A_405 : vector<16xi1>, vector<16xf32>
      %select_n3A_409 = arith.select %gt3A_407, %broadcast_in_dim3A_21, %select_n3A_406 : vector<16xi1>, vector<16xi32>
      %gt3A_410 = arith.cmpf ogt, %mul3A_284, %select_n3A_408 : vector<16xf32>
      %select_n3A_411 = arith.select %gt3A_410, %mul3A_284, %select_n3A_408 : vector<16xi1>, vector<16xf32>
      %select_n3A_412 = arith.select %gt3A_410, %broadcast_in_dim3A_23, %select_n3A_409 : vector<16xi1>, vector<16xi32>
      %gt3A_413 = arith.cmpf ogt, %mul3A_285, %select_n3A_411 : vector<16xf32>
      %select_n3A_414 = arith.select %gt3A_413, %mul3A_285, %select_n3A_411 : vector<16xi1>, vector<16xf32>
      %select_n3A_415 = arith.select %gt3A_413, %broadcast_in_dim3A_25, %select_n3A_412 : vector<16xi1>, vector<16xi32>
      %gt3A_416 = arith.cmpf ogt, %mul3A_286, %select_n3A_414 : vector<16xf32>
      %select_n3A_417 = arith.select %gt3A_416, %mul3A_286, %select_n3A_414 : vector<16xi1>, vector<16xf32>
      %select_n3A_418 = arith.select %gt3A_416, %broadcast_in_dim3A_27, %select_n3A_415 : vector<16xi1>, vector<16xi32>
      %gt3A_419 = arith.cmpf ogt, %mul3A_287, %select_n3A_417 : vector<16xf32>
      %select_n3A_420 = arith.select %gt3A_419, %mul3A_287, %select_n3A_417 : vector<16xi1>, vector<16xf32>
      %select_n3A_421 = arith.select %gt3A_419, %broadcast_in_dim3A_29, %select_n3A_418 : vector<16xi1>, vector<16xi32>
      %gt3A_422 = arith.cmpf ogt, %mul3A_288, %select_n3A_420 : vector<16xf32>
      %select_n3A_423 = arith.select %gt3A_422, %mul3A_288, %select_n3A_420 : vector<16xi1>, vector<16xf32>
      %select_n3A_424 = arith.select %gt3A_422, %broadcast_in_dim3A_31, %select_n3A_421 : vector<16xi1>, vector<16xi32>
      %gt3A_425 = arith.cmpf ogt, %mul3A_289, %select_n3A_423 : vector<16xf32>
      %select_n3A_426 = arith.select %gt3A_425, %mul3A_289, %select_n3A_423 : vector<16xi1>, vector<16xf32>
      %select_n3A_427 = arith.select %gt3A_425, %broadcast_in_dim3A_33, %select_n3A_424 : vector<16xi1>, vector<16xi32>
      %eq3A = arith.cmpi eq, %select_n3A_427, %broadcast_in_dim3A_3 : vector<16xi32>
      %jit3A = arith.constant -3.000000e+38 : f32
      %broadcast_in_dim3A_428 = vector.broadcast %jit3A : f32 to vector<16xf32>
      %select_n3A_429 = arith.select %eq3A, %broadcast_in_dim3A_428, %mul3A_274 : vector<16xi1>, vector<16xf32>
      %eq3A_430 = arith.cmpi eq, %select_n3A_427, %broadcast_in_dim3A_5 : vector<16xi32>
      %jit3A_431 = arith.constant -3.000000e+38 : f32
      %broadcast_in_dim3A_432 = vector.broadcast %jit3A_431 : f32 to vector<16xf32>
      %select_n3A_433 = arith.select %eq3A_430, %broadcast_in_dim3A_432, %mul3A_275 : vector<16xi1>, vector<16xf32>
      %gt3A_434 = arith.cmpf ogt, %select_n3A_433, %select_n3A_429 : vector<16xf32>
      %select_n3A_435 = arith.select %gt3A_434, %select_n3A_433, %select_n3A_429 : vector<16xi1>, vector<16xf32>
      %select_n3A_436 = arith.select %gt3A_434, %broadcast_in_dim3A_5, %broadcast_in_dim3A_3 : vector<16xi1>, vector<16xi32>
      %eq3A_437 = arith.cmpi eq, %select_n3A_427, %broadcast_in_dim3A_7 : vector<16xi32>
      %jit3A_438 = arith.constant -3.000000e+38 : f32
      %broadcast_in_dim3A_439 = vector.broadcast %jit3A_438 : f32 to vector<16xf32>
      %select_n3A_440 = arith.select %eq3A_437, %broadcast_in_dim3A_439, %mul3A_276 : vector<16xi1>, vector<16xf32>
      %gt3A_441 = arith.cmpf ogt, %select_n3A_440, %select_n3A_435 : vector<16xf32>
      %select_n3A_442 = arith.select %gt3A_441, %select_n3A_440, %select_n3A_435 : vector<16xi1>, vector<16xf32>
      %select_n3A_443 = arith.select %gt3A_441, %broadcast_in_dim3A_7, %select_n3A_436 : vector<16xi1>, vector<16xi32>
      %eq3A_444 = arith.cmpi eq, %select_n3A_427, %broadcast_in_dim3A_9 : vector<16xi32>
      %jit3A_445 = arith.constant -3.000000e+38 : f32
      %broadcast_in_dim3A_446 = vector.broadcast %jit3A_445 : f32 to vector<16xf32>
      %select_n3A_447 = arith.select %eq3A_444, %broadcast_in_dim3A_446, %mul3A_277 : vector<16xi1>, vector<16xf32>
      %gt3A_448 = arith.cmpf ogt, %select_n3A_447, %select_n3A_442 : vector<16xf32>
      %select_n3A_449 = arith.select %gt3A_448, %select_n3A_447, %select_n3A_442 : vector<16xi1>, vector<16xf32>
      %select_n3A_450 = arith.select %gt3A_448, %broadcast_in_dim3A_9, %select_n3A_443 : vector<16xi1>, vector<16xi32>
      %eq3A_451 = arith.cmpi eq, %select_n3A_427, %broadcast_in_dim3A_11 : vector<16xi32>
      %jit3A_452 = arith.constant -3.000000e+38 : f32
      %broadcast_in_dim3A_453 = vector.broadcast %jit3A_452 : f32 to vector<16xf32>
      %select_n3A_454 = arith.select %eq3A_451, %broadcast_in_dim3A_453, %mul3A_278 : vector<16xi1>, vector<16xf32>
      %gt3A_455 = arith.cmpf ogt, %select_n3A_454, %select_n3A_449 : vector<16xf32>
      %select_n3A_456 = arith.select %gt3A_455, %select_n3A_454, %select_n3A_449 : vector<16xi1>, vector<16xf32>
      %select_n3A_457 = arith.select %gt3A_455, %broadcast_in_dim3A_11, %select_n3A_450 : vector<16xi1>, vector<16xi32>
      %eq3A_458 = arith.cmpi eq, %select_n3A_427, %broadcast_in_dim3A_13 : vector<16xi32>
      %jit3A_459 = arith.constant -3.000000e+38 : f32
      %broadcast_in_dim3A_460 = vector.broadcast %jit3A_459 : f32 to vector<16xf32>
      %select_n3A_461 = arith.select %eq3A_458, %broadcast_in_dim3A_460, %mul3A_279 : vector<16xi1>, vector<16xf32>
      %gt3A_462 = arith.cmpf ogt, %select_n3A_461, %select_n3A_456 : vector<16xf32>
      %select_n3A_463 = arith.select %gt3A_462, %select_n3A_461, %select_n3A_456 : vector<16xi1>, vector<16xf32>
      %select_n3A_464 = arith.select %gt3A_462, %broadcast_in_dim3A_13, %select_n3A_457 : vector<16xi1>, vector<16xi32>
      %eq3A_465 = arith.cmpi eq, %select_n3A_427, %broadcast_in_dim3A_15 : vector<16xi32>
      %jit3A_466 = arith.constant -3.000000e+38 : f32
      %broadcast_in_dim3A_467 = vector.broadcast %jit3A_466 : f32 to vector<16xf32>
      %select_n3A_468 = arith.select %eq3A_465, %broadcast_in_dim3A_467, %mul3A_280 : vector<16xi1>, vector<16xf32>
      %gt3A_469 = arith.cmpf ogt, %select_n3A_468, %select_n3A_463 : vector<16xf32>
      %select_n3A_470 = arith.select %gt3A_469, %select_n3A_468, %select_n3A_463 : vector<16xi1>, vector<16xf32>
      %select_n3A_471 = arith.select %gt3A_469, %broadcast_in_dim3A_15, %select_n3A_464 : vector<16xi1>, vector<16xi32>
      %eq3A_472 = arith.cmpi eq, %select_n3A_427, %broadcast_in_dim3A_17 : vector<16xi32>
      %jit3A_473 = arith.constant -3.000000e+38 : f32
      %broadcast_in_dim3A_474 = vector.broadcast %jit3A_473 : f32 to vector<16xf32>
      %select_n3A_475 = arith.select %eq3A_472, %broadcast_in_dim3A_474, %mul3A_281 : vector<16xi1>, vector<16xf32>
      %gt3A_476 = arith.cmpf ogt, %select_n3A_475, %select_n3A_470 : vector<16xf32>
      %select_n3A_477 = arith.select %gt3A_476, %select_n3A_475, %select_n3A_470 : vector<16xi1>, vector<16xf32>
      %select_n3A_478 = arith.select %gt3A_476, %broadcast_in_dim3A_17, %select_n3A_471 : vector<16xi1>, vector<16xi32>
      %eq3A_479 = arith.cmpi eq, %select_n3A_427, %broadcast_in_dim3A_19 : vector<16xi32>
      %jit3A_480 = arith.constant -3.000000e+38 : f32
      %broadcast_in_dim3A_481 = vector.broadcast %jit3A_480 : f32 to vector<16xf32>
      %select_n3A_482 = arith.select %eq3A_479, %broadcast_in_dim3A_481, %mul3A_282 : vector<16xi1>, vector<16xf32>
      %gt3A_483 = arith.cmpf ogt, %select_n3A_482, %select_n3A_477 : vector<16xf32>
      %select_n3A_484 = arith.select %gt3A_483, %select_n3A_482, %select_n3A_477 : vector<16xi1>, vector<16xf32>
      %select_n3A_485 = arith.select %gt3A_483, %broadcast_in_dim3A_19, %select_n3A_478 : vector<16xi1>, vector<16xi32>
      %eq3A_486 = arith.cmpi eq, %select_n3A_427, %broadcast_in_dim3A_21 : vector<16xi32>
      %jit3A_487 = arith.constant -3.000000e+38 : f32
      %broadcast_in_dim3A_488 = vector.broadcast %jit3A_487 : f32 to vector<16xf32>
      %select_n3A_489 = arith.select %eq3A_486, %broadcast_in_dim3A_488, %mul3A_283 : vector<16xi1>, vector<16xf32>
      %gt3A_490 = arith.cmpf ogt, %select_n3A_489, %select_n3A_484 : vector<16xf32>
      %select_n3A_491 = arith.select %gt3A_490, %select_n3A_489, %select_n3A_484 : vector<16xi1>, vector<16xf32>
      %select_n3A_492 = arith.select %gt3A_490, %broadcast_in_dim3A_21, %select_n3A_485 : vector<16xi1>, vector<16xi32>
      %eq3A_493 = arith.cmpi eq, %select_n3A_427, %broadcast_in_dim3A_23 : vector<16xi32>
      %jit3A_494 = arith.constant -3.000000e+38 : f32
      %broadcast_in_dim3A_495 = vector.broadcast %jit3A_494 : f32 to vector<16xf32>
      %select_n3A_496 = arith.select %eq3A_493, %broadcast_in_dim3A_495, %mul3A_284 : vector<16xi1>, vector<16xf32>
      %gt3A_497 = arith.cmpf ogt, %select_n3A_496, %select_n3A_491 : vector<16xf32>
      %select_n3A_498 = arith.select %gt3A_497, %select_n3A_496, %select_n3A_491 : vector<16xi1>, vector<16xf32>
      %select_n3A_499 = arith.select %gt3A_497, %broadcast_in_dim3A_23, %select_n3A_492 : vector<16xi1>, vector<16xi32>
      %eq3A_500 = arith.cmpi eq, %select_n3A_427, %broadcast_in_dim3A_25 : vector<16xi32>
      %jit3A_501 = arith.constant -3.000000e+38 : f32
      %broadcast_in_dim3A_502 = vector.broadcast %jit3A_501 : f32 to vector<16xf32>
      %select_n3A_503 = arith.select %eq3A_500, %broadcast_in_dim3A_502, %mul3A_285 : vector<16xi1>, vector<16xf32>
      %gt3A_504 = arith.cmpf ogt, %select_n3A_503, %select_n3A_498 : vector<16xf32>
      %select_n3A_505 = arith.select %gt3A_504, %select_n3A_503, %select_n3A_498 : vector<16xi1>, vector<16xf32>
      %select_n3A_506 = arith.select %gt3A_504, %broadcast_in_dim3A_25, %select_n3A_499 : vector<16xi1>, vector<16xi32>
      %eq3A_507 = arith.cmpi eq, %select_n3A_427, %broadcast_in_dim3A_27 : vector<16xi32>
      %jit3A_508 = arith.constant -3.000000e+38 : f32
      %broadcast_in_dim3A_509 = vector.broadcast %jit3A_508 : f32 to vector<16xf32>
      %select_n3A_510 = arith.select %eq3A_507, %broadcast_in_dim3A_509, %mul3A_286 : vector<16xi1>, vector<16xf32>
      %gt3A_511 = arith.cmpf ogt, %select_n3A_510, %select_n3A_505 : vector<16xf32>
      %select_n3A_512 = arith.select %gt3A_511, %select_n3A_510, %select_n3A_505 : vector<16xi1>, vector<16xf32>
      %select_n3A_513 = arith.select %gt3A_511, %broadcast_in_dim3A_27, %select_n3A_506 : vector<16xi1>, vector<16xi32>
      %eq3A_514 = arith.cmpi eq, %select_n3A_427, %broadcast_in_dim3A_29 : vector<16xi32>
      %jit3A_515 = arith.constant -3.000000e+38 : f32
      %broadcast_in_dim3A_516 = vector.broadcast %jit3A_515 : f32 to vector<16xf32>
      %select_n3A_517 = arith.select %eq3A_514, %broadcast_in_dim3A_516, %mul3A_287 : vector<16xi1>, vector<16xf32>
      %gt3A_518 = arith.cmpf ogt, %select_n3A_517, %select_n3A_512 : vector<16xf32>
      %select_n3A_519 = arith.select %gt3A_518, %select_n3A_517, %select_n3A_512 : vector<16xi1>, vector<16xf32>
      %select_n3A_520 = arith.select %gt3A_518, %broadcast_in_dim3A_29, %select_n3A_513 : vector<16xi1>, vector<16xi32>
      %eq3A_521 = arith.cmpi eq, %select_n3A_427, %broadcast_in_dim3A_31 : vector<16xi32>
      %jit3A_522 = arith.constant -3.000000e+38 : f32
      %broadcast_in_dim3A_523 = vector.broadcast %jit3A_522 : f32 to vector<16xf32>
      %select_n3A_524 = arith.select %eq3A_521, %broadcast_in_dim3A_523, %mul3A_288 : vector<16xi1>, vector<16xf32>
      %gt3A_525 = arith.cmpf ogt, %select_n3A_524, %select_n3A_519 : vector<16xf32>
      %select_n3A_526 = arith.select %gt3A_525, %select_n3A_524, %select_n3A_519 : vector<16xi1>, vector<16xf32>
      %select_n3A_527 = arith.select %gt3A_525, %broadcast_in_dim3A_31, %select_n3A_520 : vector<16xi1>, vector<16xi32>
      %eq3A_528 = arith.cmpi eq, %select_n3A_427, %broadcast_in_dim3A_33 : vector<16xi32>
      %jit3A_529 = arith.constant -3.000000e+38 : f32
      %broadcast_in_dim3A_530 = vector.broadcast %jit3A_529 : f32 to vector<16xf32>
      %select_n3A_531 = arith.select %eq3A_528, %broadcast_in_dim3A_530, %mul3A_289 : vector<16xi1>, vector<16xf32>
      %gt3A_532 = arith.cmpf ogt, %select_n3A_531, %select_n3A_526 : vector<16xf32>
      %select_n3A_533 = arith.select %gt3A_532, %select_n3A_531, %select_n3A_526 : vector<16xi1>, vector<16xf32>
      %select_n3A_534 = arith.select %gt3A_532, %broadcast_in_dim3A_33, %select_n3A_527 : vector<16xi1>, vector<16xi32>
      %add3A_535 = arith.addf %select_n3A_426, %select_n3A_533 : vector<16xf32>
      %div3A_536 = arith.constant 1.000000e+00 : f32
      %div3A_537 = vector.broadcast %div3A_536 : f32 to vector<16xf32>
      %div3A_538 = arith.divf %div3A_537, %add3A_535 : vector<16xf32>
      %mul3A_539 = arith.mulf %select_n3A_426, %div3A_538 : vector<16xf32>
      %swap3A_540 = arith.constant 0 : i32
      %swap3A_541 = arith.index_cast %swap3A_540 : i32 to index
      %swap3A_542 = arith.index_cast %mul3A_132 : i32 to index
      %swap3A_543 = tpu.vector_load %arg13[%swap3A_541, %swap3A_542] {strides = array<i32>} : memref<2x576xf32, #tpu.memory_space<vmem>>, vector<1x16xf32>,
      %swap3A_544 = vector.shape_cast %swap3A_543 : vector<1x16xf32> to vector<16xf32>
      %swap3A_545 = vector.shape_cast %mul3A_539 : vector<16xf32> to vector<1x16xf32>
      tpu.vector_store %arg13[%swap3A_541, %swap3A_542], %swap3A_545 {strides = array<i32>} : memref<2x576xf32, #tpu.memory_space<vmem>>, vector<1x16xf32>,
      %mul3A_546 = arith.mulf %select_n3A_533, %div3A_538 : vector<16xf32>
      %swap3A_547 = arith.constant 1 : i32
      %swap3A_548 = arith.index_cast %swap3A_547 : i32 to index
      %swap3A_549 = arith.index_cast %mul3A_132 : i32 to index
      %swap3A_550 = tpu.vector_load %arg13[%swap3A_548, %swap3A_549] {strides = array<i32>} : memref<2x576xf32, #tpu.memory_space<vmem>>, vector<1x16xf32>,
      %swap3A_551 = vector.shape_cast %swap3A_550 : vector<1x16xf32> to vector<16xf32>
      %swap3A_552 = vector.shape_cast %mul3A_546 : vector<16xf32> to vector<1x16xf32>
      tpu.vector_store %arg13[%swap3A_548, %swap3A_549], %swap3A_552 {strides = array<i32>} : memref<2x576xf32, #tpu.memory_space<vmem>>, vector<1x16xf32>,
      %swap3A_553 = arith.constant 0 : i32
      %swap3A_554 = arith.index_cast %swap3A_553 : i32 to index
      %swap3A_555 = arith.index_cast %mul3A_132 : i32 to index
      %swap3A_556 = tpu.vector_load %arg14[%swap3A_554, %swap3A_555] {strides = array<i32>} : memref<2x576xi32, #tpu.memory_space<vmem>>, vector<1x16xi32>,
      %swap3A_557 = vector.shape_cast %swap3A_556 : vector<1x16xi32> to vector<16xi32>
      %swap3A_558 = vector.shape_cast %select_n3A_427 : vector<16xi32> to vector<1x16xi32>
      tpu.vector_store %arg14[%swap3A_554, %swap3A_555], %swap3A_558 {strides = array<i32>} : memref<2x576xi32, #tpu.memory_space<vmem>>, vector<1x16xi32>,
      %swap3A_559 = arith.constant 1 : i32
      %swap3A_560 = arith.index_cast %swap3A_559 : i32 to index
      %swap3A_561 = arith.index_cast %mul3A_132 : i32 to index
      %swap3A_562 = tpu.vector_load %arg14[%swap3A_560, %swap3A_561] {strides = array<i32>} : memref<2x576xi32, #tpu.memory_space<vmem>>, vector<1x16xi32>,
      %swap3A_563 = vector.shape_cast %swap3A_562 : vector<1x16xi32> to vector<16xi32>
      %swap3A_564 = vector.shape_cast %select_n3A_534 : vector<16xi32> to vector<1x16xi32>
      tpu.vector_store %arg14[%swap3A_560, %swap3A_561], %swap3A_564 {strides = array<i32>} : memref<2x576xi32, #tpu.memory_space<vmem>>, vector<1x16xi32>,
    }
    %scan3A_129 = arith.constant 36 : i32
    "tpu.region"() ({
      %run_scoped3A = tpu.sem_alloc : memref<!tpu.dma_semaphore, #tpu.memory_space<semaphore_mem>>
      %dma_start3A = arith.constant 0 : i32
      %dma_start3A_130 = arith.constant 0 : i32
      %dma_start3A_131 = tpu.memref_slice %arg5[%add3A, %dma_start3A, %dma_start3A_130] : memref<32x16x576xf32, #tpu.memory_space<hbm>> -> memref<1x16x576xf32, #tpu.memory_space<hbm>>
      %dma_start3A_132 = tpu.memref_squeeze %dma_start3A_131 : memref<1x16x576xf32, #tpu.memory_space<hbm>> -> memref<16x576xf32, #tpu.memory_space<hbm>>
      %dma_start3A_133 = arith.constant 0 : i32
      %dma_start3A_134 = arith.constant 0 : i32
      %dma_start3A_135 = tpu.memref_slice %arg5[%add3A, %dma_start3A_133, %dma_start3A_134] : memref<32x16x576xf32, #tpu.memory_space<hbm>> -> memref<1x16x576xf32, #tpu.memory_space<hbm>>
      %dma_start3A_136 = tpu.memref_squeeze %dma_start3A_135 : memref<1x16x576xf32, #tpu.memory_space<hbm>> -> memref<16x576xf32, #tpu.memory_space<hbm>>
      tpu.enqueue_dma source(%arg12 : memref<16x576xf32, #tpu.memory_space<vmem>>) target(%dma_start3A_136 : memref<16x576xf32, #tpu.memory_space<hbm>>) target_semaphore(%run_scoped3A : memref<!tpu.dma_semaphore, #tpu.memory_space<semaphore_mem>>)
      %dma_wait3A = arith.constant 0 : i32
      %dma_wait3A_137 = arith.constant 0 : i32
      %dma_wait3A_138 = tpu.memref_slice %arg5[%add3A, %dma_wait3A, %dma_wait3A_137] : memref<32x16x576xf32, #tpu.memory_space<hbm>> -> memref<1x16x576xf32, #tpu.memory_space<hbm>>
      %dma_wait3A_139 = tpu.memref_squeeze %dma_wait3A_138 : memref<1x16x576xf32, #tpu.memory_space<hbm>> -> memref<16x576xf32, #tpu.memory_space<hbm>>
      %dma_wait3A_140 = arith.constant 0 : i32
      %dma_wait3A_141 = arith.constant 0 : i32
      %dma_wait3A_142 = tpu.memref_slice %arg5[%add3A, %dma_wait3A_140, %dma_wait3A_141] : memref<32x16x576xf32, #tpu.memory_space<hbm>> -> memref<1x16x576xf32, #tpu.memory_space<hbm>>
      %dma_wait3A_143 = tpu.memref_squeeze %dma_wait3A_142 : memref<1x16x576xf32, #tpu.memory_space<hbm>> -> memref<16x576xf32, #tpu.memory_space<hbm>>
      tpu.wait_dma2 semaphore(%run_scoped3A : memref<!tpu.dma_semaphore, #tpu.memory_space<semaphore_mem>>) src(%arg12 : memref<16x576xf32, #tpu.memory_space<vmem>>) dst(%dma_wait3A_143 : memref<16x576xf32, #tpu.memory_space<hbm>>)
      tpu.yield
    }) : () -> ()
    "tpu.region"() ({
      %run_scoped3A = tpu.sem_alloc : memref<!tpu.dma_semaphore, #tpu.memory_space<semaphore_mem>>
      %dma_start3A = arith.constant 0 : i32
      %dma_start3A_130 = arith.constant 0 : i32
      %dma_start3A_131 = tpu.memref_slice %arg6[%add3A, %dma_start3A, %dma_start3A_130] : memref<32x2x576xf32, #tpu.memory_space<hbm>> -> memref<1x2x576xf32, #tpu.memory_space<hbm>>
      %dma_start3A_132 = tpu.memref_squeeze %dma_start3A_131 : memref<1x2x576xf32, #tpu.memory_space<hbm>> -> memref<2x576xf32, #tpu.memory_space<hbm>>
      %dma_start3A_133 = arith.constant 0 : i32
      %dma_start3A_134 = arith.constant 0 : i32
      %dma_start3A_135 = tpu.memref_slice %arg6[%add3A, %dma_start3A_133, %dma_start3A_134] : memref<32x2x576xf32, #tpu.memory_space<hbm>> -> memref<1x2x576xf32, #tpu.memory_space<hbm>>
      %dma_start3A_136 = tpu.memref_squeeze %dma_start3A_135 : memref<1x2x576xf32, #tpu.memory_space<hbm>> -> memref<2x576xf32, #tpu.memory_space<hbm>>
      tpu.enqueue_dma source(%arg13 : memref<2x576xf32, #tpu.memory_space<vmem>>) target(%dma_start3A_136 : memref<2x576xf32, #tpu.memory_space<hbm>>) target_semaphore(%run_scoped3A : memref<!tpu.dma_semaphore, #tpu.memory_space<semaphore_mem>>)
      %dma_wait3A = arith.constant 0 : i32
      %dma_wait3A_137 = arith.constant 0 : i32
      %dma_wait3A_138 = tpu.memref_slice %arg6[%add3A, %dma_wait3A, %dma_wait3A_137] : memref<32x2x576xf32, #tpu.memory_space<hbm>> -> memref<1x2x576xf32, #tpu.memory_space<hbm>>
      %dma_wait3A_139 = tpu.memref_squeeze %dma_wait3A_138 : memref<1x2x576xf32, #tpu.memory_space<hbm>> -> memref<2x576xf32, #tpu.memory_space<hbm>>
      %dma_wait3A_140 = arith.constant 0 : i32
      %dma_wait3A_141 = arith.constant 0 : i32
      %dma_wait3A_142 = tpu.memref_slice %arg6[%add3A, %dma_wait3A_140, %dma_wait3A_141] : memref<32x2x576xf32, #tpu.memory_space<hbm>> -> memref<1x2x576xf32, #tpu.memory_space<hbm>>
      %dma_wait3A_143 = tpu.memref_squeeze %dma_wait3A_142 : memref<1x2x576xf32, #tpu.memory_space<hbm>> -> memref<2x576xf32, #tpu.memory_space<hbm>>
      tpu.wait_dma2 semaphore(%run_scoped3A : memref<!tpu.dma_semaphore, #tpu.memory_space<semaphore_mem>>) src(%arg13 : memref<2x576xf32, #tpu.memory_space<vmem>>) dst(%dma_wait3A_143 : memref<2x576xf32, #tpu.memory_space<hbm>>)
      tpu.yield
    }) : () -> ()
    "tpu.region"() ({
      %run_scoped3A = tpu.sem_alloc : memref<!tpu.dma_semaphore, #tpu.memory_space<semaphore_mem>>
      %dma_start3A = arith.constant 0 : i32
      %dma_start3A_130 = arith.constant 0 : i32
      %dma_start3A_131 = tpu.memref_slice %arg7[%add3A, %dma_start3A, %dma_start3A_130] : memref<32x2x576xi32, #tpu.memory_space<hbm>> -> memref<1x2x576xi32, #tpu.memory_space<hbm>>
      %dma_start3A_132 = tpu.memref_squeeze %dma_start3A_131 : memref<1x2x576xi32, #tpu.memory_space<hbm>> -> memref<2x576xi32, #tpu.memory_space<hbm>>
      %dma_start3A_133 = arith.constant 0 : i32
      %dma_start3A_134 = arith.constant 0 : i32
      %dma_start3A_135 = tpu.memref_slice %arg7[%add3A, %dma_start3A_133, %dma_start3A_134] : memref<32x2x576xi32, #tpu.memory_space<hbm>> -> memref<1x2x576xi32, #tpu.memory_space<hbm>>
      %dma_start3A_136 = tpu.memref_squeeze %dma_start3A_135 : memref<1x2x576xi32, #tpu.memory_space<hbm>> -> memref<2x576xi32, #tpu.memory_space<hbm>>
      tpu.enqueue_dma source(%arg14 : memref<2x576xi32, #tpu.memory_space<vmem>>) target(%dma_start3A_136 : memref<2x576xi32, #tpu.memory_space<hbm>>) target_semaphore(%run_scoped3A : memref<!tpu.dma_semaphore, #tpu.memory_space<semaphore_mem>>)
      %dma_wait3A = arith.constant 0 : i32
      %dma_wait3A_137 = arith.constant 0 : i32
      %dma_wait3A_138 = tpu.memref_slice %arg7[%add3A, %dma_wait3A, %dma_wait3A_137] : memref<32x2x576xi32, #tpu.memory_space<hbm>> -> memref<1x2x576xi32, #tpu.memory_space<hbm>>
      %dma_wait3A_139 = tpu.memref_squeeze %dma_wait3A_138 : memref<1x2x576xi32, #tpu.memory_space<hbm>> -> memref<2x576xi32, #tpu.memory_space<hbm>>
      %dma_wait3A_140 = arith.constant 0 : i32
      %dma_wait3A_141 = arith.constant 0 : i32
      %dma_wait3A_142 = tpu.memref_slice %arg7[%add3A, %dma_wait3A_140, %dma_wait3A_141] : memref<32x2x576xi32, #tpu.memory_space<hbm>> -> memref<1x2x576xi32, #tpu.memory_space<hbm>>
      %dma_wait3A_143 = tpu.memref_squeeze %dma_wait3A_142 : memref<1x2x576xi32, #tpu.memory_space<hbm>> -> memref<2x576xi32, #tpu.memory_space<hbm>>
      tpu.wait_dma2 semaphore(%run_scoped3A : memref<!tpu.dma_semaphore, #tpu.memory_space<semaphore_mem>>) src(%arg14 : memref<2x576xi32, #tpu.memory_space<vmem>>) dst(%dma_wait3A_143 : memref<2x576xi32, #tpu.memory_space<hbm>>)
      tpu.yield
    }) : () -> ()
    return
  }
}

module attributes {stable_mosaic.version = 14 : i64} {
  func.func @_router_body(%arg0: i32, %arg1: memref<4x768x576xf32, #tpu.memory_space<vmem>>, %arg2: memref<16x768xf32, #tpu.memory_space<vmem>>, %arg3: memref<1x16xf32, #tpu.memory_space<vmem>>, %arg4: memref<4x16x576xf32, #tpu.memory_space<vmem>>, %arg5: memref<4x2x576xf32, #tpu.memory_space<vmem>>, %arg6: memref<4x2x576xi32, #tpu.memory_space<vmem>>) attributes {dimension_semantics = [#tpu.dimension_semantics<parallel>], iteration_bounds = array<i64: 8>, scalar_prefetch = 0 : i64, scratch_operands = 0 : i64, tpu.core_type = #tpu.core_type<tc>, window_params = [{transform_indices = @transform_0, window_bounds = array<i64: 4, 768, 576>}, {pipeline_mode = #tpu.pipeline_mode<synchronous>, transform_indices = @transform_1, window_bounds = array<i64: 16, 768>}, {pipeline_mode = #tpu.pipeline_mode<synchronous>, transform_indices = @transform_2, window_bounds = array<i64: 1, 16>}, {transform_indices = @transform_3, window_bounds = array<i64: 4, 16, 576>}, {transform_indices = @transform_4, window_bounds = array<i64: 4, 2, 576>}, {transform_indices = @transform_5, window_bounds = array<i64: 4, 2, 576>}]} {
    %get3A = arith.constant 0 : index
    %get3A_0 = arith.constant 0 : index
    %get3A_1 = vector.load %arg2[%get3A, %get3A_0] : memref<16x768xf32, #tpu.memory_space<vmem>>, vector<16x768xf32>
    %get3A_2 = arith.constant 0 : index
    %get3A_3 = arith.constant 0 : index
    %get3A_4 = arith.constant 0 : index
    %get3A_5 = vector.load %arg1[%get3A_2, %get3A_3, %get3A_4] : memref<4x768x576xf32, #tpu.memory_space<vmem>>, vector<1x768x576xf32>
    %get3A_6 = vector.shape_cast %get3A_5 : vector<1x768x576xf32> to vector<768x576xf32>
    %dot_general3A = arith.constant dense<0.000000e+00> : vector<16x576xf32>
    %dot_general3A_7 = tpu.matmul %get3A_1, %get3A_6, %dot_general3A {dimension_numbers = #tpu.dot_dimension_numbers<[1], [0], [0], [1], [0, 0, 1, 1], [], []>, transpose_lhs_hint = false} : vector<16x768xf32>, vector<768x576xf32>, vector<16x576xf32> -> vector<16x576xf32>
    %get3A_8 = arith.constant 0 : index
    %get3A_9 = arith.constant 0 : index
    %get3A_10 = vector.load %arg3[%get3A_8, %get3A_9] : memref<1x16xf32, #tpu.memory_space<vmem>>, vector<1x16xf32>
    %get3A_11 = vector.shape_cast %get3A_10 : vector<1x16xf32> to vector<16xf32>
    %broadcast_in_dim3A = vector.shape_cast %get3A_11 : vector<16xf32> to vector<16x1xf32>
    %add3A = vector.broadcast %broadcast_in_dim3A : vector<16x1xf32> to vector<16x576xf32>
    %add3A_12 = arith.addf %dot_general3A_7, %add3A : vector<16x576xf32>
    %reduce_max3A = arith.constant dense<0xFF800000> : vector<576xf32>
    %reduce_max3A_13 = vector.multi_reduction <maximumf>, %add3A_12, %reduce_max3A [0] : vector<16x576xf32> to vector<576xf32>
    %broadcast_in_dim3A_14 = vector.shape_cast %reduce_max3A_13 : vector<576xf32> to vector<1x576xf32>
    %sub3A = vector.broadcast %broadcast_in_dim3A_14 : vector<1x576xf32> to vector<16x576xf32>
    %sub3A_15 = arith.subf %add3A_12, %sub3A : vector<16x576xf32>
    %exp3A = math.exp %sub3A_15 : vector<16x576xf32>
    %reduce_sum3A = arith.constant dense<0.000000e+00> : vector<576xf32>
    %reduce_sum3A_16 = vector.multi_reduction <add>, %exp3A, %reduce_sum3A [0] : vector<16x576xf32> to vector<576xf32>
    %broadcast_in_dim3A_17 = vector.shape_cast %reduce_sum3A_16 : vector<576xf32> to vector<1x576xf32>
    %div3A = vector.broadcast %broadcast_in_dim3A_17 : vector<1x576xf32> to vector<16x576xf32>
    %div3A_18 = arith.divf %exp3A, %div3A : vector<16x576xf32>
    %swap3A = arith.constant 0 : index
    %swap3A_19 = arith.constant 0 : index
    %swap3A_20 = arith.constant 0 : index
    %swap3A_21 = vector.load %arg4[%swap3A, %swap3A_19, %swap3A_20] : memref<4x16x576xf32, #tpu.memory_space<vmem>>, vector<1x16x576xf32>
    %swap3A_22 = vector.shape_cast %swap3A_21 : vector<1x16x576xf32> to vector<16x576xf32>
    %swap3A_23 = vector.shape_cast %div3A_18 : vector<16x576xf32> to vector<1x16x576xf32>
    tpu.vector_store %arg4[%swap3A, %swap3A_19, %swap3A_20], %swap3A_23 {strides = array<i32>} : memref<4x16x576xf32, #tpu.memory_space<vmem>>, vector<1x16x576xf32>,
    %iota3A = tpu.iota {dimensions = array<i32: 0>} : vector<16x576xi32>
    %argmax3A = tpu.reduce_index %add3A_12 {axis = 0 : i32, kind = #tpu.reduction_kind<arg_max>} : vector<16x576xf32> -> vector<576xi32>
    %broadcast_in_dim3A_24 = vector.shape_cast %argmax3A : vector<576xi32> to vector<1x576xi32>
    %eq3A = vector.broadcast %broadcast_in_dim3A_24 : vector<1x576xi32> to vector<16x576xi32>
    %eq3A_25 = arith.cmpi eq, %iota3A, %eq3A : vector<16x576xi32>
    %jit3A = arith.constant 0xFF800000 : f32
    %broadcast_in_dim3A_26 = vector.broadcast %jit3A : f32 to vector<16x576xf32>
    %select_n3A = arith.select %eq3A_25, %broadcast_in_dim3A_26, %add3A_12 : vector<16x576xi1>, vector<16x576xf32>
    %argmax3A_27 = tpu.reduce_index %select_n3A {axis = 0 : i32, kind = #tpu.reduction_kind<arg_max>} : vector<16x576xf32> -> vector<576xi32>
    %reduce_max3A_28 = arith.constant dense<0xFF800000> : vector<576xf32>
    %reduce_max3A_29 = vector.multi_reduction <maximumf>, %div3A_18, %reduce_max3A_28 [0] : vector<16x576xf32> to vector<576xf32>
    %broadcast_in_dim3A_30 = vector.shape_cast %argmax3A : vector<576xi32> to vector<1x576xi32>
    %eq3A_31 = vector.broadcast %broadcast_in_dim3A_30 : vector<1x576xi32> to vector<16x576xi32>
    %eq3A_32 = arith.cmpi eq, %iota3A, %eq3A_31 : vector<16x576xi32>
    %jit3A_33 = arith.constant 0xFF800000 : f32
    %broadcast_in_dim3A_34 = vector.broadcast %jit3A_33 : f32 to vector<16x576xf32>
    %select_n3A_35 = arith.select %eq3A_32, %broadcast_in_dim3A_34, %div3A_18 : vector<16x576xi1>, vector<16x576xf32>
    %reduce_max3A_36 = arith.constant dense<0xFF800000> : vector<576xf32>
    %reduce_max3A_37 = vector.multi_reduction <maximumf>, %select_n3A_35, %reduce_max3A_36 [0] : vector<16x576xf32> to vector<576xf32>
    %add3A_38 = arith.addf %reduce_max3A_29, %reduce_max3A_37 : vector<576xf32>
    %div3A_39 = arith.divf %reduce_max3A_29, %add3A_38 : vector<576xf32>
    %div3A_40 = arith.divf %reduce_max3A_37, %add3A_38 : vector<576xf32>
    %stack3A = vector.shape_cast %div3A_39 : vector<576xf32> to vector<1x576xf32>
    %stack3A_41 = vector.shape_cast %div3A_40 : vector<576xf32> to vector<1x576xf32>
    %stack3A_42 = tpu.concatenate %stack3A, %stack3A_41 in 0 : vector<1x576xf32>, vector<1x576xf32> -> vector<2x576xf32>
    %swap3A_43 = arith.constant 0 : index
    %swap3A_44 = arith.constant 0 : index
    %swap3A_45 = arith.constant 0 : index
    %swap3A_46 = vector.load %arg5[%swap3A_43, %swap3A_44, %swap3A_45] : memref<4x2x576xf32, #tpu.memory_space<vmem>>, vector<1x2x576xf32>
    %swap3A_47 = vector.shape_cast %swap3A_46 : vector<1x2x576xf32> to vector<2x576xf32>
    %swap3A_48 = vector.shape_cast %stack3A_42 : vector<2x576xf32> to vector<1x2x576xf32>
    tpu.vector_store %arg5[%swap3A_43, %swap3A_44, %swap3A_45], %swap3A_48 {strides = array<i32>} : memref<4x2x576xf32, #tpu.memory_space<vmem>>, vector<1x2x576xf32>,
    %stack3A_49 = vector.shape_cast %argmax3A : vector<576xi32> to vector<1x576xi32>
    %stack3A_50 = vector.shape_cast %argmax3A_27 : vector<576xi32> to vector<1x576xi32>
    %stack3A_51 = tpu.concatenate %stack3A_49, %stack3A_50 in 0 : vector<1x576xi32>, vector<1x576xi32> -> vector<2x576xi32>
    %swap3A_52 = arith.constant 0 : index
    %swap3A_53 = arith.constant 0 : index
    %swap3A_54 = arith.constant 0 : index
    %swap3A_55 = vector.load %arg6[%swap3A_52, %swap3A_53, %swap3A_54] : memref<4x2x576xi32, #tpu.memory_space<vmem>>, vector<1x2x576xi32>
    %swap3A_56 = vector.shape_cast %swap3A_55 : vector<1x2x576xi32> to vector<2x576xi32>
    %swap3A_57 = vector.shape_cast %stack3A_51 : vector<2x576xi32> to vector<1x2x576xi32>
    tpu.vector_store %arg6[%swap3A_52, %swap3A_53, %swap3A_54], %swap3A_57 {strides = array<i32>} : memref<4x2x576xi32, #tpu.memory_space<vmem>>, vector<1x2x576xi32>,
    %get3A_58 = arith.constant 0 : index
    %get3A_59 = arith.constant 0 : index
    %get3A_60 = vector.load %arg2[%get3A_58, %get3A_59] : memref<16x768xf32, #tpu.memory_space<vmem>>, vector<16x768xf32>
    %get3A_61 = arith.constant 1 : index
    %get3A_62 = arith.constant 0 : index
    %get3A_63 = arith.constant 0 : index
    %get3A_64 = vector.load %arg1[%get3A_61, %get3A_62, %get3A_63] : memref<4x768x576xf32, #tpu.memory_space<vmem>>, vector<1x768x576xf32>
    %get3A_65 = vector.shape_cast %get3A_64 : vector<1x768x576xf32> to vector<768x576xf32>
    %dot_general3A_66 = arith.constant dense<0.000000e+00> : vector<16x576xf32>
    %dot_general3A_67 = tpu.matmul %get3A_60, %get3A_65, %dot_general3A_66 {dimension_numbers = #tpu.dot_dimension_numbers<[1], [0], [0], [1], [0, 0, 1, 1], [], []>, transpose_lhs_hint = false} : vector<16x768xf32>, vector<768x576xf32>, vector<16x576xf32> -> vector<16x576xf32>
    %get3A_68 = arith.constant 0 : index
    %get3A_69 = arith.constant 0 : index
    %get3A_70 = vector.load %arg3[%get3A_68, %get3A_69] : memref<1x16xf32, #tpu.memory_space<vmem>>, vector<1x16xf32>
    %get3A_71 = vector.shape_cast %get3A_70 : vector<1x16xf32> to vector<16xf32>
    %broadcast_in_dim3A_72 = vector.shape_cast %get3A_71 : vector<16xf32> to vector<16x1xf32>
    %add3A_73 = vector.broadcast %broadcast_in_dim3A_72 : vector<16x1xf32> to vector<16x576xf32>
    %add3A_74 = arith.addf %dot_general3A_67, %add3A_73 : vector<16x576xf32>
    %reduce_max3A_75 = arith.constant dense<0xFF800000> : vector<576xf32>
    %reduce_max3A_76 = vector.multi_reduction <maximumf>, %add3A_74, %reduce_max3A_75 [0] : vector<16x576xf32> to vector<576xf32>
    %broadcast_in_dim3A_77 = vector.shape_cast %reduce_max3A_76 : vector<576xf32> to vector<1x576xf32>
    %sub3A_78 = vector.broadcast %broadcast_in_dim3A_77 : vector<1x576xf32> to vector<16x576xf32>
    %sub3A_79 = arith.subf %add3A_74, %sub3A_78 : vector<16x576xf32>
    %exp3A_80 = math.exp %sub3A_79 : vector<16x576xf32>
    %reduce_sum3A_81 = arith.constant dense<0.000000e+00> : vector<576xf32>
    %reduce_sum3A_82 = vector.multi_reduction <add>, %exp3A_80, %reduce_sum3A_81 [0] : vector<16x576xf32> to vector<576xf32>
    %broadcast_in_dim3A_83 = vector.shape_cast %reduce_sum3A_82 : vector<576xf32> to vector<1x576xf32>
    %div3A_84 = vector.broadcast %broadcast_in_dim3A_83 : vector<1x576xf32> to vector<16x576xf32>
    %div3A_85 = arith.divf %exp3A_80, %div3A_84 : vector<16x576xf32>
    %swap3A_86 = arith.constant 1 : index
    %swap3A_87 = arith.constant 0 : index
    %swap3A_88 = arith.constant 0 : index
    %swap3A_89 = vector.load %arg4[%swap3A_86, %swap3A_87, %swap3A_88] : memref<4x16x576xf32, #tpu.memory_space<vmem>>, vector<1x16x576xf32>
    %swap3A_90 = vector.shape_cast %swap3A_89 : vector<1x16x576xf32> to vector<16x576xf32>
    %swap3A_91 = vector.shape_cast %div3A_85 : vector<16x576xf32> to vector<1x16x576xf32>
    tpu.vector_store %arg4[%swap3A_86, %swap3A_87, %swap3A_88], %swap3A_91 {strides = array<i32>} : memref<4x16x576xf32, #tpu.memory_space<vmem>>, vector<1x16x576xf32>,
    %iota3A_92 = tpu.iota {dimensions = array<i32: 0>} : vector<16x576xi32>
    %argmax3A_93 = tpu.reduce_index %add3A_74 {axis = 0 : i32, kind = #tpu.reduction_kind<arg_max>} : vector<16x576xf32> -> vector<576xi32>
    %broadcast_in_dim3A_94 = vector.shape_cast %argmax3A_93 : vector<576xi32> to vector<1x576xi32>
    %eq3A_95 = vector.broadcast %broadcast_in_dim3A_94 : vector<1x576xi32> to vector<16x576xi32>
    %eq3A_96 = arith.cmpi eq, %iota3A_92, %eq3A_95 : vector<16x576xi32>
    %jit3A_97 = arith.constant 0xFF800000 : f32
    %broadcast_in_dim3A_98 = vector.broadcast %jit3A_97 : f32 to vector<16x576xf32>
    %select_n3A_99 = arith.select %eq3A_96, %broadcast_in_dim3A_98, %add3A_74 : vector<16x576xi1>, vector<16x576xf32>
    %argmax3A_100 = tpu.reduce_index %select_n3A_99 {axis = 0 : i32, kind = #tpu.reduction_kind<arg_max>} : vector<16x576xf32> -> vector<576xi32>
    %reduce_max3A_101 = arith.constant dense<0xFF800000> : vector<576xf32>
    %reduce_max3A_102 = vector.multi_reduction <maximumf>, %div3A_85, %reduce_max3A_101 [0] : vector<16x576xf32> to vector<576xf32>
    %broadcast_in_dim3A_103 = vector.shape_cast %argmax3A_93 : vector<576xi32> to vector<1x576xi32>
    %eq3A_104 = vector.broadcast %broadcast_in_dim3A_103 : vector<1x576xi32> to vector<16x576xi32>
    %eq3A_105 = arith.cmpi eq, %iota3A_92, %eq3A_104 : vector<16x576xi32>
    %jit3A_106 = arith.constant 0xFF800000 : f32
    %broadcast_in_dim3A_107 = vector.broadcast %jit3A_106 : f32 to vector<16x576xf32>
    %select_n3A_108 = arith.select %eq3A_105, %broadcast_in_dim3A_107, %div3A_85 : vector<16x576xi1>, vector<16x576xf32>
    %reduce_max3A_109 = arith.constant dense<0xFF800000> : vector<576xf32>
    %reduce_max3A_110 = vector.multi_reduction <maximumf>, %select_n3A_108, %reduce_max3A_109 [0] : vector<16x576xf32> to vector<576xf32>
    %add3A_111 = arith.addf %reduce_max3A_102, %reduce_max3A_110 : vector<576xf32>
    %div3A_112 = arith.divf %reduce_max3A_102, %add3A_111 : vector<576xf32>
    %div3A_113 = arith.divf %reduce_max3A_110, %add3A_111 : vector<576xf32>
    %stack3A_114 = vector.shape_cast %div3A_112 : vector<576xf32> to vector<1x576xf32>
    %stack3A_115 = vector.shape_cast %div3A_113 : vector<576xf32> to vector<1x576xf32>
    %stack3A_116 = tpu.concatenate %stack3A_114, %stack3A_115 in 0 : vector<1x576xf32>, vector<1x576xf32> -> vector<2x576xf32>
    %swap3A_117 = arith.constant 1 : index
    %swap3A_118 = arith.constant 0 : index
    %swap3A_119 = arith.constant 0 : index
    %swap3A_120 = vector.load %arg5[%swap3A_117, %swap3A_118, %swap3A_119] : memref<4x2x576xf32, #tpu.memory_space<vmem>>, vector<1x2x576xf32>
    %swap3A_121 = vector.shape_cast %swap3A_120 : vector<1x2x576xf32> to vector<2x576xf32>
    %swap3A_122 = vector.shape_cast %stack3A_116 : vector<2x576xf32> to vector<1x2x576xf32>
    tpu.vector_store %arg5[%swap3A_117, %swap3A_118, %swap3A_119], %swap3A_122 {strides = array<i32>} : memref<4x2x576xf32, #tpu.memory_space<vmem>>, vector<1x2x576xf32>,
    %stack3A_123 = vector.shape_cast %argmax3A_93 : vector<576xi32> to vector<1x576xi32>
    %stack3A_124 = vector.shape_cast %argmax3A_100 : vector<576xi32> to vector<1x576xi32>
    %stack3A_125 = tpu.concatenate %stack3A_123, %stack3A_124 in 0 : vector<1x576xi32>, vector<1x576xi32> -> vector<2x576xi32>
    %swap3A_126 = arith.constant 1 : index
    %swap3A_127 = arith.constant 0 : index
    %swap3A_128 = arith.constant 0 : index
    %swap3A_129 = vector.load %arg6[%swap3A_126, %swap3A_127, %swap3A_128] : memref<4x2x576xi32, #tpu.memory_space<vmem>>, vector<1x2x576xi32>
    %swap3A_130 = vector.shape_cast %swap3A_129 : vector<1x2x576xi32> to vector<2x576xi32>
    %swap3A_131 = vector.shape_cast %stack3A_125 : vector<2x576xi32> to vector<1x2x576xi32>
    tpu.vector_store %arg6[%swap3A_126, %swap3A_127, %swap3A_128], %swap3A_131 {strides = array<i32>} : memref<4x2x576xi32, #tpu.memory_space<vmem>>, vector<1x2x576xi32>,
    %get3A_132 = arith.constant 0 : index
    %get3A_133 = arith.constant 0 : index
    %get3A_134 = vector.load %arg2[%get3A_132, %get3A_133] : memref<16x768xf32, #tpu.memory_space<vmem>>, vector<16x768xf32>
    %get3A_135 = arith.constant 2 : index
    %get3A_136 = arith.constant 0 : index
    %get3A_137 = arith.constant 0 : index
    %get3A_138 = vector.load %arg1[%get3A_135, %get3A_136, %get3A_137] : memref<4x768x576xf32, #tpu.memory_space<vmem>>, vector<1x768x576xf32>
    %get3A_139 = vector.shape_cast %get3A_138 : vector<1x768x576xf32> to vector<768x576xf32>
    %dot_general3A_140 = arith.constant dense<0.000000e+00> : vector<16x576xf32>
    %dot_general3A_141 = tpu.matmul %get3A_134, %get3A_139, %dot_general3A_140 {dimension_numbers = #tpu.dot_dimension_numbers<[1], [0], [0], [1], [0, 0, 1, 1], [], []>, transpose_lhs_hint = false} : vector<16x768xf32>, vector<768x576xf32>, vector<16x576xf32> -> vector<16x576xf32>
    %get3A_142 = arith.constant 0 : index
    %get3A_143 = arith.constant 0 : index
    %get3A_144 = vector.load %arg3[%get3A_142, %get3A_143] : memref<1x16xf32, #tpu.memory_space<vmem>>, vector<1x16xf32>
    %get3A_145 = vector.shape_cast %get3A_144 : vector<1x16xf32> to vector<16xf32>
    %broadcast_in_dim3A_146 = vector.shape_cast %get3A_145 : vector<16xf32> to vector<16x1xf32>
    %add3A_147 = vector.broadcast %broadcast_in_dim3A_146 : vector<16x1xf32> to vector<16x576xf32>
    %add3A_148 = arith.addf %dot_general3A_141, %add3A_147 : vector<16x576xf32>
    %reduce_max3A_149 = arith.constant dense<0xFF800000> : vector<576xf32>
    %reduce_max3A_150 = vector.multi_reduction <maximumf>, %add3A_148, %reduce_max3A_149 [0] : vector<16x576xf32> to vector<576xf32>
    %broadcast_in_dim3A_151 = vector.shape_cast %reduce_max3A_150 : vector<576xf32> to vector<1x576xf32>
    %sub3A_152 = vector.broadcast %broadcast_in_dim3A_151 : vector<1x576xf32> to vector<16x576xf32>
    %sub3A_153 = arith.subf %add3A_148, %sub3A_152 : vector<16x576xf32>
    %exp3A_154 = math.exp %sub3A_153 : vector<16x576xf32>
    %reduce_sum3A_155 = arith.constant dense<0.000000e+00> : vector<576xf32>
    %reduce_sum3A_156 = vector.multi_reduction <add>, %exp3A_154, %reduce_sum3A_155 [0] : vector<16x576xf32> to vector<576xf32>
    %broadcast_in_dim3A_157 = vector.shape_cast %reduce_sum3A_156 : vector<576xf32> to vector<1x576xf32>
    %div3A_158 = vector.broadcast %broadcast_in_dim3A_157 : vector<1x576xf32> to vector<16x576xf32>
    %div3A_159 = arith.divf %exp3A_154, %div3A_158 : vector<16x576xf32>
    %swap3A_160 = arith.constant 2 : index
    %swap3A_161 = arith.constant 0 : index
    %swap3A_162 = arith.constant 0 : index
    %swap3A_163 = vector.load %arg4[%swap3A_160, %swap3A_161, %swap3A_162] : memref<4x16x576xf32, #tpu.memory_space<vmem>>, vector<1x16x576xf32>
    %swap3A_164 = vector.shape_cast %swap3A_163 : vector<1x16x576xf32> to vector<16x576xf32>
    %swap3A_165 = vector.shape_cast %div3A_159 : vector<16x576xf32> to vector<1x16x576xf32>
    tpu.vector_store %arg4[%swap3A_160, %swap3A_161, %swap3A_162], %swap3A_165 {strides = array<i32>} : memref<4x16x576xf32, #tpu.memory_space<vmem>>, vector<1x16x576xf32>,
    %iota3A_166 = tpu.iota {dimensions = array<i32: 0>} : vector<16x576xi32>
    %argmax3A_167 = tpu.reduce_index %add3A_148 {axis = 0 : i32, kind = #tpu.reduction_kind<arg_max>} : vector<16x576xf32> -> vector<576xi32>
    %broadcast_in_dim3A_168 = vector.shape_cast %argmax3A_167 : vector<576xi32> to vector<1x576xi32>
    %eq3A_169 = vector.broadcast %broadcast_in_dim3A_168 : vector<1x576xi32> to vector<16x576xi32>
    %eq3A_170 = arith.cmpi eq, %iota3A_166, %eq3A_169 : vector<16x576xi32>
    %jit3A_171 = arith.constant 0xFF800000 : f32
    %broadcast_in_dim3A_172 = vector.broadcast %jit3A_171 : f32 to vector<16x576xf32>
    %select_n3A_173 = arith.select %eq3A_170, %broadcast_in_dim3A_172, %add3A_148 : vector<16x576xi1>, vector<16x576xf32>
    %argmax3A_174 = tpu.reduce_index %select_n3A_173 {axis = 0 : i32, kind = #tpu.reduction_kind<arg_max>} : vector<16x576xf32> -> vector<576xi32>
    %reduce_max3A_175 = arith.constant dense<0xFF800000> : vector<576xf32>
    %reduce_max3A_176 = vector.multi_reduction <maximumf>, %div3A_159, %reduce_max3A_175 [0] : vector<16x576xf32> to vector<576xf32>
    %broadcast_in_dim3A_177 = vector.shape_cast %argmax3A_167 : vector<576xi32> to vector<1x576xi32>
    %eq3A_178 = vector.broadcast %broadcast_in_dim3A_177 : vector<1x576xi32> to vector<16x576xi32>
    %eq3A_179 = arith.cmpi eq, %iota3A_166, %eq3A_178 : vector<16x576xi32>
    %jit3A_180 = arith.constant 0xFF800000 : f32
    %broadcast_in_dim3A_181 = vector.broadcast %jit3A_180 : f32 to vector<16x576xf32>
    %select_n3A_182 = arith.select %eq3A_179, %broadcast_in_dim3A_181, %div3A_159 : vector<16x576xi1>, vector<16x576xf32>
    %reduce_max3A_183 = arith.constant dense<0xFF800000> : vector<576xf32>
    %reduce_max3A_184 = vector.multi_reduction <maximumf>, %select_n3A_182, %reduce_max3A_183 [0] : vector<16x576xf32> to vector<576xf32>
    %add3A_185 = arith.addf %reduce_max3A_176, %reduce_max3A_184 : vector<576xf32>
    %div3A_186 = arith.divf %reduce_max3A_176, %add3A_185 : vector<576xf32>
    %div3A_187 = arith.divf %reduce_max3A_184, %add3A_185 : vector<576xf32>
    %stack3A_188 = vector.shape_cast %div3A_186 : vector<576xf32> to vector<1x576xf32>
    %stack3A_189 = vector.shape_cast %div3A_187 : vector<576xf32> to vector<1x576xf32>
    %stack3A_190 = tpu.concatenate %stack3A_188, %stack3A_189 in 0 : vector<1x576xf32>, vector<1x576xf32> -> vector<2x576xf32>
    %swap3A_191 = arith.constant 2 : index
    %swap3A_192 = arith.constant 0 : index
    %swap3A_193 = arith.constant 0 : index
    %swap3A_194 = vector.load %arg5[%swap3A_191, %swap3A_192, %swap3A_193] : memref<4x2x576xf32, #tpu.memory_space<vmem>>, vector<1x2x576xf32>
    %swap3A_195 = vector.shape_cast %swap3A_194 : vector<1x2x576xf32> to vector<2x576xf32>
    %swap3A_196 = vector.shape_cast %stack3A_190 : vector<2x576xf32> to vector<1x2x576xf32>
    tpu.vector_store %arg5[%swap3A_191, %swap3A_192, %swap3A_193], %swap3A_196 {strides = array<i32>} : memref<4x2x576xf32, #tpu.memory_space<vmem>>, vector<1x2x576xf32>,
    %stack3A_197 = vector.shape_cast %argmax3A_167 : vector<576xi32> to vector<1x576xi32>
    %stack3A_198 = vector.shape_cast %argmax3A_174 : vector<576xi32> to vector<1x576xi32>
    %stack3A_199 = tpu.concatenate %stack3A_197, %stack3A_198 in 0 : vector<1x576xi32>, vector<1x576xi32> -> vector<2x576xi32>
    %swap3A_200 = arith.constant 2 : index
    %swap3A_201 = arith.constant 0 : index
    %swap3A_202 = arith.constant 0 : index
    %swap3A_203 = vector.load %arg6[%swap3A_200, %swap3A_201, %swap3A_202] : memref<4x2x576xi32, #tpu.memory_space<vmem>>, vector<1x2x576xi32>
    %swap3A_204 = vector.shape_cast %swap3A_203 : vector<1x2x576xi32> to vector<2x576xi32>
    %swap3A_205 = vector.shape_cast %stack3A_199 : vector<2x576xi32> to vector<1x2x576xi32>
    tpu.vector_store %arg6[%swap3A_200, %swap3A_201, %swap3A_202], %swap3A_205 {strides = array<i32>} : memref<4x2x576xi32, #tpu.memory_space<vmem>>, vector<1x2x576xi32>,
    %get3A_206 = arith.constant 0 : index
    %get3A_207 = arith.constant 0 : index
    %get3A_208 = vector.load %arg2[%get3A_206, %get3A_207] : memref<16x768xf32, #tpu.memory_space<vmem>>, vector<16x768xf32>
    %get3A_209 = arith.constant 3 : index
    %get3A_210 = arith.constant 0 : index
    %get3A_211 = arith.constant 0 : index
    %get3A_212 = vector.load %arg1[%get3A_209, %get3A_210, %get3A_211] : memref<4x768x576xf32, #tpu.memory_space<vmem>>, vector<1x768x576xf32>
    %get3A_213 = vector.shape_cast %get3A_212 : vector<1x768x576xf32> to vector<768x576xf32>
    %dot_general3A_214 = arith.constant dense<0.000000e+00> : vector<16x576xf32>
    %dot_general3A_215 = tpu.matmul %get3A_208, %get3A_213, %dot_general3A_214 {dimension_numbers = #tpu.dot_dimension_numbers<[1], [0], [0], [1], [0, 0, 1, 1], [], []>, transpose_lhs_hint = false} : vector<16x768xf32>, vector<768x576xf32>, vector<16x576xf32> -> vector<16x576xf32>
    %get3A_216 = arith.constant 0 : index
    %get3A_217 = arith.constant 0 : index
    %get3A_218 = vector.load %arg3[%get3A_216, %get3A_217] : memref<1x16xf32, #tpu.memory_space<vmem>>, vector<1x16xf32>
    %get3A_219 = vector.shape_cast %get3A_218 : vector<1x16xf32> to vector<16xf32>
    %broadcast_in_dim3A_220 = vector.shape_cast %get3A_219 : vector<16xf32> to vector<16x1xf32>
    %add3A_221 = vector.broadcast %broadcast_in_dim3A_220 : vector<16x1xf32> to vector<16x576xf32>
    %add3A_222 = arith.addf %dot_general3A_215, %add3A_221 : vector<16x576xf32>
    %reduce_max3A_223 = arith.constant dense<0xFF800000> : vector<576xf32>
    %reduce_max3A_224 = vector.multi_reduction <maximumf>, %add3A_222, %reduce_max3A_223 [0] : vector<16x576xf32> to vector<576xf32>
    %broadcast_in_dim3A_225 = vector.shape_cast %reduce_max3A_224 : vector<576xf32> to vector<1x576xf32>
    %sub3A_226 = vector.broadcast %broadcast_in_dim3A_225 : vector<1x576xf32> to vector<16x576xf32>
    %sub3A_227 = arith.subf %add3A_222, %sub3A_226 : vector<16x576xf32>
    %exp3A_228 = math.exp %sub3A_227 : vector<16x576xf32>
    %reduce_sum3A_229 = arith.constant dense<0.000000e+00> : vector<576xf32>
    %reduce_sum3A_230 = vector.multi_reduction <add>, %exp3A_228, %reduce_sum3A_229 [0] : vector<16x576xf32> to vector<576xf32>
    %broadcast_in_dim3A_231 = vector.shape_cast %reduce_sum3A_230 : vector<576xf32> to vector<1x576xf32>
    %div3A_232 = vector.broadcast %broadcast_in_dim3A_231 : vector<1x576xf32> to vector<16x576xf32>
    %div3A_233 = arith.divf %exp3A_228, %div3A_232 : vector<16x576xf32>
    %swap3A_234 = arith.constant 3 : index
    %swap3A_235 = arith.constant 0 : index
    %swap3A_236 = arith.constant 0 : index
    %swap3A_237 = vector.load %arg4[%swap3A_234, %swap3A_235, %swap3A_236] : memref<4x16x576xf32, #tpu.memory_space<vmem>>, vector<1x16x576xf32>
    %swap3A_238 = vector.shape_cast %swap3A_237 : vector<1x16x576xf32> to vector<16x576xf32>
    %swap3A_239 = vector.shape_cast %div3A_233 : vector<16x576xf32> to vector<1x16x576xf32>
    tpu.vector_store %arg4[%swap3A_234, %swap3A_235, %swap3A_236], %swap3A_239 {strides = array<i32>} : memref<4x16x576xf32, #tpu.memory_space<vmem>>, vector<1x16x576xf32>,
    %iota3A_240 = tpu.iota {dimensions = array<i32: 0>} : vector<16x576xi32>
    %argmax3A_241 = tpu.reduce_index %add3A_222 {axis = 0 : i32, kind = #tpu.reduction_kind<arg_max>} : vector<16x576xf32> -> vector<576xi32>
    %broadcast_in_dim3A_242 = vector.shape_cast %argmax3A_241 : vector<576xi32> to vector<1x576xi32>
    %eq3A_243 = vector.broadcast %broadcast_in_dim3A_242 : vector<1x576xi32> to vector<16x576xi32>
    %eq3A_244 = arith.cmpi eq, %iota3A_240, %eq3A_243 : vector<16x576xi32>
    %jit3A_245 = arith.constant 0xFF800000 : f32
    %broadcast_in_dim3A_246 = vector.broadcast %jit3A_245 : f32 to vector<16x576xf32>
    %select_n3A_247 = arith.select %eq3A_244, %broadcast_in_dim3A_246, %add3A_222 : vector<16x576xi1>, vector<16x576xf32>
    %argmax3A_248 = tpu.reduce_index %select_n3A_247 {axis = 0 : i32, kind = #tpu.reduction_kind<arg_max>} : vector<16x576xf32> -> vector<576xi32>
    %reduce_max3A_249 = arith.constant dense<0xFF800000> : vector<576xf32>
    %reduce_max3A_250 = vector.multi_reduction <maximumf>, %div3A_233, %reduce_max3A_249 [0] : vector<16x576xf32> to vector<576xf32>
    %broadcast_in_dim3A_251 = vector.shape_cast %argmax3A_241 : vector<576xi32> to vector<1x576xi32>
    %eq3A_252 = vector.broadcast %broadcast_in_dim3A_251 : vector<1x576xi32> to vector<16x576xi32>
    %eq3A_253 = arith.cmpi eq, %iota3A_240, %eq3A_252 : vector<16x576xi32>
    %jit3A_254 = arith.constant 0xFF800000 : f32
    %broadcast_in_dim3A_255 = vector.broadcast %jit3A_254 : f32 to vector<16x576xf32>
    %select_n3A_256 = arith.select %eq3A_253, %broadcast_in_dim3A_255, %div3A_233 : vector<16x576xi1>, vector<16x576xf32>
    %reduce_max3A_257 = arith.constant dense<0xFF800000> : vector<576xf32>
    %reduce_max3A_258 = vector.multi_reduction <maximumf>, %select_n3A_256, %reduce_max3A_257 [0] : vector<16x576xf32> to vector<576xf32>
    %add3A_259 = arith.addf %reduce_max3A_250, %reduce_max3A_258 : vector<576xf32>
    %div3A_260 = arith.divf %reduce_max3A_250, %add3A_259 : vector<576xf32>
    %div3A_261 = arith.divf %reduce_max3A_258, %add3A_259 : vector<576xf32>
    %stack3A_262 = vector.shape_cast %div3A_260 : vector<576xf32> to vector<1x576xf32>
    %stack3A_263 = vector.shape_cast %div3A_261 : vector<576xf32> to vector<1x576xf32>
    %stack3A_264 = tpu.concatenate %stack3A_262, %stack3A_263 in 0 : vector<1x576xf32>, vector<1x576xf32> -> vector<2x576xf32>
    %swap3A_265 = arith.constant 3 : index
    %swap3A_266 = arith.constant 0 : index
    %swap3A_267 = arith.constant 0 : index
    %swap3A_268 = vector.load %arg5[%swap3A_265, %swap3A_266, %swap3A_267] : memref<4x2x576xf32, #tpu.memory_space<vmem>>, vector<1x2x576xf32>
    %swap3A_269 = vector.shape_cast %swap3A_268 : vector<1x2x576xf32> to vector<2x576xf32>
    %swap3A_270 = vector.shape_cast %stack3A_264 : vector<2x576xf32> to vector<1x2x576xf32>
    tpu.vector_store %arg5[%swap3A_265, %swap3A_266, %swap3A_267], %swap3A_270 {strides = array<i32>} : memref<4x2x576xf32, #tpu.memory_space<vmem>>, vector<1x2x576xf32>,
    %stack3A_271 = vector.shape_cast %argmax3A_241 : vector<576xi32> to vector<1x576xi32>
    %stack3A_272 = vector.shape_cast %argmax3A_248 : vector<576xi32> to vector<1x576xi32>
    %stack3A_273 = tpu.concatenate %stack3A_271, %stack3A_272 in 0 : vector<1x576xi32>, vector<1x576xi32> -> vector<2x576xi32>
    %swap3A_274 = arith.constant 3 : index
    %swap3A_275 = arith.constant 0 : index
    %swap3A_276 = arith.constant 0 : index
    %swap3A_277 = vector.load %arg6[%swap3A_274, %swap3A_275, %swap3A_276] : memref<4x2x576xi32, #tpu.memory_space<vmem>>, vector<1x2x576xi32>
    %swap3A_278 = vector.shape_cast %swap3A_277 : vector<1x2x576xi32> to vector<2x576xi32>
    %swap3A_279 = vector.shape_cast %stack3A_273 : vector<2x576xi32> to vector<1x2x576xi32>
    tpu.vector_store %arg6[%swap3A_274, %swap3A_275, %swap3A_276], %swap3A_279 {strides = array<i32>} : memref<4x2x576xi32, #tpu.memory_space<vmem>>, vector<1x2x576xi32>,
    return
  }
  func.func @transform_0(%arg0: i32) -> (i32, i32, i32) {
    %c0_i32 = arith.constant 0 : i32
    %c0_i32_0 = arith.constant 0 : i32
    %c0_i32_1 = arith.constant 0 : i32
    return %arg0, %c0_i32, %c0_i32_0 : i32, i32, i32
  }
  func.func @transform_1(%arg0: i32) -> (i32, i32) {
    %c0_i32 = arith.constant 0 : i32
    %c0_i32_0 = arith.constant 0 : i32
    %c0_i32_1 = arith.constant 0 : i32
    return %c0_i32, %c0_i32_0 : i32, i32
  }
  func.func @transform_2(%arg0: i32) -> (i32, i32) {
    %c0_i32 = arith.constant 0 : i32
    %c0_i32_0 = arith.constant 0 : i32
    %c0_i32_1 = arith.constant 0 : i32
    return %c0_i32, %c0_i32_0 : i32, i32
  }
  func.func @transform_3(%arg0: i32) -> (i32, i32, i32) {
    %c0_i32 = arith.constant 0 : i32
    %c0_i32_0 = arith.constant 0 : i32
    %c0_i32_1 = arith.constant 0 : i32
    return %arg0, %c0_i32, %c0_i32_0 : i32, i32, i32
  }
  func.func @transform_4(%arg0: i32) -> (i32, i32, i32) {
    %c0_i32 = arith.constant 0 : i32
    %c0_i32_0 = arith.constant 0 : i32
    %c0_i32_1 = arith.constant 0 : i32
    return %arg0, %c0_i32, %c0_i32_0 : i32, i32, i32
  }
  func.func @transform_5(%arg0: i32) -> (i32, i32, i32) {
    %c0_i32 = arith.constant 0 : i32
    %c0_i32_0 = arith.constant 0 : i32
    %c0_i32_1 = arith.constant 0 : i32
    return %arg0, %c0_i32, %c0_i32_0 : i32, i32, i32
  }
}

</mosaic_0001>

<sc_bundles>
// kernel: kernel.4.cloned.1.call-start
scs
__scs_entry_jumppad:
0x0: {  	(pc) =	sbr.rel $0x88, $3  }
0x1: {  	(tag) =	ssettag $0x0;
	lr =	simm.s32 $0x1  }
0x2: {  	[smem:$0x3F9E] =	sst lr;
	_ =	strace $0xD0000000  }
0x3: {  	_ = 	snop  }
0x4: {  	_ = 	snop  }
0x5: {  	_ = 	snop  }
0x6: {  	_ = 	snop  }
0x7: {  	_ = 	snop  }
__scs_overlays_trampoline_lowered:
0x8: {  	[smem:$0x3FAD] =	sst s0  }
0x9: {  	[smem:$0x3FAE] =	sst s1  }
0xa: {  	[smem:$0x3FAF] =	sst s2  }
0xb: {  	[smem:$0x3FB0] =	sst s3  }
0xc: {  	[smem:$0x3FB1] =	sst s4  }
0xd: {  	[smem:$0x3FB2] =	sst s5  }
0xe: {  	[smem:$0x3FB3] =	sst s6  }
0xf: {  	[smem:$0x3FB4] =	sst s7  }
0x10: {  	[smem:$0x3FB5] =	sst s8  }
0x11: {  	[smem:$0x3FB6] =	sst s9;
	s0 =	simm.s32 @!p0 $0x0  }
0x12: {  	s1 =	sld [smem:$0x3F9C];
	s0 =	simm.s32 @p0 $0x1  }
0x13: {  	[smem:$0x3FB7] =	sst s0;
	s0 =	simm.s32 @!p1 $0x0  }
0x14: {  	s2 =	sld [smem:$0x3F9B];
	s0 =	simm.s32 @p1 $0x1  }
0x15: {  	[smem:$0x3FB8] =	sst s0;
	s0 =	simm.s32 @!p2 $0x0  }
0x16: {  	s3 =	sld [smem:$0x3FDB];
	s0 =	simm.s32 @p2 $0x1  }
0x17: {  	s4 =	simm.s32 $0x1BF5;
	[smem:$0x3FBA] =	sst s0  }
0x18: {  	s0 =	sld [smem:$0x3F9D];
	_ =	swait.ge [sflag:s4], $0x0  }
0x19: {  	s7 =	sld [smem:$0x3F9E]  }
0x1a: {  	s8 =	sadd.s32 $0xFFFFE003, lr  }
0x1b: {  	s9 =	sadd.s32 $0xFFFFFEF7, lr;
	s5 =	simm.s32 $0xFFFFFFFF;
	p2 =	slt.u32 s8, $0xFFFFF086  }
0x1c: {  	p1 =	slt.u32 s9, $0xF7A;
	s5 =	simm.s32 @!p2 $0x0  }
0x1d: {  	s5 =	simm.s32 @p1 $0x1;
	p0 =	seq.s32 s7, s2  }
0x1e: {  	s7 =	smul.u32 @!p0 $0xF7A, s2;
	p2 =	seq.s32 @!p0 s5, $0x0  }
0x1f: {  	s9 =	smul.u32 $0xF7A, s1;
	s8 =	simm.s32 @!p0 $0x1BF5;
	p2 =	por !p2, p0  }
0x20: {  	[sflag:s8] =	ssyncset.s32 @!p0 $0xFFFFF086;
	s6 =	sadd.s32 @!p0 s3, s7;
	s7 =	simm.s32 @!p0 $0x108  }
0x21: {  	s3 =	sadd.s32 s3, s9;
	s6 =	sadd.s32 @!p0 $0x88, s6;
	s7 =	simm.s32 @p2 $0x1082  }
0x22: {  	[simem:s7], [sflag:s8] =	dma.local @!p0 [hbm:s6], $0xF7A  }
0x23: {  	s9 =	sor.u32 $0xD0000000, s2;
	s6 =	simm.s32 $0x108;
	_ =	swait.ge @!p0 [sflag:s8], $0x0  }
0x24: {  	s3 =	sadd.s32 $0x88, s3;
	s6 =	simm.s32 @!p1 $0x1082;
	[sflag:s4] =	ssyncset.s32 $0xFFFFF086  }
0x25: {  	[simem:s6], [sflag:s4] =	dma.local [hbm:s3], $0xF7A  }
0x26: {  	[smem:$0x3F9E] =	sst s1;
	(tag) =	ssettag s2;
	_ =	strace s9  }
0x27: {  	s1 =	sld [smem:$0x3FAE]  }
0x28: {  	s2 =	sld [smem:$0x3FAF]  }
0x29: {  	s4 =	sld [smem:$0x3FB1]  }
0x2a: {  	p0 =	seq.s32 s5, $0x0;
	s5 =	sld [smem:$0x3FB2]  }
0x2b: {  	s6 =	sld [smem:$0x3FB3]  }
0x2c: {  	s7 =	sld [smem:$0x3FB4]  }
0x2d: {  	s3 =	simm.s32 $0x108;
	s8 =	sld [smem:$0x3FB5]  }
0x2e: {  	s3 =	simm.s32 @!p0 $0x1082;
	s9 =	sld [smem:$0x3FB6]  }
0x2f: {  	lr =	sadd.s32 s0, s3;
	s0 =	sld [smem:$0x3FAD]  }
0x30: {  	s3 =	sld [smem:$0x3FB0]  }
0x31: {  	[smem:$0x3FB9] =	sst s10  }
0x32: {  	s10 =	sld [smem:$0x3FB7];
	_ =	sdelay $0x3  }
0x33: {  	p0 =	seq.s32 s10, $0x1;
	s10 =	sld [smem:$0x3FB9];
	_ =	sdelay $0x3  }
0x34: {  	[smem:$0x3FB9] =	sst s10  }
0x35: {  	s10 =	sld [smem:$0x3FB8];
	_ =	sdelay $0x3  }
0x36: {  	p1 =	seq.s32 s10, $0x1;
	s10 =	sld [smem:$0x3FB9];
	_ =	sdelay $0x3  }
0x37: {  	[smem:$0x3FB9] =	sst s10  }
0x38: {  	s10 =	sld [smem:$0x3FBA]  }
0x39: {  	_ = 	snop;
	(pc) =	sbr.ind lr, $3  }
0x3a: {  	_ = 	snop  }
0x3b: {  	_ = 	snop  }
0x3c: {  	p2 =	seq.s32 s10, $0x1;
	s10 =	sld [smem:$0x3FB9]  }
0x3d: {  	_ =	shalt  }
0x3e: {  	_ =	shalt  }
0x3f: {  	_ =	shalt  }
0x40: {  	_ =	shalt  }
0x41: {  	_ =	shalt  }
0x42: {  	_ =	shalt  }
0x43: {  	_ =	shalt  }
0x44: {  	_ =	shalt  }
0x45: {  	_ =	shalt  }
0x46: {  	_ =	shalt  }
0x47: {  	_ =	shalt  }
0x48: {  	_ =	shalt  }
0x49: {  	_ =	shalt  }
0x4a: {  	_ =	shalt  }
0x4b: {  	_ =	shalt  }
0x4c: {  	_ =	shalt  }
0x4d: {  	_ =	shalt  }
0x4e: {  	_ =	shalt  }
0x4f: {  	_ =	shalt  }
0x50: {  	_ =	shalt  }
0x51: {  	_ =	shalt  }
0x52: {  	_ =	shalt  }
0x53: {  	_ =	shalt  }
0x54: {  	_ =	shalt  }
0x55: {  	_ =	shalt  }
0x56: {  	_ =	shalt  }
0x57: {  	_ =	shalt  }
0x58: {  	_ =	shalt  }
0x59: {  	_ =	shalt  }
0x5a: {  	_ =	shalt  }
0x5b: {  	_ =	shalt  }
0x5c: {  	_ =	shalt  }
0x5d: {  	_ =	shalt  }
0x5e: {  	_ =	shalt  }
0x5f: {  	_ =	shalt  }
0x60: {  	_ =	shalt  }
0x61: {  	_ =	shalt  }
0x62: {  	_ =	shalt  }
0x63: {  	_ =	shalt  }
0x64: {  	_ =	shalt  }
0x65: {  	_ =	shalt  }
0x66: {  	_ =	shalt  }
0x67: {  	_ =	shalt  }
0x68: {  	_ =	shalt  }
0x69: {  	_ =	shalt  }
0x6a: {  	_ =	shalt  }
0x6b: {  	_ =	shalt  }
0x6c: {  	_ =	shalt  }
0x6d: {  	_ =	shalt  }
0x6e: {  	_ =	shalt  }
0x6f: {  	_ =	shalt  }
0x70: {  	_ =	shalt  }
0x71: {  	_ =	shalt  }
0x72: {  	_ =	shalt  }
0x73: {  	_ =	shalt  }
0x74: {  	_ =	shalt  }
0x75: {  	_ =	shalt  }
0x76: {  	_ =	shalt  }
0x77: {  	_ =	shalt  }
0x78: {  	_ =	shalt  }
0x79: {  	_ =	shalt  }
0x7a: {  	_ =	shalt  }
0x7b: {  	_ =	shalt  }
0x7c: {  	_ =	shalt  }
0x7d: {  	_ =	shalt  }
0x7e: {  	_ =	shalt  }
0x7f: {  	_ =	shalt  }
0x80: {  	_ =	shalt  }
0x81: {  	_ =	shalt  }
0x82: {  	_ =	shalt  }
0x83: {  	_ =	shalt  }
0x84: {  	_ =	shalt  }
0x85: {  	_ =	shalt  }
0x86: {  	_ =	shalt  }
0x87: {  	_ =	shalt  }
.Lfunc_end0:
.L_simem_size_0:
called_computation_lowered:
.L_overlay_start_0:
0x88: {  	s2 =	sld [smem:$0x3FD9]  }
0x89: {  	s3 =	sld [smem:$0x3FFE];
	_ =	sdelay $0x1  }
0x8a: {  	s1 =	srdreg.scid  }
0x8b: {  	s0 =	sand.u32 $0x1, s1  }
0x8c: {  	s14 =	sshll.u32 s0, $0xA;
	s2 =	sadd.s32 s3, s2  }
0x8d: {  	s2 =	sadd.s32 s2, s14  }
0x8e: {  	[smem:$0x3FC5] =	sst s2  }
0x8f: {  	_ = 	snop  }
0x90: {  	s2 =	sld [smem:$0x3FD0];
	_ =	sdelay $0x2  }
0x91: {  	s15 =	simm.s32 $0xA;
	s4 =	simm.s32 $0x10  }
0x92: {  	[smem:s4], [sflag:s15] =	dma.local [hbm:s2], $0x1  }
0x93: {  	_ =	swait.eq [sflag:s15], $0x1  }
0x94: {  	s16 =	sld [smem:$0x10];
	[sflag:s15] =	ssyncset.done $0x0  }
0x95: {  	s17 =	sld [smem:$0x11];
	[sflag:s15] =	ssyncadd.s32 $0xFFFFFFFF  }
0x96: {  	s18 =	sld [smem:$0x12];
	(tm) =	ssettm $0x1  }
0x97: {  	s5 =	sld [smem:$0x3FFB];
	_ =	sdelay $0x3  }
0x98: {  	_ =	strace s5  }
0x99: {  	s5 =	sld [smem:$0x3FFC];
	_ =	sdelay $0x3  }
0x9a: {  	_ =	strace s5  }
0x9b: {  	s5 =	sld [smem:$0x3FFD];
	_ =	sdelay $0x3  }
0x9c: {  	_ =	strace s5  }
0x9d: {  	_ =	strace $0x8FFFFFFF  }
0x9e: {  	s19 =	sld [smem:$0x3FDB];
	_ =	sdelay $0x1  }
0x9f: {  	s6 =	simm.s32 $_scs_section_size  }
0xa0: {  	s7 =	simm.s32 $_size__tile_overlayer_lowered;
	s8 =	simm.s32 $_tile_overlayer_lowered  }
0xa1: {  	s22 =	simm.s32 $0x1BFF;
	s21 =	sshll.u32 s8, $0x1;
	s5 =	sadd.s32 s6, s19  }
0xa2: {  	s9 =	simm.s32 $0x0;
	s20 =	sshll.u32 s7, $0x1;
	s7 =	sadd.s32 s21, s5  }
0xa3: {  	[timem:s9], [sflag:s22] =	dma.local [hbm:s7], s20  }
0xa4: {  	_ =	swait.ge [sflag:s22], s20  }
0xa5: {  	s6 =	ssub.s32 $0x0, s20;
	[sflag:s22] =	ssyncset.done $0x0  }
0xa6: {  	[sflag:s22] =	ssyncadd.s32 s6;
	_ =	sdelay $0x1  }
0xa7: {  	s23 =	simm.s32 $0x1B8B  }
0xa8: {  	_ =	swait.ge [sflag:s23], $0x1  }
0xa9: {  	[sflag:s23] =	ssyncset.done $0x0  }
0xaa: {  	s25 =	simm.s32 $0x1B8E;
	s24 =	sld [smem:$0x3FFE];
	[sflag:s23] =	ssyncadd.s32 $0xFFFFFFFF  }
0xab: {  	s26 =	simm.s32 $execute0_lowered;
	[smem:$0x3FD2] =	sst s25  }
0xac: {  	s7 =	sshll.u32 s26, $0x1;
	_ =	strace $0x80000046;
	[dreg:$0x1] =	wrdreg $0xFFFFFFFF  }
0xad: {  	s28 =	simm.s32 $_size_execute0_lowered;
	s5 =	sadd.s32 s5, s7;
	[dreg:$0x0] =	wrdreg $0x0  }
0xae: {  	s7 =	sshll.u32 s28, $0x1;
	[dreg:$0x2] =	wrdreg s5  }
0xaf: {  	[dreg:$0x3] =	wrdreg s7  }
0xb0: {  	[dreg:$0x4] =	wrdreg $0xC0  }
0xb1: {  	_ =	task [dreg:s9], $0x5FFFF  }
0xb2: {  	[dreg:$0x1] =	wrdreg $0xFFFFFFFF  }
0xb3: {  	[dreg:$0x0] =	wrdreg $0x60  }
0xb4: {  	[dreg:$0x2] =	wrdreg s24  }
0xb5: {  	[dreg:$0x3] =	wrdreg s18  }
0xb6: {  	[dreg:$0x4] =	wrdreg s17  }
0xb7: {  	[dreg:$0x5] =	wrdreg s16  }
0xb8: {  	[dreg:$0x6] =	wrdreg $0x9  }
0xb9: {  	_ =	task.clear_ibuf [dreg:s9], $0x7FFFF;
	_ =	strace $0x90000046  }
0xba: {  	s29 =	simm.s32 $0x9;
	_ =	strace $0x80000048  }
0xbb: {  	_ =	swait.ge [sflag:s29], $0x1  }
0xbc: {  	[sflag:s29] =	ssyncadd.s32 $0xFFFFFFFF  }
0xbd: {  	_ =	strace $0x90000048  }
0xbe: {  	_ =	sfence  }
0xbf: {  	s30 =	sld [smem:$0x0];
	_ =	sdelay $0x2  }
0xc0: {  	s31 =	sshll.u32 s1, $0xD;
	s1 =	sshrl.u32 s1, $0x2  }
0xc1: {  	s3 =	sand.u32 $0x4000, s31;
	s1 =	sadd.s32 s1, s30  }
0xc2: {  	s0 =	sor.u32 s3, s0;
	s1 =	sshll.u32 s1, $0x11  }
0xc3: {  	s0 =	sor.u32 s1, s0  }
0xc4: {  	s0 =	sadd.s32 $0x8F2B, s0  }
0xc5: {  	[sflag:s0] =	ssyncadd.remote.s32 $0x1  }
0xc6: {  	_ =	sfence.sel $0xFFFF  }
0xc7: {  	[dreg:$0x0] =	wrdreg $0xFFFFFFFF;
	(pc) =	sbr.abs _section_cstart, $3  }
0xc8: {  	[dreg:$0x1] =	wrdreg $0xFFFFFFFF  }
0xc9: {  	_ =	task.clear_ibuf [dreg:s9], $0x2FFFF;
	_ =	strace $0x9FFFFFFF  }
0xca: {  	(tm) =	ssettm $0x7FFFFFFF  }
0xcb: {  	_ =	shalt  }
tec
execute0_lowered:
.L_overlay_start_1:
0x0: {  	(tag) =	ssettag $0x1  }
0x1: {  	s5 =	rddreg [dreg:$0x0]  }
0x2: {  	s7 =	rddreg [dreg:$0x1]  }
0x3: {  	s8 =	rddreg [dreg:$0x2];
	s1 =	srdreg.scid  }
0x4: {  	s0 =	stileid.u32;
	s9 =	rddreg [dreg:$0x3];
	s2 =	simm.s32 $0x0  }
0x5: {  	s14 =	simm.s32 $0x1C500;
	s15 =	simm.s32 $0x1E900;
	s16 =	simm.s32 $0x1ED80  }
0x6: {  	s3 =	sand.u32 $0x1, s1;
	s4 =	sshll.u32 s0, $0x1;
	s1 =	rddreg [dreg:$0x4]  }
0x7: {  	s17 =	simm.s32 $0x0;
	[smem:$0x7FF] =	sst s2;
	s4 =	sor.u32 s3, s4  }
0x8: {  	_ =	strace $0x80000047;
	s10 =	ssub.s32 $0x2, s3;
	s6 =	smul.u32 $0x6C000, s4  }
0x9: {  	s3 =	sadd.s32 $0x3C7200, s5;
	s11 =	smul.u32 $0x480, s4;
	s12 =	sshrl.u32 s10, $0x1  }
0xa: {  	s13 =	smul.u32 $0x90, s4;
	s4 =	sadd.s32 $0x1200, s5;
	s5 =	sadd.s32 $0x1000, s5  }
0xb: {  	s10 =	ssub.s32 s10, s12;
	s12 =	simm.s32 $0x100;
	s6 =	sadd.s32 $0xD80000, s6  }
0xc: {  	s7 =	sadd.s32 s7, s11;
	s8 =	sadd.s32 s8, s13;
	s9 =	sadd.s32 s9, s13  }
0xd: {  	s10 =	smax.u32 s10, $0x1;
	s11 =	simm.s32 $0x1;
	s13 =	simm.s32 $0x12100  }
.LBB2_1:
0xe: {  	[tilespmem:s2], [sflag:$0x1] =	stream.linear.gather [hbm4b:s5+s2], $0x100, $0x38;
	[tilespmem:$0x1F200] =	vst v63  }
0xf: {  	_ =	swait.ge [sflag:s11], $0x100  }
0x10: {  	[sflag:s11] =	ssyncset.done $0x0  }
0x11: {  	[sflag:s11] =	ssyncadd.s32 $0xFFFFFF00  }
0x12: {  	v1 =	vld [tilespmem:$0x0]  }
0x13: {  	v2 =	vld [tilespmem:$0x10]  }
0x14: {  	v3 =	vld [tilespmem:$0x20]  }
0x15: {  	v4 =	vld [tilespmem:$0x30]  }
0x16: {  	v5 =	vld [tilespmem:$0x40]  }
0x17: {  	v6 =	vld [tilespmem:$0x50]  }
0x18: {  	v7 =	vld [tilespmem:$0x60]  }
0x19: {  	v8 =	vld [tilespmem:$0x70]  }
0x1a: {  	v9 =	vld [tilespmem:$0x80]  }
0x1b: {  	v10 =	vld [tilespmem:$0x90]  }
0x1c: {  	v11 =	vld [tilespmem:$0xA0]  }
0x1d: {  	v15 =	vld [tilespmem:$0xF0]  }
0x1e: {  	v12 =	vld [tilespmem:$0xB0]  }
0x1f: {  	v13 =	vld [tilespmem:$0xC0]  }
0x20: {  	v14 =	vld [tilespmem:$0xD0]  }
0x21: {  	s19 =	simm.s32 $0xFFFFFDC0;
	s18 =	simm.s32 $0xFFFFF740;
	v0 =	vld [tilespmem:$0xE0]  }
.LBB2_2:
0x22: {  	p0 =	sne.s32 s18, $0xFFFFFFC0;
	[tilespmem:s19+$0x1C500] =	vst v15  }
0x23: {  	[tilespmem:s19+$0x1A340] =	vst v1  }
0x24: {  	[tilespmem:s19+$0x1A580] =	vst v2  }
0x25: {  	[tilespmem:s19+$0x1A7C0] =	vst v3  }
0x26: {  	[tilespmem:s19+$0x1AA00] =	vst v4  }
0x27: {  	[tilespmem:s19+$0x1AC40] =	vst v5  }
0x28: {  	[tilespmem:s19+$0x1AE80] =	vst v6  }
0x29: {  	[tilespmem:s19+$0x1B0C0] =	vst v7  }
0x2a: {  	[tilespmem:s19+$0x1B300] =	vst v8  }
0x2b: {  	[tilespmem:s19+$0x1B540] =	vst v9  }
0x2c: {  	[tilespmem:s19+$0x1B780] =	vst v10  }
.Ltmp0:
0x2d: {  	[tilespmem:s19+$0x1B9C0] =	vst v11;
	(pc) =	sbr.rel @p0 .LBB2_2-.Ltmp0, $4  }
0x2e: {  	[tilespmem:s19+$0x1BC00] =	vst v12  }
0x2f: {  	[tilespmem:s19+$0x1BE40] =	vst v13  }
0x30: {  	[tilespmem:s19+$0x1C080] =	vst v14  }
0x31: {  	[tilespmem:s19+$0x1C2C0] =	vst v0;
	s19 =	sshra.s32 s18, $0x2;
	s18 =	sadd.s32 $0x40, s18  }
0x32: {  	[tilespmem:s19+$0x1C500] =	vst v15  }
0x33: {  	[tilespmem:s19+$0x1A340] =	vst v1  }
0x34: {  	[tilespmem:s19+$0x1A580] =	vst v2  }
0x35: {  	[tilespmem:s19+$0x1A7C0] =	vst v3  }
0x36: {  	[tilespmem:s19+$0x1AA00] =	vst v4  }
0x37: {  	[tilespmem:s19+$0x1AC40] =	vst v5  }
0x38: {  	[tilespmem:s19+$0x1AE80] =	vst v6  }
0x39: {  	[tilespmem:s19+$0x1B0C0] =	vst v7  }
0x3a: {  	[tilespmem:s19+$0x1B300] =	vst v8  }
0x3b: {  	[tilespmem:s19+$0x1B540] =	vst v9  }
0x3c: {  	[tilespmem:s19+$0x1B780] =	vst v10  }
0x3d: {  	[tilespmem:s19+$0x1B9C0] =	vst v11  }
0x3e: {  	[tilespmem:s19+$0x1BC00] =	vst v12  }
0x3f: {  	[tilespmem:s19+$0x1BE40] =	vst v13  }
0x40: {  	[tilespmem:s19+$0x1C080] =	vst v14  }
0x41: {  	s18 =	simm.s32 $0x0;
	[tilespmem:s19+$0x1C2C0] =	vst v0;
	s19 =	simm.s32 $0x0  }
.LBB2_4:
0x42: {  	s20 =	smul.u32 $0x12000, s19;
	_ =	sdelay $0x1  }
0x43: {  	s20 =	sadd.s32 s20, s6  }
0x44: {  	s20 =	sshrl.u32 s20, $0x3  }
0x45: {  	s29 =	smul.u32 $0xE38F, s18;
	s20 =	sadd.s32 s3, s20  }
0x46: {  	[tilespmem:s12], [sflag:$0x1] =	stream.linear.gather [hbm4b:s20+s18], $0x12000, $0x38;
	[tilespmem:$0x1F200] =	vst v63  }
0x47: {  	s20 =	sshrl.u32 s29, $0x15  }
0x48: {  	s21 =	sshll.u32 s19, $0xC;
	_ =	swait.ge [sflag:s11], $0x12000;
	s22 =	smul.u32 $0x24, s20  }
0x49: {  	s21 =	sadd.s32 s4, s21;
	[sflag:s11] =	ssyncset.done $0x0  }
0x4a: {  	s20 =	smul.u32 $0x900, s20;
	[sflag:s11] =	ssyncadd.s32 $0xFFFEE000;
	s30 =	ssub.s32 $0x0, s22  }
0x4b: {  	[tilespmem:s13], [sflag:$0x1] =	stream.linear.gather [hbm4b:s21+s18], $0x8000, $0x38;
	[tilespmem:$0x1F200] =	vst v63  }
0x4c: {  	s21 =	sand.u32 $0xFFFF, s30;
	_ =	swait.ge [sflag:s11], $0x8000  }
0x4d: {  	s20 =	sshrl.u32 s20, $0x2;
	s31 =	sshll.u32 s21, $0x4;
	[sflag:s11] =	ssyncset.done $0x0  }
0x4e: {  	s20 =	sadd.s32 s31, s20;
	[sflag:s11] =	ssyncadd.s32 $0xFFFF8000  }
0x4f: {  	v0 =	vld [tilespmem:s20+$0x100]  }
0x50: {  	s21 =	simm.s32 $0x1  }
0x51: {  	s22 =	simm.s32 $0x2;
	s23 =	smul.u32 $0xE38F, s21  }
.LBB2_5:
0x52: {  	p0 =	sne.s32 s22, $0x11FF  }
0x53: {  	s23 =	sshrl.u32 s23, $0x15  }
0x54: {  	s24 =	smul.u32 $0x24, s23;
	v1 =	vshrl.u32 v0, $0x10  }
0x55: {  	v1 =	vand.u32 $0x1, v1  }
0x56: {  	s23 =	smul.u32 $0x900, s23;
	s24 =	ssub.s32 s21, s24;
	v0 =	vadd.s32 v1, v0;
	s21 =	smov.u32 s22  }
0x57: {  	s24 =	sand.u32 $0xFFFF, s24;
	v0 =	vadd.s32 $0x7FFF, v0  }
.Ltmp1:
0x58: {  	s23 =	sshrl.u32 s23, $0x2;
	s24 =	sshll.u32 s24, $0x4;
	v0 =	vand.u32 $0xFFFF0000, v0;
	(pc) =	sbr.rel @p0 .LBB2_5-.Ltmp1, $3  }
0x59: {  	[tilespmem:s20+$0x100] =	vst v0;
	s20 =	sadd.s32 s24, s23  }
0x5a: {  	v0 =	vld [tilespmem:s20+$0x100];
	_ =	sdelay $0x1  }
0x5b: {  	s22 =	sadd.s32 $0x1, s22;
	s23 =	smul.u32 $0xE38F, s21  }
0x5c: {  	_ = 	snop  }
0x5d: {  	s22 =	sshrl.u32 s23, $0x15  }
0x5e: {  	s23 =	smul.u32 $0x24, s22;
	v1 =	vshrl.u32 v0, $0x10  }
0x5f: {  	v1 =	vand.u32 $0x1, v1  }
0x60: {  	s22 =	smul.u32 $0x900, s22;
	s21 =	ssub.s32 s21, s23;
	v62 =	vadd.s32 v1, v0  }
0x61: {  	s21 =	sand.u32 $0xFFFF, s21;
	v0 =	vadd.s32 $0x7FFF, v62  }
0x62: {  	s22 =	sshrl.u32 s22, $0x2;
	s21 =	sshll.u32 s21, $0x4;
	v0 =	vand.u32 $0xFFFF0000, v0  }
0x63: {  	s21 =	sadd.s32 s21, s22;
	[tilespmem:s20+$0x100] =	vst v0  }
0x64: {  	v0 =	vld [tilespmem:s21+$0x100];
	_ =	sdelay $0x4  }
0x65: {  	v63 =	vshrl.u32 v0, $0x10  }
0x66: {  	v1 =	vand.u32 $0x1, v63  }
0x67: {  	v0 =	vadd.s32 v1, v0  }
0x68: {  	v0 =	vadd.s32 $0x7FFF, v0  }
0x69: {  	v0 =	vand.u32 $0xFFFF0000, v0  }
0x6a: {  	s20 =	simm.s32 $0x0;
	[tilespmem:s21+$0x100] =	vst v0;
	s21 =	simm.s32 $0x100  }
.LBB2_7:
0x6b: {  	s22 =	smul.u32 $0x60, s20;
	_ =	sdelay $0x1  }
0x6c: {  	v0 =	vld [tilespmem:s22+$0x1A590];
	_ =	sdelay $0x4  }
0x6d: {  	[tilespmem:$0x1FED0] =	vst v0;
	v0 =	vld [tilespmem:s22+$0x1A5A0];
	_ =	sdelay $0x4  }
0x6e: {  	[tilespmem:$0x1FEE0] =	vst v0;
	v0 =	vld [tilespmem:s22+$0x1A5C0];
	_ =	sdelay $0x4  }
0x6f: {  	[tilespmem:$0x1FEF0] =	vst v0;
	v0 =	vld [tilespmem:s22+$0x1A7E0];
	_ =	sdelay $0x1  }
0x70: {  	s23 =	simm.s32 $0x12140  }
0x71: {  	v55 =	vld [tilespmem:s23+$0xFFFFFFC0]  }
0x72: {  	v44 =	vld [tilespmem:s23+$0xFFFFFFF0]  }
0x73: {  	[tilespmem:$0x1FF00] =	vst v0;
	v0 =	vld [tilespmem:s22+$0x1A7F0]  }
0x74: {  	v57 =	vld [tilespmem:s23+$0xFFFFFFE0]  }
0x75: {  	v9 =	vld [tilespmem:s23+$0x20]  }
0x76: {  	v2 =	vld [tilespmem:s23+$0x30]  }
0x77: {  	v37 =	vld [tilespmem:s23+$0x10]  }
0x78: {  	[tilespmem:$0x1FF10] =	vst v0;
	v0 =	vld [tilespmem:s22+$0x1A800]  }
0x79: {  	v46 =	vld [tilespmem:s23+$0x0]  }
0x7a: {  	v40 =	vld [tilespmem:s22+$0x1A100]  }
0x7b: {  	v42 =	vld [tilespmem:s22+$0x1A110]  }
0x7c: {  	v6 =	vld [tilespmem:s22+$0x1A120]  }
0x7d: {  	[tilespmem:$0x1FF20] =	vst v0;
	v0 =	vld [tilespmem:s22+$0x1AA00]  }
0x7e: {  	v7 =	vld [tilespmem:s22+$0x1A130]  }
0x7f: {  	v41 =	vld [tilespmem:s22+$0x1A140]  }
0x80: {  	v8 =	vld [tilespmem:s22+$0x1A150]  }
0x81: {  	v36 =	vld [tilespmem:s22+$0x1A340]  }
0x82: {  	[tilespmem:$0x1FF30] =	vst v0;
	v0 =	vld [tilespmem:s22+$0x1AA10]  }
0x83: {  	v10 =	vld [tilespmem:s22+$0x1A350]  }
0x84: {  	v34 =	vld [tilespmem:s22+$0x1A360]  }
0x85: {  	v32 =	vld [tilespmem:s22+$0x1A370]  }
0x86: {  	v29 =	vld [tilespmem:s22+$0x1A380]  }
0x87: {  	[tilespmem:$0x1FF40] =	vst v0;
	v0 =	vld [tilespmem:s22+$0x1AA20]  }
0x88: {  	v11 =	vld [tilespmem:s22+$0x1A390]  }
0x89: {  	v1 =	vmov s21;
	v27 =	vld [tilespmem:s22+$0x1A580]  }
0x8a: {  	v12 =	vld [tilespmem:s22+$0x1A5B0]  }
0x8b: {  	v14 =	vld [tilespmem:s22+$0x1A5D0]  }
0x8c: {  	[tilespmem:$0x1FF50] =	vst v0;
	v0 =	vld [tilespmem:s22+$0x1AA30]  }
0x8d: {  	s24 =	simm.s32 $0x0;
	v20 =	vld [tilespmem:s22+$0x1AEB0]  }
0x8e: {  	v22 =	vld.idx.msk [tilespmem:v1+s24+$0x50 ss:$0x1], $0xffff  }
0x8f: {  	v13 =	vld.idx.msk [tilespmem:v1+s24+$0x30 ss:$0x1], $0xffff  }
0x90: {  	v50 =	vld.idx.msk [tilespmem:v1+s24+$0x20 ss:$0x1], $0xffff  }
0x91: {  	[tilespmem:$0x1FF60] =	vst v0;
	v0 =	vld [tilespmem:s22+$0x1AC40]  }
0x92: {  	v25 =	vld.idx.msk [tilespmem:v1+s24+$0x0 ss:$0x1], $0xffff  }
0x93: {  	v48 =	vld.idx.msk [tilespmem:v1+s24+$0x10 ss:$0x1], $0xffff  }
0x94: {  	v31 =	vld.idx.msk [tilespmem:v1+s24+$0x40 ss:$0x1], $0xffff  }
0x95: {  	[tilespmem:$0x1FF90] =	vst v1;
	v1 =	vld [tilespmem:s22+$0x1AC60]  }
0x96: {  	[tilespmem:$0x1FF70] =	vst v0;
	v0 =	vld [tilespmem:s22+$0x1AC50]  }
0x97: {  	v23 =	vld [tilespmem:s22+$0x1A7C0]  }
0x98: {  	v15 =	vld [tilespmem:s22+$0x1A7D0];
	v24 =	vmul.f32 v22, v9  }
0x99: {  	v16 =	vld [tilespmem:s22+$0x1A810];
	v28 =	vmul.f32 v22, v55;
	v38 =	vmul.f32 v13, v9  }
0x9a: {  	v21 =	vld [tilespmem:s22+$0x1B0C0];
	v30 =	vmul.f32 v13, v57;
	v33 =	vmul.f32 v13, v55;
	[tilespmem:$0x1FFA0] =	vst v1  }
0x9b: {  	v35 =	vmul.f32 v22, v57;
	v26 =	vmul.f32 v50, v37;
	v1 =	vadd.f32 v38, v20;
	[tilespmem:$0x1FF80] =	vst v0;
	v0 =	vld [tilespmem:s23+$0xFFFFFFD0]  }
0x9c: {  	v59 =	vld [tilespmem:s22+$0x1AA40];
	v39 =	vmul.f32 v48, v44;
	v3 =	vmul.f32 v31, v9  }
0x9d: {  	v61 =	vmul.f32 v48, v37;
	v54 =	vadd.f32 v28, v8;
	v53 =	vadd.f32 v30, v12;
	[tilespmem:$0x1FFB0] =	vst v1;
	v1 =	vld [tilespmem:s22+$0x1AC70]  }
0x9e: {  	v17 =	vld [tilespmem:s22+$0x1AA50];
	v52 =	vadd.f32 v35, v14;
	v8 =	vmul.f32 v25, v2;
	v28 =	vmul.f32 v22, v44  }
0x9f: {  	v12 =	vld [tilespmem:s22+$0x1AE90];
	v63 =	vadd.f32 v33, v7;
	v7 =	vmul.f32 v22, v46;
	v62 =	vadd.f32 v39, v15  }
0xa0: {  	v43 =	vld [tilespmem:s22+$0x1AC80];
	v19 =	vadd.f32 v8, v21;
	v14 =	vmul.f32 v48, v0;
	v21 =	vmul.f32 v22, v0  }
0xa1: {  	v30 =	vld [tilespmem:s22+$0x1AC90];
	v15 =	vmul.f32 v50, v2;
	v8 =	vmul.f32 v31, v55;
	v49 =	vadd.f32 v28, v16  }
0xa2: {  	v38 =	vld [tilespmem:s22+$0x1AE80];
	[tilespmem:$0x1FFC0] =	vst v1;
	v1 =	vmul.f32 v50, v9;
	v60 =	vadd.f32 v14, v10;
	v10 =	vmul.f32 v48, v9  }
0xa3: {  	v28 =	vld [tilespmem:s22+$0x1B100];
	v16 =	vmul.f32 v50, v55;
	v47 =	vadd.f32 v7, v17;
	v7 =	vmul.f32 v48, v57  }
0xa4: {  	v17 =	vmul.f32 v13, v46;
	v58 =	vadd.f32 v21, v11;
	v11 =	vld [tilespmem:s22+$0x1AED0];
	v21 =	vmovc v1;
	v1 =	vadd.f32 v10, v12  }
0xa5: {  	v35 =	vld [tilespmem:s22+$0x1AEA0];
	v56 =	vadd.f32 v16, v6;
	v6 =	vmul.f32 v31, v2;
	v16 =	vmul.f32 v50, v0  }
0xa6: {  	v33 =	vld [tilespmem:s22+$0x1AEC0];
	v10 =	vmul.f32 v22, v37;
	[tilespmem:$0x1FFD0] =	vst v1;
	v1 =	vmul.f32 v48, v2  }
0xa7: {  	v39 =	vld [tilespmem:s22+$0x1B0F0];
	v14 =	vmul.f32 v22, v2;
	v22 =	vmul.f32 v25, v57  }
0xa8: {  	s29 =	simm.s32 $0x900;
	v45 =	vadd.f32 v10, v30;
	v30 =	vld [tilespmem:s22+$0x1B0E0];
	[tilespmem:$0x1FFE0] =	vst v1;
	v1 =	vadd.f32 v6, v28;
	v6 =	vmul.f32 v31, v37  }
0xa9: {  	s30 =	simm.s32 $0x12240;
	s26 =	sadd.s32 $0x20, s22;
	s25 =	sadd.s32 $0x30, s22;
	v12 =	vmul.f32 v25, v44;
	v10 =	vmul.f32 v50, v44;
	v24 =	vadd.f32 v24, v11;
	v28 =	vld [tilespmem:s22+$0x1B0D0]  }
0xaa: {  	s28 =	sadd.s32 $0x50, s22;
	s24 =	sadd.s32 $0x40, s22;
	s23 =	sor.u32 $0x10, s22;
	v11 =	vmul.f32 v13, v0;
	[tilespmem:$0x1FFF0] =	vst v1;
	v51 =	vadd.f32 v6, v43;
	v43 =	vld [tilespmem:s22+$0x1B110];
	v6 =	vmul.f32 v50, v57  }
.LBB2_8:
0xab: {  	v1 =	vmul.f32 v25, v46;
	_ =	sdelay $0x1  }
0xac: {  	[tilespmem:$0x1FEC0] =	vst v1;
	v1 =	vld [tilespmem:$0x1FF60];
	_ =	sdelay $0x1  }
0xad: {  	v33 =	vadd.f32 v3, v33;
	v3 =	vld [tilespmem:$0x1FF10];
	_ =	sdelay $0x2  }
0xae: {  	v1 =	vadd.f32 v17, v1;
	v17 =	vmul.f32 v13, v44;
	_ =	sdelay $0x1  }
0xaf: {  	v3 =	vadd.f32 v17, v3  }
0xb0: {  	v18 =	vld [tilespmem:s30+$0xFFFFFFC0]  }
0xb1: {  	[tilespmem:$0x1FF10] =	vst v3;
	v3 =	vld [tilespmem:$0x1FF70]  }
0xb2: {  	v43 =	vadd.f32 v14, v43;
	v14 =	vld [tilespmem:s30+$0xFFFFFFF0]  }
0xb3: {  	[tilespmem:$0x1FF60] =	vst v1;
	v1 =	vld [tilespmem:$0x1FFA0]  }
0xb4: {  	v5 =	vmul.f32 v25, v37;
	_ =	sdelay $0x1  }
0xb5: {  	v30 =	vadd.f32 v15, v30;
	v15 =	vmul.f32 v48, v55;
	v3 =	vadd.f32 v5, v3  }
0xb6: {  	v5 =	vmul.f32 v25, v55;
	v55 =	vmovc v18;
	v18 =	vmul.f32 v31, v44;
	v44 =	vmov v14;
	v14 =	vld [tilespmem:$0x1FEF0]  }
0xb7: {  	v4 =	vadd.f32 v26, v1  }
0xb8: {  	v17 =	vmul.f32 v25, v0  }
0xb9: {  	[tilespmem:$0x1FFA0] =	vst v4;
	v4 =	vmul.f32 v31, v0;
	v0 =	vmul.f32 v31, v57;
	_ =	sdelay $0x1  }
0xba: {  	v14 =	vadd.f32 v0, v14;
	v0 =	vld [tilespmem:$0x1FF80];
	_ =	sdelay $0x2  }
0xbb: {  	[tilespmem:$0x1FF70] =	vst v3;
	v3 =	vld [tilespmem:$0x1FEE0];
	_ =	sdelay $0x1  }
0xbc: {  	v0 =	vadd.f32 v61, v0;
	_ =	sdelay $0x1  }
0xbd: {  	[tilespmem:$0x1FF80] =	vst v0;
	v0 =	vld [tilespmem:$0x1FED0]  }
0xbe: {  	v3 =	vadd.f32 v6, v3;
	_ =	sdelay $0x1  }
0xbf: {  	v1 =	vmov v19;
	v19 =	vmul.f32 v25, v9;
	[tilespmem:$0x1FEE0] =	vst v3;
	v3 =	vld [tilespmem:$0x1FF90];
	_ =	sdelay $0x1  }
0xc0: {  	v38 =	vadd.f32 v19, v38;
	v19 =	vld [tilespmem:$0x1FFE0];
	v0 =	vadd.f32 v7, v0;
	_ =	sdelay $0x1  }
0xc1: {  	[tilespmem:$0x1FED0] =	vst v0;
	v0 =	vld [tilespmem:$0x1FF40];
	_ =	sdelay $0x2  }
0xc2: {  	s31 =	sshra.s32 s29, $0x2;
	v40 =	vadd.f32 v5, v40;
	v5 =	vmul.f32 v48, v46;
	v28 =	vadd.f32 v19, v28;
	v19 =	vld [tilespmem:s30+$0x10]  }
0xc3: {  	v32 =	vadd.f32 v11, v32;
	v6 =	vmul.f32 v13, v2;
	v11 =	vld.idx.msk [tilespmem:v3+s31+$0x20 ss:$0x1], $0xffff  }
0xc4: {  	v9 =	vld [tilespmem:s30+$0x20];
	v0 =	vadd.f32 v5, v0  }
0xc5: {  	v26 =	vmovc v24;
	v24 =	vmov v23;
	v23 =	vmov v59;
	v39 =	vadd.f32 v6, v39;
	v6 =	vld.idx.msk [tilespmem:v3+s31+$0x30 ss:$0x1], $0xffff  }
0xc6: {  	[tilespmem:$0x1FF40] =	vst v0;
	v0 =	vld [tilespmem:$0x1FF00]  }
0xc7: {  	[tilespmem:$0x1FEF0] =	vst v14;
	v14 =	vmul.f32 v13, v37;
	v61 =	vmov v23  }
0xc8: {  	v23 =	vmovc v24;
	v24 =	vmovc v26;
	v37 =	vmov v19;
	v26 =	vmul.f32 v11, v19;
	v19 =	vmov v1;
	v1 =	vld [tilespmem:$0x1FFB0]  }
0xc9: {  	v59 =	vld [tilespmem:s30+$0xFFFFFFE0]  }
0xca: {  	v41 =	vadd.f32 v8, v41;
	v8 =	vmul.f32 v31, v46;
	v20 =	vld.idx.msk [tilespmem:v3+s31+$0x50 ss:$0x1], $0xffff  }
0xcb: {  	v36 =	vadd.f32 v17, v36;
	v31 =	vld.idx.msk [tilespmem:v3+s31+$0x40 ss:$0x1], $0xffff;
	v17 =	vmul.f32 v6, v9;
	v0 =	vadd.f32 v10, v0  }
0xcc: {  	v25 =	vld.idx.msk [tilespmem:v3+s31+$0x0 ss:$0x1], $0xffff  }
0xcd: {  	v1 =	vadd.f32 v17, v1;
	[tilespmem:$0x1FF00] =	vst v0;
	v0 =	vld [tilespmem:$0x1FF20]  }
0xce: {  	v48 =	vld.idx.msk [tilespmem:v3+s31+$0x10 ss:$0x1], $0xffff  }
0xcf: {  	[tilespmem:$0x1FFB0] =	vst v1;
	v1 =	vld [tilespmem:$0x1FFC0]  }
0xd0: {  	v3 =	vld [tilespmem:$0x1FF50]  }
0xd1: {  	v2 =	vld [tilespmem:s30+$0x30]  }
0xd2: {  	v0 =	vadd.f32 v18, v0  }
0xd3: {  	v35 =	vadd.f32 v21, v35;
	v27 =	vadd.f32 v22, v27;
	v5 =	vmul.f32 v50, v46  }
0xd4: {  	v34 =	vadd.f32 v16, v34;
	v1 =	vadd.f32 v14, v1;
	[tilespmem:$0x1FF20] =	vst v0;
	v0 =	vld [tilespmem:s30+$0xFFFFFFD0]  }
0xd5: {  	v42 =	vadd.f32 v15, v42;
	v57 =	vmovc v59;
	v7 =	vmul.f32 v6, v55;
	v3 =	vadd.f32 v5, v3  }
0xd6: {  	v16 =	vmul.f32 v6, v57;
	v13 =	vmov v6;
	v6 =	vld [tilespmem:$0x1FEC0];
	[tilespmem:$0x1FFC0] =	vst v1;
	v1 =	vmul.f32 v48, v2  }
0xd7: {  	v29 =	vadd.f32 v4, v29;
	v23 =	vadd.f32 v12, v23;
	v22 =	vmul.f32 v20, v9;
	[tilespmem:$0x1FF50] =	vst v3;
	v3 =	vld [tilespmem:$0x1FF30]  }
0xd8: {  	v59 =	vadd.f32 v8, v61;
	v8 =	vmul.f32 v31, v55;
	v61 =	vmul.f32 v48, v37;
	[tilespmem:$0x1FFE0] =	vst v1;
	v1 =	vld [tilespmem:$0x1FFD0]  }
0xd9: {  	v21 =	vld [tilespmem:s30+$0x0];
	v12 =	vmul.f32 v25, v44;
	v53 =	vadd.f32 v16, v53;
	v4 =	vmul.f32 v48, v0  }
0xda: {  	v63 =	vadd.f32 v7, v63;
	v7 =	vmul.f32 v48, v57;
	v5 =	vmul.f32 v20, v57  }
0xdb: {  	v24 =	vadd.f32 v22, v24;
	v60 =	vadd.f32 v4, v60;
	v4 =	vmul.f32 v48, v9  }
0xdc: {  	v22 =	vmul.f32 v25, v57;
	v52 =	vadd.f32 v5, v52;
	v5 =	vmul.f32 v25, v2  }
0xdd: {  	v50 =	vmovc v11;
	v3 =	vadd.f32 v6, v3;
	v6 =	vmul.f32 v20, v44;
	v1 =	vadd.f32 v4, v1  }
0xde: {  	v46 =	vmovc v21;
	v21 =	vmul.f32 v50, v9;
	v19 =	vadd.f32 v5, v19;
	v5 =	vmul.f32 v48, v44  }
0xdf: {  	v15 =	vmul.f32 v50, v2;
	v49 =	vadd.f32 v6, v49;
	v6 =	vmul.f32 v50, v55;
	[tilespmem:$0x1FFD0] =	vst v1;
	v1 =	vld [tilespmem:$0x1FFF0]  }
0xe0: {  	v17 =	vmul.f32 v13, v46;
	v10 =	vmul.f32 v20, v55;
	v62 =	vadd.f32 v5, v62  }
0xe1: {  	p0 =	sne.s32 s29, $0x47700;
	v14 =	vmul.f32 v20, v2;
	v56 =	vadd.f32 v6, v56;
	v6 =	vmul.f32 v20, v37  }
.Ltmp2:
0xe2: {  	v54 =	vadd.f32 v10, v54;
	v10 =	vmul.f32 v20, v0;
	v4 =	vmul.f32 v31, v2;
	(pc) =	sbr.rel @p0 .LBB2_8-.Ltmp2, $4  }
0xe3: {  	[tilespmem:$0x1FF30] =	vst v3;
	v3 =	vmul.f32 v31, v9;
	v18 =	vmul.f32 v31, v37;
	v45 =	vadd.f32 v6, v45  }
0xe4: {  	v58 =	vadd.f32 v10, v58;
	v10 =	vmul.f32 v20, v46;
	v1 =	vadd.f32 v4, v1  }
0xe5: {  	v6 =	vmul.f32 v50, v57;
	v51 =	vadd.f32 v18, v51;
	v16 =	vmul.f32 v50, v0  }
0xe6: {  	s29 =	sadd.s32 $0x900, s29;
	s30 =	sadd.s32 $0x100, s30;
	v11 =	vmul.f32 v13, v0;
	v47 =	vadd.f32 v10, v47;
	v10 =	vmul.f32 v50, v44;
	[tilespmem:$0x1FFF0] =	vst v1  }
0xe7: {  	v4 =	vmul.f32 v25, v55  }
0xe8: {  	v5 =	vmul.f32 v48, v55  }
0xe9: {  	v4 =	vadd.f32 v4, v40  }
0xea: {  	v5 =	vadd.f32 v5, v42  }
0xeb: {  	[tilespmem:s22+$0x1A100] =	vst v4  }
0xec: {  	[tilespmem:s23+$0x1A100] =	vst v5  }
0xed: {  	v4 =	vadd.f32 v8, v41;
	v5 =	vmul.f32 v25, v0;
	v0 =	vmul.f32 v31, v0;
	[tilespmem:s26+$0x1A100] =	vst v56  }
0xee: {  	[tilespmem:s25+$0x1A100] =	vst v63  }
0xef: {  	v0 =	vadd.f32 v0, v29;
	[tilespmem:s24+$0x1A100] =	vst v4  }
0xf0: {  	[tilespmem:s28+$0x1A100] =	vst v54  }
0xf1: {  	[tilespmem:s22+$0x1A380] =	vst v0;
	v0 =	vld [tilespmem:$0x1FED0]  }
0xf2: {  	v1 =	vld [tilespmem:$0x1FEE0]  }
0xf3: {  	v5 =	vadd.f32 v5, v36;
	_ =	sdelay $0x1  }
0xf4: {  	[tilespmem:s22+$0x1A340] =	vst v5;
	v5 =	vadd.f32 v11, v32  }
0xf5: {  	v0 =	vadd.f32 v7, v0  }
0xf6: {  	[tilespmem:s22+$0x1A370] =	vst v5;
	v5 =	vadd.f32 v6, v1;
	v1 =	vld [tilespmem:$0x1FF00]  }
0xf7: {  	[tilespmem:s22+$0x1A590] =	vst v0;
	v0 =	vld [tilespmem:$0x1FEF0];
	_ =	sdelay $0x2  }
0xf8: {  	v6 =	vmul.f32 v31, v57;
	_ =	sdelay $0x1  }
0xf9: {  	v0 =	vadd.f32 v6, v0;
	v6 =	vadd.f32 v10, v1;
	v1 =	vld [tilespmem:$0x1FF10];
	_ =	sdelay $0x2  }
0xfa: {  	[tilespmem:s22+$0x1A5C0] =	vst v0;
	v0 =	vmul.f32 v13, v44;
	_ =	sdelay $0x1  }
0xfb: {  	v0 =	vadd.f32 v0, v1;
	v1 =	vld [tilespmem:$0x1FF20];
	_ =	sdelay $0x1  }
0xfc: {  	v4 =	vadd.f32 v16, v34  }
0xfd: {  	[tilespmem:s22+$0x1A5A0] =	vst v5;
	v5 =	vmul.f32 v31, v44  }
0xfe: {  	[tilespmem:s22+$0x1A360] =	vst v4;
	v4 =	vadd.f32 v22, v27  }
0xff: {  	v5 =	vadd.f32 v5, v1;
	v1 =	vld [tilespmem:$0x1FF30]  }
0x100: {  	[tilespmem:s22+$0x1A580] =	vst v4;
	v4 =	vadd.f32 v12, v23;
	_ =	sdelay $0x1  }
0x101: {  	[tilespmem:s22+$0x1A7C0] =	vst v4;
	v4 =	vmul.f32 v25, v46;
	_ =	sdelay $0x1  }
0x102: {  	v4 =	vadd.f32 v4, v1;
	v1 =	vld [tilespmem:$0x1FF40];
	_ =	sdelay $0x2  }
0x103: {  	v7 =	vmul.f32 v48, v46;
	_ =	sdelay $0x1  }
0x104: {  	v7 =	vadd.f32 v7, v1;
	v1 =	vld [tilespmem:s22+$0x1B560];
	_ =	sdelay $0x2  }
0x105: {  	[tilespmem:s22+$0x1A7F0] =	vst v0;
	v0 =	vld [tilespmem:s22+$0x1B540];
	_ =	sdelay $0x1  }
0x106: {  	[tilespmem:$0x1FDB0] =	vst v1;
	v1 =	vld [tilespmem:$0x1FF50];
	_ =	sdelay $0x2  }
0x107: {  	[tilespmem:$0x1FDA0] =	vst v0;
	v0 =	vmul.f32 v50, v46;
	_ =	sdelay $0x1  }
0x108: {  	v0 =	vadd.f32 v0, v1;
	v1 =	vld [tilespmem:s22+$0x1B570];
	_ =	sdelay $0x4  }
0x109: {  	[tilespmem:$0x1FDC0] =	vst v1;
	v1 =	vld [tilespmem:$0x1FF60];
	_ =	sdelay $0x4  }
0x10a: {  	[tilespmem:s22+$0x1AA00] =	vst v4;
	v4 =	vadd.f32 v17, v1;
	v1 =	vld [tilespmem:s22+$0x1B780];
	_ =	sdelay $0x4  }
0x10b: {  	[tilespmem:$0x1FDD0] =	vst v1;
	v1 =	vld [tilespmem:$0x1FF70];
	_ =	sdelay $0x2  }
0x10c: {  	[tilespmem:s22+$0x1AA10] =	vst v7;
	v7 =	vmul.f32 v25, v37;
	_ =	sdelay $0x1  }
0x10d: {  	[tilespmem:s22+$0x1AA30] =	vst v4;
	v4 =	vadd.f32 v7, v1;
	v1 =	vld [tilespmem:s22+$0x1B790];
	_ =	sdelay $0x4  }
0x10e: {  	[tilespmem:$0x1FDE0] =	vst v1;
	v1 =	vld [tilespmem:s22+$0x1B7A0];
	_ =	sdelay $0x4  }
0x10f: {  	[tilespmem:$0x1FDF0] =	vst v1;
	v1 =	vld [tilespmem:$0x1FFA0];
	_ =	sdelay $0x3  }
0x110: {  	v8 =	vmul.f32 v31, v46  }
0x111: {  	v10 =	vadd.f32 v26, v1;
	v1 =	vld [tilespmem:$0x1FFC0]  }
0x112: {  	v8 =	vadd.f32 v8, v59;
	_ =	sdelay $0x1  }
0x113: {  	[tilespmem:s22+$0x1AA40] =	vst v8;
	v8 =	vmul.f32 v13, v37;
	_ =	sdelay $0x1  }
0x114: {  	v8 =	vadd.f32 v8, v1;
	v1 =	vld [tilespmem:s22+$0x1B7C0];
	_ =	sdelay $0x4  }
0x115: {  	[tilespmem:$0x1FE00] =	vst v1;
	v1 =	vld [tilespmem:s22+$0x1B9E0];
	_ =	sdelay $0x4  }
0x116: {  	[tilespmem:$0x1FE10] =	vst v1;
	v1 =	vld [tilespmem:s22+$0x1B9F0];
	_ =	sdelay $0x4  }
0x117: {  	[tilespmem:$0x1FE20] =	vst v1;
	v1 =	vld [tilespmem:$0x1FFD0];
	_ =	sdelay $0x4  }
0x118: {  	[tilespmem:s22+$0x1AE90] =	vst v1;
	v1 =	vld [tilespmem:s22+$0x1BA00];
	_ =	sdelay $0x4  }
0x119: {  	[tilespmem:$0x1FE30] =	vst v1;
	v1 =	vld [tilespmem:$0x1FFB0];
	_ =	sdelay $0x4  }
0x11a: {  	[tilespmem:s22+$0x1AEB0] =	vst v1;
	v1 =	vld [tilespmem:s22+$0x1BC00];
	_ =	sdelay $0x1  }
0x11b: {  	v7 =	vld [tilespmem:$0x1FF80];
	_ =	sdelay $0x2  }
0x11c: {  	[tilespmem:$0x1FE40] =	vst v1;
	v1 =	vld [tilespmem:s22+$0x1BC10];
	_ =	sdelay $0x1  }
0x11d: {  	[tilespmem:s22+$0x1A350] =	vst v60;
	v7 =	vadd.f32 v61, v7  }
0x11e: {  	[tilespmem:s22+$0x1A390] =	vst v58  }
0x11f: {  	[tilespmem:s22+$0x1AC50] =	vst v7;
	v7 =	vmul.f32 v25, v9  }
0x120: {  	[tilespmem:$0x1FE50] =	vst v1;
	v1 =	vld [tilespmem:$0x1FFE0]  }
0x121: {  	[tilespmem:s22+$0x1A5B0] =	vst v53;
	v7 =	vadd.f32 v7, v38  }
0x122: {  	[tilespmem:s22+$0x1A5D0] =	vst v52;
	v12 =	vmov v3  }
0x123: {  	[tilespmem:s22+$0x1AE80] =	vst v7;
	v7 =	vadd.f32 v12, v33  }
0x124: {  	[tilespmem:s22+$0x1A7D0] =	vst v62  }
0x125: {  	[tilespmem:s22+$0x1AEC0] =	vst v7;
	v7 =	vadd.f32 v1, v28;
	v1 =	vld [tilespmem:s22+$0x1BC40]  }
0x126: {  	v20 =	vld [tilespmem:s22+$0x1B300];
	[tilespmem:s22+$0x1A810] =	vst v49  }
0x127: {  	v16 =	vld [tilespmem:s22+$0x1B310];
	[tilespmem:s22+$0x1AA50] =	vst v47  }
0x128: {  	v32 =	vld [tilespmem:s22+$0x1B330];
	[tilespmem:s22+$0x1AC80] =	vst v51  }
0x129: {  	v2 =	vmul.f32 v13, v2;
	v11 =	vmov v21;
	v21 =	vld [tilespmem:s22+$0x1B580];
	[tilespmem:s22+$0x1AC90] =	vst v45  }
0x12a: {  	[tilespmem:$0x1FE60] =	vst v1;
	v1 =	vld [tilespmem:s22+$0x1BE40]  }
0x12b: {  	v2 =	vadd.f32 v2, v39;
	v22 =	vld [tilespmem:s22+$0x1B9C0];
	[tilespmem:s22+$0x1AED0] =	vst v24  }
0x12c: {  	v24 =	vld [tilespmem:s22+$0x1BC20];
	[tilespmem:s22+$0x1B0C0] =	vst v19  }
0x12d: {  	v19 =	vld [tilespmem:s22+$0x1BC30];
	[tilespmem:s22+$0x1B0F0] =	vst v2  }
0x12e: {  	v29 =	vld [tilespmem:s22+$0x1BE60];
	[tilespmem:s22+$0x1A7E0] =	vst v6  }
0x12f: {  	[tilespmem:$0x1FE70] =	vst v1;
	v1 =	vld [tilespmem:$0x1FFF0]  }
0x130: {  	v53 =	vld [tilespmem:s22+$0x1BE80];
	[tilespmem:s22+$0x1A800] =	vst v5  }
0x131: {  	v39 =	vld [tilespmem:s22+$0x1C0A0];
	[tilespmem:s22+$0x1AA20] =	vst v0  }
0x132: {  	v41 =	vld [tilespmem:s22+$0x1C0C0];
	[tilespmem:s22+$0x1AC40] =	vst v4  }
0x133: {  	v40 =	vld [tilespmem:s22+$0x1C2D0];
	[tilespmem:s22+$0x1AC70] =	vst v8  }
0x134: {  	v8 =	vadd.f32 v11, v35;
	v11 =	vadd.f32 v15, v30;
	[tilespmem:s22+$0x1B100] =	vst v1;
	v1 =	vld [tilespmem:s22+$0x1BE50]  }
0x135: {  	v3 =	vld [tilespmem:s22+$0x1B320];
	[tilespmem:s22+$0x1AC60] =	vst v10  }
0x136: {  	v6 =	vld [tilespmem:s22+$0x1B350];
	[tilespmem:s22+$0x1B0E0] =	vst v11;
	v11 =	vadd.f32 v14, v43  }
0x137: {  	v5 =	vld [tilespmem:s22+$0x1B550];
	[tilespmem:s22+$0x1AEA0] =	vst v8  }
0x138: {  	v4 =	vld [tilespmem:s22+$0x1B7B0];
	[tilespmem:s22+$0x1B110] =	vst v11  }
0x139: {  	[tilespmem:$0x1FE80] =	vst v1;
	v1 =	vld [tilespmem:$0x1FF90]  }
0x13a: {  	s30 =	simm.s32 $0x121F0;
	v9 =	vld [tilespmem:s22+$0x1B7D0];
	[tilespmem:s22+$0x1B0D0] =	vst v7  }
0x13b: {  	v55 =	vld [tilespmem:s30+$0xFFFFFF90]  }
0x13c: {  	v33 =	vld [tilespmem:s30+$0xFFFFFFC0]  }
0x13d: {  	v56 =	vld [tilespmem:s30+$0xFFFFFFB0]  }
0x13e: {  	v25 =	vld [tilespmem:s30+$0xFFFFFFF0]  }
0x13f: {  	v2 =	vld [tilespmem:s30+$0x0]  }
0x140: {  	s31 =	simm.s32 $0x0;
	v36 =	vld [tilespmem:s30+$0xFFFFFFE0]  }
0x141: {  	v12 =	vld.idx.msk [tilespmem:v1+s31+$0x50 ss:$0x1], $0xffff  }
0x142: {  	v28 =	vld.idx.msk [tilespmem:v1+s31+$0x30 ss:$0x1], $0xffff  }
0x143: {  	v46 =	vld [tilespmem:s30+$0xFFFFFFD0]  }
0x144: {  	v45 =	vld.idx.msk [tilespmem:v1+s31+$0x20 ss:$0x1], $0xffff  }
0x145: {  	v43 =	vld.idx.msk [tilespmem:v1+s31+$0x10 ss:$0x1], $0xffff  }
0x146: {  	v31 =	vld.idx.msk [tilespmem:v1+s31+$0x40 ss:$0x1], $0xffff;
	v14 =	vmul.f32 v12, v25  }
0x147: {  	v34 =	vld.idx.msk [tilespmem:v1+s31+$0x0 ss:$0x1], $0xffff;
	v17 =	vmul.f32 v12, v55;
	v26 =	vmul.f32 v28, v56  }
0x148: {  	v61 =	vld [tilespmem:s30+$0xFFFFFFA0];
	v42 =	vmul.f32 v28, v55;
	v27 =	vmul.f32 v12, v56  }
0x149: {  	v11 =	vld [tilespmem:s22+$0x1C0B0];
	v30 =	vmul.f32 v28, v25;
	v1 =	vmul.f32 v45, v36  }
0x14a: {  	v0 =	vld [tilespmem:s22+$0x1B590];
	v47 =	vmul.f32 v43, v33;
	v37 =	vmul.f32 v45, v25  }
0x14b: {  	v7 =	vld [tilespmem:s22+$0x1BC50];
	v59 =	vmul.f32 v12, v46;
	v60 =	vmul.f32 v31, v36  }
0x14c: {  	v10 =	vld [tilespmem:s22+$0x1BA10];
	v54 =	vadd.f32 v17, v6;
	v49 =	vadd.f32 v26, v4;
	v4 =	vmul.f32 v34, v2  }
0x14d: {  	v15 =	vld [tilespmem:s22+$0x1C2C0];
	v50 =	vadd.f32 v27, v9;
	v9 =	vmul.f32 v43, v61;
	v17 =	vmul.f32 v12, v61  }
0x14e: {  	v6 =	vld [tilespmem:s22+$0x1C090];
	v27 =	vadd.f32 v30, v11;
	v11 =	vmul.f32 v12, v33;
	v62 =	vadd.f32 v42, v32  }
0x14f: {  	v58 =	vadd.f32 v9, v5;
	v9 =	vld [tilespmem:s22+$0x1C0D0];
	v57 =	vadd.f32 v17, v0;
	v0 =	vmul.f32 v45, v55  }
0x150: {  	[tilespmem:$0x1FE90] =	vst v1;
	v51 =	vadd.f32 v59, v7;
	v1 =	vmul.f32 v43, v2;
	v7 =	vmul.f32 v28, v46;
	v17 =	vld [tilespmem:s22+$0x1BE90]  }
0x151: {  	v53 =	vadd.f32 v60, v53;
	v60 =	vmul.f32 v34, v33;
	v63 =	vadd.f32 v0, v3;
	v0 =	vld [tilespmem:s22+$0x1C080]  }
0x152: {  	v44 =	vld [tilespmem:s22+$0x1B9D0];
	v26 =	vadd.f32 v4, v15;
	v15 =	vmul.f32 v31, v55;
	v5 =	vmul.f32 v43, v25  }
0x153: {  	v48 =	vadd.f32 v11, v10;
	v10 =	vld [tilespmem:s22+$0x1C300];
	v4 =	vmul.f32 v31, v25;
	v11 =	vmul.f32 v12, v2  }
0x154: {  	v23 =	vld [tilespmem:s22+$0x1B340];
	v35 =	vadd.f32 v5, v6;
	v5 =	vmul.f32 v12, v36;
	v6 =	vmul.f32 v45, v61  }
0x155: {  	v42 =	vld [tilespmem:s22+$0x1C2E0];
	v12 =	vmul.f32 v43, v56;
	v38 =	vadd.f32 v14, v9;
	v14 =	vmul.f32 v43, v36  }
0x156: {  	v30 =	vld [tilespmem:s22+$0x1BE70];
	v52 =	vadd.f32 v5, v17;
	v17 =	vmul.f32 v34, v56;
	[tilespmem:$0x1FEA0] =	vst v0;
	v0 =	vmul.f32 v31, v2  }
0x157: {  	v59 =	vadd.f32 v47, v44;
	v44 =	vld [tilespmem:s22+$0x1C2F0];
	v5 =	vmul.f32 v45, v33;
	v9 =	vmul.f32 v45, v56  }
0x158: {  	s23 =	simm.s32 $0x900;
	s24 =	simm.s32 $0x122F0;
	v47 =	vld [tilespmem:s22+$0x1C310];
	[tilespmem:$0x1FEB0] =	vst v1;
	v32 =	vadd.f32 v0, v10;
	v10 =	vmul.f32 v28, v61;
	v0 =	vmul.f32 v45, v2  }
.LBB2_10:
0x159: {  	_ = 	snop  }
0x15a: {  	v42 =	vadd.f32 v0, v42;
	v0 =	vmul.f32 v43, v55;
	_ =	sdelay $0x1  }
0x15b: {  	[tilespmem:$0x1FD90] =	vst v0;
	v0 =	vld [tilespmem:$0x1FE20];
	_ =	sdelay $0x2  }
0x15c: {  	v47 =	vadd.f32 v11, v47;
	v11 =	vmul.f32 v28, v33;
	_ =	sdelay $0x1  }
0x15d: {  	v0 =	vadd.f32 v11, v0;
	_ =	sdelay $0x1  }
0x15e: {  	[tilespmem:$0x1FE20] =	vst v0;
	v0 =	vld [tilespmem:$0x1FE70];
	_ =	sdelay $0x2  }
0x15f: {  	v13 =	vmov v22;
	v22 =	vmov v16;
	v16 =	vmul.f32 v34, v36;
	_ =	sdelay $0x1  }
0x160: {  	v0 =	vadd.f32 v16, v0;
	_ =	sdelay $0x1  }
0x161: {  	[tilespmem:$0x1FE70] =	vst v0;
	v0 =	vld [tilespmem:$0x1FDF0];
	_ =	sdelay $0x4  }
0x162: {  	v0 =	vadd.f32 v9, v0;
	_ =	sdelay $0x1  }
0x163: {  	v16 =	vmul.f32 v34, v61;
	[tilespmem:$0x1FDF0] =	vst v0;
	v0 =	vmul.f32 v31, v61;
	v61 =	vld [tilespmem:$0x1FEA0]  }
0x164: {  	v3 =	vmovc v24;
	v24 =	vmov v23;
	v23 =	vmov v20;
	v20 =	vmul.f32 v34, v25;
	_ =	sdelay $0x1  }
0x165: {  	v1 =	vmul.f32 v34, v46  }
0x166: {  	v41 =	vadd.f32 v4, v41;
	v4 =	vmul.f32 v34, v55  }
0x167: {  	[tilespmem:$0x1FD80] =	vst v1;
	v1 =	vld [tilespmem:$0x1FE90];
	v61 =	vadd.f32 v20, v61;
	v20 =	vmov v23  }
0x168: {  	v20 =	vadd.f32 v4, v20;
	v4 =	vld [tilespmem:$0x1FDB0];
	_ =	sdelay $0x2  }
0x169: {  	v18 =	vld [tilespmem:s24+$0xFFFFFF90]  }
0x16a: {  	v29 =	vadd.f32 v1, v29;
	v1 =	vld [tilespmem:$0x1FF90]  }
0x16b: {  	v4 =	vadd.f32 v6, v4;
	v6 =	vld [tilespmem:$0x1FDC0];
	_ =	sdelay $0x2  }
0x16c: {  	v19 =	vadd.f32 v7, v19;
	v7 =	vld [tilespmem:s24+$0xFFFFFFC0]  }
0x16d: {  	v55 =	vmov v18;
	v18 =	vld [tilespmem:$0x1FDD0]  }
0x16e: {  	v6 =	vadd.f32 v10, v6;
	v10 =	vld [tilespmem:$0x1FE00];
	_ =	sdelay $0x1  }
0x16f: {  	s25 =	sshra.s32 s23, $0x2;
	v25 =	vld [tilespmem:s24+$0xFFFFFFF0]  }
0x170: {  	v11 =	vld.idx.msk [tilespmem:v1+s25+$0x50 ss:$0x1], $0xffff;
	v34 =	vmul.f32 v31, v56;
	v9 =	vmul.f32 v28, v2  }
0x171: {  	v18 =	vadd.f32 v17, v18;
	v17 =	vmul.f32 v31, v33;
	v33 =	vmov v7;
	v7 =	vld.idx.msk [tilespmem:v1+s25+$0x20 ss:$0x1], $0xffff  }
0x172: {  	v44 =	vadd.f32 v9, v44;
	v9 =	vld.idx.msk [tilespmem:v1+s25+$0x30 ss:$0x1], $0xffff;
	v10 =	vadd.f32 v34, v10  }
0x173: {  	[tilespmem:$0x1FDB0] =	vst v4;
	v4 =	vmul.f32 v43, v46;
	v43 =	vld.idx.msk [tilespmem:v1+s25+$0x10 ss:$0x1], $0xffff  }
0x174: {  	[tilespmem:$0x1FE00] =	vst v10;
	v10 =	vld [tilespmem:$0x1FE80]  }
0x175: {  	[tilespmem:$0x1FDC0] =	vst v6;
	v6 =	vmul.f32 v31, v46;
	v31 =	vld.idx.msk [tilespmem:v1+s25+$0x40 ss:$0x1], $0xffff  }
0x176: {  	v34 =	vld.idx.msk [tilespmem:v1+s25+$0x0 ss:$0x1], $0xffff  }
0x177: {  	v8 =	vmov v37;
	v37 =	vmov v35;
	v35 =	vmov v32;
	v1 =	vld [tilespmem:$0x1FE10]  }
0x178: {  	v32 =	vmovc v30;
	v30 =	vmovc v29;
	v29 =	vmov v27;
	v27 =	vmov v26;
	v26 =	vmov v19;
	v19 =	vld [tilespmem:s24+$0xFFFFFFB0]  }
0x179: {  	v10 =	vadd.f32 v14, v10;
	v14 =	vld [tilespmem:$0x1FDE0]  }
0x17a: {  	v23 =	vmov v24;
	v24 =	vmov v3;
	v3 =	vld [tilespmem:$0x1FEB0]  }
0x17b: {  	v2 =	vld [tilespmem:s24+$0x0]  }
0x17c: {  	v21 =	vadd.f32 v0, v21;
	v0 =	vld [tilespmem:$0x1FD90];
	v1 =	vadd.f32 v5, v1  }
0x17d: {  	[tilespmem:$0x1FEA0] =	vst v61;
	v61 =	vld [tilespmem:s24+$0xFFFFFFA0]  }
0x17e: {  	[tilespmem:$0x1FE10] =	vst v1;
	v1 =	vld [tilespmem:$0x1FE30];
	v14 =	vadd.f32 v12, v14  }
0x17f: {  	v39 =	vadd.f32 v8, v39;
	[tilespmem:$0x1FDD0] =	vst v18;
	v56 =	vmovc v19;
	v19 =	vmov v26;
	v40 =	vadd.f32 v3, v40;
	v3 =	vld [tilespmem:s24+$0xFFFFFFE0]  }
0x180: {  	v18 =	vmul.f32 v11, v25;
	v23 =	vadd.f32 v15, v23;
	v15 =	vmul.f32 v9, v25;
	[tilespmem:$0x1FDE0] =	vst v14;
	v14 =	vld [tilespmem:$0x1FDA0]  }
0x181: {  	v26 =	vmovc v27;
	v27 =	vmovc v29;
	v29 =	vmov v30;
	v30 =	vmov v32;
	v5 =	vmul.f32 v9, v55;
	v12 =	vld [tilespmem:$0x1FE50]  }
0x182: {  	v8 =	vld [tilespmem:s24+$0xFFFFFFD0];
	v38 =	vadd.f32 v18, v38;
	v27 =	vadd.f32 v15, v27;
	[tilespmem:$0x1FE80] =	vst v10;
	v10 =	vmul.f32 v28, v36  }
0x183: {  	v15 =	vmul.f32 v31, v55;
	v62 =	vadd.f32 v5, v62;
	v28 =	vmovc v9;
	v1 =	vadd.f32 v17, v1  }
0x184: {  	v30 =	vadd.f32 v10, v30;
	v10 =	vmul.f32 v28, v61;
	v17 =	vmul.f32 v34, v56  }
0x185: {  	[tilespmem:$0x1FE30] =	vst v1;
	v1 =	vmul.f32 v7, v3;
	v14 =	vadd.f32 v16, v14;
	v16 =	vmov v22  }
0x186: {  	v36 =	vmovc v3;
	v3 =	vmul.f32 v34, v2;
	v12 =	vadd.f32 v4, v12;
	v16 =	vadd.f32 v0, v16;
	v0 =	vld [tilespmem:$0x1FE60]  }
0x187: {  	v32 =	vmovc v35;
	v4 =	vmul.f32 v45, v46;
	v46 =	vmovc v8;
	v45 =	vmov v7;
	v7 =	vmul.f32 v11, v33  }
0x188: {  	v35 =	vmovc v37;
	v26 =	vadd.f32 v3, v26;
	v37 =	vmul.f32 v45, v25;
	v5 =	vmul.f32 v11, v46  }
0x189: {  	[tilespmem:$0x1FE50] =	vst v12;
	v12 =	vmul.f32 v11, v55;
	v24 =	vadd.f32 v4, v24;
	v4 =	vmul.f32 v11, v56  }
0x18a: {  	[tilespmem:$0x1FE90] =	vst v1;
	v1 =	vld [tilespmem:$0x1FE40];
	v22 =	vadd.f32 v60, v13;
	v48 =	vadd.f32 v7, v48;
	v7 =	vmul.f32 v43, v25  }
0x18b: {  	v8 =	vld [tilespmem:$0x1FD80];
	v13 =	vmul.f32 v31, v36;
	v60 =	vmul.f32 v34, v33;
	v0 =	vadd.f32 v6, v0  }
0x18c: {  	v51 =	vadd.f32 v5, v51;
	v5 =	vmul.f32 v45, v33;
	[tilespmem:$0x1FDA0] =	vst v14;
	v14 =	vmul.f32 v9, v56  }
0x18d: {  	v54 =	vadd.f32 v12, v54;
	v50 =	vadd.f32 v4, v50;
	[tilespmem:$0x1FE60] =	vst v0;
	v0 =	vmul.f32 v11, v61  }
0x18e: {  	v4 =	vmul.f32 v43, v61;
	v35 =	vadd.f32 v7, v35;
	v7 =	vmul.f32 v31, v2  }
0x18f: {  	v12 =	vmul.f32 v43, v56;
	v57 =	vadd.f32 v0, v57;
	v0 =	vmul.f32 v43, v2  }
0x190: {  	p0 =	sne.s32 s23, $0x47700;
	v9 =	vmul.f32 v45, v56;
	v53 =	vadd.f32 v13, v53;
	v1 =	vadd.f32 v8, v1  }
.Ltmp3:
0x191: {  	v8 =	vmul.f32 v43, v33;
	v49 =	vadd.f32 v14, v49;
	[tilespmem:$0x1FEB0] =	vst v0;
	v0 =	vmul.f32 v45, v55;
	(pc) =	sbr.rel @p0 .LBB2_10-.Ltmp3, $4  }
0x192: {  	v58 =	vadd.f32 v4, v58;
	v4 =	vmul.f32 v31, v25;
	v14 =	vmul.f32 v43, v36  }
0x193: {  	v32 =	vadd.f32 v7, v32;
	v63 =	vadd.f32 v0, v63;
	v0 =	vmul.f32 v11, v36  }
0x194: {  	v7 =	vmul.f32 v28, v46;
	v59 =	vadd.f32 v8, v59;
	v6 =	vmul.f32 v45, v61  }
0x195: {  	s23 =	sadd.s32 $0x900, s23;
	s24 =	sadd.s32 $0x100, s24;
	[tilespmem:$0x1FE40] =	vst v1;
	v11 =	vmul.f32 v11, v2;
	v52 =	vadd.f32 v0, v52;
	v0 =	vmul.f32 v45, v2  }
0x196: {  	[tilespmem:s22+$0x1B320] =	vst v63  }
0x197: {  	[tilespmem:s22+$0x1B330] =	vst v62  }
0x198: {  	[tilespmem:s22+$0x1B350] =	vst v54  }
0x199: {  	[tilespmem:s22+$0x1B550] =	vst v58  }
0x19a: {  	[tilespmem:s22+$0x1B590] =	vst v57  }
0x19b: {  	[tilespmem:s22+$0x1B7B0] =	vst v49  }
0x19c: {  	[tilespmem:s22+$0x1B7D0] =	vst v50  }
0x19d: {  	[tilespmem:s22+$0x1B9D0] =	vst v59  }
0x19e: {  	[tilespmem:s22+$0x1BA10] =	vst v48  }
0x19f: {  	[tilespmem:s22+$0x1BC50] =	vst v51  }
0x1a0: {  	[tilespmem:s22+$0x1BE80] =	vst v53  }
0x1a1: {  	[tilespmem:s22+$0x1C090] =	vst v35  }
0x1a2: {  	[tilespmem:s22+$0x1C0B0] =	vst v27  }
0x1a3: {  	[tilespmem:s22+$0x1C0D0] =	vst v38  }
0x1a4: {  	[tilespmem:s22+$0x1C2C0] =	vst v26  }
0x1a5: {  	v1 =	vmul.f32 v34, v55;
	v13 =	vld [tilespmem:$0x1FDA0];
	v59 =	vadd.f32 v37, v39;
	[tilespmem:s22+$0x1C300] =	vst v32  }
0x1a6: {  	v8 =	vmul.f32 v43, v55;
	v54 =	vld [tilespmem:$0x1FDB0];
	[tilespmem:s22+$0x1BE90] =	vst v52;
	v0 =	vadd.f32 v0, v42  }
0x1a7: {  	v1 =	vadd.f32 v1, v20;
	[tilespmem:s22+$0x1C0A0] =	vst v59  }
0x1a8: {  	v8 =	vadd.f32 v8, v16;
	v20 =	vadd.f32 v15, v23;
	v23 =	vmul.f32 v34, v61;
	[tilespmem:s22+$0x1C2E0] =	vst v0  }
0x1a9: {  	v55 =	vmul.f32 v31, v61;
	v61 =	vld [tilespmem:$0x1FDC0];
	[tilespmem:s22+$0x1B300] =	vst v1  }
0x1aa: {  	v62 =	vld [tilespmem:$0x1FDD0];
	[tilespmem:s22+$0x1B310] =	vst v8;
	v8 =	vadd.f32 v23, v13  }
0x1ab: {  	v63 =	vld [tilespmem:$0x1FDE0];
	[tilespmem:s22+$0x1B340] =	vst v20;
	v1 =	vadd.f32 v6, v54  }
0x1ac: {  	v6 =	vadd.f32 v55, v21;
	[tilespmem:s22+$0x1B540] =	vst v8  }
0x1ad: {  	v15 =	vld [tilespmem:$0x1FE10];
	v21 =	vmul.f32 v43, v46;
	v43 =	vadd.f32 v7, v19;
	[tilespmem:s22+$0x1B560] =	vst v1  }
0x1ae: {  	v8 =	vadd.f32 v10, v61;
	[tilespmem:s22+$0x1B580] =	vst v6  }
0x1af: {  	v1 =	vadd.f32 v17, v62;
	[tilespmem:s22+$0x1BC30] =	vst v43  }
0x1b0: {  	v3 =	vld [tilespmem:$0x1FDF0];
	v6 =	vadd.f32 v12, v63;
	[tilespmem:s22+$0x1B570] =	vst v8  }
0x1b1: {  	v18 =	vld [tilespmem:$0x1FE30];
	v12 =	vadd.f32 v60, v22;
	[tilespmem:s22+$0x1B780] =	vst v1  }
0x1b2: {  	v10 =	vld [tilespmem:$0x1FE00];
	v5 =	vadd.f32 v5, v15;
	[tilespmem:s22+$0x1B790] =	vst v6  }
0x1b3: {  	v48 =	vld [tilespmem:$0x1FE70];
	v16 =	vmul.f32 v31, v33;
	v60 =	vadd.f32 v4, v41;
	[tilespmem:s22+$0x1B9C0] =	vst v12  }
0x1b4: {  	v20 =	vmul.f32 v34, v46;
	v13 =	vmul.f32 v28, v33;
	v17 =	vld [tilespmem:$0x1FE20];
	v63 =	vadd.f32 v11, v47;
	[tilespmem:s22+$0x1B9E0] =	vst v5  }
0x1b5: {  	v33 =	vmul.f32 v31, v46;
	v8 =	vadd.f32 v9, v3;
	v9 =	vmul.f32 v31, v56;
	[tilespmem:s22+$0x1C0C0] =	vst v60  }
0x1b6: {  	v23 =	vld [tilespmem:$0x1FE50];
	v22 =	vmul.f32 v45, v46;
	v46 =	vmul.f32 v34, v36;
	v6 =	vadd.f32 v16, v18;
	[tilespmem:s22+$0x1C310] =	vst v63  }
0x1b7: {  	v54 =	vld [tilespmem:$0x1FE90];
	[tilespmem:s22+$0x1B7A0] =	vst v8;
	v1 =	vadd.f32 v9, v10  }
0x1b8: {  	v51 =	vmul.f32 v28, v36;
	v45 =	vld [tilespmem:$0x1FE60];
	v49 =	vadd.f32 v46, v48;
	[tilespmem:s22+$0x1BA00] =	vst v6  }
0x1b9: {  	[tilespmem:s22+$0x1B7C0] =	vst v1;
	v1 =	vadd.f32 v13, v17  }
0x1ba: {  	v50 =	vld [tilespmem:$0x1FE80];
	v56 =	vadd.f32 v51, v30;
	[tilespmem:s22+$0x1BE40] =	vst v49  }
0x1bb: {  	v62 =	vld [tilespmem:$0x1FEB0];
	[tilespmem:s22+$0x1B9F0] =	vst v1;
	v1 =	vadd.f32 v21, v23  }
0x1bc: {  	v58 =	vld [tilespmem:$0x1FEA0];
	v55 =	vadd.f32 v54, v29;
	[tilespmem:s22+$0x1BE70] =	vst v56  }
0x1bd: {  	v3 =	vld [tilespmem:$0x1FE40];
	[tilespmem:s22+$0x1BC10] =	vst v1;
	v1 =	vadd.f32 v33, v45  }
0x1be: {  	v6 =	vadd.f32 v22, v24;
	[tilespmem:s22+$0x1BE60] =	vst v55  }
0x1bf: {  	v57 =	vmul.f32 v34, v25;
	s20 =	sadd.s32 $0x1, s20;
	[tilespmem:s22+$0x1BC40] =	vst v1;
	v1 =	vadd.f32 v14, v50  }
0x1c0: {  	p0 =	sne.s32 s20, $0x6;
	v61 =	vmul.f32 v28, v2;
	v2 =	vadd.f32 v62, v40;
	[tilespmem:s22+$0x1BC20] =	vst v6  }
.Ltmp4:
0x1c1: {  	[tilespmem:s22+$0x1BE50] =	vst v1;
	v1 =	vadd.f32 v57, v58;
	(pc) =	sbr.rel @p0 .LBB2_7-.Ltmp4, $4  }
0x1c2: {  	v5 =	vadd.f32 v20, v3;
	[tilespmem:s22+$0x1C2D0] =	vst v2  }
0x1c3: {  	[tilespmem:s22+$0x1C080] =	vst v1;
	v1 =	vadd.f32 v61, v44  }
0x1c4: {  	[tilespmem:s22+$0x1BC00] =	vst v5  }
0x1c5: {  	s21 =	sadd.s32 $0x60, s21;
	[tilespmem:s22+$0x1C2F0] =	vst v1  }
0x1c6: {  	s19 =	sadd.s32 $0x1, s19  }
0x1c7: {  	p0 =	sne.s32 s19, $0x6  }
.Ltmp5:
0x1c8: {  	_ = 	snop;
	(pc) =	sbr.rel @p0 .LBB2_4-.Ltmp5, $1  }
0x1c9: {  	_ =	sdelay $0x3  }
0x1ca: {  	s18 =	simm.s32 $0x0  }
0x1cb: {  	v0 =	vld [tilespmem:s18+$0x1A100]  }
0x1cc: {  	v1 =	vld [tilespmem:s18+$0x1A340]  }
0x1cd: {  	v2 =	vld [tilespmem:s18+$0x1A580]  }
0x1ce: {  	v3 =	vld [tilespmem:s18+$0x1A7C0]  }
0x1cf: {  	v4 =	vld [tilespmem:s18+$0x1AA00]  }
0x1d0: {  	v5 =	vld [tilespmem:s18+$0x1AC40]  }
0x1d1: {  	v7 =	vld [tilespmem:s18+$0x1AE80];
	v6 =	vmax.f32 v0, v1  }
0x1d2: {  	v8 =	vld [tilespmem:s18+$0x1B0C0];
	v6 =	vmax.f32 v6, v2  }
0x1d3: {  	v9 =	vld [tilespmem:s18+$0x1B300];
	v6 =	vmax.f32 v6, v3  }
0x1d4: {  	v10 =	vld [tilespmem:s18+$0x1B540];
	v6 =	vmax.f32 v6, v4  }
0x1d5: {  	v11 =	vld [tilespmem:s18+$0x1B780];
	v6 =	vmax.f32 v6, v5  }
0x1d6: {  	v12 =	vld [tilespmem:s18+$0x1B9C0];
	v6 =	vmax.f32 v6, v7  }
0x1d7: {  	v13 =	vld [tilespmem:s18+$0x1BC00];
	v6 =	vmax.f32 v6, v8  }
0x1d8: {  	v14 =	vld [tilespmem:s18+$0x1BE40];
	v6 =	vmax.f32 v6, v9  }
0x1d9: {  	v15 =	vld [tilespmem:s18+$0x1C080];
	v6 =	vmax.f32 v6, v10  }
0x1da: {  	v16 =	vld [tilespmem:s18+$0x1C2C0];
	v6 =	vmax.f32 v6, v11  }
0x1db: {  	v6 =	vmax.f32 v6, v12  }
0x1dc: {  	v6 =	vmax.f32 v6, v13  }
0x1dd: {  	v6 =	vmax.f32 v6, v14  }
0x1de: {  	v6 =	vmax.f32 v6, v15  }
0x1df: {  	v6 =	vmax.f32 v6, v16  }
0x1e0: {  	v0 =	vsub.f32 v0, v6  }
0x1e1: {  	v1 =	vsub.f32 v1, v6  }
0x1e2: {  	v0 =	vmul.f32 $1.442695020e+00, v0  }
0x1e3: {  	v2 =	vsub.f32 v2, v6;
	v1 =	vmul.f32 $1.442695020e+00, v1  }
0x1e4: {  	(erf) = vpow2.f32 v0  }
0x1e5: {  	v2 =	vmul.f32 $1.442695020e+00, v2;
	v0 =	vsub.f32 v3, v6;
	(erf) = vpow2.f32 v1;
	_ =	sdelay $0x1  }
0x1e6: {  	v1 =	vsub.f32 v4, v6;
	v0 =	vmul.f32 $1.442695020e+00, v0;
	(erf) = vpow2.f32 v2;
	_ =	sdelay $0x1  }
0x1e7: {  	v2 =	vsub.f32 v5, v6;
	v1 =	vmul.f32 $1.442695020e+00, v1;
	(erf) = vpow2.f32 v0;
	_ =	sdelay $0x1  }
0x1e8: {  	v0 =	vsub.f32 v7, v6;
	v2 =	vmul.f32 $1.442695020e+00, v2;
	(erf) = vpow2.f32 v1  }
0x1e9: {  	v1 =	vsub.f32 v8, v6  }
0x1ea: {  	v0 =	vmul.f32 $1.442695020e+00, v0;
	v3 =	vpop (erf);
	(erf) = vpow2.f32 v2  }
0x1eb: {  	v1 =	vmul.f32 $1.442695020e+00, v1;
	v4 =	vpop (erf)  }
0x1ec: {  	v2 =	vsub.f32 v9, v6;
	(erf) = vpow2.f32 v0;
	v0 =	vadd.f32 v4, v3  }
0x1ed: {  	v5 =	vsub.f32 v10, v6;
	v7 =	vpop (erf)  }
0x1ee: {  	v2 =	vmul.f32 $1.442695020e+00, v2;
	(erf) = vpow2.f32 v1;
	v0 =	vadd.f32 v0, v7  }
0x1ef: {  	v5 =	vmul.f32 $1.442695020e+00, v5;
	v8 =	vpop (erf)  }
0x1f0: {  	v1 =	vsub.f32 v11, v6;
	(erf) = vpow2.f32 v2;
	v0 =	vadd.f32 v0, v8  }
0x1f1: {  	v2 =	vsub.f32 v12, v6;
	v9 =	vpop (erf)  }
0x1f2: {  	v1 =	vmul.f32 $1.442695020e+00, v1;
	(erf) = vpow2.f32 v5;
	v0 =	vadd.f32 v0, v9  }
0x1f3: {  	v5 =	vsub.f32 v13, v6;
	v10 =	vpop (erf)  }
0x1f4: {  	v2 =	vmul.f32 $1.442695020e+00, v2;
	(erf) = vpow2.f32 v1;
	v0 =	vadd.f32 v0, v10  }
0x1f5: {  	v5 =	vmul.f32 $1.442695020e+00, v5;
	v11 =	vpop (erf)  }
0x1f6: {  	v1 =	vsub.f32 v14, v6;
	(erf) = vpow2.f32 v2;
	v0 =	vadd.f32 v0, v11  }
0x1f7: {  	v2 =	vsub.f32 v15, v6;
	v13 =	vpop (erf)  }
0x1f8: {  	v1 =	vmul.f32 $1.442695020e+00, v1;
	(erf) = vpow2.f32 v5;
	v0 =	vadd.f32 v0, v13  }
0x1f9: {  	v5 =	vsub.f32 v16, v6;
	v2 =	vmul.f32 $1.442695020e+00, v2;
	v6 =	vpop (erf)  }
0x1fa: {  	(erf) = vpow2.f32 v1;
	v0 =	vadd.f32 v0, v6  }
0x1fb: {  	v14 =	vpop (erf)  }
0x1fc: {  	v1 =	vmul.f32 $1.442695020e+00, v5;
	(erf) = vpow2.f32 v2;
	v0 =	vadd.f32 v0, v14  }
0x1fd: {  	v2 =	vpop (erf)  }
0x1fe: {  	(erf) = vpow2.f32 v1;
	v0 =	vadd.f32 v0, v2  }
0x1ff: {  	v15 =	vpop (erf)  }
0x200: {  	v0 =	vadd.f32 v0, v15  }
0x201: {  	s19 =	simm.s32 $0x10;
	v17 =	vpop (erf)  }
0x202: {  	v5 =	vld [tilespmem:s19+$0x1A100];
	v0 =	vadd.f32 v0, v17  }
0x203: {  	v1 =	vld [tilespmem:s19+$0x1A340];
	v20 =	vpop (erf)  }
0x204: {  	v12 =	vld [tilespmem:s19+$0x1A580];
	v0 =	vadd.f32 v0, v20  }
0x205: {  	v16 =	vld [tilespmem:s19+$0x1A7C0];
	v23 =	vpop (erf)  }
0x206: {  	v18 =	vld [tilespmem:s19+$0x1AA00];
	v0 =	vadd.f32 v0, v23  }
0x207: {  	v19 =	vld [tilespmem:s19+$0x1AC40];
	v26 =	vpop (erf)  }
0x208: {  	v22 =	vld [tilespmem:s19+$0x1AE80];
	v21 =	vmax.f32 v5, v1;
	v0 =	vadd.f32 v0, v26  }
0x209: {  	v24 =	vld [tilespmem:s19+$0x1B0C0];
	v21 =	vmax.f32 v21, v12  }
0x20a: {  	v25 =	vld [tilespmem:s19+$0x1B300];
	v21 =	vmax.f32 v21, v16;
	(erf) = vrcp.f32 v0  }
0x20b: {  	v27 =	vld [tilespmem:s19+$0x1B540];
	v21 =	vmax.f32 v21, v18  }
0x20c: {  	v28 =	vld [tilespmem:s19+$0x1B780];
	v21 =	vmax.f32 v21, v19  }
0x20d: {  	v29 =	vld [tilespmem:s19+$0x1B9C0];
	v21 =	vmax.f32 v21, v22  }
0x20e: {  	v30 =	vld [tilespmem:s19+$0x1BC00];
	v21 =	vmax.f32 v21, v24  }
0x20f: {  	v21 =	vmax.f32 v21, v25;
	v0 =	vld [tilespmem:s19+$0x1BE40]  }
0x210: {  	v31 =	vld [tilespmem:s19+$0x1C080];
	v21 =	vmax.f32 v21, v27  }
0x211: {  	v32 =	vld [tilespmem:s19+$0x1C2C0];
	v21 =	vmax.f32 v21, v28  }
0x212: {  	v21 =	vmax.f32 v21, v29  }
0x213: {  	v21 =	vmax.f32 v21, v30;
	v33 =	vpop (erf)  }
0x214: {  	v21 =	vmax.f32 v21, v0;
	v3 =	vmul.f32 v33, v3;
	v34 =	vmul.f32 v33, v4  }
0x215: {  	v51 =	vimm.s32 $0x0;
	v21 =	vmax.f32 v21, v31  }
0x216: {  	v21 =	vmax.f32 v21, v32;
	v7 =	vmul.f32 v33, v7;
	vm0 =	vgt.f32 v34, v3  }
0x217: {  	v32 =	vsub.f32 v32, v21;
	v31 =	vsub.f32 v31, v21;
	v4 =	vsel vm0, v34, v3  }
0x218: {  	v30 =	vsub.f32 v30, v21;
	v8 =	vmul.f32 v33, v8;
	vm1 =	vgt.f32 v7, v4  }
0x219: {  	v0 =	vsub.f32 v0, v21;
	v29 =	vsub.f32 v29, v21;
	v4 =	vsel vm1, v7, v4  }
0x21a: {  	v27 =	vsub.f32 v27, v21;
	v9 =	vmul.f32 v33, v9;
	vm2 =	vgt.f32 v8, v4  }
0x21b: {  	v28 =	vsub.f32 v28, v21;
	v25 =	vsub.f32 v25, v21;
	v4 =	vsel vm2, v8, v4  }
0x21c: {  	v22 =	vsub.f32 v22, v21;
	v10 =	vmul.f32 v33, v10;
	vm3 =	vgt.f32 v9, v4  }
0x21d: {  	v24 =	vsub.f32 v24, v21;
	v35 =	vsub.f32 v19, v21;
	v19 =	vsel vm3, v9, v4  }
0x21e: {  	v16 =	vsub.f32 v16, v21;
	v61 =	vmul.f32 v33, v11;
	vm4 =	vgt.f32 v10, v19  }
0x21f: {  	v36 =	vsub.f32 v12, v21;
	v12 =	vmul.f32 $1.442695020e+00, v0;
	v0 =	vsel vm4, v10, v19  }
0x220: {  	v4 =	vmul.f32 $1.442695020e+00, v31;
	v31 =	vmul.f32 v33, v13;
	vm5 =	vgt.f32 v61, v0  }
0x221: {  	v18 =	vsub.f32 v18, v21;
	v5 =	vsub.f32 v5, v21;
	v0 =	vsel vm5, v61, v0  }
0x222: {  	v21 =	vsub.f32 v1, v21;
	v37 =	vmul.f32 v33, v6;
	vm6 =	vgt.f32 v31, v0  }
0x223: {  	v1 =	vmul.f32 $1.442695020e+00, v32;
	v6 =	vmul.f32 $1.442695020e+00, v18;
	v0 =	vsel vm6, v31, v0  }
0x224: {  	v11 =	vmul.f32 $1.442695020e+00, v16;
	v19 =	vmul.f32 v33, v14;
	vm7 =	vgt.f32 v37, v0  }
0x225: {  	v5 =	vmul.f32 $1.442695020e+00, v5;
	v16 =	vsel vm0, $0x1, v51;
	v0 =	vsel vm7, v37, v0  }
0x226: {  	v13 =	vmul.f32 v33, v2;
	v2 =	vsel vm1, $0x2, v16;
	vm12 =	vgt.f32 v19, v0  }
0x227: {  	v15 =	vmul.f32 v33, v15;
	v2 =	vsel vm2, $0x3, v2;
	v0 =	vsel vm12, v19, v0  }
0x228: {  	v18 =	vmul.f32 $1.442695020e+00, v21;
	v2 =	vsel vm3, $0x4, v2;
	vm13 =	vgt.f32 v13, v0  }
0x229: {  	(erf) = vpow2.f32 v5;
	v2 =	vsel vm4, $0x5, v2;
	v0 =	vsel vm13, v13, v0  }
0x22a: {  	v16 =	vmul.f32 v33, v17;
	v2 =	vsel vm5, $0x6, v2;
	vm14 =	vgt.f32 v15, v0  }
0x22b: {  	(erf) = vpow2.f32 v18;
	v2 =	vsel vm6, $0x7, v2;
	v0 =	vsel vm14, v15, v0  }
0x22c: {  	v17 =	vmul.f32 v33, v20;
	v2 =	vsel vm7, $0x8, v2;
	vm15 =	vgt.f32 v16, v0  }
0x22d: {  	v14 =	vmul.f32 $1.442695020e+00, v36;
	v2 =	vsel vm12, $0x9, v2;
	v0 =	vsel vm15, v16, v0  }
0x22e: {  	v18 =	vmul.f32 v33, v23;
	v2 =	vsel vm13, $0xA, v2;
	vm5 =	vgt.f32 v17, v0  }
0x22f: {  	(erf) = vpow2.f32 v14;
	v5 =	vsel vm14, $0xB, v2;
	v0 =	vsel vm5, v17, v0  }
0x230: {  	v2 =	vmul.f32 v33, v26;
	v5 =	vsel vm15, $0xC, v5;
	vm6 =	vgt.f32 v18, v0  }
0x231: {  	(erf) = vpow2.f32 v11;
	v11 =	vsel vm5, $0xD, v5;
	v5 =	vsel vm6, v18, v0  }
0x232: {  	v30 =	vmul.f32 $1.442695020e+00, v30;
	v0 =	vsel vm6, $0xE, v11;
	vm0 =	vgt.f32 v2, v5  }
0x233: {  	(erf) = vpow2.f32 v6;
	v11 =	vmul.f32 $1.442695020e+00, v35;
	v23 =	vsel vm0, $0xF, v0  }
0x234: {  	v6 =	vmul.f32 $1.442695020e+00, v22;
	vm7 =	veq.s32 v23, $0x0;
	vm8 =	veq.s32 v23, $0x1  }
0x235: {  	v0 =	vpop (erf);
	(erf) = vpow2.f32 v11;
	v11 =	vsel vm7, $0xFF61B1E6, v3;
	v14 =	vsel vm8, $0xFF61B1E6, v34  }
0x236: {  	v28 =	vmul.f32 $1.442695020e+00, v28;
	[tilespmem:s18+$0x1C500] =	vst v3;
	vm9 =	veq.s32 v23, $0x2;
	v3 =	vpop (erf);
	vm1 =	vgt.f32 v14, v11  }
0x237: {  	(erf) = vpow2.f32 v6;
	v6 =	vadd.f32 v3, v0;
	v11 =	vsel vm1, v14, v11  }
0x238: {  	v25 =	vmul.f32 $1.442695020e+00, v25;
	[tilespmem:s18+$0x1C980] =	vst v7;
	v20 =	vmul.f32 $1.442695020e+00, v24;
	v7 =	vsel vm9, $0xFF61B1E6, v7;
	v14 =	vpop (erf)  }
0x239: {  	[tilespmem:s18+$0x1C740] =	vst v34;
	vm10 =	veq.s32 v23, $0x3;
	vm2 =	vgt.f32 v7, v11;
	v6 =	vadd.f32 v6, v14  }
0x23a: {  	[tilespmem:s18+$0x1CBC0] =	vst v8;
	vm11 =	veq.s32 v23, $0x4;
	v8 =	vsel vm10, $0xFF61B1E6, v8;
	v7 =	vsel vm2, v7, v11;
	v11 =	vpop (erf)  }
0x23b: {  	[tilespmem:s18+$0x1CE00] =	vst v9;
	(erf) = vpow2.f32 v20;
	vm3 =	vgt.f32 v8, v7;
	v6 =	vadd.f32 v6, v11  }
0x23c: {  	v29 =	vmul.f32 $1.442695020e+00, v29;
	[tilespmem:s18+$0x1D040] =	vst v10;
	v7 =	vsel vm3, v8, v7;
	v8 =	vsel vm11, $0xFF61B1E6, v9  }
0x23d: {  	v27 =	vmul.f32 $1.442695020e+00, v27;
	[tilespmem:s18+$0x1D280] =	vst v61;
	(erf) = vpow2.f32 v25;
	v9 =	vpop (erf);
	vm4 =	vgt.f32 v8, v7  }
0x23e: {  	[tilespmem:s18+$0x1D700] =	vst v37;
	vm12 =	veq.s32 v23, $0x5;
	v20 =	vadd.f32 v6, v9;
	v7 =	vsel vm4, v8, v7  }
0x23f: {  	[tilespmem:s18+$0x1DDC0] =	vst v15;
	vm13 =	veq.s32 v23, $0x6;
	(erf) = vpow2.f32 v27;
	v8 =	vsel vm12, $0xFF61B1E6, v10;
	v6 =	vpop (erf)  }
0x240: {  	[tilespmem:s18+$0x1E480] =	vst v18;
	vm14 =	veq.s32 v23, $0x7;
	vm5 =	vgt.f32 v8, v7;
	v10 =	vadd.f32 v20, v6  }
0x241: {  	[tilespmem:s18+$0x1D4C0] =	vst v31;
	(erf) = vpow2.f32 v28;
	v8 =	vsel vm5, v8, v7;
	v20 =	vsel vm13, $0xFF61B1E6, v61;
	v7 =	vpop (erf)  }
0x242: {  	[tilespmem:s18+$0x1DB80] =	vst v13;
	v21 =	vsel vm14, $0xFF61B1E6, v31;
	vm6 =	vgt.f32 v20, v8;
	v10 =	vadd.f32 v10, v7  }
0x243: {  	[tilespmem:s18+$0x1E000] =	vst v16;
	vm8 =	veq.s32 v23, $0x8;
	(erf) = vpow2.f32 v29;
	v20 =	vsel vm6, v20, v8  }
0x244: {  	[tilespmem:s18+$0x1E240] =	vst v17;
	vm9 =	veq.s32 v23, $0x9;
	v25 =	vsel vm8, $0xFF61B1E6, v37;
	v8 =	vpop (erf);
	vm7 =	vgt.f32 v21, v20  }
0x245: {  	[tilespmem:s18+$0x1D940] =	vst v19;
	(erf) = vpow2.f32 v30;
	v24 =	vadd.f32 v10, v8;
	v20 =	vsel vm7, v21, v20  }
0x246: {  	[tilespmem:s18+$0x1E6C0] =	vst v2;
	vm15 =	veq.s32 v23, $0xF;
	v19 =	vsel vm9, $0xFF61B1E6, v19;
	vm8 =	vgt.f32 v25, v20;
	v10 =	vpop (erf)  }
0x247: {  	s20 =	simm.s32 $0x20;
	[tilespmem:s18+$0x1ED80] =	vst v23;
	(erf) = vpow2.f32 v12;
	v20 =	vsel vm8, v25, v20;
	v26 =	vadd.f32 v24, v10  }
0x248: {  	v22 =	vld [tilespmem:s20+$0x1A340];
	vm10 =	veq.s32 v23, $0xA;
	v12 =	vpop (erf);
	(erf) = vpow2.f32 v4;
	vm9 =	vgt.f32 v19, v20  }
0x249: {  	v21 =	vld [tilespmem:s20+$0x1A100];
	v19 =	vsel vm9, v19, v20;
	v20 =	vsel vm10, $0xFF61B1E6, v13;
	v4 =	vadd.f32 v26, v12  }
0x24a: {  	vm11 =	veq.s32 v23, $0xB;
	v13 =	vpop (erf);
	(erf) = vpow2.f32 v1;
	vm10 =	vgt.f32 v20, v19  }
0x24b: {  	v24 =	vld [tilespmem:s20+$0x1A580];
	v1 =	vadd.f32 v4, v13;
	v4 =	vsel vm10, v20, v19;
	v19 =	vsel vm11, $0xFF61B1E6, v15  }
0x24c: {  	vm14 =	veq.s32 v23, $0xE;
	vm12 =	veq.s32 v23, $0xC;
	v15 =	vpop (erf);
	vm11 =	vgt.f32 v19, v4  }
0x24d: {  	v25 =	vld [tilespmem:s20+$0x1A7C0];
	v1 =	vadd.f32 v1, v15;
	v4 =	vsel vm11, v19, v4;
	v19 =	vsel vm12, $0xFF61B1E6, v16  }
0x24e: {  	vm13 =	veq.s32 v23, $0xD;
	v26 =	vld [tilespmem:s20+$0x1AA00];
	v20 =	vmax.f32 v21, v22;
	v16 =	vpop (erf);
	vm12 =	vgt.f32 v19, v4  }
0x24f: {  	v28 =	vld [tilespmem:s20+$0x1AC40];
	v1 =	vadd.f32 v1, v16;
	v4 =	vsel vm12, v19, v4;
	v19 =	vsel vm13, $0xFF61B1E6, v17  }
0x250: {  	v62 =	vsel vm1, $0x1, v51;
	v20 =	vmax.f32 v20, v24;
	v17 =	vpop (erf);
	vm13 =	vgt.f32 v19, v4  }
0x251: {  	v29 =	vld [tilespmem:s20+$0x1AE80];
	v1 =	vadd.f32 v1, v17;
	v4 =	vsel vm13, v19, v4;
	v19 =	vsel vm14, $0xFF61B1E6, v18  }
0x252: {  	v23 =	vsel vm15, $0xFF61B1E6, v2;
	v30 =	vld [tilespmem:s20+$0x1B0C0];
	v20 =	vmax.f32 v20, v25;
	v18 =	vpop (erf);
	vm14 =	vgt.f32 v19, v4  }
0x253: {  	v31 =	vld [tilespmem:s20+$0x1B300];
	v20 =	vmax.f32 v20, v26;
	v1 =	vadd.f32 v1, v18;
	v4 =	vsel vm14, v19, v4  }
0x254: {  	v33 =	vld [tilespmem:s20+$0x1B540];
	v27 =	vmax.f32 v20, v28;
	vm13 =	vmmov vm13;
	v19 =	vpop (erf);
	vm15 =	vgt.f32 v23, v4  }
0x255: {  	v34 =	vld [tilespmem:s20+$0x1B780];
	v63 =	vadd.f32 v1, v19;
	v1 =	vsel vm0, v2, v5;
	v20 =	vsel vm15, v23, v4  }
0x256: {  	v32 =	vld [tilespmem:s20+$0x1B9C0];
	v2 =	vmax.f32 v27, v29;
	v4 =	vsel vm2, $0x2, v62;
	v5 =	vadd.f32 v20, v1  }
0x257: {  	v35 =	vld [tilespmem:s20+$0x1BC00];
	v2 =	vmax.f32 v2, v30;
	v4 =	vsel vm3, $0x3, v4;
	(erf) = vrcp.f32 v63  }
0x258: {  	v36 =	vld [tilespmem:s20+$0x1BE40];
	v2 =	vmax.f32 v2, v31;
	v4 =	vsel vm4, $0x4, v4;
	(erf) = vrcp.f32 v5  }
0x259: {  	vm14 =	vmmov vm14;
	v5 =	vld [tilespmem:s20+$0x1C080];
	v2 =	vmax.f32 v2, v33;
	v4 =	vsel vm5, $0x5, v4  }
0x25a: {  	v23 =	vld [tilespmem:s20+$0x1C2C0];
	v27 =	vimm.s32 $0x0;
	v2 =	vmax.f32 v2, v34;
	v4 =	vsel vm6, $0x6, v4  }
0x25b: {  	vm15 =	vmmov vm15;
	v2 =	vmax.f32 v2, v32;
	v4 =	vsel vm7, $0x7, v4  }
0x25c: {  	v27 =	vsel vm13, $0xFFFFFFFF, v27;
	v2 =	vmax.f32 v2, v35;
	v4 =	vsel vm8, $0x8, v4  }
0x25d: {  	[tilespmem:$0x1FD50] =	vst v27;
	v27 =	vimm.s32 $0x0;
	v2 =	vmax.f32 v2, v36;
	v4 =	vsel vm9, $0x9, v4  }
0x25e: {  	v27 =	vsel vm14, $0xFFFFFFFF, v27;
	v2 =	vmax.f32 v2, v5;
	v4 =	vsel vm10, $0xA, v4  }
0x25f: {  	v39 =	vmax.f32 v2, v23;
	v2 =	vsel vm11, $0xB, v4;
	v4 =	vimm.s32 $0x0  }
0x260: {  	[tilespmem:$0x1FD60] =	vst v27;
	v4 =	vsel vm15, $0xFFFFFFFF, v4;
	v37 =	vsub.f32 v23, v39;
	v2 =	vsel vm12, $0xC, v2;
	v23 =	vpop (erf)  }
0x261: {  	s21 =	simm.s32 $0xC0;
	v38 =	vsub.f32 v5, v39;
	[tilespmem:$0x1FD70] =	vst v4;
	v5 =	vmul.f32 v23, v0;
	v4 =	vmul.f32 v23, v3;
	v3 =	vpop (erf)  }
.LBB2_14:
0x262: {  	v0 =	vsub.f32 v35, v39  }
0x263: {  	v27 =	vsub.f32 v36, v39;
	v14 =	vmul.f32 v23, v14;
	vm3 =	vgt.f32 v4, v5  }
0x264: {  	v20 =	vmul.f32 v3, v20;
	v32 =	vsub.f32 v32, v39;
	v45 =	vsel vm3, v4, v5  }
0x265: {  	v33 =	vsub.f32 v33, v39;
	v11 =	vmul.f32 v23, v11;
	[tilespmem:s19+$0x1C500] =	vst v5;
	vm0 =	vgt.f32 v14, v45  }
0x266: {  	v63 =	vsub.f32 v34, v39;
	v31 =	vsub.f32 v31, v39;
	[tilespmem:s18+$0x1EB40] =	vst v20;
	v20 =	vsel vm0, v14, v45  }
0x267: {  	v40 =	vsub.f32 v29, v39;
	v9 =	vmul.f32 v23, v9;
	vm1 =	vgt.f32 v11, v20  }
0x268: {  	v41 =	vsub.f32 v30, v39;
	v42 =	vsub.f32 v28, v39;
	v20 =	vsel vm1, v11, v20  }
0x269: {  	v25 =	vsub.f32 v25, v39;
	v6 =	vmul.f32 v23, v6;
	vm4 =	vgt.f32 v9, v20  }
0x26a: {  	v26 =	vsub.f32 v26, v39;
	v29 =	vsub.f32 v21, v39;
	v21 =	vsel vm4, v9, v20  }
0x26b: {  	v28 =	vsub.f32 v24, v39;
	v46 =	vmul.f32 v23, v7;
	vm5 =	vgt.f32 v6, v21  }
0x26c: {  	v30 =	vsub.f32 v22, v39;
	v22 =	vmul.f32 $1.442695020e+00, v27;
	v27 =	vsel vm5, v6, v21  }
0x26d: {  	v47 =	vmul.f32 v23, v8;
	v49 =	vmul.f32 v23, v10;
	vm6 =	vgt.f32 v46, v27  }
0x26e: {  	v24 =	vmul.f32 $1.442695020e+00, v38;
	v21 =	vmul.f32 $1.442695020e+00, v0;
	v0 =	vsel vm6, v46, v27  }
0x26f: {  	v7 =	vmul.f32 $1.442695020e+00, v63;
	v8 =	vmul.f32 $1.442695020e+00, v32;
	vm7 =	vgt.f32 v47, v0  }
0x270: {  	v10 =	vmul.f32 $1.442695020e+00, v26;
	v50 =	vmul.f32 $1.442695020e+00, v31;
	v0 =	vsel vm7, v47, v0  }
0x271: {  	v31 =	vmul.f32 v23, v12;
	v12 =	vmul.f32 $1.442695020e+00, v28;
	vm8 =	vgt.f32 v49, v0  }
0x272: {  	v26 =	vsel vm3, $0x1, v51;
	v27 =	vmul.f32 $1.442695020e+00, v25;
	v0 =	vsel vm8, v49, v0  }
0x273: {  	v25 =	vmul.f32 v23, v13;
	v13 =	vsel vm0, $0x2, v26;
	vm15 =	vgt.f32 v31, v0  }
0x274: {  	v29 =	vmul.f32 $1.442695020e+00, v29;
	v13 =	vsel vm1, $0x3, v13;
	v0 =	vsel vm15, v31, v0  }
0x275: {  	v26 =	vmul.f32 v23, v15;
	v13 =	vsel vm4, $0x4, v13;
	vm9 =	vgt.f32 v25, v0  }
0x276: {  	v28 =	vmul.f32 v23, v16;
	v13 =	vsel vm5, $0x5, v13;
	v0 =	vsel vm9, v25, v0  }
0x277: {  	(erf) = vpow2.f32 v29;
	v13 =	vsel vm6, $0x6, v13;
	vm10 =	vgt.f32 v26, v0  }
0x278: {  	v29 =	vmul.f32 v23, v17;
	v13 =	vsel vm7, $0x7, v13;
	v0 =	vsel vm10, v26, v0  }
0x279: {  	v15 =	vmul.f32 $1.442695020e+00, v30;
	v13 =	vsel vm8, $0x8, v13;
	vm11 =	vgt.f32 v28, v0  }
0x27a: {  	v30 =	vmul.f32 v23, v18;
	v13 =	vsel vm15, $0x9, v13;
	v0 =	vsel vm11, v28, v0  }
0x27b: {  	(erf) = vpow2.f32 v15;
	v13 =	vsel vm9, $0xA, v13;
	vm12 =	vgt.f32 v29, v0  }
0x27c: {  	(erf) = vpow2.f32 v12;
	v12 =	vsel vm10, $0xB, v13;
	v0 =	vsel vm12, v29, v0  }
0x27d: {  	v23 =	vmul.f32 v23, v19;
	v12 =	vsel vm11, $0xC, v12;
	vm13 =	vgt.f32 v30, v0  }
0x27e: {  	v48 =	vmul.f32 $1.442695020e+00, v33;
	v12 =	vsel vm12, $0xD, v12;
	v52 =	vsel vm13, v30, v0  }
0x27f: {  	(erf) = vpow2.f32 v27;
	v0 =	vsel vm13, $0xE, v12;
	vm3 =	vgt.f32 v23, v52  }
0x280: {  	v20 =	vmul.f32 $1.442695020e+00, v37;
	(erf) = vpow2.f32 v10;
	v19 =	vsel vm3, $0xF, v0  }
0x281: {  	v10 =	vmul.f32 $1.442695020e+00, v40;
	vm14 =	veq.s32 v19, $0x0;
	vm15 =	veq.s32 v19, $0x1  }
0x282: {  	[tilespmem:s19+$0x1C740] =	vst v4;
	v12 =	vmul.f32 $1.442695020e+00, v42;
	v5 =	vsel vm14, $0xFF61B1E6, v5;
	v4 =	vsel vm15, $0xFF61B1E6, v4  }
0x283: {  	v13 =	vmul.f32 $1.442695020e+00, v41;
	vm4 =	veq.s32 v19, $0x2;
	vm5 =	vgt.f32 v4, v5  }
0x284: {  	v27 =	vpop (erf);
	(erf) = vpow2.f32 v12;
	v4 =	vsel vm5, v4, v5;
	v5 =	vsel vm4, $0xFF61B1E6, v14  }
0x285: {  	v0 =	vpop (erf);
	(erf) = vpow2.f32 v10;
	vm6 =	veq.s32 v19, $0x3;
	vm4 =	vgt.f32 v5, v4  }
0x286: {  	[tilespmem:s19+$0x1C980] =	vst v14;
	vm7 =	veq.s32 v19, $0x4;
	v4 =	vsel vm4, v5, v4;
	v5 =	vsel vm6, $0xFF61B1E6, v11  }
0x287: {  	[tilespmem:s19+$0x1CBC0] =	vst v11;
	vm8 =	veq.s32 v19, $0x5;
	v10 =	vadd.f32 v0, v27;
	vm6 =	vgt.f32 v5, v4  }
0x288: {  	[tilespmem:s19+$0x1CE00] =	vst v9;
	vm9 =	veq.s32 v19, $0x6;
	v14 =	vpop (erf);
	v4 =	vsel vm6, v5, v4;
	v5 =	vsel vm7, $0xFF61B1E6, v9  }
0x289: {  	[tilespmem:s19+$0x1D040] =	vst v6;
	(erf) = vpow2.f32 v13;
	v10 =	vadd.f32 v10, v14;
	vm7 =	vgt.f32 v5, v4  }
0x28a: {  	[tilespmem:s19+$0x1D280] =	vst v46;
	vm10 =	veq.s32 v19, $0x7;
	v11 =	vpop (erf);
	v4 =	vsel vm7, v5, v4;
	v5 =	vsel vm8, $0xFF61B1E6, v6  }
0x28b: {  	[tilespmem:s19+$0x1D4C0] =	vst v47;
	(erf) = vpow2.f32 v50;
	v10 =	vadd.f32 v10, v11;
	vm8 =	vgt.f32 v5, v4  }
0x28c: {  	[tilespmem:s19+$0x1D700] =	vst v49;
	vm11 =	veq.s32 v19, $0x8;
	v9 =	vpop (erf);
	v4 =	vsel vm8, v5, v4;
	v5 =	vsel vm9, $0xFF61B1E6, v46  }
0x28d: {  	[tilespmem:s19+$0x1D940] =	vst v31;
	(erf) = vpow2.f32 v48;
	v10 =	vadd.f32 v10, v9;
	vm9 =	vgt.f32 v5, v4  }
0x28e: {  	[tilespmem:s19+$0x1E000] =	vst v28;
	vm12 =	veq.s32 v19, $0x9;
	v6 =	vpop (erf);
	v4 =	vsel vm9, v5, v4;
	v5 =	vsel vm10, $0xFF61B1E6, v47  }
0x28f: {  	[tilespmem:s19+$0x1E240] =	vst v29;
	(erf) = vpow2.f32 v7;
	v10 =	vadd.f32 v10, v6;
	vm10 =	vgt.f32 v5, v4  }
0x290: {  	[tilespmem:s19+$0x1DB80] =	vst v25;
	vm13 =	veq.s32 v19, $0xA;
	v7 =	vpop (erf);
	v4 =	vsel vm10, v5, v4;
	v5 =	vsel vm11, $0xFF61B1E6, v49  }
0x291: {  	[tilespmem:s19+$0x1DDC0] =	vst v26;
	(erf) = vpow2.f32 v8;
	v13 =	vadd.f32 v10, v7;
	vm11 =	vgt.f32 v5, v4  }
0x292: {  	[tilespmem:s19+$0x1E480] =	vst v30;
	vm0 =	veq.s32 v19, $0xD;
	v8 =	vpop (erf);
	v4 =	vsel vm11, v5, v4;
	v5 =	vsel vm12, $0xFF61B1E6, v31  }
0x293: {  	[tilespmem:s19+$0x1E6C0] =	vst v23;
	(erf) = vpow2.f32 v21;
	v15 =	vadd.f32 v13, v8;
	vm12 =	vgt.f32 v5, v4  }
0x294: {  	s22 =	sshra.s32 s21, $0x2;
	[tilespmem:s19+$0x1ED80] =	vst v19;
	vm14 =	veq.s32 v19, $0xB;
	v10 =	vpop (erf);
	v4 =	vsel vm12, v5, v4;
	v5 =	vsel vm13, $0xFF61B1E6, v25  }
0x295: {  	v21 =	vld [tilespmem:s22+$0x1A100];
	(erf) = vpow2.f32 v22;
	v16 =	vadd.f32 v15, v10;
	vm13 =	vgt.f32 v5, v4  }
0x296: {  	vm1 =	veq.s32 v19, $0xE;
	v22 =	vld [tilespmem:s22+$0x1A340];
	v12 =	vpop (erf);
	v4 =	vsel vm13, v5, v4;
	v5 =	vsel vm14, $0xFF61B1E6, v26  }
0x297: {  	vm15 =	veq.s32 v19, $0xC;
	v17 =	vadd.f32 v16, v12;
	vm14 =	vgt.f32 v5, v4  }
0x298: {  	(erf) = vpow2.f32 v24;
	v24 =	vld [tilespmem:s22+$0x1A580];
	v13 =	vpop (erf);
	v4 =	vsel vm14, v5, v4;
	v5 =	vsel vm15, $0xFF61B1E6, v28  }
0x299: {  	(erf) = vpow2.f32 v20;
	v25 =	vld [tilespmem:s22+$0x1A7C0];
	v20 =	vadd.f32 v17, v13;
	vm15 =	vgt.f32 v5, v4  }
0x29a: {  	vm2 =	veq.s32 v19, $0xF;
	v15 =	vpop (erf);
	v26 =	vld [tilespmem:s22+$0x1AA00];
	v4 =	vsel vm15, v5, v4;
	v5 =	vsel vm0, $0xFF61B1E6, v29  }
0x29b: {  	v17 =	vmax.f32 v21, v22;
	v18 =	vadd.f32 v20, v15;
	v28 =	vld [tilespmem:s22+$0x1AC40];
	vm0 =	vgt.f32 v5, v4  }
0x29c: {  	v56 =	vsel vm5, $0x1, v51;
	v16 =	vpop (erf);
	v4 =	vsel vm0, v5, v4;
	v5 =	vsel vm1, $0xFF61B1E6, v30  }
0x29d: {  	v60 =	vld [tilespmem:$0x1FD50];
	v20 =	vmax.f32 v17, v24;
	v31 =	vadd.f32 v18, v16;
	vm1 =	vgt.f32 v5, v4  }
0x29e: {  	v17 =	vpop (erf);
	v20 =	vmax.f32 v20, v25;
	v29 =	vld [tilespmem:s22+$0x1AE80];
	v4 =	vsel vm1, v5, v4;
	v5 =	vsel vm2, $0xFF61B1E6, v23  }
0x29f: {  	v53 =	vadd.f32 v31, v17;
	v20 =	vmax.f32 v20, v26;
	v31 =	vld [tilespmem:s22+$0x1B300];
	vm5 =	vgt.f32 v5, v4  }
0x2a0: {  	v30 =	vld [tilespmem:s22+$0x1B0C0];
	v55 =	vmax.f32 v20, v28;
	v23 =	vsel vm3, v23, v52;
	v20 =	vsel vm5, v5, v4  }
0x2a1: {  	v3 =	vmul.f32 v3, v1;
	v1 =	vmovc v23;
	v5 =	vsel vm4, $0x2, v56;
	v58 =	vadd.f32 v20, v23;
	v23 =	vld [tilespmem:$0x1FD60]  }
0x2a2: {  	v33 =	vld [tilespmem:s22+$0x1B540];
	v5 =	vsel vm6, $0x3, v5  }
0x2a3: {  	v34 =	vld [tilespmem:s22+$0x1B780];
	v5 =	vsel vm7, $0x4, v5  }
0x2a4: {  	v32 =	vld [tilespmem:s22+$0x1B9C0];
	v18 =	vpop (erf);
	v4 =	vmax.f32 v55, v29;
	v5 =	vsel vm8, $0x5, v5  }
0x2a5: {  	v35 =	vld [tilespmem:s22+$0x1BC00];
	v54 =	vadd.f32 v53, v18;
	v4 =	vmax.f32 v4, v30;
	v5 =	vsel vm9, $0x6, v5  }
0x2a6: {  	v19 =	vpop (erf);
	v4 =	vmax.f32 v4, v31;
	v5 =	vsel vm10, $0x7, v5;
	vm10 =	vnez.u8 v23;
	v23 =	vld [tilespmem:$0x1FD70]  }
0x2a7: {  	v36 =	vld [tilespmem:s22+$0x1BE40];
	v57 =	vadd.f32 v54, v19;
	v4 =	vmax.f32 v4, v33  }
0x2a8: {  	v4 =	vmax.f32 v4, v34  }
0x2a9: {  	(erf) = vrcp.f32 v57;
	vm8 =	vnez.u8 v60;
	v4 =	vmax.f32 v4, v32  }
0x2aa: {  	v59 =	vld [tilespmem:s22+$0x1C080];
	(erf) = vrcp.f32 v58;
	v2 =	vsel vm8, $0xD, v2;
	v4 =	vmax.f32 v4, v35  }
0x2ab: {  	v5 =	vsel vm11, $0x8, v5;
	v2 =	vsel vm10, $0xE, v2;
	vm11 =	vnez.u8 v23  }
0x2ac: {  	v61 =	vld [tilespmem:s22+$0x1C2C0];
	[tilespmem:s18+$0x1E900] =	vst v3;
	v3 =	vmax.f32 v4, v36;
	v2 =	vsel vm11, $0xF, v2  }
0x2ad: {  	v4 =	vsel vm12, $0x9, v5;
	vm12 =	vmmov vm0;
	[tilespmem:s18+$0x1EFC0] =	vst v2;
	v2 =	vimm.s32 $0x0  }
0x2ae: {  	v2 =	vsel vm12, $0xFFFFFFFF, v2  }
0x2af: {  	p0 =	sne.s32 s21, $0x8C0;
	[tilespmem:$0x1FD50] =	vst v2;
	v2 =	vmax.f32 v3, v59  }
.Ltmp6:
0x2b0: {  	v3 =	vsel vm13, $0xA, v4;
	vm13 =	vmmov vm1;
	v4 =	vimm.s32 $0x0;
	(pc) =	sbr.rel @p0 .LBB2_14-.Ltmp6, $4  }
0x2b1: {  	v62 =	vimm.s32 $0x0;
	v4 =	vsel vm13, $0xFFFFFFFF, v4  }
0x2b2: {  	v23 =	vpop (erf);
	v39 =	vmax.f32 v2, v61;
	v2 =	vsel vm14, $0xB, v3;
	vm14 =	vmmov vm5  }
0x2b3: {  	s21 =	sadd.s32 $0x40, s21;
	v5 =	vmul.f32 v23, v27;
	[tilespmem:$0x1FD60] =	vst v4;
	v63 =	vsel vm14, $0xFFFFFFFF, v62;
	v37 =	vsub.f32 v61, v39  }
0x2b4: {  	s18 =	smov.u32 s19;
	s19 =	smov.u32 s20;
	s20 =	smov.u32 s22;
	v2 =	vsel vm15, $0xC, v2;
	v38 =	vsub.f32 v59, v39;
	v4 =	vmul.f32 v23, v0;
	[tilespmem:$0x1FD70] =	vst v63;
	v3 =	vpop (erf)  }
0x2b5: {  	v0 =	vsub.f32 v21, v39  }
0x2b6: {  	v27 =	vsub.f32 v22, v39  }
0x2b7: {  	v0 =	vmul.f32 $1.442695020e+00, v0  }
0x2b8: {  	v40 =	vsub.f32 v24, v39;
	v21 =	vmul.f32 $1.442695020e+00, v27  }
0x2b9: {  	(erf) = vpow2.f32 v0  }
0x2ba: {  	v41 =	vsub.f32 v25, v39;
	v22 =	vmul.f32 $1.442695020e+00, v40;
	(erf) = vpow2.f32 v21;
	_ =	sdelay $0x1  }
0x2bb: {  	v42 =	vsub.f32 v26, v39;
	v0 =	vmul.f32 $1.442695020e+00, v41;
	(erf) = vpow2.f32 v22  }
0x2bc: {  	v43 =	vsub.f32 v28, v39;
	v14 =	vmul.f32 v23, v14  }
0x2bd: {  	v44 =	vsub.f32 v29, v39;
	v21 =	vmul.f32 $1.442695020e+00, v42;
	(erf) = vpow2.f32 v0  }
0x2be: {  	v46 =	vsub.f32 v30, v39;
	v47 =	vsub.f32 v31, v39;
	v11 =	vmul.f32 v23, v11  }
0x2bf: {  	v50 =	vsub.f32 v34, v39;
	v22 =	vmul.f32 $1.442695020e+00, v43;
	(erf) = vpow2.f32 v21  }
0x2c0: {  	v52 =	vsub.f32 v32, v39;
	v9 =	vmul.f32 v23, v9;
	vm3 =	vgt.f32 v4, v5  }
0x2c1: {  	v45 =	vsel vm3, v4, v5;
	v0 =	vmul.f32 $1.442695020e+00, v44;
	v25 =	vpop (erf);
	(erf) = vpow2.f32 v22  }
0x2c2: {  	v53 =	vsub.f32 v35, v39;
	v24 =	vmul.f32 $1.442695020e+00, v46;
	vm0 =	vgt.f32 v14, v45;
	v48 =	vpop (erf)  }
0x2c3: {  	v21 =	vsel vm0, v14, v45;
	(erf) = vpow2.f32 v0;
	v49 =	vadd.f32 v48, v25  }
0x2c4: {  	v54 =	vsub.f32 v36, v39;
	v27 =	vsub.f32 v33, v39;
	vm1 =	vgt.f32 v11, v21;
	v28 =	vpop (erf)  }
0x2c5: {  	v22 =	vmul.f32 $1.442695020e+00, v47;
	(erf) = vpow2.f32 v24;
	v0 =	vadd.f32 v49, v28  }
0x2c6: {  	v6 =	vmul.f32 v23, v6;
	v27 =	vmul.f32 $1.442695020e+00, v27;
	v21 =	vsel vm1, v11, v21;
	v29 =	vpop (erf)  }
0x2c7: {  	vm4 =	vgt.f32 v9, v21;
	(erf) = vpow2.f32 v22;
	v0 =	vadd.f32 v0, v29  }
0x2c8: {  	v7 =	vmul.f32 v23, v7;
	v8 =	vmul.f32 v23, v8;
	v21 =	vsel vm4, v9, v21;
	v30 =	vpop (erf)  }
0x2c9: {  	v24 =	vmul.f32 $1.442695020e+00, v50;
	(erf) = vpow2.f32 v27;
	v0 =	vadd.f32 v0, v30  }
0x2ca: {  	v57 =	vmul.f32 $1.442695020e+00, v37;
	v10 =	vmul.f32 v23, v10;
	vm5 =	vgt.f32 v6, v21;
	v31 =	vpop (erf)  }
0x2cb: {  	v22 =	vmul.f32 $1.442695020e+00, v52;
	(erf) = vpow2.f32 v24;
	v0 =	vadd.f32 v0, v31  }
0x2cc: {  	v12 =	vmul.f32 v23, v12;
	v13 =	vmul.f32 v23, v13;
	v21 =	vsel vm5, v6, v21;
	v32 =	vpop (erf)  }
0x2cd: {  	v27 =	vmul.f32 $1.442695020e+00, v53;
	(erf) = vpow2.f32 v22;
	v0 =	vadd.f32 v0, v32  }
0x2ce: {  	v15 =	vmul.f32 v23, v15;
	v55 =	vmul.f32 $1.442695020e+00, v54;
	vm6 =	vgt.f32 v7, v21;
	v33 =	vpop (erf)  }
0x2cf: {  	v21 =	vsel vm6, v7, v21;
	(erf) = vpow2.f32 v27;
	v0 =	vadd.f32 v0, v33  }
0x2d0: {  	v16 =	vmul.f32 v23, v16;
	v19 =	vmul.f32 v23, v19;
	vm2 =	vgt.f32 v8, v21;
	v34 =	vpop (erf)  }
0x2d1: {  	v21 =	vsel vm2, v8, v21;
	(erf) = vpow2.f32 v55;
	v0 =	vadd.f32 v0, v34  }
0x2d2: {  	v20 =	vmul.f32 v3, v20;
	v56 =	vmul.f32 $1.442695020e+00, v38;
	vm7 =	vgt.f32 v10, v21;
	v35 =	vpop (erf)  }
0x2d3: {  	v1 =	vmul.f32 v3, v1;
	v21 =	vsel vm7, v10, v21;
	v0 =	vadd.f32 v0, v35  }
0x2d4: {  	v58 =	vsel vm3, $0x1, v51;
	vm9 =	vgt.f32 v12, v21;
	(erf) = vpow2.f32 v56;
	v36 =	vpop (erf)  }
0x2d5: {  	v59 =	vsel vm0, $0x2, v58;
	v21 =	vsel vm9, v12, v21;
	v0 =	vadd.f32 v0, v36  }
0x2d6: {  	v22 =	vsel vm1, $0x3, v59;
	vm10 =	vgt.f32 v13, v21;
	(erf) = vpow2.f32 v57;
	v37 =	vpop (erf)  }
0x2d7: {  	v22 =	vsel vm4, $0x4, v22;
	v21 =	vsel vm10, v13, v21;
	v0 =	vadd.f32 v0, v37  }
0x2d8: {  	v43 =	vimm.s32 $0x0;
	v22 =	vsel vm5, $0x5, v22;
	vm11 =	vgt.f32 v15, v21;
	v38 =	vpop (erf)  }
0x2d9: {  	v22 =	vsel vm6, $0x6, v22;
	v21 =	vsel vm11, v15, v21;
	v0 =	vadd.f32 v0, v38  }
0x2da: {  	v45 =	vimm.s32 $0x0;
	v22 =	vsel vm2, $0x7, v22;
	vm12 =	vgt.f32 v16, v21;
	v39 =	vpop (erf)  }
0x2db: {  	v61 =	vsel vm7, $0x8, v22;
	v60 =	vadd.f32 v0, v39;
	v0 =	vmul.f32 v23, v17  }
0x2dc: {  	v47 =	vimm.s32 $0x0;
	v21 =	vsel vm12, v16, v21;
	v22 =	vsel vm9, $0x9, v61  }
0x2dd: {  	v62 =	vsel vm10, $0xA, v22;
	v40 =	vpop (erf);
	v17 =	vmul.f32 v23, v18;
	vm13 =	vgt.f32 v0, v21  }
0x2de: {  	v18 =	vsel vm11, $0xB, v62;
	v24 =	vadd.f32 v60, v40;
	v21 =	vsel vm13, v0, v21  }
0x2df: {  	v52 =	vimm.s32 $0x0;
	v41 =	vpop (erf);
	v18 =	vsel vm12, $0xC, v18;
	vm14 =	vgt.f32 v17, v21  }
0x2e0: {  	v18 =	vsel vm13, $0xD, v18;
	v63 =	vadd.f32 v24, v41;
	v42 =	vsel vm14, v17, v21  }
0x2e1: {  	v49 =	vimm.s32 $0x0;
	v18 =	vsel vm14, $0xE, v18;
	vm13 =	vgt.f32 v19, v42  }
0x2e2: {  	v60 =	vimm.s32 $0x0;
	(erf) = vrcp.f32 v63;
	v22 =	vsel vm13, $0xF, v18  }
0x2e3: {  	vm15 =	veq.s32 v22, $0x0;
	vm4 =	veq.s32 v22, $0x1;
	vm5 =	veq.s32 v22, $0x2  }
0x2e4: {  	vm6 =	veq.s32 v22, $0x3;
	vm7 =	veq.s32 v22, $0x4;
	vm9 =	veq.s32 v22, $0x5  }
0x2e5: {  	vm10 =	veq.s32 v22, $0x6;
	v24 =	vsel vm15, $0xFF61B1E6, v5;
	v27 =	vsel vm4, $0xFF61B1E6, v4  }
0x2e6: {  	vm11 =	veq.s32 v22, $0x7;
	vm12 =	veq.s32 v22, $0x8;
	vm1 =	vgt.f32 v27, v24  }
0x2e7: {  	vm14 =	veq.s32 v22, $0x9;
	v44 =	vsel vm5, $0xFF61B1E6, v14;
	v18 =	vsel vm1, v27, v24  }
0x2e8: {  	v46 =	vsel vm6, $0xFF61B1E6, v11;
	v23 =	vsel vm1, $0xFFFFFFFF, v43;
	vm1 =	vgt.f32 v44, v18  }
0x2e9: {  	vm15 =	veq.s32 v22, $0xA;
	[tilespmem:$0x1FC50] =	vst v23;
	v23 =	vsel vm1, $0xFFFFFFFF, v45;
	v18 =	vsel vm1, v44, v18  }
0x2ea: {  	v45 =	vsel vm9, $0xFF61B1E6, v6;
	vm9 =	veq.s32 v22, $0xB;
	vm1 =	vgt.f32 v46, v18  }
0x2eb: {  	[tilespmem:$0x1FC60] =	vst v23;
	v21 =	vsel vm1, $0xFFFFFFFF, v47;
	v43 =	vpop (erf);
	v23 =	vsel vm1, v46, v18;
	v46 =	vsel vm10, $0xFF61B1E6, v7  }
0x2ec: {  	v47 =	vsel vm11, $0xFF61B1E6, v8;
	vm11 =	veq.s32 v22, $0xC;
	v25 =	vmul.f32 v43, v25  }
0x2ed: {  	[tilespmem:$0x1FC70] =	vst v21;
	v21 =	vmul.f32 v43, v48;
	v48 =	vsel vm7, $0xFF61B1E6, v9;
	v24 =	vmul.f32 v43, v30  }
0x2ee: {  	v27 =	vmul.f32 v43, v32;
	v30 =	vmul.f32 v43, v35;
	vm8 =	vgt.f32 v48, v23  }
0x2ef: {  	v18 =	vsel vm8, $0xFFFFFFFF, v49;
	vm0 =	vgt.f32 v21, v25;
	v44 =	vsel vm8, v48, v23  }
0x2f0: {  	v23 =	vmul.f32 v43, v29;
	v48 =	vsel vm12, $0xFF61B1E6, v10;
	v49 =	vsel vm14, $0xFF61B1E6, v12  }
0x2f1: {  	v29 =	vmul.f32 v43, v34;
	[tilespmem:$0x1FC80] =	vst v18;
	v18 =	vmul.f32 v43, v28;
	v50 =	vsel vm0, v21, v25  }
0x2f2: {  	vm7 =	vgt.f32 v45, v44;
	v28 =	vmul.f32 v43, v33;
	v59 =	vsel vm0, $0x1, v51  }
0x2f3: {  	v26 =	vsel vm7, $0xFFFFFFFF, v52;
	v57 =	vsel vm7, v45, v44;
	vm3 =	vgt.f32 v18, v50  }
0x2f4: {  	v44 =	vsel vm9, $0xFF61B1E6, v15;
	v45 =	vsel vm11, $0xFF61B1E6, v16;
	v53 =	vsel vm3, v18, v50  }
0x2f5: {  	v52 =	vimm.s32 $0x0;
	[tilespmem:$0x1FCA0] =	vst v26;
	v26 =	vmul.f32 v43, v31;
	vm1 =	vgt.f32 v23, v53  }
0x2f6: {  	vm7 =	vgt.f32 v46, v57;
	v31 =	vmul.f32 v43, v36;
	v54 =	vsel vm1, v23, v53  }
0x2f7: {  	v36 =	vimm.s32 $0x0;
	v50 =	vsel vm15, $0xFF61B1E6, v13;
	vm4 =	vgt.f32 v24, v54  }
0x2f8: {  	v33 =	vsel vm7, $0xFFFFFFFF, v60;
	v32 =	vsel vm3, $0x2, v59;
	v55 =	vsel vm4, v24, v54  }
0x2f9: {  	v62 =	vsel vm7, v46, v57;
	v46 =	vimm.s32 $0x0;
	vm6 =	vgt.f32 v26, v55  }
0x2fa: {  	vm7 =	veq.s32 v22, $0xF;
	v57 =	vimm.s32 $0x0;
	v56 =	vsel vm6, v26, v55  }
0x2fb: {  	v60 =	vimm.s32 $0x0;
	vm15 =	vgt.f32 v47, v62;
	vm10 =	vgt.f32 v27, v56  }
0x2fc: {  	v32 =	vsel vm1, $0x3, v32;
	v34 =	vsel vm15, v47, v62;
	v58 =	vsel vm10, v27, v56  }
0x2fd: {  	v62 =	vimm.s32 $0x0;
	vm9 =	vgt.f32 v48, v34;
	vm2 =	vgt.f32 v28, v58  }
0x2fe: {  	v63 =	vsel vm4, $0x4, v32;
	v32 =	vsel vm15, $0xFFFFFFFF, v36;
	v61 =	vsel vm2, v28, v58  }
0x2ff: {  	v47 =	vsel vm9, v48, v34;
	v34 =	vmul.f32 v43, v39;
	vm12 =	vgt.f32 v29, v61  }
0x300: {  	[tilespmem:$0x1FCB0] =	vst v33;
	vm4 =	veq.s32 v22, $0xD;
	v35 =	vsel vm6, $0x5, v63;
	v33 =	vsel vm12, v29, v61  }
0x301: {  	[tilespmem:$0x1FCD0] =	vst v32;
	v32 =	vmul.f32 v43, v37;
	v35 =	vsel vm10, $0x6, v35;
	vm14 =	vgt.f32 v30, v33  }
0x302: {  	vm6 =	veq.s32 v22, $0xE;
	v35 =	vsel vm2, $0x7, v35;
	v33 =	vsel vm14, v30, v33  }
0x303: {  	v56 =	vimm.s32 $0x0;
	v35 =	vsel vm12, $0x8, v35;
	vm8 =	vgt.f32 v31, v33  }
0x304: {  	vm12 =	vgt.f32 v49, v47;
	v36 =	vsel vm8, v31, v33;
	v33 =	vsel vm9, $0xFFFFFFFF, v46  }
0x305: {  	v53 =	vsel vm12, v49, v47;
	[tilespmem:$0x1FCE0] =	vst v33;
	v33 =	vmul.f32 v43, v38;
	vm10 =	vgt.f32 v32, v36  }
0x306: {  	v48 =	vsel vm14, $0x9, v35;
	v35 =	vsel vm12, $0xFFFFFFFF, v52;
	v36 =	vsel vm10, v32, v36  }
0x307: {  	[tilespmem:$0x1FCF0] =	vst v35;
	v35 =	vmul.f32 v43, v40;
	v46 =	vsel vm7, $0xFF61B1E6, v19;
	vm11 =	vgt.f32 v33, v36  }
0x308: {  	vm9 =	vgt.f32 v50, v53;
	v38 =	vsel vm8, $0xA, v48;
	v36 =	vsel vm11, v33, v36  }
0x309: {  	v39 =	vsel vm9, v50, v53;
	v50 =	vimm.s32 $0x0;
	vm14 =	vgt.f32 v34, v36  }
0x30a: {  	v54 =	vsel vm10, $0xB, v38;
	vm1 =	vgt.f32 v44, v39;
	v55 =	vsel vm14, v34, v36  }
0x30b: {  	v37 =	vsel vm11, $0xC, v54;
	v36 =	vmul.f32 v43, v41;
	vm15 =	vgt.f32 v35, v55  }
0x30c: {  	v49 =	vsel vm1, $0xFFFFFFFF, v62;
	v37 =	vsel vm14, $0xD, v37;
	v40 =	vsel vm15, v35, v55  }
0x30d: {  	v39 =	vsel vm1, v44, v39;
	v37 =	vsel vm15, $0xE, v37;
	vm5 =	vgt.f32 v36, v40  }
0x30e: {  	v41 =	vsel vm4, $0xFF61B1E6, v0;
	vm14 =	vgt.f32 v45, v39;
	v37 =	vsel vm5, $0xF, v37  }
0x30f: {  	[tilespmem:s19+$0x1C500] =	vst v5;
	v38 =	vsel vm5, $0xFFFFFFFF, v56;
	vm8 =	veq.s32 v37, $0x0;
	vm10 =	veq.s32 v37, $0x1  }
0x310: {  	[tilespmem:$0x1FC90] =	vst v38;
	v38 =	vsel vm9, $0xFFFFFFFF, v57;
	v58 =	vsel vm8, $0xFF61B1E6, v25;
	v59 =	vsel vm10, $0xFF61B1E6, v21  }
0x311: {  	vm11 =	veq.s32 v37, $0x2;
	[tilespmem:$0x1FD00] =	vst v38;
	v38 =	vsel vm13, v19, v42;
	vm12 =	vgt.f32 v59, v58  }
0x312: {  	[tilespmem:s18+$0x1EB40] =	vst v20;
	v61 =	vsel vm11, $0xFF61B1E6, v18;
	vm13 =	veq.s32 v37, $0x3;
	v47 =	vsel vm12, v59, v58  }
0x313: {  	[tilespmem:s19+$0x1C740] =	vst v4;
	v63 =	vsel vm13, $0xFF61B1E6, v23;
	v42 =	vsel vm12, $0xFFFFFFFF, v60;
	vm13 =	vgt.f32 v61, v47  }
0x314: {  	v43 =	vsel vm6, $0xFF61B1E6, v17;
	v44 =	vsel vm14, $0xFFFFFFFF, v50;
	[tilespmem:$0x1FCC0] =	vst v42;
	v42 =	vsel vm13, v61, v47  }
0x315: {  	[tilespmem:s19+$0x1C980] =	vst v14;
	v52 =	vsel vm14, v45, v39;
	vm15 =	veq.s32 v37, $0x4;
	vm12 =	vgt.f32 v63, v42  }
0x316: {  	[tilespmem:s19+$0x1CBC0] =	vst v11;
	vm4 =	vgt.f32 v41, v52;
	v53 =	vsel vm15, $0xFF61B1E6, v24;
	v54 =	vsel vm12, v63, v42  }
0x317: {  	[tilespmem:s19+$0x1CE00] =	vst v9;
	v55 =	vimm.s32 $0x0;
	vm5 =	veq.s32 v37, $0x5;
	vm11 =	vgt.f32 v53, v54  }
0x318: {  	[tilespmem:s19+$0x1D040] =	vst v6;
	v56 =	vsel vm4, v41, v52;
	v57 =	vsel vm5, $0xFF61B1E6, v26;
	v58 =	vsel vm11, v53, v54  }
0x319: {  	[tilespmem:s19+$0x1D280] =	vst v7;
	vm6 =	vgt.f32 v43, v56;
	vm7 =	veq.s32 v37, $0x6;
	vm10 =	vgt.f32 v57, v58  }
0x31a: {  	[tilespmem:s19+$0x1D4C0] =	vst v8;
	vm0 =	veq.s32 v37, $0xC;
	v60 =	vsel vm7, $0xFF61B1E6, v27;
	v5 =	vsel vm10, v57, v58  }
0x31b: {  	[tilespmem:s19+$0x1D700] =	vst v10;
	v4 =	vsel vm6, v43, v56;
	vm8 =	veq.s32 v37, $0x7;
	vm9 =	vgt.f32 v60, v5  }
0x31c: {  	[tilespmem:s19+$0x1D940] =	vst v12;
	vm15 =	veq.s32 v37, $0x8;
	v61 =	vsel vm8, $0xFF61B1E6, v28;
	v5 =	vsel vm9, v60, v5  }
0x31d: {  	[tilespmem:s19+$0x1DB80] =	vst v13;
	vm14 =	vgt.f32 v46, v4;
	v59 =	vimm.s32 $0x0;
	vm8 =	vgt.f32 v61, v5  }
0x31e: {  	[tilespmem:s19+$0x1DDC0] =	vst v15;
	v4 =	vsel vm14, v46, v4;
	v63 =	vsel vm15, $0xFF61B1E6, v29;
	v5 =	vsel vm8, v61, v5  }
0x31f: {  	[tilespmem:s19+$0x1E000] =	vst v16;
	v13 =	vld [tilespmem:$0x1FD50];
	v42 =	vsel vm4, $0xFFFFFFFF, v55;
	vm4 =	veq.s32 v37, $0x9;
	vm7 =	vgt.f32 v63, v5  }
0x320: {  	[tilespmem:s19+$0x1E6C0] =	vst v19;
	v15 =	vld [tilespmem:$0x1FD60];
	v62 =	vadd.f32 v4, v38;
	v11 =	vsel vm4, $0xFF61B1E6, v30;
	v5 =	vsel vm7, v63, v5  }
0x321: {  	[tilespmem:s19+$0x1E480] =	vst v17;
	v17 =	vld [tilespmem:$0x1FD70];
	vm5 =	veq.s32 v37, $0xA;
	v20 =	vsel vm6, $0xFFFFFFFF, v59;
	vm6 =	vgt.f32 v11, v5  }
0x322: {  	[tilespmem:s19+$0x1E240] =	vst v0;
	v12 =	vsel vm5, $0xFF61B1E6, v31;
	(erf) = vrcp.f32 v62;
	v5 =	vsel vm6, v11, v5  }
0x323: {  	[tilespmem:s19+$0x1ED80] =	vst v22;
	v16 =	vsel vm0, $0xFF61B1E6, v33;
	vm15 =	veq.s32 v37, $0xB;
	vm5 =	vgt.f32 v12, v5  }
0x324: {  	[tilespmem:s18+$0x1E900] =	vst v1;
	v41 =	vld [tilespmem:$0x1FC50];
	vm4 =	vnez.u8 v13;
	v14 =	vsel vm15, $0xFF61B1E6, v32;
	v5 =	vsel vm5, v12, v5  }
0x325: {  	[tilespmem:$0x1FD30] =	vst v42;
	vm15 =	vnez.u8 v15;
	v42 =	vld [tilespmem:$0x1FC60];
	v0 =	vsel vm4, $0xD, v2;
	vm4 =	vgt.f32 v14, v5  }
0x326: {  	[tilespmem:$0x1FD20] =	vst v44;
	v44 =	vld [tilespmem:$0x1FC70];
	v0 =	vsel vm15, $0xE, v0;
	vm15 =	vnez.u8 v17;
	v2 =	vsel vm4, v14, v5  }
0x327: {  	v45 =	vld [tilespmem:$0x1FC80];
	[tilespmem:$0x1FD40] =	vst v20;
	v0 =	vsel vm15, $0xF, v0;
	vm15 =	veq.s32 v37, $0xD;
	vm3 =	vgt.f32 v16, v2  }
0x328: {  	v46 =	vld [tilespmem:$0x1FC90];
	v20 =	vsel vm15, $0xFF61B1E6, v34;
	[tilespmem:s18+$0x1EFC0] =	vst v0;
	vm15 =	veq.s32 v37, $0xE;
	v2 =	vsel vm3, v16, v2  }
0x329: {  	v47 =	vld [tilespmem:$0x1FCA0];
	[tilespmem:s20+$0x1C500] =	vst v25;
	v25 =	vsel vm15, $0xFF61B1E6, v35;
	vm15 =	vnez.u8 v41;
	vm2 =	vgt.f32 v20, v2  }
0x32a: {  	[tilespmem:$0x1FD10] =	vst v49;
	v49 =	vld [tilespmem:$0x1FCB0];
	v39 =	vsel vm2, v20, v2;
	v2 =	vsel vm15, $0x1, v51;
	vm15 =	vnez.u8 v42  }
0x32b: {  	v50 =	vld [tilespmem:$0x1FCC0];
	v19 =	vpop (erf);
	v2 =	vsel vm15, $0x2, v2;
	vm15 =	vnez.u8 v44  }
0x32c: {  	v22 =	vmul.f32 v19, v4;
	v2 =	vsel vm15, $0x3, v2;
	vm15 =	vnez.u8 v45  }
0x32d: {  	vm0 =	veq.s32 v37, $0xF;
	v2 =	vsel vm15, $0x4, v2;
	vm15 =	vnez.u8 v46  }
0x32e: {  	v43 =	vsel vm0, $0xFF61B1E6, v36;
	[tilespmem:s19+$0x1EB40] =	vst v22;
	v3 =	vsel vm15, v36, v40;
	vm15 =	vnez.u8 v47  }
0x32f: {  	[tilespmem:s20+$0x1C740] =	vst v21;
	vm1 =	vgt.f32 v25, v39;
	v2 =	vsel vm15, $0x5, v2;
	vm15 =	vnez.u8 v49  }
0x330: {  	v52 =	vld [tilespmem:$0x1FCE0];
	[tilespmem:s20+$0x1C980] =	vst v18;
	v0 =	vsel vm1, v25, v39;
	v2 =	vsel vm15, $0x6, v2;
	vm15 =	vnez.u8 v50  }
0x331: {  	[tilespmem:s20+$0x1CBC0] =	vst v23;
	vm0 =	vgt.f32 v43, v0;
	v5 =	vsel vm15, $0x1, v51;
	v51 =	vld [tilespmem:$0x1FCD0]  }
0x332: {  	v54 =	vld [tilespmem:$0x1FCF0];
	[tilespmem:s20+$0x1CE00] =	vst v24;
	v0 =	vsel vm0, v43, v0  }
0x333: {  	v57 =	vld [tilespmem:$0x1FD20];
	[tilespmem:s20+$0x1D040] =	vst v26;
	v48 =	vadd.f32 v0, v3  }
0x334: {  	v55 =	vld [tilespmem:$0x1FD00];
	v1 =	vmul.f32 v19, v38;
	[tilespmem:s20+$0x1D280] =	vst v27;
	v5 =	vsel vm13, $0x2, v5  }
0x335: {  	v56 =	vld [tilespmem:$0x1FD10];
	[tilespmem:s20+$0x1D4C0] =	vst v28;
	vm2 =	vmmov vm2;
	(erf) = vrcp.f32 v48;
	v53 =	vsel vm12, $0x3, v5  }
0x336: {  	v58 =	vld [tilespmem:$0x1FD30];
	[tilespmem:s20+$0x1D700] =	vst v29;
	vm13 =	vnez.u8 v52;
	v4 =	vsel vm11, $0x4, v53;
	vm15 =	vnez.u8 v51  }
0x337: {  	v59 =	vld [tilespmem:$0x1FD40];
	[tilespmem:s20+$0x1D940] =	vst v30;
	vm12 =	vnez.u8 v54;
	v4 =	vsel vm10, $0x5, v4;
	v2 =	vsel vm15, $0x7, v2  }
0x338: {  	[tilespmem:s20+$0x1DB80] =	vst v31;
	v4 =	vsel vm9, $0x6, v4;
	vm15 =	vnez.u8 v57;
	v2 =	vsel vm13, $0x8, v2  }
0x339: {  	[tilespmem:s20+$0x1DDC0] =	vst v32;
	v4 =	vsel vm8, $0x7, v4;
	v2 =	vsel vm12, $0x9, v2;
	vm12 =	vnez.u8 v55  }
0x33a: {  	[tilespmem:s20+$0x1E000] =	vst v33;
	vm13 =	vnez.u8 v56;
	v4 =	vsel vm7, $0x8, v4;
	v2 =	vsel vm12, $0xA, v2  }
0x33b: {  	[tilespmem:s20+$0x1E240] =	vst v34;
	v4 =	vsel vm6, $0x9, v4;
	vm12 =	vnez.u8 v58;
	v2 =	vsel vm13, $0xB, v2  }
0x33c: {  	[tilespmem:s20+$0x1E480] =	vst v35;
	vm8 =	vmmov vm12;
	vm13 =	vnez.u8 v59;
	v2 =	vsel vm15, $0xC, v2  }
0x33d: {  	[tilespmem:s20+$0x1E6C0] =	vst v36;
	v4 =	vsel vm5, $0xA, v4;
	vm7 =	vmmov vm13;
	v2 =	vsel vm8, $0xD, v2  }
0x33e: {  	[tilespmem:s20+$0x1ED80] =	vst v37;
	v60 =	vpop (erf);
	v4 =	vsel vm4, $0xB, v4;
	vm15 =	vmmov vm14;
	v2 =	vsel vm7, $0xE, v2  }
0x33f: {  	[tilespmem:s19+$0x1E900] =	vst v1;
	v0 =	vmul.f32 v60, v0;
	v4 =	vsel vm3, $0xC, v4;
	v2 =	vsel vm15, $0xF, v2  }
0x340: {  	vm1 =	vmmov vm1;
	v62 =	vmul.f32 v60, v3;
	v61 =	vsel vm2, $0xD, v4;
	[tilespmem:s19+$0x1EFC0] =	vst v2  }
0x341: {  	vm0 =	vmmov vm0;
	v1 =	vsel vm1, $0xE, v61;
	[tilespmem:s20+$0x1EB40] =	vst v0  }
0x342: {  	v63 =	vsel vm0, $0xF, v1;
	[tilespmem:s20+$0x1E900] =	vst v62  }
0x343: {  	[tilespmem:s20+$0x1EFC0] =	vst v63  }
0x344: {  	[hbm4b:s7+s2] =	stream.linear.scatter [tilespmem:s14], [sflag:$0x1], $0x2400, $0x38;
	[tilespmem:$0x1F200] =	vst v63  }
0x345: {  	_ =	swait.ge [sflag:s11], $0x2400  }
0x346: {  	[sflag:s11] =	ssyncset.done $0x0  }
0x347: {  	[sflag:s11] =	ssyncadd.s32 $0xFFFFDC00  }
0x348: {  	[hbm4b:s8+s2] =	stream.linear.scatter [tilespmem:s15], [sflag:$0x1], $0x480, $0x38;
	[tilespmem:$0x1F200] =	vst v63  }
0x349: {  	s17 =	sadd.s32 $0x1, s17;
	_ =	swait.ge [sflag:s11], $0x480  }
0x34a: {  	p0 =	sne.s32 s17, s10;
	[sflag:s11] =	ssyncset.done $0x0  }
.Ltmp7:
0x34b: {  	[sflag:s11] =	ssyncadd.s32 $0xFFFFFB80;
	(pc) =	sbr.rel @p0 .LBB2_1-.Ltmp7, $4  }
0x34c: {  	[hbm4b:s9+s2] =	stream.linear.scatter [tilespmem:s16], [sflag:$0x1], $0x480, $0x38;
	[tilespmem:$0x1F200] =	vst v63  }
0x34d: {  	_ =	swait.ge [sflag:s11], $0x480  }
0x34e: {  	[sflag:s11] =	ssyncset.done $0x0  }
0x34f: {  	[sflag:s11] =	ssyncadd.s32 $0xFFFFFB80  }
0x350: {  	_ =	sfence.sel $0x180000  }
0x351: {  	[bflag:$0x0] =	sbarrier.arrive $0xFFFF  }
0x352: {  	p0 =	sne.s32 s0, $0x0;
	_ =	strace $0x90000047  }
0x353: {  	s0 =	sadd.s32 @!p0 $0x100000, s1;
	[bflag:$0x2] =	sbarrier.arrive $0xFFFF  }
0x354: {  	[sflag:s0] =	ssyncadd.tile.s32 @!p0 $0x1;
	_ =	shalt  }
.Lfunc_end2:
_tile_overlayer_lowered:
.L_overlay_start_2:
0x355: {  	(tag) =	ssettag $0x2  }
0x356: {  	s0 =	rddreg [dreg:$0x0];
	s2 =	stileid.u32  }
0x357: {  	s1 =	rddreg [dreg:$0x1];
	p0 =	sne.s32 s2, $0x0  }
0x358: {  	s3 =	rddreg [dreg:$0x2];
	[bflag:$0x3] =	sbarrier.arrive $0xFFFF;
	s2 =	simm.s32 @!p0 $0x1C01  }
0x359: {  	[timem:s3], [sflag:s2] =	dma.local @!p0 [hbm:s0], s1  }
0x35a: {  	s0 =	simm.s32 @!p0 $0x1  }
0x35b: {  	_ =	swait.ge @!p0 [sflag:s0], s1  }
0x35c: {  	s1 =	ssub.s32 @!p0 $0x0, s1;
	[sflag:s0] =	ssyncset.done @!p0 $0x0  }
0x35d: {  	[sflag:s0] =	ssyncadd.s32 @!p0 s1  }
0x35e: {  	[bflag:$0x3] =	sbarrier.arrive $0xFFFF  }
0x35f: {  	_ =	shalt  }

</sc_bundles>
